<compile_context>
chip_gen: v7x
topology: tpu7x:2x2x1
jax: 0.10.2.dev20260603
libtpu: 0.0.44.dev20260713+nightly
codegen_flags: <defaults>
</compile_context>

<pallas_src>
import functools

import jax
import jax.numpy as jnp
from jax import lax
from jax.experimental import pallas as pl
from jax.experimental.pallas import tpu as pltpu
from jax.experimental.pallas import tpu_sc as plsc

_EPS = 1e-5


def _lrelu(t):
    return jnp.where(t >= 0, t, t * 0.2)


def _col(v, c):
    return jnp.broadcast_to(v.reshape(-1, 1), (v.shape[0], c)) + jnp.zeros((1, c), v.dtype)


def _rowb(v, r=8):
    return jnp.broadcast_to(v.reshape(1, -1), (r, v.shape[0])) + jnp.zeros((r, 1), v.dtype)


def _conv1_pre(x, nf, pf, w1, b1c):
    B, C, N = x.shape
    TNC = 512
    NT = N // TNC
    Co = w1.shape[0]

    def body(x_ref, n_ref, p_ref, w_ref, b_ref, pre_ref, st_ref, acc):
        b = pl.program_id(0)
        t = pl.program_id(1)
        xa = x_ref[0] + n_ref[0]
        e = jnp.concatenate([xa, p_ref[0]], axis=0)
        pre = lax.dot_general(w_ref[...], e, (((1,), (0,)), ((), ())),
                              preferred_element_type=jnp.float32) + b_ref[:, 0:1]
        pre_ref[0] = pre

        @pl.when(jnp.logical_and(b == 0, t == 0))
        def _():
            acc[...] = jnp.zeros_like(acc)

        a = acc[...]
        for k in range(TNC // 128):
            a = a + pre[:, k * 128:(k + 1) * 128]
        acc[...] = a

        @pl.when(jnp.logical_and(b == B - 1, t == NT - 1))
        def _():
            f = acc[...]
            w = 64
            while w >= 1:
                f = f[:, :w] + f[:, w:2 * w]
                w //= 2
            st_ref[...] = jnp.broadcast_to(f, st_ref.shape)

    return pl.pallas_call(
        body, grid=(B, NT),
        in_specs=[
            pl.BlockSpec((1, C, TNC), lambda b, t: (b, 0, t)),
            pl.BlockSpec((1, C, TNC), lambda b, t: (b, 0, t)),
            pl.BlockSpec((1, C, TNC), lambda b, t: (b, 0, t)),
            pl.BlockSpec((Co, 2 * C), lambda b, t: (0, 0)),
            pl.BlockSpec((Co, 128), lambda b, t: (0, 0)),
        ],
        out_specs=[
            pl.BlockSpec((1, Co, TNC), lambda b, t: (b, 0, t)),
            pl.BlockSpec((Co, 128), lambda b, t: (0, 0)),
        ],
        out_shape=[
            jax.ShapeDtypeStruct((B, Co, N), jnp.float32),
            jax.ShapeDtypeStruct((Co, 128), jnp.float32),
        ],
        scratch_shapes=[pltpu.VMEM((Co, 128), jnp.float32)],
    )(x, nf, pf, w1, b1c)


def _var_pass(pre, st_s, m_count):
    B, C, N = pre.shape
    TNC = 512
    NT = N // TNC

    def body(p_ref, s_ref, v_ref, acc):
        b = pl.program_id(0)
        t = pl.program_id(1)
        m = s_ref[:, 0:1] / m_count
        d = p_ref[0] - m
        dd = d * d

        @pl.when(jnp.logical_and(b == 0, t == 0))
        def _():
            acc[...] = jnp.zeros_like(acc)

        a = acc[...]
        for k in range(TNC // 128):
            a = a + dd[:, k * 128:(k + 1) * 128]
        acc[...] = a

        @pl.when(jnp.logical_and(b == B - 1, t == NT - 1))
        def _():
            f = acc[...]
            w = 64
            while w >= 1:
                f = f[:, :w] + f[:, w:2 * w]
                w //= 2
            v_ref[...] = jnp.broadcast_to(f, v_ref.shape)

    return pl.pallas_call(
        body, grid=(B, NT),
        in_specs=[
            pl.BlockSpec((1, C, TNC), lambda b, t: (b, 0, t)),
            pl.BlockSpec((C, 128), lambda b, t: (0, 0)),
        ],
        out_specs=pl.BlockSpec((C, 128), lambda b, t: (0, 0)),
        out_shape=jax.ShapeDtypeStruct((C, 128), jnp.float32),
        scratch_shapes=[pltpu.VMEM((C, 128), jnp.float32)],
    )(pre, st_s)


def _normalize(pre, mc, vc, gc, bec):
    B, C, N = pre.shape
    TNC = 512

    def body(p_ref, s_ref, v_ref, g_ref, be_ref, f_ref, xx_ref):
        m = s_ref[:, 0:1]
        v = v_ref[:, 0:1]
        t = (p_ref[0] - m) / jnp.sqrt(v + _EPS) * g_ref[:, 0:1] + be_ref[:, 0:1]
        f = _lrelu(t)
        f_ref[0] = f
        xx_ref[0] = jnp.sum(f * f, axis=0, keepdims=True)

    return pl.pallas_call(
        body, grid=(B, N // TNC),
        in_specs=[
            pl.BlockSpec((1, C, TNC), lambda b, t: (b, 0, t)),
            pl.BlockSpec((C, 128), lambda b, t: (0, 0)),
            pl.BlockSpec((C, 128), lambda b, t: (0, 0)),
            pl.BlockSpec((C, 128), lambda b, t: (0, 0)),
            pl.BlockSpec((C, 128), lambda b, t: (0, 0)),
        ],
        out_specs=[
            pl.BlockSpec((1, C, TNC), lambda b, t: (b, 0, t)),
            pl.BlockSpec((1, 1, TNC), lambda b, t: (b, 0, t)),
        ],
        out_shape=[
            jax.ShapeDtypeStruct((B, C, N), jnp.float32),
            jax.ShapeDtypeStruct((B, 1, N), jnp.float32),
        ],
    )(pre, mc, vc, gc, bec)


def _knn_top8(featN, featC, xx, xxr):
    B, N, C = featN.shape
    TR = 256
    K = 8

    def body(rows_ref, all_ref, xx_ref, xxr_ref, idx_ref):
        b = pl.program_id(0)
        gr = rows_ref[0]
        gt = all_ref[0]
        inner = -2.0 * lax.dot_general(gr, gt, (((1,), (0,)), ((), ())),
                                       preferred_element_type=jnp.float32)
        rr = xxr_ref[0, 0, 0]
        d = (-xx_ref[0] - inner) - rr[:, None]
        cols = lax.broadcasted_iota(jnp.int32, (TR, N), 1)
        picks = []
        for _ in range(K):
            mx = jnp.max(d, axis=1)
            sel = jnp.min(jnp.where(d == mx[:, None], cols, N), axis=1)
            picks.append(sel)
            d = jnp.where(cols == sel[:, None], -jnp.inf, d)
        idx_ref[0] = jnp.stack(picks, axis=0) + b * N

    return pl.pallas_call(
        body, grid=(B, N // TR),
        in_specs=[
            pl.BlockSpec((1, TR, C), lambda b, t: (b, t, 0)),
            pl.BlockSpec((1, C, N), lambda b, t: (b, 0, 0)),
            pl.BlockSpec((1, 1, N), lambda b, t: (b, 0, 0)),
            pl.BlockSpec((1, 1, 1, TR), lambda b, t: (b, t, 0, 0)),
        ],
        out_specs=pl.BlockSpec((1, K, TR), lambda b, t: (b, 0, t)),
        out_shape=jax.ShapeDtypeStruct((B, K, N), jnp.int32),
    )(featN, featC, xx, xxr)


def _sc_gather(table, idx):
    Rt, D = table.shape
    Ri = idx.shape[0]
    info = plsc.get_sparse_core_info()
    nc, ns = info.num_cores, info.num_subcores
    nw = nc * ns
    per_w = Ri // nw
    gw = 128
    ch = min(per_w, 65536 // D // gw * gw)
    nsub = ch // gw
    idx2 = idx.reshape(Ri // gw, gw)

    mesh = plsc.VectorSubcoreMesh(core_axis_name="c", subcore_axis_name="s")

    @functools.partial(
        pl.kernel,
        out_type=jax.ShapeDtypeStruct((Ri, D), jnp.float32),
        mesh=mesh,
        compiler_params=pltpu.CompilerParams(use_tc_tiling_on_sc=False),
        scratch_types=[
            pltpu.VMEM((nsub, gw), jnp.int32),
            pltpu.VMEM((ch, D), jnp.float32),
            pltpu.SemaphoreType.DMA,
        ],
    )
    def gk(idx_hbm, table_hbm, out_hbm, idx_v, rows_v, sem):
        wid = lax.axis_index("s") * nc + lax.axis_index("c")
        base = wid * per_w
        for c in range(per_w // ch):
            off = base + c * ch
            pltpu.sync_copy(idx_hbm.at[pl.ds(off // gw, nsub)], idx_v)
            for j in range(nsub):
                pltpu.async_copy(table_hbm.at[idx_v.at[j]],
                                 rows_v.at[pl.ds(j * gw, gw)], sem)
            for j in range(nsub):
                pltpu.make_async_copy(table_hbm.at[idx_v.at[j]],
                                      rows_v.at[pl.ds(j * gw, gw)], sem).wait()
            pltpu.sync_copy(rows_v, out_hbm.at[pl.ds(off, ch)])

    return gk(idx2, table)


def _edge_conv_max(gath, featN, w2, b2r):
    RK, C = gath.shape
    R = RK // 8
    Co = w2.shape[0]
    TP = 256
    TE = TP * 8
    NT = R // TP

    def body(g_ref, f_ref, w_ref, b_ref, v_ref, mx_ref, st_ref, acc):
        i = pl.program_id(0)
        g = g_ref[...]
        fi = f_ref[...]
        fir = jnp.broadcast_to(fi[:, None, :], (TP, 8, C)).reshape(TE, C)
        e2 = jnp.concatenate([g - fir, fir], axis=1)
        v = lax.dot_general(e2, w_ref[...], (((1,), (1,)), ((), ())),
                            preferred_element_type=jnp.float32) + b_ref[0:1, :]
        v_ref[...] = v
        mx_ref[...] = jnp.max(v.reshape(TP, 8, Co), axis=1)
        s = jnp.sum(v, axis=0, keepdims=True)

        @pl.when(i == 0)
        def _():
            acc[...] = jnp.zeros_like(acc)

        acc[...] += jnp.broadcast_to(s, acc.shape)

        @pl.when(i == NT - 1)
        def _():
            st_ref[...] = acc[...]

    return pl.pallas_call(
        body, grid=(NT,),
        in_specs=[
            pl.BlockSpec((TE, C), lambda i: (i, 0)),
            pl.BlockSpec((TP, C), lambda i: (i, 0)),
            pl.BlockSpec((Co, 2 * C), lambda i: (0, 0)),
            pl.BlockSpec((8, Co), lambda i: (0, 0)),
        ],
        out_specs=[
            pl.BlockSpec((TE, Co), lambda i: (i, 0)),
            pl.BlockSpec((TP, Co), lambda i: (i, 0)),
            pl.BlockSpec((8, Co), lambda i: (0, 0)),
        ],
        out_shape=[
            jax.ShapeDtypeStruct((RK, Co), jnp.float32),
            jax.ShapeDtypeStruct((R, Co), jnp.float32),
            jax.ShapeDtypeStruct((8, Co), jnp.float32),
        ],
        scratch_shapes=[pltpu.VMEM((8, Co), jnp.float32)],
    )(gath, featN, w2, b2r)


def _edge_var(v, st_s, m_count):
    RK, Co = v.shape
    TE = 2048
    NT = RK // TE

    def body(v_ref, s_ref, o_ref, acc):
        i = pl.program_id(0)
        m = s_ref[0:1, :] / m_count
        d = v_ref[...] - m
        s = jnp.sum(d * d, axis=0, keepdims=True)

        @pl.when(i == 0)
        def _():
            acc[...] = jnp.zeros_like(acc)

        acc[...] += jnp.broadcast_to(s, acc.shape)

        @pl.when(i == NT - 1)
        def _():
            o_ref[...] = acc[...]

    return pl.pallas_call(
        body, grid=(NT,),
        in_specs=[
            pl.BlockSpec((TE, Co), lambda i: (i, 0)),
            pl.BlockSpec((8, Co), lambda i: (0, 0)),
        ],
        out_specs=pl.BlockSpec((8, Co), lambda i: (0, 0)),
        out_shape=jax.ShapeDtypeStruct((8, Co), jnp.float32),
        scratch_shapes=[pltpu.VMEM((8, Co), jnp.float32)],
    )(v, st_s)


def _proj(f1n, waT, wdT, bp):
    R, C = f1n.shape
    Co = waT.shape[1]
    TN = 512

    def body(f_ref, wa_ref, wd_ref, b_ref, y_ref, z_ref):
        f = f_ref[...]
        y_ref[...] = jnp.dot(f, wa_ref[...], preferred_element_type=jnp.float32)
        z_ref[...] = (jnp.dot(f, wd_ref[...], preferred_element_type=jnp.float32)
                      + b_ref[0:1, :])

    return pl.pallas_call(
        body, grid=(R // TN,),
        in_specs=[
            pl.BlockSpec((TN, C), lambda i: (i, 0)),
            pl.BlockSpec((C, Co), lambda i: (0, 0)),
            pl.BlockSpec((C, Co), lambda i: (0, 0)),
            pl.BlockSpec((8, Co), lambda i: (0, 0)),
        ],
        out_specs=[
            pl.BlockSpec((TN, Co), lambda i: (i, 0)),
            pl.BlockSpec((TN, Co), lambda i: (i, 0)),
        ],
        out_shape=[
            jax.ShapeDtypeStruct((R, Co), jnp.float32),
            jax.ShapeDtypeStruct((R, Co), jnp.float32),
        ],
    )(f1n, waT, wdT, bp)


def _edge_reduce(gath3, z):
    R, K, Co = gath3.shape
    TN = 512

    def body(g_ref, z_ref, mv_ref, st_ref):
        i = pl.program_id(0)
        g = g_ref[...]
        zz = z_ref[...]
        mv_ref[...] = jnp.max(g, axis=1) + zz
        v = (g + zz[:, None, :]).reshape(TN * K, Co)
        s = jnp.sum(v, axis=0, keepdims=True)
        sq = jnp.sum(v * v, axis=0, keepdims=True)
        upd = jnp.concatenate([s, sq, jnp.zeros((6, Co), jnp.float32)], axis=0)

        @pl.when(i == 0)
        def _():
            st_ref[...] = upd

        @pl.when(i > 0)
        def _():
            st_ref[...] += upd

    return pl.pallas_call(
        body, grid=(R // TN,),
        in_specs=[
            pl.BlockSpec((TN, K, Co), lambda i: (i, 0, 0)),
            pl.BlockSpec((TN, Co), lambda i: (i, 0)),
        ],
        out_specs=[
            pl.BlockSpec((TN, Co), lambda i: (i, 0)),
            pl.BlockSpec((8, Co), lambda i: (0, 0)),
        ],
        out_shape=[
            jax.ShapeDtypeStruct((R, Co), jnp.float32),
            jax.ShapeDtypeStruct((8, Co), jnp.float32),
        ],
    )(gath3, z)


def _conv4_max(feat, mv3, m3r, v3r, g3, be3, w4T, b4, batches, n_per_b):
    R, C = feat.shape
    Co4 = w4T.shape[1]
    TN = 256
    steps_per_b = n_per_b // TN

    def body(f_ref, mv_ref, m3_ref, v3_ref, g_ref, be_ref, w_ref, b_ref,
             st4_ref, cmax_ref):
        i = pl.program_id(0)
        t = ((mv_ref[...] - m3_ref[0:1, :]) / jnp.sqrt(v3_ref[0:1, :] + _EPS)
             * g_ref[0:1, :] + be_ref[0:1, :])
        h = f_ref[...] + _lrelu(t)
        pre = (jnp.dot(h, w_ref[...], preferred_element_type=jnp.float32)
               + b_ref[0:1, :])
        s4 = jnp.sum(pre, axis=0, keepdims=True)
        sq4 = jnp.sum(pre * pre, axis=0, keepdims=True)
        upd = jnp.concatenate([s4, sq4, jnp.zeros((6, Co4), jnp.float32)], axis=0)

        @pl.when(i == 0)
        def _():
            st4_ref[...] = upd

        @pl.when(i > 0)
        def _():
            st4_ref[...] += upd

        mb = jnp.broadcast_to(jnp.max(pre, axis=0)[None, None, :], (1, 8, Co4))

        @pl.when(i % steps_per_b == 0)
        def _():
            cmax_ref[...] = mb

        @pl.when(i % steps_per_b > 0)
        def _():
            cmax_ref[...] = jnp.maximum(cmax_ref[...], mb)

    return pl.pallas_call(
        body, grid=(R // TN,),
        in_specs=[
            pl.BlockSpec((TN, C), lambda i: (i, 0)),
            pl.BlockSpec((TN, C), lambda i: (i, 0)),
            pl.BlockSpec((8, C), lambda i: (0, 0)),
            pl.BlockSpec((8, C), lambda i: (0, 0)),
            pl.BlockSpec((8, C), lambda i: (0, 0)),
            pl.BlockSpec((8, C), lambda i: (0, 0)),
            pl.BlockSpec((C, Co4), lambda i: (0, 0)),
            pl.BlockSpec((8, Co4), lambda i: (0, 0)),
        ],
        out_specs=[
            pl.BlockSpec((8, Co4), lambda i: (0, 0)),
            pl.BlockSpec((1, 8, Co4), lambda i: (i // steps_per_b, 0, 0)),
        ],
        out_shape=[
            jax.ShapeDtypeStruct((8, Co4), jnp.float32),
            jax.ShapeDtypeStruct((batches, 8, Co4), jnp.float32),
        ],
    )(feat, mv3, m3r, v3r, g3, be3, w4T, b4)


def _head(cmax, st4, g4, be4, wf1T, bf1, gf1, bef1, wf2T, bf2, gf2, bef2,
          wf3T, bf3, m4):
    Bb = cmax.shape[0]

    def body(cm_ref, st4_ref, g4_ref, be4_ref, w1_ref, b1_ref, g1_ref,
             e1_ref, w2_ref, b2_ref, g2_ref, e2_ref, w3_ref, b3_ref,
             out_ref):
        s = st4_ref[0, :]
        sq = st4_ref[1, :]
        mu = s / m4
        var = sq / m4 - mu * mu
        d0 = _lrelu((cm_ref[...] - mu[None, :]) / jnp.sqrt(var + _EPS)[None, :]
                    * g4_ref[0:1, :] + be4_ref[0:1, :])

        def fc_bn(d, w_ref, b_ref, g_ref, e_ref):
            t = (jnp.dot(d, w_ref[...], preferred_element_type=jnp.float32)
                 + b_ref[0:1, :])
            mb = jnp.mean(t, axis=0)
            dev = t - mb[None, :]
            vb = jnp.mean(dev * dev, axis=0)
            return _lrelu(dev / jnp.sqrt(vb + _EPS)[None, :]
                          * g_ref[0:1, :] + e_ref[0:1, :])

        d1 = fc_bn(d0, w1_ref, b1_ref, g1_ref, e1_ref)
        d2 = fc_bn(d1, w2_ref, b2_ref, g2_ref, e2_ref)
        out_ref[...] = (jnp.dot(d2, w3_ref[...], preferred_element_type=jnp.float32)
                        + b3_ref[0:1, :])

    full = lambda a: pl.BlockSpec(a.shape, lambda: tuple(0 for _ in a.shape))
    args = (cmax, st4, g4, be4, wf1T, bf1, gf1, bef1, wf2T, bf2, gf2, bef2,
            wf3T, bf3)
    return pl.pallas_call(
        body,
        in_specs=[full(a) for a in args],
        out_specs=pl.BlockSpec((Bb, 128), lambda: (0, 0)),
        out_shape=jax.ShapeDtypeStruct((Bb, 128), jnp.float32),
    )(*args)


def kernel(x, normalfeature, pointfusefeature, W1, b1, g1, be1, W2, b2, g2,
           be2, W3, b3, g3, be3, W4, b4, g4, be4, Wf1, bf1, gf1, bef1, Wf2,
           bf2, gf2, bef2, Wf3, bf3):
    B, C, N = x.shape
    R = B * N
    K = 8
    TR = 256

    pre1, _ = _conv1_pre(x, normalfeature, pointfusefeature, W1, _col(b1, 128))
    pre_s = (jnp.einsum('oi,bin->bon', W1,
                        jnp.concatenate([x + normalfeature, pointfusefeature],
                                        axis=1)) + b1.reshape(1, -1, 1))
    m1 = jnp.mean(pre_s, axis=(0, 2))
    v1 = jnp.var(pre_s, axis=(0, 2))
    feat, xx1 = _normalize(pre1, _col(m1, 128), _col(v1, 128),
                           _col(g1, 128), _col(be1, 128))
    featN = jnp.transpose(feat, (0, 2, 1)).reshape(R, C)

    idx1 = _knn_top8(featN.reshape(B, N, C), feat, xx1,
                     xx1.reshape(B, N // TR, 1, TR))
    idx1f = jnp.transpose(idx1, (0, 2, 1)).reshape(R * K)
    g1rows = _sc_gather(featN, idx1f)

    v2, mxv2, _ = _edge_conv_max(g1rows, featN, W2, _rowb(b2))
    fe = featN[idx1f].reshape(B, N, K, C)
    xc = jnp.broadcast_to(featN.reshape(B, N, 1, C), (B, N, K, C))
    edge_s = jnp.transpose(jnp.concatenate([fe - xc, xc], axis=3),
                           (0, 3, 1, 2))
    pre2_s = (jnp.einsum('oi,bink->bonk', W2, edge_s)
              + b2.reshape(1, -1, 1, 1))
    m2 = jnp.mean(pre2_s, axis=(0, 2, 3))
    vv2 = jnp.var(pre2_s, axis=(0, 2, 3))
    mxv2C = jnp.transpose(mxv2.reshape(B, N, 64), (0, 2, 1))
    f1, xx2 = _normalize(mxv2C, _col(m2, 128), _col(vv2, 128),
                         _col(g2, 128), _col(be2, 128))
    f1N = jnp.transpose(f1, (0, 2, 1)).reshape(R, 64)

    idx2 = _knn_top8(f1N.reshape(B, N, 64), f1, xx2,
                     xx2.reshape(B, N // TR, 1, TR))
    idx2f = jnp.transpose(idx2, (0, 2, 1)).reshape(R * K)

    g2rows = _sc_gather(f1N, idx2f)
    v3, mxv3, _ = _edge_conv_max(g2rows, f1N, W3, _rowb(b3))
    fe3 = f1N[idx2f].reshape(B, N, K, 64)
    xc3 = jnp.broadcast_to(f1N.reshape(B, N, 1, 64), (B, N, K, 64))
    edge3_s = jnp.transpose(jnp.concatenate([fe3 - xc3, xc3], axis=3),
                            (0, 3, 1, 2))
    pre3_s = (jnp.einsum('oi,bink->bonk', W3, edge3_s)
              + b3.reshape(1, -1, 1, 1))
    m3 = jnp.mean(pre3_s, axis=(0, 2, 3))
    v3v = jnp.var(pre3_s, axis=(0, 2, 3))

    st4, cmax3 = _conv4_max(featN, mxv3, _rowb(m3), _rowb(v3v),
                            _rowb(g3), _rowb(be3), W4.T, _rowb(b4), B, N)
    cmax = cmax3[:, 0, :]

    co2 = Wf2.shape[0]
    wf2T = jnp.pad(Wf2.T, ((0, 0), (0, 128 - co2)))
    gf2p = jnp.pad(gf2.reshape(1, -1), ((0, 0), (0, 128 - co2)),
                   constant_values=1.0)
    wf3T = jnp.pad(Wf3.T, ((0, 128 - co2), (0, 128 - Wf3.shape[0])))
    pad1 = lambda vv: jnp.pad(vv.reshape(1, -1), ((0, 0), (0, 128 - co2)))
    out = _head(cmax, st4, _rowb(g4), _rowb(be4),
                Wf1.T, bf1.reshape(1, -1), gf1.reshape(1, -1),
                bef1.reshape(1, -1), wf2T, pad1(bf2), gf2p, pad1(bef2),
                wf3T, jnp.pad(bf3.reshape(1, -1), ((0, 0), (0, 125))),
                float(R))
    return out[:, :Wf3.shape[0]]

# --- scband reference (transcript-rebuilt; emitter-appended) ---
"""Pipeline reference for scband-normal-encorder-7834020348450 (READ-ONLY COPY).

The authoritative reference and input builder live on the scoring server;
editing this copy changes nothing except your own understanding.
"""

import jax, jax.numpy as jnp
import numpy as np


def knn(x, k):
    inner = -2.0 * jnp.matmul(jnp.transpose(x, (0, 2, 1)), x)
    xx = jnp.sum(x ** 2, axis=1, keepdims=True)
    pairwise = -xx - inner - jnp.transpose(xx, (0, 2, 1))
    return jax.lax.top_k(pairwise, k)[1]


def get_knn_feature(x, k):
    B, C, N = x.shape
    idx = knn(x, k)
    idx = (idx + (jnp.arange(B) * N).reshape(-1, 1, 1)).reshape(-1)
    xt = jnp.transpose(x, (0, 2, 1)).reshape(B * N, C)
    feat = xt[idx].reshape(B, N, k, C)
    xc = jnp.broadcast_to(xt.reshape(B, N, 1, C), (B, N, k, C))
    feat = jnp.concatenate([feat - xc, xc], axis=3)
    return jnp.transpose(feat, (0, 3, 1, 2))


def bn(x, g, b, axes):
    m = jnp.mean(x, axis=axes, keepdims=True)
    v = jnp.var(x, axis=axes, keepdims=True)
    sh = [1] * x.ndim
    sh[1] = -1
    return (x - m) / jnp.sqrt(v + 1e-5) * g.reshape(sh) + b.reshape(sh)


def setup_inputs(seed: int = 0):
    key = jax.random.key(seed)
    ks = jax.random.split(key, 16)
    B, N = 8, 2048
    def p(k, shape, s=0.1):
        return jax.random.normal(k, shape, dtype=jnp.float32) * s
    return {
        'x': p(ks[0], (B, 128, N), 1.0),
        'normalfeature': p(ks[1], (B, 128, N), 1.0),
        'pointfusefeature': p(ks[2], (B, 128, N), 1.0),
        'W1': p(ks[3], (128, 256)), 'b1': jnp.zeros(128, jnp.float32), 'g1': jnp.ones(128, jnp.float32), 'be1': jnp.zeros(128, jnp.float32),
        'W2': p(ks[4], (64, 256)), 'b2': jnp.zeros(64, jnp.float32), 'g2': jnp.ones(64, jnp.float32), 'be2': jnp.zeros(64, jnp.float32),
        'W3': p(ks[5], (128, 128)), 'b3': jnp.zeros(128, jnp.float32), 'g3': jnp.ones(128, jnp.float32), 'be3': jnp.zeros(128, jnp.float32),
        'W4': p(ks[6], (256, 128)), 'b4': jnp.zeros(256, jnp.float32), 'g4': jnp.ones(256, jnp.float32), 'be4': jnp.zeros(256, jnp.float32),
        'Wf1': p(ks[7], (128, 256)), 'bf1': jnp.zeros(128, jnp.float32), 'gf1': jnp.ones(128, jnp.float32), 'bef1': jnp.zeros(128, jnp.float32),
        'Wf2': p(ks[8], (64, 128)), 'bf2': jnp.zeros(64, jnp.float32), 'gf2': jnp.ones(64, jnp.float32), 'bef2': jnp.zeros(64, jnp.float32),
        'Wf3': p(ks[9], (3, 64)), 'bf3': jnp.zeros(3, jnp.float32),
    }


def reference(x, normalfeature, pointfusefeature, W1, b1, g1, be1, W2, b2, g2, be2, W3, b3, g3, be3, W4, b4, g4, be4, Wf1, bf1, gf1, bef1, Wf2, bf2, gf2, bef2, Wf3, bf3):
    lrelu = lambda t: jax.nn.leaky_relu(t, 0.2)
    x = x + normalfeature
    x = jnp.concatenate([x, pointfusefeature], axis=1)
    feature = lrelu(bn(jnp.einsum('oi,bin->bon', W1, x) + b1.reshape(1, -1, 1), g1, be1, (0, 2)))
    f1 = get_knn_feature(feature, 8)
    f1 = lrelu(bn(jnp.einsum('oi,bink->bonk', W2, f1) + b2.reshape(1, -1, 1, 1), g2, be2, (0, 2, 3)))
    f1 = jnp.max(f1, axis=-1)
    f1 = get_knn_feature(f1, 8)
    f1 = lrelu(bn(jnp.einsum('oi,bink->bonk', W3, f1) + b3.reshape(1, -1, 1, 1), g3, be3, (0, 2, 3)))
    f1 = jnp.max(f1, axis=-1)
    feature = feature + f1
    feature = lrelu(bn(jnp.einsum('oi,bin->bon', W4, feature) + b4.reshape(1, -1, 1), g4, be4, (0, 2)))
    dis = jnp.max(feature, axis=-1)
    dis = lrelu(bn(dis @ Wf1.T + bf1, gf1, bef1, (0,)))
    dis = lrelu(bn(dis @ Wf2.T + bf2, gf2, bef2, (0,)))
    dis = dis @ Wf3.T + bf3
    return dis

if __name__ == "__main__":
    import jax
    _d = setup_inputs()
    print(jax.jit(kernel)(*tuple(_d.values())))

</pallas_src>

<mosaic_0001>
#map = affine_map<(d0, d1) -> (0, 0)>
module attributes {stable_mosaic.version = 14 : i64} {
  func.func @gk(%arg0: i32, %arg1: i32, %arg2: memref<1024x128xi32, #tpu.memory_space<hbm>>, %arg3: memref<16384x128xf32, #tpu.memory_space<hbm>>, %arg4: memref<131072x128xf32, #tpu.memory_space<hbm>>, %arg5: memref<4x128xi32, #tpu.memory_space<vmem>>, %arg6: memref<512x128xf32, #tpu.memory_space<vmem>>, %arg7: memref<!tpu.dma_semaphore, #tpu.memory_space<semaphore_mem>>) attributes {dimension_semantics = [#tpu.dimension_semantics<core_parallel>, #tpu.dimension_semantics<subcore_parallel>], iteration_bounds = array<i64: 2, 16>, scalar_prefetch = 0 : i64, scratch_operands = 3 : i64, tpu.core_type = #tpu.core_type<sc_vector_subcore>, window_params = [{transform_indices = #map}, {transform_indices = #map}, {transform_indices = #map}]} {
    %mul3A = arith.constant 2 : i32
    %mul3A_0 = arith.muli %arg1, %mul3A : i32
    %add3A = arith.addi %mul3A_0, %arg0 : i32
    %mul3A_1 = arith.constant 4096 : i32
    %mul3A_2 = arith.muli %add3A, %mul3A_1 : i32
    %add3A_3 = arith.constant 0 : i32
    %add3A_4 = arith.addi %mul3A_2, %add3A_3 : i32
    %jit3A = arith.constant 128 : i32
    %div3A = arith.divsi %add3A_4, %jit3A : i32
    %sign3A = arith.constant 0 : i32
    %sign3A_5 = arith.cmpi sgt, %add3A_4, %sign3A : i32
    %sign3A_6 = arith.extui %sign3A_5 : i1 to i32
    %sign3A_7 = arith.constant 0 : i32
    %sign3A_8 = arith.cmpi slt, %add3A_4, %sign3A_7 : i32
    %sign3A_9 = arith.extui %sign3A_8 : i1 to i32
    %sign3A_10 = arith.subi %sign3A_6, %sign3A_9 : i32
    %sign3A_11 = arith.constant 0 : i32
    %sign3A_12 = arith.cmpi sgt, %jit3A, %sign3A_11 : i32
    %sign3A_13 = arith.extui %sign3A_12 : i1 to i32
    %sign3A_14 = arith.constant 0 : i32
    %sign3A_15 = arith.cmpi slt, %jit3A, %sign3A_14 : i32
    %sign3A_16 = arith.extui %sign3A_15 : i1 to i32
    %sign3A_17 = arith.subi %sign3A_13, %sign3A_16 : i32
    %ne3A = arith.cmpi ne, %sign3A_10, %sign3A_17 : i32
    %rem3A = arith.remsi %add3A_4, %jit3A : i32
    %ne3A_18 = arith.constant 0 : i32
    %ne3A_19 = arith.cmpi ne, %rem3A, %ne3A_18 : i32
    %and3A = arith.andi %ne3A, %ne3A_19 : i1
    %sub3A = arith.constant 1 : i32
    %sub3A_20 = arith.subi %div3A, %sub3A : i32
    %select_n3A = arith.select %and3A, %sub3A_20, %div3A : i32
    "tpu.region"() ({
      %run_scoped3A = tpu.sem_alloc : memref<!tpu.dma_semaphore, #tpu.memory_space<semaphore_mem>>
      %dma_start3A_841 = arith.constant 0 : i32
      %dma_start3A_842 = tpu.memref_slice %arg2[%select_n3A, %dma_start3A_841] : memref<1024x128xi32, #tpu.memory_space<hbm>> -> memref<4x128xi32, #tpu.memory_space<hbm>>
      %dma_start3A_843 = arith.constant 0 : i32
      %dma_start3A_844 = tpu.memref_slice %arg2[%select_n3A, %dma_start3A_843] : memref<1024x128xi32, #tpu.memory_space<hbm>> -> memref<4x128xi32, #tpu.memory_space<hbm>>
      tpu.enqueue_dma source(%dma_start3A_844 : memref<4x128xi32, #tpu.memory_space<hbm>>) target(%arg5 : memref<4x128xi32, #tpu.memory_space<vmem>>) target_semaphore(%run_scoped3A : memref<!tpu.dma_semaphore, #tpu.memory_space<semaphore_mem>>)
      %dma_wait3A_845 = arith.constant 0 : i32
      %dma_wait3A_846 = tpu.memref_slice %arg2[%select_n3A, %dma_wait3A_845] : memref<1024x128xi32, #tpu.memory_space<hbm>> -> memref<4x128xi32, #tpu.memory_space<hbm>>
      %dma_wait3A_847 = arith.constant 0 : i32
      %dma_wait3A_848 = tpu.memref_slice %arg2[%select_n3A, %dma_wait3A_847] : memref<1024x128xi32, #tpu.memory_space<hbm>> -> memref<4x128xi32, #tpu.memory_space<hbm>>
      tpu.wait_dma2 semaphore(%run_scoped3A : memref<!tpu.dma_semaphore, #tpu.memory_space<semaphore_mem>>) src(%dma_wait3A_848 : memref<4x128xi32, #tpu.memory_space<hbm>>) dst(%arg5 : memref<4x128xi32, #tpu.memory_space<vmem>>)
      tpu.yield
    }) : () -> ()
    %dma_start3A = arith.constant 0 : i32
    %dma_start3A_21 = arith.constant 0 : i32
    %dma_start3A_22 = arith.constant 0 : i32
    %dma_start3A_23 = tpu.memref_slice %arg6[%dma_start3A_21, %dma_start3A_22] : memref<512x128xf32, #tpu.memory_space<vmem>> -> memref<128x128xf32, #tpu.memory_space<vmem>>
    %dma_start3A_24 = arith.constant 0 : i32
    %dma_start3A_25 = tpu.memref_slice %arg5[%dma_start3A, %dma_start3A_24] : memref<4x128xi32, #tpu.memory_space<vmem>> -> memref<1x128xi32, #tpu.memory_space<vmem>>
    %dma_start3A_26 = tpu.memref_squeeze %dma_start3A_25 : memref<1x128xi32, #tpu.memory_space<vmem>> -> memref<128xi32, #tpu.memory_space<vmem>>
    %dma_start3A_27 = arith.constant 0 : i32
    %dma_start3A_28 = arith.constant 0 : i32
    %dma_start3A_29 = tpu.memref_slice %arg3[%dma_start3A_27, %dma_start3A_28] : memref<16384x128xf32, #tpu.memory_space<hbm>> -> memref<16384x128xf32, #tpu.memory_space<hbm>>
    tpu.enqueue_indirect_dma source(%dma_start3A_29 : memref<16384x128xf32, #tpu.memory_space<hbm>>) target(%dma_start3A_23 : memref<128x128xf32, #tpu.memory_space<vmem>>) offsets(%dma_start3A_26 : memref<128xi32, #tpu.memory_space<vmem>>) semaphore(%arg7 : memref<!tpu.dma_semaphore, #tpu.memory_space<semaphore_mem>>)
    %dma_start3A_30 = arith.constant 1 : i32
    %dma_start3A_31 = arith.constant 128 : i32
    %dma_start3A_32 = arith.constant 0 : i32
    %dma_start3A_33 = tpu.memref_slice %arg6[%dma_start3A_31, %dma_start3A_32] : memref<512x128xf32, #tpu.memory_space<vmem>> -> memref<128x128xf32, #tpu.memory_space<vmem>>
    %dma_start3A_34 = arith.constant 0 : i32
    %dma_start3A_35 = tpu.memref_slice %arg5[%dma_start3A_30, %dma_start3A_34] : memref<4x128xi32, #tpu.memory_space<vmem>> -> memref<1x128xi32, #tpu.memory_space<vmem>>
    %dma_start3A_36 = tpu.memref_squeeze %dma_start3A_35 : memref<1x128xi32, #tpu.memory_space<vmem>> -> memref<128xi32, #tpu.memory_space<vmem>>
    %dma_start3A_37 = arith.constant 0 : i32
    %dma_start3A_38 = arith.constant 0 : i32
    %dma_start3A_39 = tpu.memref_slice %arg3[%dma_start3A_37, %dma_start3A_38] : memref<16384x128xf32, #tpu.memory_space<hbm>> -> memref<16384x128xf32, #tpu.memory_space<hbm>>
    tpu.enqueue_indirect_dma source(%dma_start3A_39 : memref<16384x128xf32, #tpu.memory_space<hbm>>) target(%dma_start3A_33 : memref<128x128xf32, #tpu.memory_space<vmem>>) offsets(%dma_start3A_36 : memref<128xi32, #tpu.memory_space<vmem>>) semaphore(%arg7 : memref<!tpu.dma_semaphore, #tpu.memory_space<semaphore_mem>>)
    %dma_start3A_40 = arith.constant 2 : i32
    %dma_start3A_41 = arith.constant 256 : i32
    %dma_start3A_42 = arith.constant 0 : i32
    %dma_start3A_43 = tpu.memref_slice %arg6[%dma_start3A_41, %dma_start3A_42] : memref<512x128xf32, #tpu.memory_space<vmem>> -> memref<128x128xf32, #tpu.memory_space<vmem>>
    %dma_start3A_44 = arith.constant 0 : i32
    %dma_start3A_45 = tpu.memref_slice %arg5[%dma_start3A_40, %dma_start3A_44] : memref<4x128xi32, #tpu.memory_space<vmem>> -> memref<1x128xi32, #tpu.memory_space<vmem>>
    %dma_start3A_46 = tpu.memref_squeeze %dma_start3A_45 : memref<1x128xi32, #tpu.memory_space<vmem>> -> memref<128xi32, #tpu.memory_space<vmem>>
    %dma_start3A_47 = arith.constant 0 : i32
    %dma_start3A_48 = arith.constant 0 : i32
    %dma_start3A_49 = tpu.memref_slice %arg3[%dma_start3A_47, %dma_start3A_48] : memref<16384x128xf32, #tpu.memory_space<hbm>> -> memref<16384x128xf32, #tpu.memory_space<hbm>>
    tpu.enqueue_indirect_dma source(%dma_start3A_49 : memref<16384x128xf32, #tpu.memory_space<hbm>>) target(%dma_start3A_43 : memref<128x128xf32, #tpu.memory_space<vmem>>) offsets(%dma_start3A_46 : memref<128xi32, #tpu.memory_space<vmem>>) semaphore(%arg7 : memref<!tpu.dma_semaphore, #tpu.memory_space<semaphore_mem>>)
    %dma_start3A_50 = arith.constant 3 : i32
    %dma_start3A_51 = arith.constant 384 : i32
    %dma_start3A_52 = arith.constant 0 : i32
    %dma_start3A_53 = tpu.memref_slice %arg6[%dma_start3A_51, %dma_start3A_52] : memref<512x128xf32, #tpu.memory_space<vmem>> -> memref<128x128xf32, #tpu.memory_space<vmem>>
    %dma_start3A_54 = arith.constant 0 : i32
    %dma_start3A_55 = tpu.memref_slice %arg5[%dma_start3A_50, %dma_start3A_54] : memref<4x128xi32, #tpu.memory_space<vmem>> -> memref<1x128xi32, #tpu.memory_space<vmem>>
    %dma_start3A_56 = tpu.memref_squeeze %dma_start3A_55 : memref<1x128xi32, #tpu.memory_space<vmem>> -> memref<128xi32, #tpu.memory_space<vmem>>
    %dma_start3A_57 = arith.constant 0 : i32
    %dma_start3A_58 = arith.constant 0 : i32
    %dma_start3A_59 = tpu.memref_slice %arg3[%dma_start3A_57, %dma_start3A_58] : memref<16384x128xf32, #tpu.memory_space<hbm>> -> memref<16384x128xf32, #tpu.memory_space<hbm>>
    tpu.enqueue_indirect_dma source(%dma_start3A_59 : memref<16384x128xf32, #tpu.memory_space<hbm>>) target(%dma_start3A_53 : memref<128x128xf32, #tpu.memory_space<vmem>>) offsets(%dma_start3A_56 : memref<128xi32, #tpu.memory_space<vmem>>) semaphore(%arg7 : memref<!tpu.dma_semaphore, #tpu.memory_space<semaphore_mem>>)
    %dma_wait3A = arith.constant 0 : i32
    %dma_wait3A_60 = arith.constant 0 : i32
    %dma_wait3A_61 = arith.constant 0 : i32
    %dma_wait3A_62 = tpu.memref_slice %arg6[%dma_wait3A_60, %dma_wait3A_61] : memref<512x128xf32, #tpu.memory_space<vmem>> -> memref<128x128xf32, #tpu.memory_space<vmem>>
    %dma_wait3A_63 = arith.constant 0 : i32
    %dma_wait3A_64 = tpu.memref_slice %arg5[%dma_wait3A, %dma_wait3A_63] : memref<4x128xi32, #tpu.memory_space<vmem>> -> memref<1x128xi32, #tpu.memory_space<vmem>>
    %dma_wait3A_65 = tpu.memref_squeeze %dma_wait3A_64 : memref<1x128xi32, #tpu.memory_space<vmem>> -> memref<128xi32, #tpu.memory_space<vmem>>
    %dma_wait3A_66 = arith.constant 0 : i32
    %dma_wait3A_67 = arith.constant 0 : i32
    %dma_wait3A_68 = tpu.memref_slice %arg3[%dma_wait3A_66, %dma_wait3A_67] : memref<16384x128xf32, #tpu.memory_space<hbm>> -> memref<16384x128xf32, #tpu.memory_space<hbm>>
    tpu.wait_indirect_dma semaphore(%arg7 : memref<!tpu.dma_semaphore, #tpu.memory_space<semaphore_mem>>) src(%dma_wait3A_68 : memref<16384x128xf32, #tpu.memory_space<hbm>>) dst(%dma_wait3A_62 : memref<128x128xf32, #tpu.memory_space<vmem>>)
    %dma_wait3A_69 = arith.constant 1 : i32
    %dma_wait3A_70 = arith.constant 128 : i32
    %dma_wait3A_71 = arith.constant 0 : i32
    %dma_wait3A_72 = tpu.memref_slice %arg6[%dma_wait3A_70, %dma_wait3A_71] : memref<512x128xf32, #tpu.memory_space<vmem>> -> memref<128x128xf32, #tpu.memory_space<vmem>>
    %dma_wait3A_73 = arith.constant 0 : i32
    %dma_wait3A_74 = tpu.memref_slice %arg5[%dma_wait3A_69, %dma_wait3A_73] : memref<4x128xi32, #tpu.memory_space<vmem>> -> memref<1x128xi32, #tpu.memory_space<vmem>>
    %dma_wait3A_75 = tpu.memref_squeeze %dma_wait3A_74 : memref<1x128xi32, #tpu.memory_space<vmem>> -> memref<128xi32, #tpu.memory_space<vmem>>
    %dma_wait3A_76 = arith.constant 0 : i32
    %dma_wait3A_77 = arith.constant 0 : i32
    %dma_wait3A_78 = tpu.memref_slice %arg3[%dma_wait3A_76, %dma_wait3A_77] : memref<16384x128xf32, #tpu.memory_space<hbm>> -> memref<16384x128xf32, #tpu.memory_space<hbm>>
    tpu.wait_indirect_dma semaphore(%arg7 : memref<!tpu.dma_semaphore, #tpu.memory_space<semaphore_mem>>) src(%dma_wait3A_78 : memref<16384x128xf32, #tpu.memory_space<hbm>>) dst(%dma_wait3A_72 : memref<128x128xf32, #tpu.memory_space<vmem>>)
    %dma_wait3A_79 = arith.constant 2 : i32
    %dma_wait3A_80 = arith.constant 256 : i32
    %dma_wait3A_81 = arith.constant 0 : i32
    %dma_wait3A_82 = tpu.memref_slice %arg6[%dma_wait3A_80, %dma_wait3A_81] : memref<512x128xf32, #tpu.memory_space<vmem>> -> memref<128x128xf32, #tpu.memory_space<vmem>>
    %dma_wait3A_83 = arith.constant 0 : i32
    %dma_wait3A_84 = tpu.memref_slice %arg5[%dma_wait3A_79, %dma_wait3A_83] : memref<4x128xi32, #tpu.memory_space<vmem>> -> memref<1x128xi32, #tpu.memory_space<vmem>>
    %dma_wait3A_85 = tpu.memref_squeeze %dma_wait3A_84 : memref<1x128xi32, #tpu.memory_space<vmem>> -> memref<128xi32, #tpu.memory_space<vmem>>
    %dma_wait3A_86 = arith.constant 0 : i32
    %dma_wait3A_87 = arith.constant 0 : i32
    %dma_wait3A_88 = tpu.memref_slice %arg3[%dma_wait3A_86, %dma_wait3A_87] : memref<16384x128xf32, #tpu.memory_space<hbm>> -> memref<16384x128xf32, #tpu.memory_space<hbm>>
    tpu.wait_indirect_dma semaphore(%arg7 : memref<!tpu.dma_semaphore, #tpu.memory_space<semaphore_mem>>) src(%dma_wait3A_88 : memref<16384x128xf32, #tpu.memory_space<hbm>>) dst(%dma_wait3A_82 : memref<128x128xf32, #tpu.memory_space<vmem>>)
    %dma_wait3A_89 = arith.constant 3 : i32
    %dma_wait3A_90 = arith.constant 384 : i32
    %dma_wait3A_91 = arith.constant 0 : i32
    %dma_wait3A_92 = tpu.memref_slice %arg6[%dma_wait3A_90, %dma_wait3A_91] : memref<512x128xf32, #tpu.memory_space<vmem>> -> memref<128x128xf32, #tpu.memory_space<vmem>>
    %dma_wait3A_93 = arith.constant 0 : i32
    %dma_wait3A_94 = tpu.memref_slice %arg5[%dma_wait3A_89, %dma_wait3A_93] : memref<4x128xi32, #tpu.memory_space<vmem>> -> memref<1x128xi32, #tpu.memory_space<vmem>>
    %dma_wait3A_95 = tpu.memref_squeeze %dma_wait3A_94 : memref<1x128xi32, #tpu.memory_space<vmem>> -> memref<128xi32, #tpu.memory_space<vmem>>
    %dma_wait3A_96 = arith.constant 0 : i32
    %dma_wait3A_97 = arith.constant 0 : i32
    %dma_wait3A_98 = tpu.memref_slice %arg3[%dma_wait3A_96, %dma_wait3A_97] : memref<16384x128xf32, #tpu.memory_space<hbm>> -> memref<16384x128xf32, #tpu.memory_space<hbm>>
    tpu.wait_indirect_dma semaphore(%arg7 : memref<!tpu.dma_semaphore, #tpu.memory_space<semaphore_mem>>) src(%dma_wait3A_98 : memref<16384x128xf32, #tpu.memory_space<hbm>>) dst(%dma_wait3A_92 : memref<128x128xf32, #tpu.memory_space<vmem>>)
    "tpu.region"() ({
      %run_scoped3A = tpu.sem_alloc : memref<!tpu.dma_semaphore, #tpu.memory_space<semaphore_mem>>
      %dma_start3A_841 = arith.constant 0 : i32
      %dma_start3A_842 = tpu.memref_slice %arg4[%add3A_4, %dma_start3A_841] : memref<131072x128xf32, #tpu.memory_space<hbm>> -> memref<512x128xf32, #tpu.memory_space<hbm>>
      %dma_start3A_843 = arith.constant 0 : i32
      %dma_start3A_844 = tpu.memref_slice %arg4[%add3A_4, %dma_start3A_843] : memref<131072x128xf32, #tpu.memory_space<hbm>> -> memref<512x128xf32, #tpu.memory_space<hbm>>
      tpu.enqueue_dma source(%arg6 : memref<512x128xf32, #tpu.memory_space<vmem>>) target(%dma_start3A_844 : memref<512x128xf32, #tpu.memory_space<hbm>>) target_semaphore(%run_scoped3A : memref<!tpu.dma_semaphore, #tpu.memory_space<semaphore_mem>>)
      %dma_wait3A_845 = arith.constant 0 : i32
      %dma_wait3A_846 = tpu.memref_slice %arg4[%add3A_4, %dma_wait3A_845] : memref<131072x128xf32, #tpu.memory_space<hbm>> -> memref<512x128xf32, #tpu.memory_space<hbm>>
      %dma_wait3A_847 = arith.constant 0 : i32
      %dma_wait3A_848 = tpu.memref_slice %arg4[%add3A_4, %dma_wait3A_847] : memref<131072x128xf32, #tpu.memory_space<hbm>> -> memref<512x128xf32, #tpu.memory_space<hbm>>
      tpu.wait_dma2 semaphore(%run_scoped3A : memref<!tpu.dma_semaphore, #tpu.memory_space<semaphore_mem>>) src(%arg6 : memref<512x128xf32, #tpu.memory_space<vmem>>) dst(%dma_wait3A_848 : memref<512x128xf32, #tpu.memory_space<hbm>>)
      tpu.yield
    }) : () -> ()
    %add3A_99 = arith.constant 512 : i32
    %add3A_100 = arith.addi %mul3A_2, %add3A_99 : i32
    %jit3A_101 = arith.constant 128 : i32
    %div3A_102 = arith.divsi %add3A_100, %jit3A_101 : i32
    %sign3A_103 = arith.constant 0 : i32
    %sign3A_104 = arith.cmpi sgt, %add3A_100, %sign3A_103 : i32
    %sign3A_105 = arith.extui %sign3A_104 : i1 to i32
    %sign3A_106 = arith.constant 0 : i32
    %sign3A_107 = arith.cmpi slt, %add3A_100, %sign3A_106 : i32
    %sign3A_108 = arith.extui %sign3A_107 : i1 to i32
    %sign3A_109 = arith.subi %sign3A_105, %sign3A_108 : i32
    %sign3A_110 = arith.constant 0 : i32
    %sign3A_111 = arith.cmpi sgt, %jit3A_101, %sign3A_110 : i32
    %sign3A_112 = arith.extui %sign3A_111 : i1 to i32
    %sign3A_113 = arith.constant 0 : i32
    %sign3A_114 = arith.cmpi slt, %jit3A_101, %sign3A_113 : i32
    %sign3A_115 = arith.extui %sign3A_114 : i1 to i32
    %sign3A_116 = arith.subi %sign3A_112, %sign3A_115 : i32
    %ne3A_117 = arith.cmpi ne, %sign3A_109, %sign3A_116 : i32
    %rem3A_118 = arith.remsi %add3A_100, %jit3A_101 : i32
    %ne3A_119 = arith.constant 0 : i32
    %ne3A_120 = arith.cmpi ne, %rem3A_118, %ne3A_119 : i32
    %and3A_121 = arith.andi %ne3A_117, %ne3A_120 : i1
    %sub3A_122 = arith.constant 1 : i32
    %sub3A_123 = arith.subi %div3A_102, %sub3A_122 : i32
    %select_n3A_124 = arith.select %and3A_121, %sub3A_123, %div3A_102 : i32
    "tpu.region"() ({
      %run_scoped3A = tpu.sem_alloc : memref<!tpu.dma_semaphore, #tpu.memory_space<semaphore_mem>>
      %dma_start3A_841 = arith.constant 0 : i32
      %dma_start3A_842 = tpu.memref_slice %arg2[%select_n3A_124, %dma_start3A_841] : memref<1024x128xi32, #tpu.memory_space<hbm>> -> memref<4x128xi32, #tpu.memory_space<hbm>>
      %dma_start3A_843 = arith.constant 0 : i32
      %dma_start3A_844 = tpu.memref_slice %arg2[%select_n3A_124, %dma_start3A_843] : memref<1024x128xi32, #tpu.memory_space<hbm>> -> memref<4x128xi32, #tpu.memory_space<hbm>>
      tpu.enqueue_dma source(%dma_start3A_844 : memref<4x128xi32, #tpu.memory_space<hbm>>) target(%arg5 : memref<4x128xi32, #tpu.memory_space<vmem>>) target_semaphore(%run_scoped3A : memref<!tpu.dma_semaphore, #tpu.memory_space<semaphore_mem>>)
      %dma_wait3A_845 = arith.constant 0 : i32
      %dma_wait3A_846 = tpu.memref_slice %arg2[%select_n3A_124, %dma_wait3A_845] : memref<1024x128xi32, #tpu.memory_space<hbm>> -> memref<4x128xi32, #tpu.memory_space<hbm>>
      %dma_wait3A_847 = arith.constant 0 : i32
      %dma_wait3A_848 = tpu.memref_slice %arg2[%select_n3A_124, %dma_wait3A_847] : memref<1024x128xi32, #tpu.memory_space<hbm>> -> memref<4x128xi32, #tpu.memory_space<hbm>>
      tpu.wait_dma2 semaphore(%run_scoped3A : memref<!tpu.dma_semaphore, #tpu.memory_space<semaphore_mem>>) src(%dma_wait3A_848 : memref<4x128xi32, #tpu.memory_space<hbm>>) dst(%arg5 : memref<4x128xi32, #tpu.memory_space<vmem>>)
      tpu.yield
    }) : () -> ()
    %dma_start3A_125 = arith.constant 0 : i32
    %dma_start3A_126 = arith.constant 0 : i32
    %dma_start3A_127 = arith.constant 0 : i32
    %dma_start3A_128 = tpu.memref_slice %arg6[%dma_start3A_126, %dma_start3A_127] : memref<512x128xf32, #tpu.memory_space<vmem>> -> memref<128x128xf32, #tpu.memory_space<vmem>>
    %dma_start3A_129 = arith.constant 0 : i32
    %dma_start3A_130 = tpu.memref_slice %arg5[%dma_start3A_125, %dma_start3A_129] : memref<4x128xi32, #tpu.memory_space<vmem>> -> memref<1x128xi32, #tpu.memory_space<vmem>>
    %dma_start3A_131 = tpu.memref_squeeze %dma_start3A_130 : memref<1x128xi32, #tpu.memory_space<vmem>> -> memref<128xi32, #tpu.memory_space<vmem>>
    %dma_start3A_132 = arith.constant 0 : i32
    %dma_start3A_133 = arith.constant 0 : i32
    %dma_start3A_134 = tpu.memref_slice %arg3[%dma_start3A_132, %dma_start3A_133] : memref<16384x128xf32, #tpu.memory_space<hbm>> -> memref<16384x128xf32, #tpu.memory_space<hbm>>
    tpu.enqueue_indirect_dma source(%dma_start3A_134 : memref<16384x128xf32, #tpu.memory_space<hbm>>) target(%dma_start3A_128 : memref<128x128xf32, #tpu.memory_space<vmem>>) offsets(%dma_start3A_131 : memref<128xi32, #tpu.memory_space<vmem>>) semaphore(%arg7 : memref<!tpu.dma_semaphore, #tpu.memory_space<semaphore_mem>>)
    %dma_start3A_135 = arith.constant 1 : i32
    %dma_start3A_136 = arith.constant 128 : i32
    %dma_start3A_137 = arith.constant 0 : i32
    %dma_start3A_138 = tpu.memref_slice %arg6[%dma_start3A_136, %dma_start3A_137] : memref<512x128xf32, #tpu.memory_space<vmem>> -> memref<128x128xf32, #tpu.memory_space<vmem>>
    %dma_start3A_139 = arith.constant 0 : i32
    %dma_start3A_140 = tpu.memref_slice %arg5[%dma_start3A_135, %dma_start3A_139] : memref<4x128xi32, #tpu.memory_space<vmem>> -> memref<1x128xi32, #tpu.memory_space<vmem>>
    %dma_start3A_141 = tpu.memref_squeeze %dma_start3A_140 : memref<1x128xi32, #tpu.memory_space<vmem>> -> memref<128xi32, #tpu.memory_space<vmem>>
    %dma_start3A_142 = arith.constant 0 : i32
    %dma_start3A_143 = arith.constant 0 : i32
    %dma_start3A_144 = tpu.memref_slice %arg3[%dma_start3A_142, %dma_start3A_143] : memref<16384x128xf32, #tpu.memory_space<hbm>> -> memref<16384x128xf32, #tpu.memory_space<hbm>>
    tpu.enqueue_indirect_dma source(%dma_start3A_144 : memref<16384x128xf32, #tpu.memory_space<hbm>>) target(%dma_start3A_138 : memref<128x128xf32, #tpu.memory_space<vmem>>) offsets(%dma_start3A_141 : memref<128xi32, #tpu.memory_space<vmem>>) semaphore(%arg7 : memref<!tpu.dma_semaphore, #tpu.memory_space<semaphore_mem>>)
    %dma_start3A_145 = arith.constant 2 : i32
    %dma_start3A_146 = arith.constant 256 : i32
    %dma_start3A_147 = arith.constant 0 : i32
    %dma_start3A_148 = tpu.memref_slice %arg6[%dma_start3A_146, %dma_start3A_147] : memref<512x128xf32, #tpu.memory_space<vmem>> -> memref<128x128xf32, #tpu.memory_space<vmem>>
    %dma_start3A_149 = arith.constant 0 : i32
    %dma_start3A_150 = tpu.memref_slice %arg5[%dma_start3A_145, %dma_start3A_149] : memref<4x128xi32, #tpu.memory_space<vmem>> -> memref<1x128xi32, #tpu.memory_space<vmem>>
    %dma_start3A_151 = tpu.memref_squeeze %dma_start3A_150 : memref<1x128xi32, #tpu.memory_space<vmem>> -> memref<128xi32, #tpu.memory_space<vmem>>
    %dma_start3A_152 = arith.constant 0 : i32
    %dma_start3A_153 = arith.constant 0 : i32
    %dma_start3A_154 = tpu.memref_slice %arg3[%dma_start3A_152, %dma_start3A_153] : memref<16384x128xf32, #tpu.memory_space<hbm>> -> memref<16384x128xf32, #tpu.memory_space<hbm>>
    tpu.enqueue_indirect_dma source(%dma_start3A_154 : memref<16384x128xf32, #tpu.memory_space<hbm>>) target(%dma_start3A_148 : memref<128x128xf32, #tpu.memory_space<vmem>>) offsets(%dma_start3A_151 : memref<128xi32, #tpu.memory_space<vmem>>) semaphore(%arg7 : memref<!tpu.dma_semaphore, #tpu.memory_space<semaphore_mem>>)
    %dma_start3A_155 = arith.constant 3 : i32
    %dma_start3A_156 = arith.constant 384 : i32
    %dma_start3A_157 = arith.constant 0 : i32
    %dma_start3A_158 = tpu.memref_slice %arg6[%dma_start3A_156, %dma_start3A_157] : memref<512x128xf32, #tpu.memory_space<vmem>> -> memref<128x128xf32, #tpu.memory_space<vmem>>
    %dma_start3A_159 = arith.constant 0 : i32
    %dma_start3A_160 = tpu.memref_slice %arg5[%dma_start3A_155, %dma_start3A_159] : memref<4x128xi32, #tpu.memory_space<vmem>> -> memref<1x128xi32, #tpu.memory_space<vmem>>
    %dma_start3A_161 = tpu.memref_squeeze %dma_start3A_160 : memref<1x128xi32, #tpu.memory_space<vmem>> -> memref<128xi32, #tpu.memory_space<vmem>>
    %dma_start3A_162 = arith.constant 0 : i32
    %dma_start3A_163 = arith.constant 0 : i32
    %dma_start3A_164 = tpu.memref_slice %arg3[%dma_start3A_162, %dma_start3A_163] : memref<16384x128xf32, #tpu.memory_space<hbm>> -> memref<16384x128xf32, #tpu.memory_space<hbm>>
    tpu.enqueue_indirect_dma source(%dma_start3A_164 : memref<16384x128xf32, #tpu.memory_space<hbm>>) target(%dma_start3A_158 : memref<128x128xf32, #tpu.memory_space<vmem>>) offsets(%dma_start3A_161 : memref<128xi32, #tpu.memory_space<vmem>>) semaphore(%arg7 : memref<!tpu.dma_semaphore, #tpu.memory_space<semaphore_mem>>)
    %dma_wait3A_165 = arith.constant 0 : i32
    %dma_wait3A_166 = arith.constant 0 : i32
    %dma_wait3A_167 = arith.constant 0 : i32
    %dma_wait3A_168 = tpu.memref_slice %arg6[%dma_wait3A_166, %dma_wait3A_167] : memref<512x128xf32, #tpu.memory_space<vmem>> -> memref<128x128xf32, #tpu.memory_space<vmem>>
    %dma_wait3A_169 = arith.constant 0 : i32
    %dma_wait3A_170 = tpu.memref_slice %arg5[%dma_wait3A_165, %dma_wait3A_169] : memref<4x128xi32, #tpu.memory_space<vmem>> -> memref<1x128xi32, #tpu.memory_space<vmem>>
    %dma_wait3A_171 = tpu.memref_squeeze %dma_wait3A_170 : memref<1x128xi32, #tpu.memory_space<vmem>> -> memref<128xi32, #tpu.memory_space<vmem>>
    %dma_wait3A_172 = arith.constant 0 : i32
    %dma_wait3A_173 = arith.constant 0 : i32
    %dma_wait3A_174 = tpu.memref_slice %arg3[%dma_wait3A_172, %dma_wait3A_173] : memref<16384x128xf32, #tpu.memory_space<hbm>> -> memref<16384x128xf32, #tpu.memory_space<hbm>>
    tpu.wait_indirect_dma semaphore(%arg7 : memref<!tpu.dma_semaphore, #tpu.memory_space<semaphore_mem>>) src(%dma_wait3A_174 : memref<16384x128xf32, #tpu.memory_space<hbm>>) dst(%dma_wait3A_168 : memref<128x128xf32, #tpu.memory_space<vmem>>)
    %dma_wait3A_175 = arith.constant 1 : i32
    %dma_wait3A_176 = arith.constant 128 : i32
    %dma_wait3A_177 = arith.constant 0 : i32
    %dma_wait3A_178 = tpu.memref_slice %arg6[%dma_wait3A_176, %dma_wait3A_177] : memref<512x128xf32, #tpu.memory_space<vmem>> -> memref<128x128xf32, #tpu.memory_space<vmem>>
    %dma_wait3A_179 = arith.constant 0 : i32
    %dma_wait3A_180 = tpu.memref_slice %arg5[%dma_wait3A_175, %dma_wait3A_179] : memref<4x128xi32, #tpu.memory_space<vmem>> -> memref<1x128xi32, #tpu.memory_space<vmem>>
    %dma_wait3A_181 = tpu.memref_squeeze %dma_wait3A_180 : memref<1x128xi32, #tpu.memory_space<vmem>> -> memref<128xi32, #tpu.memory_space<vmem>>
    %dma_wait3A_182 = arith.constant 0 : i32
    %dma_wait3A_183 = arith.constant 0 : i32
    %dma_wait3A_184 = tpu.memref_slice %arg3[%dma_wait3A_182, %dma_wait3A_183] : memref<16384x128xf32, #tpu.memory_space<hbm>> -> memref<16384x128xf32, #tpu.memory_space<hbm>>
    tpu.wait_indirect_dma semaphore(%arg7 : memref<!tpu.dma_semaphore, #tpu.memory_space<semaphore_mem>>) src(%dma_wait3A_184 : memref<16384x128xf32, #tpu.memory_space<hbm>>) dst(%dma_wait3A_178 : memref<128x128xf32, #tpu.memory_space<vmem>>)
    %dma_wait3A_185 = arith.constant 2 : i32
    %dma_wait3A_186 = arith.constant 256 : i32
    %dma_wait3A_187 = arith.constant 0 : i32
    %dma_wait3A_188 = tpu.memref_slice %arg6[%dma_wait3A_186, %dma_wait3A_187] : memref<512x128xf32, #tpu.memory_space<vmem>> -> memref<128x128xf32, #tpu.memory_space<vmem>>
    %dma_wait3A_189 = arith.constant 0 : i32
    %dma_wait3A_190 = tpu.memref_slice %arg5[%dma_wait3A_185, %dma_wait3A_189] : memref<4x128xi32, #tpu.memory_space<vmem>> -> memref<1x128xi32, #tpu.memory_space<vmem>>
    %dma_wait3A_191 = tpu.memref_squeeze %dma_wait3A_190 : memref<1x128xi32, #tpu.memory_space<vmem>> -> memref<128xi32, #tpu.memory_space<vmem>>
    %dma_wait3A_192 = arith.constant 0 : i32
    %dma_wait3A_193 = arith.constant 0 : i32
    %dma_wait3A_194 = tpu.memref_slice %arg3[%dma_wait3A_192, %dma_wait3A_193] : memref<16384x128xf32, #tpu.memory_space<hbm>> -> memref<16384x128xf32, #tpu.memory_space<hbm>>
    tpu.wait_indirect_dma semaphore(%arg7 : memref<!tpu.dma_semaphore, #tpu.memory_space<semaphore_mem>>) src(%dma_wait3A_194 : memref<16384x128xf32, #tpu.memory_space<hbm>>) dst(%dma_wait3A_188 : memref<128x128xf32, #tpu.memory_space<vmem>>)
    %dma_wait3A_195 = arith.constant 3 : i32
    %dma_wait3A_196 = arith.constant 384 : i32
    %dma_wait3A_197 = arith.constant 0 : i32
    %dma_wait3A_198 = tpu.memref_slice %arg6[%dma_wait3A_196, %dma_wait3A_197] : memref<512x128xf32, #tpu.memory_space<vmem>> -> memref<128x128xf32, #tpu.memory_space<vmem>>
    %dma_wait3A_199 = arith.constant 0 : i32
    %dma_wait3A_200 = tpu.memref_slice %arg5[%dma_wait3A_195, %dma_wait3A_199] : memref<4x128xi32, #tpu.memory_space<vmem>> -> memref<1x128xi32, #tpu.memory_space<vmem>>
    %dma_wait3A_201 = tpu.memref_squeeze %dma_wait3A_200 : memref<1x128xi32, #tpu.memory_space<vmem>> -> memref<128xi32, #tpu.memory_space<vmem>>
    %dma_wait3A_202 = arith.constant 0 : i32
    %dma_wait3A_203 = arith.constant 0 : i32
    %dma_wait3A_204 = tpu.memref_slice %arg3[%dma_wait3A_202, %dma_wait3A_203] : memref<16384x128xf32, #tpu.memory_space<hbm>> -> memref<16384x128xf32, #tpu.memory_space<hbm>>
    tpu.wait_indirect_dma semaphore(%arg7 : memref<!tpu.dma_semaphore, #tpu.memory_space<semaphore_mem>>) src(%dma_wait3A_204 : memref<16384x128xf32, #tpu.memory_space<hbm>>) dst(%dma_wait3A_198 : memref<128x128xf32, #tpu.memory_space<vmem>>)
    "tpu.region"() ({
      %run_scoped3A = tpu.sem_alloc : memref<!tpu.dma_semaphore, #tpu.memory_space<semaphore_mem>>
      %dma_start3A_841 = arith.constant 0 : i32
      %dma_start3A_842 = tpu.memref_slice %arg4[%add3A_100, %dma_start3A_841] : memref<131072x128xf32, #tpu.memory_space<hbm>> -> memref<512x128xf32, #tpu.memory_space<hbm>>
      %dma_start3A_843 = arith.constant 0 : i32
      %dma_start3A_844 = tpu.memref_slice %arg4[%add3A_100, %dma_start3A_843] : memref<131072x128xf32, #tpu.memory_space<hbm>> -> memref<512x128xf32, #tpu.memory_space<hbm>>
      tpu.enqueue_dma source(%arg6 : memref<512x128xf32, #tpu.memory_space<vmem>>) target(%dma_start3A_844 : memref<512x128xf32, #tpu.memory_space<hbm>>) target_semaphore(%run_scoped3A : memref<!tpu.dma_semaphore, #tpu.memory_space<semaphore_mem>>)
      %dma_wait3A_845 = arith.constant 0 : i32
      %dma_wait3A_846 = tpu.memref_slice %arg4[%add3A_100, %dma_wait3A_845] : memref<131072x128xf32, #tpu.memory_space<hbm>> -> memref<512x128xf32, #tpu.memory_space<hbm>>
      %dma_wait3A_847 = arith.constant 0 : i32
      %dma_wait3A_848 = tpu.memref_slice %arg4[%add3A_100, %dma_wait3A_847] : memref<131072x128xf32, #tpu.memory_space<hbm>> -> memref<512x128xf32, #tpu.memory_space<hbm>>
      tpu.wait_dma2 semaphore(%run_scoped3A : memref<!tpu.dma_semaphore, #tpu.memory_space<semaphore_mem>>) src(%arg6 : memref<512x128xf32, #tpu.memory_space<vmem>>) dst(%dma_wait3A_848 : memref<512x128xf32, #tpu.memory_space<hbm>>)
      tpu.yield
    }) : () -> ()
    %add3A_205 = arith.constant 1024 : i32
    %add3A_206 = arith.addi %mul3A_2, %add3A_205 : i32
    %jit3A_207 = arith.constant 128 : i32
    %div3A_208 = arith.divsi %add3A_206, %jit3A_207 : i32
    %sign3A_209 = arith.constant 0 : i32
    %sign3A_210 = arith.cmpi sgt, %add3A_206, %sign3A_209 : i32
    %sign3A_211 = arith.extui %sign3A_210 : i1 to i32
    %sign3A_212 = arith.constant 0 : i32
    %sign3A_213 = arith.cmpi slt, %add3A_206, %sign3A_212 : i32
    %sign3A_214 = arith.extui %sign3A_213 : i1 to i32
    %sign3A_215 = arith.subi %sign3A_211, %sign3A_214 : i32
    %sign3A_216 = arith.constant 0 : i32
    %sign3A_217 = arith.cmpi sgt, %jit3A_207, %sign3A_216 : i32
    %sign3A_218 = arith.extui %sign3A_217 : i1 to i32
    %sign3A_219 = arith.constant 0 : i32
    %sign3A_220 = arith.cmpi slt, %jit3A_207, %sign3A_219 : i32
    %sign3A_221 = arith.extui %sign3A_220 : i1 to i32
    %sign3A_222 = arith.subi %sign3A_218, %sign3A_221 : i32
    %ne3A_223 = arith.cmpi ne, %sign3A_215, %sign3A_222 : i32
    %rem3A_224 = arith.remsi %add3A_206, %jit3A_207 : i32
    %ne3A_225 = arith.constant 0 : i32
    %ne3A_226 = arith.cmpi ne, %rem3A_224, %ne3A_225 : i32
    %and3A_227 = arith.andi %ne3A_223, %ne3A_226 : i1
    %sub3A_228 = arith.constant 1 : i32
    %sub3A_229 = arith.subi %div3A_208, %sub3A_228 : i32
    %select_n3A_230 = arith.select %and3A_227, %sub3A_229, %div3A_208 : i32
    "tpu.region"() ({
      %run_scoped3A = tpu.sem_alloc : memref<!tpu.dma_semaphore, #tpu.memory_space<semaphore_mem>>
      %dma_start3A_841 = arith.constant 0 : i32
      %dma_start3A_842 = tpu.memref_slice %arg2[%select_n3A_230, %dma_start3A_841] : memref<1024x128xi32, #tpu.memory_space<hbm>> -> memref<4x128xi32, #tpu.memory_space<hbm>>
      %dma_start3A_843 = arith.constant 0 : i32
      %dma_start3A_844 = tpu.memref_slice %arg2[%select_n3A_230, %dma_start3A_843] : memref<1024x128xi32, #tpu.memory_space<hbm>> -> memref<4x128xi32, #tpu.memory_space<hbm>>
      tpu.enqueue_dma source(%dma_start3A_844 : memref<4x128xi32, #tpu.memory_space<hbm>>) target(%arg5 : memref<4x128xi32, #tpu.memory_space<vmem>>) target_semaphore(%run_scoped3A : memref<!tpu.dma_semaphore, #tpu.memory_space<semaphore_mem>>)
      %dma_wait3A_845 = arith.constant 0 : i32
      %dma_wait3A_846 = tpu.memref_slice %arg2[%select_n3A_230, %dma_wait3A_845] : memref<1024x128xi32, #tpu.memory_space<hbm>> -> memref<4x128xi32, #tpu.memory_space<hbm>>
      %dma_wait3A_847 = arith.constant 0 : i32
      %dma_wait3A_848 = tpu.memref_slice %arg2[%select_n3A_230, %dma_wait3A_847] : memref<1024x128xi32, #tpu.memory_space<hbm>> -> memref<4x128xi32, #tpu.memory_space<hbm>>
      tpu.wait_dma2 semaphore(%run_scoped3A : memref<!tpu.dma_semaphore, #tpu.memory_space<semaphore_mem>>) src(%dma_wait3A_848 : memref<4x128xi32, #tpu.memory_space<hbm>>) dst(%arg5 : memref<4x128xi32, #tpu.memory_space<vmem>>)
      tpu.yield
    }) : () -> ()
    %dma_start3A_231 = arith.constant 0 : i32
    %dma_start3A_232 = arith.constant 0 : i32
    %dma_start3A_233 = arith.constant 0 : i32
    %dma_start3A_234 = tpu.memref_slice %arg6[%dma_start3A_232, %dma_start3A_233] : memref<512x128xf32, #tpu.memory_space<vmem>> -> memref<128x128xf32, #tpu.memory_space<vmem>>
    %dma_start3A_235 = arith.constant 0 : i32
    %dma_start3A_236 = tpu.memref_slice %arg5[%dma_start3A_231, %dma_start3A_235] : memref<4x128xi32, #tpu.memory_space<vmem>> -> memref<1x128xi32, #tpu.memory_space<vmem>>
    %dma_start3A_237 = tpu.memref_squeeze %dma_start3A_236 : memref<1x128xi32, #tpu.memory_space<vmem>> -> memref<128xi32, #tpu.memory_space<vmem>>
    %dma_start3A_238 = arith.constant 0 : i32
    %dma_start3A_239 = arith.constant 0 : i32
    %dma_start3A_240 = tpu.memref_slice %arg3[%dma_start3A_238, %dma_start3A_239] : memref<16384x128xf32, #tpu.memory_space<hbm>> -> memref<16384x128xf32, #tpu.memory_space<hbm>>
    tpu.enqueue_indirect_dma source(%dma_start3A_240 : memref<16384x128xf32, #tpu.memory_space<hbm>>) target(%dma_start3A_234 : memref<128x128xf32, #tpu.memory_space<vmem>>) offsets(%dma_start3A_237 : memref<128xi32, #tpu.memory_space<vmem>>) semaphore(%arg7 : memref<!tpu.dma_semaphore, #tpu.memory_space<semaphore_mem>>)
    %dma_start3A_241 = arith.constant 1 : i32
    %dma_start3A_242 = arith.constant 128 : i32
    %dma_start3A_243 = arith.constant 0 : i32
    %dma_start3A_244 = tpu.memref_slice %arg6[%dma_start3A_242, %dma_start3A_243] : memref<512x128xf32, #tpu.memory_space<vmem>> -> memref<128x128xf32, #tpu.memory_space<vmem>>
    %dma_start3A_245 = arith.constant 0 : i32
    %dma_start3A_246 = tpu.memref_slice %arg5[%dma_start3A_241, %dma_start3A_245] : memref<4x128xi32, #tpu.memory_space<vmem>> -> memref<1x128xi32, #tpu.memory_space<vmem>>
    %dma_start3A_247 = tpu.memref_squeeze %dma_start3A_246 : memref<1x128xi32, #tpu.memory_space<vmem>> -> memref<128xi32, #tpu.memory_space<vmem>>
    %dma_start3A_248 = arith.constant 0 : i32
    %dma_start3A_249 = arith.constant 0 : i32
    %dma_start3A_250 = tpu.memref_slice %arg3[%dma_start3A_248, %dma_start3A_249] : memref<16384x128xf32, #tpu.memory_space<hbm>> -> memref<16384x128xf32, #tpu.memory_space<hbm>>
    tpu.enqueue_indirect_dma source(%dma_start3A_250 : memref<16384x128xf32, #tpu.memory_space<hbm>>) target(%dma_start3A_244 : memref<128x128xf32, #tpu.memory_space<vmem>>) offsets(%dma_start3A_247 : memref<128xi32, #tpu.memory_space<vmem>>) semaphore(%arg7 : memref<!tpu.dma_semaphore, #tpu.memory_space<semaphore_mem>>)
    %dma_start3A_251 = arith.constant 2 : i32
    %dma_start3A_252 = arith.constant 256 : i32
    %dma_start3A_253 = arith.constant 0 : i32
    %dma_start3A_254 = tpu.memref_slice %arg6[%dma_start3A_252, %dma_start3A_253] : memref<512x128xf32, #tpu.memory_space<vmem>> -> memref<128x128xf32, #tpu.memory_space<vmem>>
    %dma_start3A_255 = arith.constant 0 : i32
    %dma_start3A_256 = tpu.memref_slice %arg5[%dma_start3A_251, %dma_start3A_255] : memref<4x128xi32, #tpu.memory_space<vmem>> -> memref<1x128xi32, #tpu.memory_space<vmem>>
    %dma_start3A_257 = tpu.memref_squeeze %dma_start3A_256 : memref<1x128xi32, #tpu.memory_space<vmem>> -> memref<128xi32, #tpu.memory_space<vmem>>
    %dma_start3A_258 = arith.constant 0 : i32
    %dma_start3A_259 = arith.constant 0 : i32
    %dma_start3A_260 = tpu.memref_slice %arg3[%dma_start3A_258, %dma_start3A_259] : memref<16384x128xf32, #tpu.memory_space<hbm>> -> memref<16384x128xf32, #tpu.memory_space<hbm>>
    tpu.enqueue_indirect_dma source(%dma_start3A_260 : memref<16384x128xf32, #tpu.memory_space<hbm>>) target(%dma_start3A_254 : memref<128x128xf32, #tpu.memory_space<vmem>>) offsets(%dma_start3A_257 : memref<128xi32, #tpu.memory_space<vmem>>) semaphore(%arg7 : memref<!tpu.dma_semaphore, #tpu.memory_space<semaphore_mem>>)
    %dma_start3A_261 = arith.constant 3 : i32
    %dma_start3A_262 = arith.constant 384 : i32
    %dma_start3A_263 = arith.constant 0 : i32
    %dma_start3A_264 = tpu.memref_slice %arg6[%dma_start3A_262, %dma_start3A_263] : memref<512x128xf32, #tpu.memory_space<vmem>> -> memref<128x128xf32, #tpu.memory_space<vmem>>
    %dma_start3A_265 = arith.constant 0 : i32
    %dma_start3A_266 = tpu.memref_slice %arg5[%dma_start3A_261, %dma_start3A_265] : memref<4x128xi32, #tpu.memory_space<vmem>> -> memref<1x128xi32, #tpu.memory_space<vmem>>
    %dma_start3A_267 = tpu.memref_squeeze %dma_start3A_266 : memref<1x128xi32, #tpu.memory_space<vmem>> -> memref<128xi32, #tpu.memory_space<vmem>>
    %dma_start3A_268 = arith.constant 0 : i32
    %dma_start3A_269 = arith.constant 0 : i32
    %dma_start3A_270 = tpu.memref_slice %arg3[%dma_start3A_268, %dma_start3A_269] : memref<16384x128xf32, #tpu.memory_space<hbm>> -> memref<16384x128xf32, #tpu.memory_space<hbm>>
    tpu.enqueue_indirect_dma source(%dma_start3A_270 : memref<16384x128xf32, #tpu.memory_space<hbm>>) target(%dma_start3A_264 : memref<128x128xf32, #tpu.memory_space<vmem>>) offsets(%dma_start3A_267 : memref<128xi32, #tpu.memory_space<vmem>>) semaphore(%arg7 : memref<!tpu.dma_semaphore, #tpu.memory_space<semaphore_mem>>)
    %dma_wait3A_271 = arith.constant 0 : i32
    %dma_wait3A_272 = arith.constant 0 : i32
    %dma_wait3A_273 = arith.constant 0 : i32
    %dma_wait3A_274 = tpu.memref_slice %arg6[%dma_wait3A_272, %dma_wait3A_273] : memref<512x128xf32, #tpu.memory_space<vmem>> -> memref<128x128xf32, #tpu.memory_space<vmem>>
    %dma_wait3A_275 = arith.constant 0 : i32
    %dma_wait3A_276 = tpu.memref_slice %arg5[%dma_wait3A_271, %dma_wait3A_275] : memref<4x128xi32, #tpu.memory_space<vmem>> -> memref<1x128xi32, #tpu.memory_space<vmem>>
    %dma_wait3A_277 = tpu.memref_squeeze %dma_wait3A_276 : memref<1x128xi32, #tpu.memory_space<vmem>> -> memref<128xi32, #tpu.memory_space<vmem>>
    %dma_wait3A_278 = arith.constant 0 : i32
    %dma_wait3A_279 = arith.constant 0 : i32
    %dma_wait3A_280 = tpu.memref_slice %arg3[%dma_wait3A_278, %dma_wait3A_279] : memref<16384x128xf32, #tpu.memory_space<hbm>> -> memref<16384x128xf32, #tpu.memory_space<hbm>>
    tpu.wait_indirect_dma semaphore(%arg7 : memref<!tpu.dma_semaphore, #tpu.memory_space<semaphore_mem>>) src(%dma_wait3A_280 : memref<16384x128xf32, #tpu.memory_space<hbm>>) dst(%dma_wait3A_274 : memref<128x128xf32, #tpu.memory_space<vmem>>)
    %dma_wait3A_281 = arith.constant 1 : i32
    %dma_wait3A_282 = arith.constant 128 : i32
    %dma_wait3A_283 = arith.constant 0 : i32
    %dma_wait3A_284 = tpu.memref_slice %arg6[%dma_wait3A_282, %dma_wait3A_283] : memref<512x128xf32, #tpu.memory_space<vmem>> -> memref<128x128xf32, #tpu.memory_space<vmem>>
    %dma_wait3A_285 = arith.constant 0 : i32
    %dma_wait3A_286 = tpu.memref_slice %arg5[%dma_wait3A_281, %dma_wait3A_285] : memref<4x128xi32, #tpu.memory_space<vmem>> -> memref<1x128xi32, #tpu.memory_space<vmem>>
    %dma_wait3A_287 = tpu.memref_squeeze %dma_wait3A_286 : memref<1x128xi32, #tpu.memory_space<vmem>> -> memref<128xi32, #tpu.memory_space<vmem>>
    %dma_wait3A_288 = arith.constant 0 : i32
    %dma_wait3A_289 = arith.constant 0 : i32
    %dma_wait3A_290 = tpu.memref_slice %arg3[%dma_wait3A_288, %dma_wait3A_289] : memref<16384x128xf32, #tpu.memory_space<hbm>> -> memref<16384x128xf32, #tpu.memory_space<hbm>>
    tpu.wait_indirect_dma semaphore(%arg7 : memref<!tpu.dma_semaphore, #tpu.memory_space<semaphore_mem>>) src(%dma_wait3A_290 : memref<16384x128xf32, #tpu.memory_space<hbm>>) dst(%dma_wait3A_284 : memref<128x128xf32, #tpu.memory_space<vmem>>)
    %dma_wait3A_291 = arith.constant 2 : i32
    %dma_wait3A_292 = arith.constant 256 : i32
    %dma_wait3A_293 = arith.constant 0 : i32
    %dma_wait3A_294 = tpu.memref_slice %arg6[%dma_wait3A_292, %dma_wait3A_293] : memref<512x128xf32, #tpu.memory_space<vmem>> -> memref<128x128xf32, #tpu.memory_space<vmem>>
    %dma_wait3A_295 = arith.constant 0 : i32
    %dma_wait3A_296 = tpu.memref_slice %arg5[%dma_wait3A_291, %dma_wait3A_295] : memref<4x128xi32, #tpu.memory_space<vmem>> -> memref<1x128xi32, #tpu.memory_space<vmem>>
    %dma_wait3A_297 = tpu.memref_squeeze %dma_wait3A_296 : memref<1x128xi32, #tpu.memory_space<vmem>> -> memref<128xi32, #tpu.memory_space<vmem>>
    %dma_wait3A_298 = arith.constant 0 : i32
    %dma_wait3A_299 = arith.constant 0 : i32
    %dma_wait3A_300 = tpu.memref_slice %arg3[%dma_wait3A_298, %dma_wait3A_299] : memref<16384x128xf32, #tpu.memory_space<hbm>> -> memref<16384x128xf32, #tpu.memory_space<hbm>>
    tpu.wait_indirect_dma semaphore(%arg7 : memref<!tpu.dma_semaphore, #tpu.memory_space<semaphore_mem>>) src(%dma_wait3A_300 : memref<16384x128xf32, #tpu.memory_space<hbm>>) dst(%dma_wait3A_294 : memref<128x128xf32, #tpu.memory_space<vmem>>)
    %dma_wait3A_301 = arith.constant 3 : i32
    %dma_wait3A_302 = arith.constant 384 : i32
    %dma_wait3A_303 = arith.constant 0 : i32
    %dma_wait3A_304 = tpu.memref_slice %arg6[%dma_wait3A_302, %dma_wait3A_303] : memref<512x128xf32, #tpu.memory_space<vmem>> -> memref<128x128xf32, #tpu.memory_space<vmem>>
    %dma_wait3A_305 = arith.constant 0 : i32
    %dma_wait3A_306 = tpu.memref_slice %arg5[%dma_wait3A_301, %dma_wait3A_305] : memref<4x128xi32, #tpu.memory_space<vmem>> -> memref<1x128xi32, #tpu.memory_space<vmem>>
    %dma_wait3A_307 = tpu.memref_squeeze %dma_wait3A_306 : memref<1x128xi32, #tpu.memory_space<vmem>> -> memref<128xi32, #tpu.memory_space<vmem>>
    %dma_wait3A_308 = arith.constant 0 : i32
    %dma_wait3A_309 = arith.constant 0 : i32
    %dma_wait3A_310 = tpu.memref_slice %arg3[%dma_wait3A_308, %dma_wait3A_309] : memref<16384x128xf32, #tpu.memory_space<hbm>> -> memref<16384x128xf32, #tpu.memory_space<hbm>>
    tpu.wait_indirect_dma semaphore(%arg7 : memref<!tpu.dma_semaphore, #tpu.memory_space<semaphore_mem>>) src(%dma_wait3A_310 : memref<16384x128xf32, #tpu.memory_space<hbm>>) dst(%dma_wait3A_304 : memref<128x128xf32, #tpu.memory_space<vmem>>)
    "tpu.region"() ({
      %run_scoped3A = tpu.sem_alloc : memref<!tpu.dma_semaphore, #tpu.memory_space<semaphore_mem>>
      %dma_start3A_841 = arith.constant 0 : i32
      %dma_start3A_842 = tpu.memref_slice %arg4[%add3A_206, %dma_start3A_841] : memref<131072x128xf32, #tpu.memory_space<hbm>> -> memref<512x128xf32, #tpu.memory_space<hbm>>
      %dma_start3A_843 = arith.constant 0 : i32
      %dma_start3A_844 = tpu.memref_slice %arg4[%add3A_206, %dma_start3A_843] : memref<131072x128xf32, #tpu.memory_space<hbm>> -> memref<512x128xf32, #tpu.memory_space<hbm>>
      tpu.enqueue_dma source(%arg6 : memref<512x128xf32, #tpu.memory_space<vmem>>) target(%dma_start3A_844 : memref<512x128xf32, #tpu.memory_space<hbm>>) target_semaphore(%run_scoped3A : memref<!tpu.dma_semaphore, #tpu.memory_space<semaphore_mem>>)
      %dma_wait3A_845 = arith.constant 0 : i32
      %dma_wait3A_846 = tpu.memref_slice %arg4[%add3A_206, %dma_wait3A_845] : memref<131072x128xf32, #tpu.memory_space<hbm>> -> memref<512x128xf32, #tpu.memory_space<hbm>>
      %dma_wait3A_847 = arith.constant 0 : i32
      %dma_wait3A_848 = tpu.memref_slice %arg4[%add3A_206, %dma_wait3A_847] : memref<131072x128xf32, #tpu.memory_space<hbm>> -> memref<512x128xf32, #tpu.memory_space<hbm>>
      tpu.wait_dma2 semaphore(%run_scoped3A : memref<!tpu.dma_semaphore, #tpu.memory_space<semaphore_mem>>) src(%arg6 : memref<512x128xf32, #tpu.memory_space<vmem>>) dst(%dma_wait3A_848 : memref<512x128xf32, #tpu.memory_space<hbm>>)
      tpu.yield
    }) : () -> ()
    %add3A_311 = arith.constant 1536 : i32
    %add3A_312 = arith.addi %mul3A_2, %add3A_311 : i32
    %jit3A_313 = arith.constant 128 : i32
    %div3A_314 = arith.divsi %add3A_312, %jit3A_313 : i32
    %sign3A_315 = arith.constant 0 : i32
    %sign3A_316 = arith.cmpi sgt, %add3A_312, %sign3A_315 : i32
    %sign3A_317 = arith.extui %sign3A_316 : i1 to i32
    %sign3A_318 = arith.constant 0 : i32
    %sign3A_319 = arith.cmpi slt, %add3A_312, %sign3A_318 : i32
    %sign3A_320 = arith.extui %sign3A_319 : i1 to i32
    %sign3A_321 = arith.subi %sign3A_317, %sign3A_320 : i32
    %sign3A_322 = arith.constant 0 : i32
    %sign3A_323 = arith.cmpi sgt, %jit3A_313, %sign3A_322 : i32
    %sign3A_324 = arith.extui %sign3A_323 : i1 to i32
    %sign3A_325 = arith.constant 0 : i32
    %sign3A_326 = arith.cmpi slt, %jit3A_313, %sign3A_325 : i32
    %sign3A_327 = arith.extui %sign3A_326 : i1 to i32
    %sign3A_328 = arith.subi %sign3A_324, %sign3A_327 : i32
    %ne3A_329 = arith.cmpi ne, %sign3A_321, %sign3A_328 : i32
    %rem3A_330 = arith.remsi %add3A_312, %jit3A_313 : i32
    %ne3A_331 = arith.constant 0 : i32
    %ne3A_332 = arith.cmpi ne, %rem3A_330, %ne3A_331 : i32
    %and3A_333 = arith.andi %ne3A_329, %ne3A_332 : i1
    %sub3A_334 = arith.constant 1 : i32
    %sub3A_335 = arith.subi %div3A_314, %sub3A_334 : i32
    %select_n3A_336 = arith.select %and3A_333, %sub3A_335, %div3A_314 : i32
    "tpu.region"() ({
      %run_scoped3A = tpu.sem_alloc : memref<!tpu.dma_semaphore, #tpu.memory_space<semaphore_mem>>
      %dma_start3A_841 = arith.constant 0 : i32
      %dma_start3A_842 = tpu.memref_slice %arg2[%select_n3A_336, %dma_start3A_841] : memref<1024x128xi32, #tpu.memory_space<hbm>> -> memref<4x128xi32, #tpu.memory_space<hbm>>
      %dma_start3A_843 = arith.constant 0 : i32
      %dma_start3A_844 = tpu.memref_slice %arg2[%select_n3A_336, %dma_start3A_843] : memref<1024x128xi32, #tpu.memory_space<hbm>> -> memref<4x128xi32, #tpu.memory_space<hbm>>
      tpu.enqueue_dma source(%dma_start3A_844 : memref<4x128xi32, #tpu.memory_space<hbm>>) target(%arg5 : memref<4x128xi32, #tpu.memory_space<vmem>>) target_semaphore(%run_scoped3A : memref<!tpu.dma_semaphore, #tpu.memory_space<semaphore_mem>>)
      %dma_wait3A_845 = arith.constant 0 : i32
      %dma_wait3A_846 = tpu.memref_slice %arg2[%select_n3A_336, %dma_wait3A_845] : memref<1024x128xi32, #tpu.memory_space<hbm>> -> memref<4x128xi32, #tpu.memory_space<hbm>>
      %dma_wait3A_847 = arith.constant 0 : i32
      %dma_wait3A_848 = tpu.memref_slice %arg2[%select_n3A_336, %dma_wait3A_847] : memref<1024x128xi32, #tpu.memory_space<hbm>> -> memref<4x128xi32, #tpu.memory_space<hbm>>
      tpu.wait_dma2 semaphore(%run_scoped3A : memref<!tpu.dma_semaphore, #tpu.memory_space<semaphore_mem>>) src(%dma_wait3A_848 : memref<4x128xi32, #tpu.memory_space<hbm>>) dst(%arg5 : memref<4x128xi32, #tpu.memory_space<vmem>>)
      tpu.yield
    }) : () -> ()
    %dma_start3A_337 = arith.constant 0 : i32
    %dma_start3A_338 = arith.constant 0 : i32
    %dma_start3A_339 = arith.constant 0 : i32
    %dma_start3A_340 = tpu.memref_slice %arg6[%dma_start3A_338, %dma_start3A_339] : memref<512x128xf32, #tpu.memory_space<vmem>> -> memref<128x128xf32, #tpu.memory_space<vmem>>
    %dma_start3A_341 = arith.constant 0 : i32
    %dma_start3A_342 = tpu.memref_slice %arg5[%dma_start3A_337, %dma_start3A_341] : memref<4x128xi32, #tpu.memory_space<vmem>> -> memref<1x128xi32, #tpu.memory_space<vmem>>
    %dma_start3A_343 = tpu.memref_squeeze %dma_start3A_342 : memref<1x128xi32, #tpu.memory_space<vmem>> -> memref<128xi32, #tpu.memory_space<vmem>>
    %dma_start3A_344 = arith.constant 0 : i32
    %dma_start3A_345 = arith.constant 0 : i32
    %dma_start3A_346 = tpu.memref_slice %arg3[%dma_start3A_344, %dma_start3A_345] : memref<16384x128xf32, #tpu.memory_space<hbm>> -> memref<16384x128xf32, #tpu.memory_space<hbm>>
    tpu.enqueue_indirect_dma source(%dma_start3A_346 : memref<16384x128xf32, #tpu.memory_space<hbm>>) target(%dma_start3A_340 : memref<128x128xf32, #tpu.memory_space<vmem>>) offsets(%dma_start3A_343 : memref<128xi32, #tpu.memory_space<vmem>>) semaphore(%arg7 : memref<!tpu.dma_semaphore, #tpu.memory_space<semaphore_mem>>)
    %dma_start3A_347 = arith.constant 1 : i32
    %dma_start3A_348 = arith.constant 128 : i32
    %dma_start3A_349 = arith.constant 0 : i32
    %dma_start3A_350 = tpu.memref_slice %arg6[%dma_start3A_348, %dma_start3A_349] : memref<512x128xf32, #tpu.memory_space<vmem>> -> memref<128x128xf32, #tpu.memory_space<vmem>>
    %dma_start3A_351 = arith.constant 0 : i32
    %dma_start3A_352 = tpu.memref_slice %arg5[%dma_start3A_347, %dma_start3A_351] : memref<4x128xi32, #tpu.memory_space<vmem>> -> memref<1x128xi32, #tpu.memory_space<vmem>>
    %dma_start3A_353 = tpu.memref_squeeze %dma_start3A_352 : memref<1x128xi32, #tpu.memory_space<vmem>> -> memref<128xi32, #tpu.memory_space<vmem>>
    %dma_start3A_354 = arith.constant 0 : i32
    %dma_start3A_355 = arith.constant 0 : i32
    %dma_start3A_356 = tpu.memref_slice %arg3[%dma_start3A_354, %dma_start3A_355] : memref<16384x128xf32, #tpu.memory_space<hbm>> -> memref<16384x128xf32, #tpu.memory_space<hbm>>
    tpu.enqueue_indirect_dma source(%dma_start3A_356 : memref<16384x128xf32, #tpu.memory_space<hbm>>) target(%dma_start3A_350 : memref<128x128xf32, #tpu.memory_space<vmem>>) offsets(%dma_start3A_353 : memref<128xi32, #tpu.memory_space<vmem>>) semaphore(%arg7 : memref<!tpu.dma_semaphore, #tpu.memory_space<semaphore_mem>>)
    %dma_start3A_357 = arith.constant 2 : i32
    %dma_start3A_358 = arith.constant 256 : i32
    %dma_start3A_359 = arith.constant 0 : i32
    %dma_start3A_360 = tpu.memref_slice %arg6[%dma_start3A_358, %dma_start3A_359] : memref<512x128xf32, #tpu.memory_space<vmem>> -> memref<128x128xf32, #tpu.memory_space<vmem>>
    %dma_start3A_361 = arith.constant 0 : i32
    %dma_start3A_362 = tpu.memref_slice %arg5[%dma_start3A_357, %dma_start3A_361] : memref<4x128xi32, #tpu.memory_space<vmem>> -> memref<1x128xi32, #tpu.memory_space<vmem>>
    %dma_start3A_363 = tpu.memref_squeeze %dma_start3A_362 : memref<1x128xi32, #tpu.memory_space<vmem>> -> memref<128xi32, #tpu.memory_space<vmem>>
    %dma_start3A_364 = arith.constant 0 : i32
    %dma_start3A_365 = arith.constant 0 : i32
    %dma_start3A_366 = tpu.memref_slice %arg3[%dma_start3A_364, %dma_start3A_365] : memref<16384x128xf32, #tpu.memory_space<hbm>> -> memref<16384x128xf32, #tpu.memory_space<hbm>>
    tpu.enqueue_indirect_dma source(%dma_start3A_366 : memref<16384x128xf32, #tpu.memory_space<hbm>>) target(%dma_start3A_360 : memref<128x128xf32, #tpu.memory_space<vmem>>) offsets(%dma_start3A_363 : memref<128xi32, #tpu.memory_space<vmem>>) semaphore(%arg7 : memref<!tpu.dma_semaphore, #tpu.memory_space<semaphore_mem>>)
    %dma_start3A_367 = arith.constant 3 : i32
    %dma_start3A_368 = arith.constant 384 : i32
    %dma_start3A_369 = arith.constant 0 : i32
    %dma_start3A_370 = tpu.memref_slice %arg6[%dma_start3A_368, %dma_start3A_369] : memref<512x128xf32, #tpu.memory_space<vmem>> -> memref<128x128xf32, #tpu.memory_space<vmem>>
    %dma_start3A_371 = arith.constant 0 : i32
    %dma_start3A_372 = tpu.memref_slice %arg5[%dma_start3A_367, %dma_start3A_371] : memref<4x128xi32, #tpu.memory_space<vmem>> -> memref<1x128xi32, #tpu.memory_space<vmem>>
    %dma_start3A_373 = tpu.memref_squeeze %dma_start3A_372 : memref<1x128xi32, #tpu.memory_space<vmem>> -> memref<128xi32, #tpu.memory_space<vmem>>
    %dma_start3A_374 = arith.constant 0 : i32
    %dma_start3A_375 = arith.constant 0 : i32
    %dma_start3A_376 = tpu.memref_slice %arg3[%dma_start3A_374, %dma_start3A_375] : memref<16384x128xf32, #tpu.memory_space<hbm>> -> memref<16384x128xf32, #tpu.memory_space<hbm>>
    tpu.enqueue_indirect_dma source(%dma_start3A_376 : memref<16384x128xf32, #tpu.memory_space<hbm>>) target(%dma_start3A_370 : memref<128x128xf32, #tpu.memory_space<vmem>>) offsets(%dma_start3A_373 : memref<128xi32, #tpu.memory_space<vmem>>) semaphore(%arg7 : memref<!tpu.dma_semaphore, #tpu.memory_space<semaphore_mem>>)
    %dma_wait3A_377 = arith.constant 0 : i32
    %dma_wait3A_378 = arith.constant 0 : i32
    %dma_wait3A_379 = arith.constant 0 : i32
    %dma_wait3A_380 = tpu.memref_slice %arg6[%dma_wait3A_378, %dma_wait3A_379] : memref<512x128xf32, #tpu.memory_space<vmem>> -> memref<128x128xf32, #tpu.memory_space<vmem>>
    %dma_wait3A_381 = arith.constant 0 : i32
    %dma_wait3A_382 = tpu.memref_slice %arg5[%dma_wait3A_377, %dma_wait3A_381] : memref<4x128xi32, #tpu.memory_space<vmem>> -> memref<1x128xi32, #tpu.memory_space<vmem>>
    %dma_wait3A_383 = tpu.memref_squeeze %dma_wait3A_382 : memref<1x128xi32, #tpu.memory_space<vmem>> -> memref<128xi32, #tpu.memory_space<vmem>>
    %dma_wait3A_384 = arith.constant 0 : i32
    %dma_wait3A_385 = arith.constant 0 : i32
    %dma_wait3A_386 = tpu.memref_slice %arg3[%dma_wait3A_384, %dma_wait3A_385] : memref<16384x128xf32, #tpu.memory_space<hbm>> -> memref<16384x128xf32, #tpu.memory_space<hbm>>
    tpu.wait_indirect_dma semaphore(%arg7 : memref<!tpu.dma_semaphore, #tpu.memory_space<semaphore_mem>>) src(%dma_wait3A_386 : memref<16384x128xf32, #tpu.memory_space<hbm>>) dst(%dma_wait3A_380 : memref<128x128xf32, #tpu.memory_space<vmem>>)
    %dma_wait3A_387 = arith.constant 1 : i32
    %dma_wait3A_388 = arith.constant 128 : i32
    %dma_wait3A_389 = arith.constant 0 : i32
    %dma_wait3A_390 = tpu.memref_slice %arg6[%dma_wait3A_388, %dma_wait3A_389] : memref<512x128xf32, #tpu.memory_space<vmem>> -> memref<128x128xf32, #tpu.memory_space<vmem>>
    %dma_wait3A_391 = arith.constant 0 : i32
    %dma_wait3A_392 = tpu.memref_slice %arg5[%dma_wait3A_387, %dma_wait3A_391] : memref<4x128xi32, #tpu.memory_space<vmem>> -> memref<1x128xi32, #tpu.memory_space<vmem>>
    %dma_wait3A_393 = tpu.memref_squeeze %dma_wait3A_392 : memref<1x128xi32, #tpu.memory_space<vmem>> -> memref<128xi32, #tpu.memory_space<vmem>>
    %dma_wait3A_394 = arith.constant 0 : i32
    %dma_wait3A_395 = arith.constant 0 : i32
    %dma_wait3A_396 = tpu.memref_slice %arg3[%dma_wait3A_394, %dma_wait3A_395] : memref<16384x128xf32, #tpu.memory_space<hbm>> -> memref<16384x128xf32, #tpu.memory_space<hbm>>
    tpu.wait_indirect_dma semaphore(%arg7 : memref<!tpu.dma_semaphore, #tpu.memory_space<semaphore_mem>>) src(%dma_wait3A_396 : memref<16384x128xf32, #tpu.memory_space<hbm>>) dst(%dma_wait3A_390 : memref<128x128xf32, #tpu.memory_space<vmem>>)
    %dma_wait3A_397 = arith.constant 2 : i32
    %dma_wait3A_398 = arith.constant 256 : i32
    %dma_wait3A_399 = arith.constant 0 : i32
    %dma_wait3A_400 = tpu.memref_slice %arg6[%dma_wait3A_398, %dma_wait3A_399] : memref<512x128xf32, #tpu.memory_space<vmem>> -> memref<128x128xf32, #tpu.memory_space<vmem>>
    %dma_wait3A_401 = arith.constant 0 : i32
    %dma_wait3A_402 = tpu.memref_slice %arg5[%dma_wait3A_397, %dma_wait3A_401] : memref<4x128xi32, #tpu.memory_space<vmem>> -> memref<1x128xi32, #tpu.memory_space<vmem>>
    %dma_wait3A_403 = tpu.memref_squeeze %dma_wait3A_402 : memref<1x128xi32, #tpu.memory_space<vmem>> -> memref<128xi32, #tpu.memory_space<vmem>>
    %dma_wait3A_404 = arith.constant 0 : i32
    %dma_wait3A_405 = arith.constant 0 : i32
    %dma_wait3A_406 = tpu.memref_slice %arg3[%dma_wait3A_404, %dma_wait3A_405] : memref<16384x128xf32, #tpu.memory_space<hbm>> -> memref<16384x128xf32, #tpu.memory_space<hbm>>
    tpu.wait_indirect_dma semaphore(%arg7 : memref<!tpu.dma_semaphore, #tpu.memory_space<semaphore_mem>>) src(%dma_wait3A_406 : memref<16384x128xf32, #tpu.memory_space<hbm>>) dst(%dma_wait3A_400 : memref<128x128xf32, #tpu.memory_space<vmem>>)
    %dma_wait3A_407 = arith.constant 3 : i32
    %dma_wait3A_408 = arith.constant 384 : i32
    %dma_wait3A_409 = arith.constant 0 : i32
    %dma_wait3A_410 = tpu.memref_slice %arg6[%dma_wait3A_408, %dma_wait3A_409] : memref<512x128xf32, #tpu.memory_space<vmem>> -> memref<128x128xf32, #tpu.memory_space<vmem>>
    %dma_wait3A_411 = arith.constant 0 : i32
    %dma_wait3A_412 = tpu.memref_slice %arg5[%dma_wait3A_407, %dma_wait3A_411] : memref<4x128xi32, #tpu.memory_space<vmem>> -> memref<1x128xi32, #tpu.memory_space<vmem>>
    %dma_wait3A_413 = tpu.memref_squeeze %dma_wait3A_412 : memref<1x128xi32, #tpu.memory_space<vmem>> -> memref<128xi32, #tpu.memory_space<vmem>>
    %dma_wait3A_414 = arith.constant 0 : i32
    %dma_wait3A_415 = arith.constant 0 : i32
    %dma_wait3A_416 = tpu.memref_slice %arg3[%dma_wait3A_414, %dma_wait3A_415] : memref<16384x128xf32, #tpu.memory_space<hbm>> -> memref<16384x128xf32, #tpu.memory_space<hbm>>
    tpu.wait_indirect_dma semaphore(%arg7 : memref<!tpu.dma_semaphore, #tpu.memory_space<semaphore_mem>>) src(%dma_wait3A_416 : memref<16384x128xf32, #tpu.memory_space<hbm>>) dst(%dma_wait3A_410 : memref<128x128xf32, #tpu.memory_space<vmem>>)
    "tpu.region"() ({
      %run_scoped3A = tpu.sem_alloc : memref<!tpu.dma_semaphore, #tpu.memory_space<semaphore_mem>>
      %dma_start3A_841 = arith.constant 0 : i32
      %dma_start3A_842 = tpu.memref_slice %arg4[%add3A_312, %dma_start3A_841] : memref<131072x128xf32, #tpu.memory_space<hbm>> -> memref<512x128xf32, #tpu.memory_space<hbm>>
      %dma_start3A_843 = arith.constant 0 : i32
      %dma_start3A_844 = tpu.memref_slice %arg4[%add3A_312, %dma_start3A_843] : memref<131072x128xf32, #tpu.memory_space<hbm>> -> memref<512x128xf32, #tpu.memory_space<hbm>>
      tpu.enqueue_dma source(%arg6 : memref<512x128xf32, #tpu.memory_space<vmem>>) target(%dma_start3A_844 : memref<512x128xf32, #tpu.memory_space<hbm>>) target_semaphore(%run_scoped3A : memref<!tpu.dma_semaphore, #tpu.memory_space<semaphore_mem>>)
      %dma_wait3A_845 = arith.constant 0 : i32
      %dma_wait3A_846 = tpu.memref_slice %arg4[%add3A_312, %dma_wait3A_845] : memref<131072x128xf32, #tpu.memory_space<hbm>> -> memref<512x128xf32, #tpu.memory_space<hbm>>
      %dma_wait3A_847 = arith.constant 0 : i32
      %dma_wait3A_848 = tpu.memref_slice %arg4[%add3A_312, %dma_wait3A_847] : memref<131072x128xf32, #tpu.memory_space<hbm>> -> memref<512x128xf32, #tpu.memory_space<hbm>>
      tpu.wait_dma2 semaphore(%run_scoped3A : memref<!tpu.dma_semaphore, #tpu.memory_space<semaphore_mem>>) src(%arg6 : memref<512x128xf32, #tpu.memory_space<vmem>>) dst(%dma_wait3A_848 : memref<512x128xf32, #tpu.memory_space<hbm>>)
      tpu.yield
    }) : () -> ()
    %add3A_417 = arith.constant 2048 : i32
    %add3A_418 = arith.addi %mul3A_2, %add3A_417 : i32
    %jit3A_419 = arith.constant 128 : i32
    %div3A_420 = arith.divsi %add3A_418, %jit3A_419 : i32
    %sign3A_421 = arith.constant 0 : i32
    %sign3A_422 = arith.cmpi sgt, %add3A_418, %sign3A_421 : i32
    %sign3A_423 = arith.extui %sign3A_422 : i1 to i32
    %sign3A_424 = arith.constant 0 : i32
    %sign3A_425 = arith.cmpi slt, %add3A_418, %sign3A_424 : i32
    %sign3A_426 = arith.extui %sign3A_425 : i1 to i32
    %sign3A_427 = arith.subi %sign3A_423, %sign3A_426 : i32
    %sign3A_428 = arith.constant 0 : i32
    %sign3A_429 = arith.cmpi sgt, %jit3A_419, %sign3A_428 : i32
    %sign3A_430 = arith.extui %sign3A_429 : i1 to i32
    %sign3A_431 = arith.constant 0 : i32
    %sign3A_432 = arith.cmpi slt, %jit3A_419, %sign3A_431 : i32
    %sign3A_433 = arith.extui %sign3A_432 : i1 to i32
    %sign3A_434 = arith.subi %sign3A_430, %sign3A_433 : i32
    %ne3A_435 = arith.cmpi ne, %sign3A_427, %sign3A_434 : i32
    %rem3A_436 = arith.remsi %add3A_418, %jit3A_419 : i32
    %ne3A_437 = arith.constant 0 : i32
    %ne3A_438 = arith.cmpi ne, %rem3A_436, %ne3A_437 : i32
    %and3A_439 = arith.andi %ne3A_435, %ne3A_438 : i1
    %sub3A_440 = arith.constant 1 : i32
    %sub3A_441 = arith.subi %div3A_420, %sub3A_440 : i32
    %select_n3A_442 = arith.select %and3A_439, %sub3A_441, %div3A_420 : i32
    "tpu.region"() ({
      %run_scoped3A = tpu.sem_alloc : memref<!tpu.dma_semaphore, #tpu.memory_space<semaphore_mem>>
      %dma_start3A_841 = arith.constant 0 : i32
      %dma_start3A_842 = tpu.memref_slice %arg2[%select_n3A_442, %dma_start3A_841] : memref<1024x128xi32, #tpu.memory_space<hbm>> -> memref<4x128xi32, #tpu.memory_space<hbm>>
      %dma_start3A_843 = arith.constant 0 : i32
      %dma_start3A_844 = tpu.memref_slice %arg2[%select_n3A_442, %dma_start3A_843] : memref<1024x128xi32, #tpu.memory_space<hbm>> -> memref<4x128xi32, #tpu.memory_space<hbm>>
      tpu.enqueue_dma source(%dma_start3A_844 : memref<4x128xi32, #tpu.memory_space<hbm>>) target(%arg5 : memref<4x128xi32, #tpu.memory_space<vmem>>) target_semaphore(%run_scoped3A : memref<!tpu.dma_semaphore, #tpu.memory_space<semaphore_mem>>)
      %dma_wait3A_845 = arith.constant 0 : i32
      %dma_wait3A_846 = tpu.memref_slice %arg2[%select_n3A_442, %dma_wait3A_845] : memref<1024x128xi32, #tpu.memory_space<hbm>> -> memref<4x128xi32, #tpu.memory_space<hbm>>
      %dma_wait3A_847 = arith.constant 0 : i32
      %dma_wait3A_848 = tpu.memref_slice %arg2[%select_n3A_442, %dma_wait3A_847] : memref<1024x128xi32, #tpu.memory_space<hbm>> -> memref<4x128xi32, #tpu.memory_space<hbm>>
      tpu.wait_dma2 semaphore(%run_scoped3A : memref<!tpu.dma_semaphore, #tpu.memory_space<semaphore_mem>>) src(%dma_wait3A_848 : memref<4x128xi32, #tpu.memory_space<hbm>>) dst(%arg5 : memref<4x128xi32, #tpu.memory_space<vmem>>)
      tpu.yield
    }) : () -> ()
    %dma_start3A_443 = arith.constant 0 : i32
    %dma_start3A_444 = arith.constant 0 : i32
    %dma_start3A_445 = arith.constant 0 : i32
    %dma_start3A_446 = tpu.memref_slice %arg6[%dma_start3A_444, %dma_start3A_445] : memref<512x128xf32, #tpu.memory_space<vmem>> -> memref<128x128xf32, #tpu.memory_space<vmem>>
    %dma_start3A_447 = arith.constant 0 : i32
    %dma_start3A_448 = tpu.memref_slice %arg5[%dma_start3A_443, %dma_start3A_447] : memref<4x128xi32, #tpu.memory_space<vmem>> -> memref<1x128xi32, #tpu.memory_space<vmem>>
    %dma_start3A_449 = tpu.memref_squeeze %dma_start3A_448 : memref<1x128xi32, #tpu.memory_space<vmem>> -> memref<128xi32, #tpu.memory_space<vmem>>
    %dma_start3A_450 = arith.constant 0 : i32
    %dma_start3A_451 = arith.constant 0 : i32
    %dma_start3A_452 = tpu.memref_slice %arg3[%dma_start3A_450, %dma_start3A_451] : memref<16384x128xf32, #tpu.memory_space<hbm>> -> memref<16384x128xf32, #tpu.memory_space<hbm>>
    tpu.enqueue_indirect_dma source(%dma_start3A_452 : memref<16384x128xf32, #tpu.memory_space<hbm>>) target(%dma_start3A_446 : memref<128x128xf32, #tpu.memory_space<vmem>>) offsets(%dma_start3A_449 : memref<128xi32, #tpu.memory_space<vmem>>) semaphore(%arg7 : memref<!tpu.dma_semaphore, #tpu.memory_space<semaphore_mem>>)
    %dma_start3A_453 = arith.constant 1 : i32
    %dma_start3A_454 = arith.constant 128 : i32
    %dma_start3A_455 = arith.constant 0 : i32
    %dma_start3A_456 = tpu.memref_slice %arg6[%dma_start3A_454, %dma_start3A_455] : memref<512x128xf32, #tpu.memory_space<vmem>> -> memref<128x128xf32, #tpu.memory_space<vmem>>
    %dma_start3A_457 = arith.constant 0 : i32
    %dma_start3A_458 = tpu.memref_slice %arg5[%dma_start3A_453, %dma_start3A_457] : memref<4x128xi32, #tpu.memory_space<vmem>> -> memref<1x128xi32, #tpu.memory_space<vmem>>
    %dma_start3A_459 = tpu.memref_squeeze %dma_start3A_458 : memref<1x128xi32, #tpu.memory_space<vmem>> -> memref<128xi32, #tpu.memory_space<vmem>>
    %dma_start3A_460 = arith.constant 0 : i32
    %dma_start3A_461 = arith.constant 0 : i32
    %dma_start3A_462 = tpu.memref_slice %arg3[%dma_start3A_460, %dma_start3A_461] : memref<16384x128xf32, #tpu.memory_space<hbm>> -> memref<16384x128xf32, #tpu.memory_space<hbm>>
    tpu.enqueue_indirect_dma source(%dma_start3A_462 : memref<16384x128xf32, #tpu.memory_space<hbm>>) target(%dma_start3A_456 : memref<128x128xf32, #tpu.memory_space<vmem>>) offsets(%dma_start3A_459 : memref<128xi32, #tpu.memory_space<vmem>>) semaphore(%arg7 : memref<!tpu.dma_semaphore, #tpu.memory_space<semaphore_mem>>)
    %dma_start3A_463 = arith.constant 2 : i32
    %dma_start3A_464 = arith.constant 256 : i32
    %dma_start3A_465 = arith.constant 0 : i32
    %dma_start3A_466 = tpu.memref_slice %arg6[%dma_start3A_464, %dma_start3A_465] : memref<512x128xf32, #tpu.memory_space<vmem>> -> memref<128x128xf32, #tpu.memory_space<vmem>>
    %dma_start3A_467 = arith.constant 0 : i32
    %dma_start3A_468 = tpu.memref_slice %arg5[%dma_start3A_463, %dma_start3A_467] : memref<4x128xi32, #tpu.memory_space<vmem>> -> memref<1x128xi32, #tpu.memory_space<vmem>>
    %dma_start3A_469 = tpu.memref_squeeze %dma_start3A_468 : memref<1x128xi32, #tpu.memory_space<vmem>> -> memref<128xi32, #tpu.memory_space<vmem>>
    %dma_start3A_470 = arith.constant 0 : i32
    %dma_start3A_471 = arith.constant 0 : i32
    %dma_start3A_472 = tpu.memref_slice %arg3[%dma_start3A_470, %dma_start3A_471] : memref<16384x128xf32, #tpu.memory_space<hbm>> -> memref<16384x128xf32, #tpu.memory_space<hbm>>
    tpu.enqueue_indirect_dma source(%dma_start3A_472 : memref<16384x128xf32, #tpu.memory_space<hbm>>) target(%dma_start3A_466 : memref<128x128xf32, #tpu.memory_space<vmem>>) offsets(%dma_start3A_469 : memref<128xi32, #tpu.memory_space<vmem>>) semaphore(%arg7 : memref<!tpu.dma_semaphore, #tpu.memory_space<semaphore_mem>>)
    %dma_start3A_473 = arith.constant 3 : i32
    %dma_start3A_474 = arith.constant 384 : i32
    %dma_start3A_475 = arith.constant 0 : i32
    %dma_start3A_476 = tpu.memref_slice %arg6[%dma_start3A_474, %dma_start3A_475] : memref<512x128xf32, #tpu.memory_space<vmem>> -> memref<128x128xf32, #tpu.memory_space<vmem>>
    %dma_start3A_477 = arith.constant 0 : i32
    %dma_start3A_478 = tpu.memref_slice %arg5[%dma_start3A_473, %dma_start3A_477] : memref<4x128xi32, #tpu.memory_space<vmem>> -> memref<1x128xi32, #tpu.memory_space<vmem>>
    %dma_start3A_479 = tpu.memref_squeeze %dma_start3A_478 : memref<1x128xi32, #tpu.memory_space<vmem>> -> memref<128xi32, #tpu.memory_space<vmem>>
    %dma_start3A_480 = arith.constant 0 : i32
    %dma_start3A_481 = arith.constant 0 : i32
    %dma_start3A_482 = tpu.memref_slice %arg3[%dma_start3A_480, %dma_start3A_481] : memref<16384x128xf32, #tpu.memory_space<hbm>> -> memref<16384x128xf32, #tpu.memory_space<hbm>>
    tpu.enqueue_indirect_dma source(%dma_start3A_482 : memref<16384x128xf32, #tpu.memory_space<hbm>>) target(%dma_start3A_476 : memref<128x128xf32, #tpu.memory_space<vmem>>) offsets(%dma_start3A_479 : memref<128xi32, #tpu.memory_space<vmem>>) semaphore(%arg7 : memref<!tpu.dma_semaphore, #tpu.memory_space<semaphore_mem>>)
    %dma_wait3A_483 = arith.constant 0 : i32
    %dma_wait3A_484 = arith.constant 0 : i32
    %dma_wait3A_485 = arith.constant 0 : i32
    %dma_wait3A_486 = tpu.memref_slice %arg6[%dma_wait3A_484, %dma_wait3A_485] : memref<512x128xf32, #tpu.memory_space<vmem>> -> memref<128x128xf32, #tpu.memory_space<vmem>>
    %dma_wait3A_487 = arith.constant 0 : i32
    %dma_wait3A_488 = tpu.memref_slice %arg5[%dma_wait3A_483, %dma_wait3A_487] : memref<4x128xi32, #tpu.memory_space<vmem>> -> memref<1x128xi32, #tpu.memory_space<vmem>>
    %dma_wait3A_489 = tpu.memref_squeeze %dma_wait3A_488 : memref<1x128xi32, #tpu.memory_space<vmem>> -> memref<128xi32, #tpu.memory_space<vmem>>
    %dma_wait3A_490 = arith.constant 0 : i32
    %dma_wait3A_491 = arith.constant 0 : i32
    %dma_wait3A_492 = tpu.memref_slice %arg3[%dma_wait3A_490, %dma_wait3A_491] : memref<16384x128xf32, #tpu.memory_space<hbm>> -> memref<16384x128xf32, #tpu.memory_space<hbm>>
    tpu.wait_indirect_dma semaphore(%arg7 : memref<!tpu.dma_semaphore, #tpu.memory_space<semaphore_mem>>) src(%dma_wait3A_492 : memref<16384x128xf32, #tpu.memory_space<hbm>>) dst(%dma_wait3A_486 : memref<128x128xf32, #tpu.memory_space<vmem>>)
    %dma_wait3A_493 = arith.constant 1 : i32
    %dma_wait3A_494 = arith.constant 128 : i32
    %dma_wait3A_495 = arith.constant 0 : i32
    %dma_wait3A_496 = tpu.memref_slice %arg6[%dma_wait3A_494, %dma_wait3A_495] : memref<512x128xf32, #tpu.memory_space<vmem>> -> memref<128x128xf32, #tpu.memory_space<vmem>>
    %dma_wait3A_497 = arith.constant 0 : i32
    %dma_wait3A_498 = tpu.memref_slice %arg5[%dma_wait3A_493, %dma_wait3A_497] : memref<4x128xi32, #tpu.memory_space<vmem>> -> memref<1x128xi32, #tpu.memory_space<vmem>>
    %dma_wait3A_499 = tpu.memref_squeeze %dma_wait3A_498 : memref<1x128xi32, #tpu.memory_space<vmem>> -> memref<128xi32, #tpu.memory_space<vmem>>
    %dma_wait3A_500 = arith.constant 0 : i32
    %dma_wait3A_501 = arith.constant 0 : i32
    %dma_wait3A_502 = tpu.memref_slice %arg3[%dma_wait3A_500, %dma_wait3A_501] : memref<16384x128xf32, #tpu.memory_space<hbm>> -> memref<16384x128xf32, #tpu.memory_space<hbm>>
    tpu.wait_indirect_dma semaphore(%arg7 : memref<!tpu.dma_semaphore, #tpu.memory_space<semaphore_mem>>) src(%dma_wait3A_502 : memref<16384x128xf32, #tpu.memory_space<hbm>>) dst(%dma_wait3A_496 : memref<128x128xf32, #tpu.memory_space<vmem>>)
    %dma_wait3A_503 = arith.constant 2 : i32
    %dma_wait3A_504 = arith.constant 256 : i32
    %dma_wait3A_505 = arith.constant 0 : i32
    %dma_wait3A_506 = tpu.memref_slice %arg6[%dma_wait3A_504, %dma_wait3A_505] : memref<512x128xf32, #tpu.memory_space<vmem>> -> memref<128x128xf32, #tpu.memory_space<vmem>>
    %dma_wait3A_507 = arith.constant 0 : i32
    %dma_wait3A_508 = tpu.memref_slice %arg5[%dma_wait3A_503, %dma_wait3A_507] : memref<4x128xi32, #tpu.memory_space<vmem>> -> memref<1x128xi32, #tpu.memory_space<vmem>>
    %dma_wait3A_509 = tpu.memref_squeeze %dma_wait3A_508 : memref<1x128xi32, #tpu.memory_space<vmem>> -> memref<128xi32, #tpu.memory_space<vmem>>
    %dma_wait3A_510 = arith.constant 0 : i32
    %dma_wait3A_511 = arith.constant 0 : i32
    %dma_wait3A_512 = tpu.memref_slice %arg3[%dma_wait3A_510, %dma_wait3A_511] : memref<16384x128xf32, #tpu.memory_space<hbm>> -> memref<16384x128xf32, #tpu.memory_space<hbm>>
    tpu.wait_indirect_dma semaphore(%arg7 : memref<!tpu.dma_semaphore, #tpu.memory_space<semaphore_mem>>) src(%dma_wait3A_512 : memref<16384x128xf32, #tpu.memory_space<hbm>>) dst(%dma_wait3A_506 : memref<128x128xf32, #tpu.memory_space<vmem>>)
    %dma_wait3A_513 = arith.constant 3 : i32
    %dma_wait3A_514 = arith.constant 384 : i32
    %dma_wait3A_515 = arith.constant 0 : i32
    %dma_wait3A_516 = tpu.memref_slice %arg6[%dma_wait3A_514, %dma_wait3A_515] : memref<512x128xf32, #tpu.memory_space<vmem>> -> memref<128x128xf32, #tpu.memory_space<vmem>>
    %dma_wait3A_517 = arith.constant 0 : i32
    %dma_wait3A_518 = tpu.memref_slice %arg5[%dma_wait3A_513, %dma_wait3A_517] : memref<4x128xi32, #tpu.memory_space<vmem>> -> memref<1x128xi32, #tpu.memory_space<vmem>>
    %dma_wait3A_519 = tpu.memref_squeeze %dma_wait3A_518 : memref<1x128xi32, #tpu.memory_space<vmem>> -> memref<128xi32, #tpu.memory_space<vmem>>
    %dma_wait3A_520 = arith.constant 0 : i32
    %dma_wait3A_521 = arith.constant 0 : i32
    %dma_wait3A_522 = tpu.memref_slice %arg3[%dma_wait3A_520, %dma_wait3A_521] : memref<16384x128xf32, #tpu.memory_space<hbm>> -> memref<16384x128xf32, #tpu.memory_space<hbm>>
    tpu.wait_indirect_dma semaphore(%arg7 : memref<!tpu.dma_semaphore, #tpu.memory_space<semaphore_mem>>) src(%dma_wait3A_522 : memref<16384x128xf32, #tpu.memory_space<hbm>>) dst(%dma_wait3A_516 : memref<128x128xf32, #tpu.memory_space<vmem>>)
    "tpu.region"() ({
      %run_scoped3A = tpu.sem_alloc : memref<!tpu.dma_semaphore, #tpu.memory_space<semaphore_mem>>
      %dma_start3A_841 = arith.constant 0 : i32
      %dma_start3A_842 = tpu.memref_slice %arg4[%add3A_418, %dma_start3A_841] : memref<131072x128xf32, #tpu.memory_space<hbm>> -> memref<512x128xf32, #tpu.memory_space<hbm>>
      %dma_start3A_843 = arith.constant 0 : i32
      %dma_start3A_844 = tpu.memref_slice %arg4[%add3A_418, %dma_start3A_843] : memref<131072x128xf32, #tpu.memory_space<hbm>> -> memref<512x128xf32, #tpu.memory_space<hbm>>
      tpu.enqueue_dma source(%arg6 : memref<512x128xf32, #tpu.memory_space<vmem>>) target(%dma_start3A_844 : memref<512x128xf32, #tpu.memory_space<hbm>>) target_semaphore(%run_scoped3A : memref<!tpu.dma_semaphore, #tpu.memory_space<semaphore_mem>>)
      %dma_wait3A_845 = arith.constant 0 : i32
      %dma_wait3A_846 = tpu.memref_slice %arg4[%add3A_418, %dma_wait3A_845] : memref<131072x128xf32, #tpu.memory_space<hbm>> -> memref<512x128xf32, #tpu.memory_space<hbm>>
      %dma_wait3A_847 = arith.constant 0 : i32
      %dma_wait3A_848 = tpu.memref_slice %arg4[%add3A_418, %dma_wait3A_847] : memref<131072x128xf32, #tpu.memory_space<hbm>> -> memref<512x128xf32, #tpu.memory_space<hbm>>
      tpu.wait_dma2 semaphore(%run_scoped3A : memref<!tpu.dma_semaphore, #tpu.memory_space<semaphore_mem>>) src(%arg6 : memref<512x128xf32, #tpu.memory_space<vmem>>) dst(%dma_wait3A_848 : memref<512x128xf32, #tpu.memory_space<hbm>>)
      tpu.yield
    }) : () -> ()
    %add3A_523 = arith.constant 2560 : i32
    %add3A_524 = arith.addi %mul3A_2, %add3A_523 : i32
    %jit3A_525 = arith.constant 128 : i32
    %div3A_526 = arith.divsi %add3A_524, %jit3A_525 : i32
    %sign3A_527 = arith.constant 0 : i32
    %sign3A_528 = arith.cmpi sgt, %add3A_524, %sign3A_527 : i32
    %sign3A_529 = arith.extui %sign3A_528 : i1 to i32
    %sign3A_530 = arith.constant 0 : i32
    %sign3A_531 = arith.cmpi slt, %add3A_524, %sign3A_530 : i32
    %sign3A_532 = arith.extui %sign3A_531 : i1 to i32
    %sign3A_533 = arith.subi %sign3A_529, %sign3A_532 : i32
    %sign3A_534 = arith.constant 0 : i32
    %sign3A_535 = arith.cmpi sgt, %jit3A_525, %sign3A_534 : i32
    %sign3A_536 = arith.extui %sign3A_535 : i1 to i32
    %sign3A_537 = arith.constant 0 : i32
    %sign3A_538 = arith.cmpi slt, %jit3A_525, %sign3A_537 : i32
    %sign3A_539 = arith.extui %sign3A_538 : i1 to i32
    %sign3A_540 = arith.subi %sign3A_536, %sign3A_539 : i32
    %ne3A_541 = arith.cmpi ne, %sign3A_533, %sign3A_540 : i32
    %rem3A_542 = arith.remsi %add3A_524, %jit3A_525 : i32
    %ne3A_543 = arith.constant 0 : i32
    %ne3A_544 = arith.cmpi ne, %rem3A_542, %ne3A_543 : i32
    %and3A_545 = arith.andi %ne3A_541, %ne3A_544 : i1
    %sub3A_546 = arith.constant 1 : i32
    %sub3A_547 = arith.subi %div3A_526, %sub3A_546 : i32
    %select_n3A_548 = arith.select %and3A_545, %sub3A_547, %div3A_526 : i32
    "tpu.region"() ({
      %run_scoped3A = tpu.sem_alloc : memref<!tpu.dma_semaphore, #tpu.memory_space<semaphore_mem>>
      %dma_start3A_841 = arith.constant 0 : i32
      %dma_start3A_842 = tpu.memref_slice %arg2[%select_n3A_548, %dma_start3A_841] : memref<1024x128xi32, #tpu.memory_space<hbm>> -> memref<4x128xi32, #tpu.memory_space<hbm>>
      %dma_start3A_843 = arith.constant 0 : i32
      %dma_start3A_844 = tpu.memref_slice %arg2[%select_n3A_548, %dma_start3A_843] : memref<1024x128xi32, #tpu.memory_space<hbm>> -> memref<4x128xi32, #tpu.memory_space<hbm>>
      tpu.enqueue_dma source(%dma_start3A_844 : memref<4x128xi32, #tpu.memory_space<hbm>>) target(%arg5 : memref<4x128xi32, #tpu.memory_space<vmem>>) target_semaphore(%run_scoped3A : memref<!tpu.dma_semaphore, #tpu.memory_space<semaphore_mem>>)
      %dma_wait3A_845 = arith.constant 0 : i32
      %dma_wait3A_846 = tpu.memref_slice %arg2[%select_n3A_548, %dma_wait3A_845] : memref<1024x128xi32, #tpu.memory_space<hbm>> -> memref<4x128xi32, #tpu.memory_space<hbm>>
      %dma_wait3A_847 = arith.constant 0 : i32
      %dma_wait3A_848 = tpu.memref_slice %arg2[%select_n3A_548, %dma_wait3A_847] : memref<1024x128xi32, #tpu.memory_space<hbm>> -> memref<4x128xi32, #tpu.memory_space<hbm>>
      tpu.wait_dma2 semaphore(%run_scoped3A : memref<!tpu.dma_semaphore, #tpu.memory_space<semaphore_mem>>) src(%dma_wait3A_848 : memref<4x128xi32, #tpu.memory_space<hbm>>) dst(%arg5 : memref<4x128xi32, #tpu.memory_space<vmem>>)
      tpu.yield
    }) : () -> ()
    %dma_start3A_549 = arith.constant 0 : i32
    %dma_start3A_550 = arith.constant 0 : i32
    %dma_start3A_551 = arith.constant 0 : i32
    %dma_start3A_552 = tpu.memref_slice %arg6[%dma_start3A_550, %dma_start3A_551] : memref<512x128xf32, #tpu.memory_space<vmem>> -> memref<128x128xf32, #tpu.memory_space<vmem>>
    %dma_start3A_553 = arith.constant 0 : i32
    %dma_start3A_554 = tpu.memref_slice %arg5[%dma_start3A_549, %dma_start3A_553] : memref<4x128xi32, #tpu.memory_space<vmem>> -> memref<1x128xi32, #tpu.memory_space<vmem>>
    %dma_start3A_555 = tpu.memref_squeeze %dma_start3A_554 : memref<1x128xi32, #tpu.memory_space<vmem>> -> memref<128xi32, #tpu.memory_space<vmem>>
    %dma_start3A_556 = arith.constant 0 : i32
    %dma_start3A_557 = arith.constant 0 : i32
    %dma_start3A_558 = tpu.memref_slice %arg3[%dma_start3A_556, %dma_start3A_557] : memref<16384x128xf32, #tpu.memory_space<hbm>> -> memref<16384x128xf32, #tpu.memory_space<hbm>>
    tpu.enqueue_indirect_dma source(%dma_start3A_558 : memref<16384x128xf32, #tpu.memory_space<hbm>>) target(%dma_start3A_552 : memref<128x128xf32, #tpu.memory_space<vmem>>) offsets(%dma_start3A_555 : memref<128xi32, #tpu.memory_space<vmem>>) semaphore(%arg7 : memref<!tpu.dma_semaphore, #tpu.memory_space<semaphore_mem>>)
    %dma_start3A_559 = arith.constant 1 : i32
    %dma_start3A_560 = arith.constant 128 : i32
    %dma_start3A_561 = arith.constant 0 : i32
    %dma_start3A_562 = tpu.memref_slice %arg6[%dma_start3A_560, %dma_start3A_561] : memref<512x128xf32, #tpu.memory_space<vmem>> -> memref<128x128xf32, #tpu.memory_space<vmem>>
    %dma_start3A_563 = arith.constant 0 : i32
    %dma_start3A_564 = tpu.memref_slice %arg5[%dma_start3A_559, %dma_start3A_563] : memref<4x128xi32, #tpu.memory_space<vmem>> -> memref<1x128xi32, #tpu.memory_space<vmem>>
    %dma_start3A_565 = tpu.memref_squeeze %dma_start3A_564 : memref<1x128xi32, #tpu.memory_space<vmem>> -> memref<128xi32, #tpu.memory_space<vmem>>
    %dma_start3A_566 = arith.constant 0 : i32
    %dma_start3A_567 = arith.constant 0 : i32
    %dma_start3A_568 = tpu.memref_slice %arg3[%dma_start3A_566, %dma_start3A_567] : memref<16384x128xf32, #tpu.memory_space<hbm>> -> memref<16384x128xf32, #tpu.memory_space<hbm>>
    tpu.enqueue_indirect_dma source(%dma_start3A_568 : memref<16384x128xf32, #tpu.memory_space<hbm>>) target(%dma_start3A_562 : memref<128x128xf32, #tpu.memory_space<vmem>>) offsets(%dma_start3A_565 : memref<128xi32, #tpu.memory_space<vmem>>) semaphore(%arg7 : memref<!tpu.dma_semaphore, #tpu.memory_space<semaphore_mem>>)
    %dma_start3A_569 = arith.constant 2 : i32
    %dma_start3A_570 = arith.constant 256 : i32
    %dma_start3A_571 = arith.constant 0 : i32
    %dma_start3A_572 = tpu.memref_slice %arg6[%dma_start3A_570, %dma_start3A_571] : memref<512x128xf32, #tpu.memory_space<vmem>> -> memref<128x128xf32, #tpu.memory_space<vmem>>
    %dma_start3A_573 = arith.constant 0 : i32
    %dma_start3A_574 = tpu.memref_slice %arg5[%dma_start3A_569, %dma_start3A_573] : memref<4x128xi32, #tpu.memory_space<vmem>> -> memref<1x128xi32, #tpu.memory_space<vmem>>
    %dma_start3A_575 = tpu.memref_squeeze %dma_start3A_574 : memref<1x128xi32, #tpu.memory_space<vmem>> -> memref<128xi32, #tpu.memory_space<vmem>>
    %dma_start3A_576 = arith.constant 0 : i32
    %dma_start3A_577 = arith.constant 0 : i32
    %dma_start3A_578 = tpu.memref_slice %arg3[%dma_start3A_576, %dma_start3A_577] : memref<16384x128xf32, #tpu.memory_space<hbm>> -> memref<16384x128xf32, #tpu.memory_space<hbm>>
    tpu.enqueue_indirect_dma source(%dma_start3A_578 : memref<16384x128xf32, #tpu.memory_space<hbm>>) target(%dma_start3A_572 : memref<128x128xf32, #tpu.memory_space<vmem>>) offsets(%dma_start3A_575 : memref<128xi32, #tpu.memory_space<vmem>>) semaphore(%arg7 : memref<!tpu.dma_semaphore, #tpu.memory_space<semaphore_mem>>)
    %dma_start3A_579 = arith.constant 3 : i32
    %dma_start3A_580 = arith.constant 384 : i32
    %dma_start3A_581 = arith.constant 0 : i32
    %dma_start3A_582 = tpu.memref_slice %arg6[%dma_start3A_580, %dma_start3A_581] : memref<512x128xf32, #tpu.memory_space<vmem>> -> memref<128x128xf32, #tpu.memory_space<vmem>>
    %dma_start3A_583 = arith.constant 0 : i32
    %dma_start3A_584 = tpu.memref_slice %arg5[%dma_start3A_579, %dma_start3A_583] : memref<4x128xi32, #tpu.memory_space<vmem>> -> memref<1x128xi32, #tpu.memory_space<vmem>>
    %dma_start3A_585 = tpu.memref_squeeze %dma_start3A_584 : memref<1x128xi32, #tpu.memory_space<vmem>> -> memref<128xi32, #tpu.memory_space<vmem>>
    %dma_start3A_586 = arith.constant 0 : i32
    %dma_start3A_587 = arith.constant 0 : i32
    %dma_start3A_588 = tpu.memref_slice %arg3[%dma_start3A_586, %dma_start3A_587] : memref<16384x128xf32, #tpu.memory_space<hbm>> -> memref<16384x128xf32, #tpu.memory_space<hbm>>
    tpu.enqueue_indirect_dma source(%dma_start3A_588 : memref<16384x128xf32, #tpu.memory_space<hbm>>) target(%dma_start3A_582 : memref<128x128xf32, #tpu.memory_space<vmem>>) offsets(%dma_start3A_585 : memref<128xi32, #tpu.memory_space<vmem>>) semaphore(%arg7 : memref<!tpu.dma_semaphore, #tpu.memory_space<semaphore_mem>>)
    %dma_wait3A_589 = arith.constant 0 : i32
    %dma_wait3A_590 = arith.constant 0 : i32
    %dma_wait3A_591 = arith.constant 0 : i32
    %dma_wait3A_592 = tpu.memref_slice %arg6[%dma_wait3A_590, %dma_wait3A_591] : memref<512x128xf32, #tpu.memory_space<vmem>> -> memref<128x128xf32, #tpu.memory_space<vmem>>
    %dma_wait3A_593 = arith.constant 0 : i32
    %dma_wait3A_594 = tpu.memref_slice %arg5[%dma_wait3A_589, %dma_wait3A_593] : memref<4x128xi32, #tpu.memory_space<vmem>> -> memref<1x128xi32, #tpu.memory_space<vmem>>
    %dma_wait3A_595 = tpu.memref_squeeze %dma_wait3A_594 : memref<1x128xi32, #tpu.memory_space<vmem>> -> memref<128xi32, #tpu.memory_space<vmem>>
    %dma_wait3A_596 = arith.constant 0 : i32
    %dma_wait3A_597 = arith.constant 0 : i32
    %dma_wait3A_598 = tpu.memref_slice %arg3[%dma_wait3A_596, %dma_wait3A_597] : memref<16384x128xf32, #tpu.memory_space<hbm>> -> memref<16384x128xf32, #tpu.memory_space<hbm>>
    tpu.wait_indirect_dma semaphore(%arg7 : memref<!tpu.dma_semaphore, #tpu.memory_space<semaphore_mem>>) src(%dma_wait3A_598 : memref<16384x128xf32, #tpu.memory_space<hbm>>) dst(%dma_wait3A_592 : memref<128x128xf32, #tpu.memory_space<vmem>>)
    %dma_wait3A_599 = arith.constant 1 : i32
    %dma_wait3A_600 = arith.constant 128 : i32
    %dma_wait3A_601 = arith.constant 0 : i32
    %dma_wait3A_602 = tpu.memref_slice %arg6[%dma_wait3A_600, %dma_wait3A_601] : memref<512x128xf32, #tpu.memory_space<vmem>> -> memref<128x128xf32, #tpu.memory_space<vmem>>
    %dma_wait3A_603 = arith.constant 0 : i32
    %dma_wait3A_604 = tpu.memref_slice %arg5[%dma_wait3A_599, %dma_wait3A_603] : memref<4x128xi32, #tpu.memory_space<vmem>> -> memref<1x128xi32, #tpu.memory_space<vmem>>
    %dma_wait3A_605 = tpu.memref_squeeze %dma_wait3A_604 : memref<1x128xi32, #tpu.memory_space<vmem>> -> memref<128xi32, #tpu.memory_space<vmem>>
    %dma_wait3A_606 = arith.constant 0 : i32
    %dma_wait3A_607 = arith.constant 0 : i32
    %dma_wait3A_608 = tpu.memref_slice %arg3[%dma_wait3A_606, %dma_wait3A_607] : memref<16384x128xf32, #tpu.memory_space<hbm>> -> memref<16384x128xf32, #tpu.memory_space<hbm>>
    tpu.wait_indirect_dma semaphore(%arg7 : memref<!tpu.dma_semaphore, #tpu.memory_space<semaphore_mem>>) src(%dma_wait3A_608 : memref<16384x128xf32, #tpu.memory_space<hbm>>) dst(%dma_wait3A_602 : memref<128x128xf32, #tpu.memory_space<vmem>>)
    %dma_wait3A_609 = arith.constant 2 : i32
    %dma_wait3A_610 = arith.constant 256 : i32
    %dma_wait3A_611 = arith.constant 0 : i32
    %dma_wait3A_612 = tpu.memref_slice %arg6[%dma_wait3A_610, %dma_wait3A_611] : memref<512x128xf32, #tpu.memory_space<vmem>> -> memref<128x128xf32, #tpu.memory_space<vmem>>
    %dma_wait3A_613 = arith.constant 0 : i32
    %dma_wait3A_614 = tpu.memref_slice %arg5[%dma_wait3A_609, %dma_wait3A_613] : memref<4x128xi32, #tpu.memory_space<vmem>> -> memref<1x128xi32, #tpu.memory_space<vmem>>
    %dma_wait3A_615 = tpu.memref_squeeze %dma_wait3A_614 : memref<1x128xi32, #tpu.memory_space<vmem>> -> memref<128xi32, #tpu.memory_space<vmem>>
    %dma_wait3A_616 = arith.constant 0 : i32
    %dma_wait3A_617 = arith.constant 0 : i32
    %dma_wait3A_618 = tpu.memref_slice %arg3[%dma_wait3A_616, %dma_wait3A_617] : memref<16384x128xf32, #tpu.memory_space<hbm>> -> memref<16384x128xf32, #tpu.memory_space<hbm>>
    tpu.wait_indirect_dma semaphore(%arg7 : memref<!tpu.dma_semaphore, #tpu.memory_space<semaphore_mem>>) src(%dma_wait3A_618 : memref<16384x128xf32, #tpu.memory_space<hbm>>) dst(%dma_wait3A_612 : memref<128x128xf32, #tpu.memory_space<vmem>>)
    %dma_wait3A_619 = arith.constant 3 : i32
    %dma_wait3A_620 = arith.constant 384 : i32
    %dma_wait3A_621 = arith.constant 0 : i32
    %dma_wait3A_622 = tpu.memref_slice %arg6[%dma_wait3A_620, %dma_wait3A_621] : memref<512x128xf32, #tpu.memory_space<vmem>> -> memref<128x128xf32, #tpu.memory_space<vmem>>
    %dma_wait3A_623 = arith.constant 0 : i32
    %dma_wait3A_624 = tpu.memref_slice %arg5[%dma_wait3A_619, %dma_wait3A_623] : memref<4x128xi32, #tpu.memory_space<vmem>> -> memref<1x128xi32, #tpu.memory_space<vmem>>
    %dma_wait3A_625 = tpu.memref_squeeze %dma_wait3A_624 : memref<1x128xi32, #tpu.memory_space<vmem>> -> memref<128xi32, #tpu.memory_space<vmem>>
    %dma_wait3A_626 = arith.constant 0 : i32
    %dma_wait3A_627 = arith.constant 0 : i32
    %dma_wait3A_628 = tpu.memref_slice %arg3[%dma_wait3A_626, %dma_wait3A_627] : memref<16384x128xf32, #tpu.memory_space<hbm>> -> memref<16384x128xf32, #tpu.memory_space<hbm>>
    tpu.wait_indirect_dma semaphore(%arg7 : memref<!tpu.dma_semaphore, #tpu.memory_space<semaphore_mem>>) src(%dma_wait3A_628 : memref<16384x128xf32, #tpu.memory_space<hbm>>) dst(%dma_wait3A_622 : memref<128x128xf32, #tpu.memory_space<vmem>>)
    "tpu.region"() ({
      %run_scoped3A = tpu.sem_alloc : memref<!tpu.dma_semaphore, #tpu.memory_space<semaphore_mem>>
      %dma_start3A_841 = arith.constant 0 : i32
      %dma_start3A_842 = tpu.memref_slice %arg4[%add3A_524, %dma_start3A_841] : memref<131072x128xf32, #tpu.memory_space<hbm>> -> memref<512x128xf32, #tpu.memory_space<hbm>>
      %dma_start3A_843 = arith.constant 0 : i32
      %dma_start3A_844 = tpu.memref_slice %arg4[%add3A_524, %dma_start3A_843] : memref<131072x128xf32, #tpu.memory_space<hbm>> -> memref<512x128xf32, #tpu.memory_space<hbm>>
      tpu.enqueue_dma source(%arg6 : memref<512x128xf32, #tpu.memory_space<vmem>>) target(%dma_start3A_844 : memref<512x128xf32, #tpu.memory_space<hbm>>) target_semaphore(%run_scoped3A : memref<!tpu.dma_semaphore, #tpu.memory_space<semaphore_mem>>)
      %dma_wait3A_845 = arith.constant 0 : i32
      %dma_wait3A_846 = tpu.memref_slice %arg4[%add3A_524, %dma_wait3A_845] : memref<131072x128xf32, #tpu.memory_space<hbm>> -> memref<512x128xf32, #tpu.memory_space<hbm>>
      %dma_wait3A_847 = arith.constant 0 : i32
      %dma_wait3A_848 = tpu.memref_slice %arg4[%add3A_524, %dma_wait3A_847] : memref<131072x128xf32, #tpu.memory_space<hbm>> -> memref<512x128xf32, #tpu.memory_space<hbm>>
      tpu.wait_dma2 semaphore(%run_scoped3A : memref<!tpu.dma_semaphore, #tpu.memory_space<semaphore_mem>>) src(%arg6 : memref<512x128xf32, #tpu.memory_space<vmem>>) dst(%dma_wait3A_848 : memref<512x128xf32, #tpu.memory_space<hbm>>)
      tpu.yield
    }) : () -> ()
    %add3A_629 = arith.constant 3072 : i32
    %add3A_630 = arith.addi %mul3A_2, %add3A_629 : i32
    %jit3A_631 = arith.constant 128 : i32
    %div3A_632 = arith.divsi %add3A_630, %jit3A_631 : i32
    %sign3A_633 = arith.constant 0 : i32
    %sign3A_634 = arith.cmpi sgt, %add3A_630, %sign3A_633 : i32
    %sign3A_635 = arith.extui %sign3A_634 : i1 to i32
    %sign3A_636 = arith.constant 0 : i32
    %sign3A_637 = arith.cmpi slt, %add3A_630, %sign3A_636 : i32
    %sign3A_638 = arith.extui %sign3A_637 : i1 to i32
    %sign3A_639 = arith.subi %sign3A_635, %sign3A_638 : i32
    %sign3A_640 = arith.constant 0 : i32
    %sign3A_641 = arith.cmpi sgt, %jit3A_631, %sign3A_640 : i32
    %sign3A_642 = arith.extui %sign3A_641 : i1 to i32
    %sign3A_643 = arith.constant 0 : i32
    %sign3A_644 = arith.cmpi slt, %jit3A_631, %sign3A_643 : i32
    %sign3A_645 = arith.extui %sign3A_644 : i1 to i32
    %sign3A_646 = arith.subi %sign3A_642, %sign3A_645 : i32
    %ne3A_647 = arith.cmpi ne, %sign3A_639, %sign3A_646 : i32
    %rem3A_648 = arith.remsi %add3A_630, %jit3A_631 : i32
    %ne3A_649 = arith.constant 0 : i32
    %ne3A_650 = arith.cmpi ne, %rem3A_648, %ne3A_649 : i32
    %and3A_651 = arith.andi %ne3A_647, %ne3A_650 : i1
    %sub3A_652 = arith.constant 1 : i32
    %sub3A_653 = arith.subi %div3A_632, %sub3A_652 : i32
    %select_n3A_654 = arith.select %and3A_651, %sub3A_653, %div3A_632 : i32
    "tpu.region"() ({
      %run_scoped3A = tpu.sem_alloc : memref<!tpu.dma_semaphore, #tpu.memory_space<semaphore_mem>>
      %dma_start3A_841 = arith.constant 0 : i32
      %dma_start3A_842 = tpu.memref_slice %arg2[%select_n3A_654, %dma_start3A_841] : memref<1024x128xi32, #tpu.memory_space<hbm>> -> memref<4x128xi32, #tpu.memory_space<hbm>>
      %dma_start3A_843 = arith.constant 0 : i32
      %dma_start3A_844 = tpu.memref_slice %arg2[%select_n3A_654, %dma_start3A_843] : memref<1024x128xi32, #tpu.memory_space<hbm>> -> memref<4x128xi32, #tpu.memory_space<hbm>>
      tpu.enqueue_dma source(%dma_start3A_844 : memref<4x128xi32, #tpu.memory_space<hbm>>) target(%arg5 : memref<4x128xi32, #tpu.memory_space<vmem>>) target_semaphore(%run_scoped3A : memref<!tpu.dma_semaphore, #tpu.memory_space<semaphore_mem>>)
      %dma_wait3A_845 = arith.constant 0 : i32
      %dma_wait3A_846 = tpu.memref_slice %arg2[%select_n3A_654, %dma_wait3A_845] : memref<1024x128xi32, #tpu.memory_space<hbm>> -> memref<4x128xi32, #tpu.memory_space<hbm>>
      %dma_wait3A_847 = arith.constant 0 : i32
      %dma_wait3A_848 = tpu.memref_slice %arg2[%select_n3A_654, %dma_wait3A_847] : memref<1024x128xi32, #tpu.memory_space<hbm>> -> memref<4x128xi32, #tpu.memory_space<hbm>>
      tpu.wait_dma2 semaphore(%run_scoped3A : memref<!tpu.dma_semaphore, #tpu.memory_space<semaphore_mem>>) src(%dma_wait3A_848 : memref<4x128xi32, #tpu.memory_space<hbm>>) dst(%arg5 : memref<4x128xi32, #tpu.memory_space<vmem>>)
      tpu.yield
    }) : () -> ()
    %dma_start3A_655 = arith.constant 0 : i32
    %dma_start3A_656 = arith.constant 0 : i32
    %dma_start3A_657 = arith.constant 0 : i32
    %dma_start3A_658 = tpu.memref_slice %arg6[%dma_start3A_656, %dma_start3A_657] : memref<512x128xf32, #tpu.memory_space<vmem>> -> memref<128x128xf32, #tpu.memory_space<vmem>>
    %dma_start3A_659 = arith.constant 0 : i32
    %dma_start3A_660 = tpu.memref_slice %arg5[%dma_start3A_655, %dma_start3A_659] : memref<4x128xi32, #tpu.memory_space<vmem>> -> memref<1x128xi32, #tpu.memory_space<vmem>>
    %dma_start3A_661 = tpu.memref_squeeze %dma_start3A_660 : memref<1x128xi32, #tpu.memory_space<vmem>> -> memref<128xi32, #tpu.memory_space<vmem>>
    %dma_start3A_662 = arith.constant 0 : i32
    %dma_start3A_663 = arith.constant 0 : i32
    %dma_start3A_664 = tpu.memref_slice %arg3[%dma_start3A_662, %dma_start3A_663] : memref<16384x128xf32, #tpu.memory_space<hbm>> -> memref<16384x128xf32, #tpu.memory_space<hbm>>
    tpu.enqueue_indirect_dma source(%dma_start3A_664 : memref<16384x128xf32, #tpu.memory_space<hbm>>) target(%dma_start3A_658 : memref<128x128xf32, #tpu.memory_space<vmem>>) offsets(%dma_start3A_661 : memref<128xi32, #tpu.memory_space<vmem>>) semaphore(%arg7 : memref<!tpu.dma_semaphore, #tpu.memory_space<semaphore_mem>>)
    %dma_start3A_665 = arith.constant 1 : i32
    %dma_start3A_666 = arith.constant 128 : i32
    %dma_start3A_667 = arith.constant 0 : i32
    %dma_start3A_668 = tpu.memref_slice %arg6[%dma_start3A_666, %dma_start3A_667] : memref<512x128xf32, #tpu.memory_space<vmem>> -> memref<128x128xf32, #tpu.memory_space<vmem>>
    %dma_start3A_669 = arith.constant 0 : i32
    %dma_start3A_670 = tpu.memref_slice %arg5[%dma_start3A_665, %dma_start3A_669] : memref<4x128xi32, #tpu.memory_space<vmem>> -> memref<1x128xi32, #tpu.memory_space<vmem>>
    %dma_start3A_671 = tpu.memref_squeeze %dma_start3A_670 : memref<1x128xi32, #tpu.memory_space<vmem>> -> memref<128xi32, #tpu.memory_space<vmem>>
    %dma_start3A_672 = arith.constant 0 : i32
    %dma_start3A_673 = arith.constant 0 : i32
    %dma_start3A_674 = tpu.memref_slice %arg3[%dma_start3A_672, %dma_start3A_673] : memref<16384x128xf32, #tpu.memory_space<hbm>> -> memref<16384x128xf32, #tpu.memory_space<hbm>>
    tpu.enqueue_indirect_dma source(%dma_start3A_674 : memref<16384x128xf32, #tpu.memory_space<hbm>>) target(%dma_start3A_668 : memref<128x128xf32, #tpu.memory_space<vmem>>) offsets(%dma_start3A_671 : memref<128xi32, #tpu.memory_space<vmem>>) semaphore(%arg7 : memref<!tpu.dma_semaphore, #tpu.memory_space<semaphore_mem>>)
    %dma_start3A_675 = arith.constant 2 : i32
    %dma_start3A_676 = arith.constant 256 : i32
    %dma_start3A_677 = arith.constant 0 : i32
    %dma_start3A_678 = tpu.memref_slice %arg6[%dma_start3A_676, %dma_start3A_677] : memref<512x128xf32, #tpu.memory_space<vmem>> -> memref<128x128xf32, #tpu.memory_space<vmem>>
    %dma_start3A_679 = arith.constant 0 : i32
    %dma_start3A_680 = tpu.memref_slice %arg5[%dma_start3A_675, %dma_start3A_679] : memref<4x128xi32, #tpu.memory_space<vmem>> -> memref<1x128xi32, #tpu.memory_space<vmem>>
    %dma_start3A_681 = tpu.memref_squeeze %dma_start3A_680 : memref<1x128xi32, #tpu.memory_space<vmem>> -> memref<128xi32, #tpu.memory_space<vmem>>
    %dma_start3A_682 = arith.constant 0 : i32
    %dma_start3A_683 = arith.constant 0 : i32
    %dma_start3A_684 = tpu.memref_slice %arg3[%dma_start3A_682, %dma_start3A_683] : memref<16384x128xf32, #tpu.memory_space<hbm>> -> memref<16384x128xf32, #tpu.memory_space<hbm>>
    tpu.enqueue_indirect_dma source(%dma_start3A_684 : memref<16384x128xf32, #tpu.memory_space<hbm>>) target(%dma_start3A_678 : memref<128x128xf32, #tpu.memory_space<vmem>>) offsets(%dma_start3A_681 : memref<128xi32, #tpu.memory_space<vmem>>) semaphore(%arg7 : memref<!tpu.dma_semaphore, #tpu.memory_space<semaphore_mem>>)
    %dma_start3A_685 = arith.constant 3 : i32
    %dma_start3A_686 = arith.constant 384 : i32
    %dma_start3A_687 = arith.constant 0 : i32
    %dma_start3A_688 = tpu.memref_slice %arg6[%dma_start3A_686, %dma_start3A_687] : memref<512x128xf32, #tpu.memory_space<vmem>> -> memref<128x128xf32, #tpu.memory_space<vmem>>
    %dma_start3A_689 = arith.constant 0 : i32
    %dma_start3A_690 = tpu.memref_slice %arg5[%dma_start3A_685, %dma_start3A_689] : memref<4x128xi32, #tpu.memory_space<vmem>> -> memref<1x128xi32, #tpu.memory_space<vmem>>
    %dma_start3A_691 = tpu.memref_squeeze %dma_start3A_690 : memref<1x128xi32, #tpu.memory_space<vmem>> -> memref<128xi32, #tpu.memory_space<vmem>>
    %dma_start3A_692 = arith.constant 0 : i32
    %dma_start3A_693 = arith.constant 0 : i32
    %dma_start3A_694 = tpu.memref_slice %arg3[%dma_start3A_692, %dma_start3A_693] : memref<16384x128xf32, #tpu.memory_space<hbm>> -> memref<16384x128xf32, #tpu.memory_space<hbm>>
    tpu.enqueue_indirect_dma source(%dma_start3A_694 : memref<16384x128xf32, #tpu.memory_space<hbm>>) target(%dma_start3A_688 : memref<128x128xf32, #tpu.memory_space<vmem>>) offsets(%dma_start3A_691 : memref<128xi32, #tpu.memory_space<vmem>>) semaphore(%arg7 : memref<!tpu.dma_semaphore, #tpu.memory_space<semaphore_mem>>)
    %dma_wait3A_695 = arith.constant 0 : i32
    %dma_wait3A_696 = arith.constant 0 : i32
    %dma_wait3A_697 = arith.constant 0 : i32
    %dma_wait3A_698 = tpu.memref_slice %arg6[%dma_wait3A_696, %dma_wait3A_697] : memref<512x128xf32, #tpu.memory_space<vmem>> -> memref<128x128xf32, #tpu.memory_space<vmem>>
    %dma_wait3A_699 = arith.constant 0 : i32
    %dma_wait3A_700 = tpu.memref_slice %arg5[%dma_wait3A_695, %dma_wait3A_699] : memref<4x128xi32, #tpu.memory_space<vmem>> -> memref<1x128xi32, #tpu.memory_space<vmem>>
    %dma_wait3A_701 = tpu.memref_squeeze %dma_wait3A_700 : memref<1x128xi32, #tpu.memory_space<vmem>> -> memref<128xi32, #tpu.memory_space<vmem>>
    %dma_wait3A_702 = arith.constant 0 : i32
    %dma_wait3A_703 = arith.constant 0 : i32
    %dma_wait3A_704 = tpu.memref_slice %arg3[%dma_wait3A_702, %dma_wait3A_703] : memref<16384x128xf32, #tpu.memory_space<hbm>> -> memref<16384x128xf32, #tpu.memory_space<hbm>>
    tpu.wait_indirect_dma semaphore(%arg7 : memref<!tpu.dma_semaphore, #tpu.memory_space<semaphore_mem>>) src(%dma_wait3A_704 : memref<16384x128xf32, #tpu.memory_space<hbm>>) dst(%dma_wait3A_698 : memref<128x128xf32, #tpu.memory_space<vmem>>)
    %dma_wait3A_705 = arith.constant 1 : i32
    %dma_wait3A_706 = arith.constant 128 : i32
    %dma_wait3A_707 = arith.constant 0 : i32
    %dma_wait3A_708 = tpu.memref_slice %arg6[%dma_wait3A_706, %dma_wait3A_707] : memref<512x128xf32, #tpu.memory_space<vmem>> -> memref<128x128xf32, #tpu.memory_space<vmem>>
    %dma_wait3A_709 = arith.constant 0 : i32
    %dma_wait3A_710 = tpu.memref_slice %arg5[%dma_wait3A_705, %dma_wait3A_709] : memref<4x128xi32, #tpu.memory_space<vmem>> -> memref<1x128xi32, #tpu.memory_space<vmem>>
    %dma_wait3A_711 = tpu.memref_squeeze %dma_wait3A_710 : memref<1x128xi32, #tpu.memory_space<vmem>> -> memref<128xi32, #tpu.memory_space<vmem>>
    %dma_wait3A_712 = arith.constant 0 : i32
    %dma_wait3A_713 = arith.constant 0 : i32
    %dma_wait3A_714 = tpu.memref_slice %arg3[%dma_wait3A_712, %dma_wait3A_713] : memref<16384x128xf32, #tpu.memory_space<hbm>> -> memref<16384x128xf32, #tpu.memory_space<hbm>>
    tpu.wait_indirect_dma semaphore(%arg7 : memref<!tpu.dma_semaphore, #tpu.memory_space<semaphore_mem>>) src(%dma_wait3A_714 : memref<16384x128xf32, #tpu.memory_space<hbm>>) dst(%dma_wait3A_708 : memref<128x128xf32, #tpu.memory_space<vmem>>)
    %dma_wait3A_715 = arith.constant 2 : i32
    %dma_wait3A_716 = arith.constant 256 : i32
    %dma_wait3A_717 = arith.constant 0 : i32
    %dma_wait3A_718 = tpu.memref_slice %arg6[%dma_wait3A_716, %dma_wait3A_717] : memref<512x128xf32, #tpu.memory_space<vmem>> -> memref<128x128xf32, #tpu.memory_space<vmem>>
    %dma_wait3A_719 = arith.constant 0 : i32
    %dma_wait3A_720 = tpu.memref_slice %arg5[%dma_wait3A_715, %dma_wait3A_719] : memref<4x128xi32, #tpu.memory_space<vmem>> -> memref<1x128xi32, #tpu.memory_space<vmem>>
    %dma_wait3A_721 = tpu.memref_squeeze %dma_wait3A_720 : memref<1x128xi32, #tpu.memory_space<vmem>> -> memref<128xi32, #tpu.memory_space<vmem>>
    %dma_wait3A_722 = arith.constant 0 : i32
    %dma_wait3A_723 = arith.constant 0 : i32
    %dma_wait3A_724 = tpu.memref_slice %arg3[%dma_wait3A_722, %dma_wait3A_723] : memref<16384x128xf32, #tpu.memory_space<hbm>> -> memref<16384x128xf32, #tpu.memory_space<hbm>>
    tpu.wait_indirect_dma semaphore(%arg7 : memref<!tpu.dma_semaphore, #tpu.memory_space<semaphore_mem>>) src(%dma_wait3A_724 : memref<16384x128xf32, #tpu.memory_space<hbm>>) dst(%dma_wait3A_718 : memref<128x128xf32, #tpu.memory_space<vmem>>)
    %dma_wait3A_725 = arith.constant 3 : i32
    %dma_wait3A_726 = arith.constant 384 : i32
    %dma_wait3A_727 = arith.constant 0 : i32
    %dma_wait3A_728 = tpu.memref_slice %arg6[%dma_wait3A_726, %dma_wait3A_727] : memref<512x128xf32, #tpu.memory_space<vmem>> -> memref<128x128xf32, #tpu.memory_space<vmem>>
    %dma_wait3A_729 = arith.constant 0 : i32
    %dma_wait3A_730 = tpu.memref_slice %arg5[%dma_wait3A_725, %dma_wait3A_729] : memref<4x128xi32, #tpu.memory_space<vmem>> -> memref<1x128xi32, #tpu.memory_space<vmem>>
    %dma_wait3A_731 = tpu.memref_squeeze %dma_wait3A_730 : memref<1x128xi32, #tpu.memory_space<vmem>> -> memref<128xi32, #tpu.memory_space<vmem>>
    %dma_wait3A_732 = arith.constant 0 : i32
    %dma_wait3A_733 = arith.constant 0 : i32
    %dma_wait3A_734 = tpu.memref_slice %arg3[%dma_wait3A_732, %dma_wait3A_733] : memref<16384x128xf32, #tpu.memory_space<hbm>> -> memref<16384x128xf32, #tpu.memory_space<hbm>>
    tpu.wait_indirect_dma semaphore(%arg7 : memref<!tpu.dma_semaphore, #tpu.memory_space<semaphore_mem>>) src(%dma_wait3A_734 : memref<16384x128xf32, #tpu.memory_space<hbm>>) dst(%dma_wait3A_728 : memref<128x128xf32, #tpu.memory_space<vmem>>)
    "tpu.region"() ({
      %run_scoped3A = tpu.sem_alloc : memref<!tpu.dma_semaphore, #tpu.memory_space<semaphore_mem>>
      %dma_start3A_841 = arith.constant 0 : i32
      %dma_start3A_842 = tpu.memref_slice %arg4[%add3A_630, %dma_start3A_841] : memref<131072x128xf32, #tpu.memory_space<hbm>> -> memref<512x128xf32, #tpu.memory_space<hbm>>
      %dma_start3A_843 = arith.constant 0 : i32
      %dma_start3A_844 = tpu.memref_slice %arg4[%add3A_630, %dma_start3A_843] : memref<131072x128xf32, #tpu.memory_space<hbm>> -> memref<512x128xf32, #tpu.memory_space<hbm>>
      tpu.enqueue_dma source(%arg6 : memref<512x128xf32, #tpu.memory_space<vmem>>) target(%dma_start3A_844 : memref<512x128xf32, #tpu.memory_space<hbm>>) target_semaphore(%run_scoped3A : memref<!tpu.dma_semaphore, #tpu.memory_space<semaphore_mem>>)
      %dma_wait3A_845 = arith.constant 0 : i32
      %dma_wait3A_846 = tpu.memref_slice %arg4[%add3A_630, %dma_wait3A_845] : memref<131072x128xf32, #tpu.memory_space<hbm>> -> memref<512x128xf32, #tpu.memory_space<hbm>>
      %dma_wait3A_847 = arith.constant 0 : i32
      %dma_wait3A_848 = tpu.memref_slice %arg4[%add3A_630, %dma_wait3A_847] : memref<131072x128xf32, #tpu.memory_space<hbm>> -> memref<512x128xf32, #tpu.memory_space<hbm>>
      tpu.wait_dma2 semaphore(%run_scoped3A : memref<!tpu.dma_semaphore, #tpu.memory_space<semaphore_mem>>) src(%arg6 : memref<512x128xf32, #tpu.memory_space<vmem>>) dst(%dma_wait3A_848 : memref<512x128xf32, #tpu.memory_space<hbm>>)
      tpu.yield
    }) : () -> ()
    %add3A_735 = arith.constant 3584 : i32
    %add3A_736 = arith.addi %mul3A_2, %add3A_735 : i32
    %jit3A_737 = arith.constant 128 : i32
    %div3A_738 = arith.divsi %add3A_736, %jit3A_737 : i32
    %sign3A_739 = arith.constant 0 : i32
    %sign3A_740 = arith.cmpi sgt, %add3A_736, %sign3A_739 : i32
    %sign3A_741 = arith.extui %sign3A_740 : i1 to i32
    %sign3A_742 = arith.constant 0 : i32
    %sign3A_743 = arith.cmpi slt, %add3A_736, %sign3A_742 : i32
    %sign3A_744 = arith.extui %sign3A_743 : i1 to i32
    %sign3A_745 = arith.subi %sign3A_741, %sign3A_744 : i32
    %sign3A_746 = arith.constant 0 : i32
    %sign3A_747 = arith.cmpi sgt, %jit3A_737, %sign3A_746 : i32
    %sign3A_748 = arith.extui %sign3A_747 : i1 to i32
    %sign3A_749 = arith.constant 0 : i32
    %sign3A_750 = arith.cmpi slt, %jit3A_737, %sign3A_749 : i32
    %sign3A_751 = arith.extui %sign3A_750 : i1 to i32
    %sign3A_752 = arith.subi %sign3A_748, %sign3A_751 : i32
    %ne3A_753 = arith.cmpi ne, %sign3A_745, %sign3A_752 : i32
    %rem3A_754 = arith.remsi %add3A_736, %jit3A_737 : i32
    %ne3A_755 = arith.constant 0 : i32
    %ne3A_756 = arith.cmpi ne, %rem3A_754, %ne3A_755 : i32
    %and3A_757 = arith.andi %ne3A_753, %ne3A_756 : i1
    %sub3A_758 = arith.constant 1 : i32
    %sub3A_759 = arith.subi %div3A_738, %sub3A_758 : i32
    %select_n3A_760 = arith.select %and3A_757, %sub3A_759, %div3A_738 : i32
    "tpu.region"() ({
      %run_scoped3A = tpu.sem_alloc : memref<!tpu.dma_semaphore, #tpu.memory_space<semaphore_mem>>
      %dma_start3A_841 = arith.constant 0 : i32
      %dma_start3A_842 = tpu.memref_slice %arg2[%select_n3A_760, %dma_start3A_841] : memref<1024x128xi32, #tpu.memory_space<hbm>> -> memref<4x128xi32, #tpu.memory_space<hbm>>
      %dma_start3A_843 = arith.constant 0 : i32
      %dma_start3A_844 = tpu.memref_slice %arg2[%select_n3A_760, %dma_start3A_843] : memref<1024x128xi32, #tpu.memory_space<hbm>> -> memref<4x128xi32, #tpu.memory_space<hbm>>
      tpu.enqueue_dma source(%dma_start3A_844 : memref<4x128xi32, #tpu.memory_space<hbm>>) target(%arg5 : memref<4x128xi32, #tpu.memory_space<vmem>>) target_semaphore(%run_scoped3A : memref<!tpu.dma_semaphore, #tpu.memory_space<semaphore_mem>>)
      %dma_wait3A_845 = arith.constant 0 : i32
      %dma_wait3A_846 = tpu.memref_slice %arg2[%select_n3A_760, %dma_wait3A_845] : memref<1024x128xi32, #tpu.memory_space<hbm>> -> memref<4x128xi32, #tpu.memory_space<hbm>>
      %dma_wait3A_847 = arith.constant 0 : i32
      %dma_wait3A_848 = tpu.memref_slice %arg2[%select_n3A_760, %dma_wait3A_847] : memref<1024x128xi32, #tpu.memory_space<hbm>> -> memref<4x128xi32, #tpu.memory_space<hbm>>
      tpu.wait_dma2 semaphore(%run_scoped3A : memref<!tpu.dma_semaphore, #tpu.memory_space<semaphore_mem>>) src(%dma_wait3A_848 : memref<4x128xi32, #tpu.memory_space<hbm>>) dst(%arg5 : memref<4x128xi32, #tpu.memory_space<vmem>>)
      tpu.yield
    }) : () -> ()
    %dma_start3A_761 = arith.constant 0 : i32
    %dma_start3A_762 = arith.constant 0 : i32
    %dma_start3A_763 = arith.constant 0 : i32
    %dma_start3A_764 = tpu.memref_slice %arg6[%dma_start3A_762, %dma_start3A_763] : memref<512x128xf32, #tpu.memory_space<vmem>> -> memref<128x128xf32, #tpu.memory_space<vmem>>
    %dma_start3A_765 = arith.constant 0 : i32
    %dma_start3A_766 = tpu.memref_slice %arg5[%dma_start3A_761, %dma_start3A_765] : memref<4x128xi32, #tpu.memory_space<vmem>> -> memref<1x128xi32, #tpu.memory_space<vmem>>
    %dma_start3A_767 = tpu.memref_squeeze %dma_start3A_766 : memref<1x128xi32, #tpu.memory_space<vmem>> -> memref<128xi32, #tpu.memory_space<vmem>>
    %dma_start3A_768 = arith.constant 0 : i32
    %dma_start3A_769 = arith.constant 0 : i32
    %dma_start3A_770 = tpu.memref_slice %arg3[%dma_start3A_768, %dma_start3A_769] : memref<16384x128xf32, #tpu.memory_space<hbm>> -> memref<16384x128xf32, #tpu.memory_space<hbm>>
    tpu.enqueue_indirect_dma source(%dma_start3A_770 : memref<16384x128xf32, #tpu.memory_space<hbm>>) target(%dma_start3A_764 : memref<128x128xf32, #tpu.memory_space<vmem>>) offsets(%dma_start3A_767 : memref<128xi32, #tpu.memory_space<vmem>>) semaphore(%arg7 : memref<!tpu.dma_semaphore, #tpu.memory_space<semaphore_mem>>)
    %dma_start3A_771 = arith.constant 1 : i32
    %dma_start3A_772 = arith.constant 128 : i32
    %dma_start3A_773 = arith.constant 0 : i32
    %dma_start3A_774 = tpu.memref_slice %arg6[%dma_start3A_772, %dma_start3A_773] : memref<512x128xf32, #tpu.memory_space<vmem>> -> memref<128x128xf32, #tpu.memory_space<vmem>>
    %dma_start3A_775 = arith.constant 0 : i32
    %dma_start3A_776 = tpu.memref_slice %arg5[%dma_start3A_771, %dma_start3A_775] : memref<4x128xi32, #tpu.memory_space<vmem>> -> memref<1x128xi32, #tpu.memory_space<vmem>>
    %dma_start3A_777 = tpu.memref_squeeze %dma_start3A_776 : memref<1x128xi32, #tpu.memory_space<vmem>> -> memref<128xi32, #tpu.memory_space<vmem>>
    %dma_start3A_778 = arith.constant 0 : i32
    %dma_start3A_779 = arith.constant 0 : i32
    %dma_start3A_780 = tpu.memref_slice %arg3[%dma_start3A_778, %dma_start3A_779] : memref<16384x128xf32, #tpu.memory_space<hbm>> -> memref<16384x128xf32, #tpu.memory_space<hbm>>
    tpu.enqueue_indirect_dma source(%dma_start3A_780 : memref<16384x128xf32, #tpu.memory_space<hbm>>) target(%dma_start3A_774 : memref<128x128xf32, #tpu.memory_space<vmem>>) offsets(%dma_start3A_777 : memref<128xi32, #tpu.memory_space<vmem>>) semaphore(%arg7 : memref<!tpu.dma_semaphore, #tpu.memory_space<semaphore_mem>>)
    %dma_start3A_781 = arith.constant 2 : i32
    %dma_start3A_782 = arith.constant 256 : i32
    %dma_start3A_783 = arith.constant 0 : i32
    %dma_start3A_784 = tpu.memref_slice %arg6[%dma_start3A_782, %dma_start3A_783] : memref<512x128xf32, #tpu.memory_space<vmem>> -> memref<128x128xf32, #tpu.memory_space<vmem>>
    %dma_start3A_785 = arith.constant 0 : i32
    %dma_start3A_786 = tpu.memref_slice %arg5[%dma_start3A_781, %dma_start3A_785] : memref<4x128xi32, #tpu.memory_space<vmem>> -> memref<1x128xi32, #tpu.memory_space<vmem>>
    %dma_start3A_787 = tpu.memref_squeeze %dma_start3A_786 : memref<1x128xi32, #tpu.memory_space<vmem>> -> memref<128xi32, #tpu.memory_space<vmem>>
    %dma_start3A_788 = arith.constant 0 : i32
    %dma_start3A_789 = arith.constant 0 : i32
    %dma_start3A_790 = tpu.memref_slice %arg3[%dma_start3A_788, %dma_start3A_789] : memref<16384x128xf32, #tpu.memory_space<hbm>> -> memref<16384x128xf32, #tpu.memory_space<hbm>>
    tpu.enqueue_indirect_dma source(%dma_start3A_790 : memref<16384x128xf32, #tpu.memory_space<hbm>>) target(%dma_start3A_784 : memref<128x128xf32, #tpu.memory_space<vmem>>) offsets(%dma_start3A_787 : memref<128xi32, #tpu.memory_space<vmem>>) semaphore(%arg7 : memref<!tpu.dma_semaphore, #tpu.memory_space<semaphore_mem>>)
    %dma_start3A_791 = arith.constant 3 : i32
    %dma_start3A_792 = arith.constant 384 : i32
    %dma_start3A_793 = arith.constant 0 : i32
    %dma_start3A_794 = tpu.memref_slice %arg6[%dma_start3A_792, %dma_start3A_793] : memref<512x128xf32, #tpu.memory_space<vmem>> -> memref<128x128xf32, #tpu.memory_space<vmem>>
    %dma_start3A_795 = arith.constant 0 : i32
    %dma_start3A_796 = tpu.memref_slice %arg5[%dma_start3A_791, %dma_start3A_795] : memref<4x128xi32, #tpu.memory_space<vmem>> -> memref<1x128xi32, #tpu.memory_space<vmem>>
    %dma_start3A_797 = tpu.memref_squeeze %dma_start3A_796 : memref<1x128xi32, #tpu.memory_space<vmem>> -> memref<128xi32, #tpu.memory_space<vmem>>
    %dma_start3A_798 = arith.constant 0 : i32
    %dma_start3A_799 = arith.constant 0 : i32
    %dma_start3A_800 = tpu.memref_slice %arg3[%dma_start3A_798, %dma_start3A_799] : memref<16384x128xf32, #tpu.memory_space<hbm>> -> memref<16384x128xf32, #tpu.memory_space<hbm>>
    tpu.enqueue_indirect_dma source(%dma_start3A_800 : memref<16384x128xf32, #tpu.memory_space<hbm>>) target(%dma_start3A_794 : memref<128x128xf32, #tpu.memory_space<vmem>>) offsets(%dma_start3A_797 : memref<128xi32, #tpu.memory_space<vmem>>) semaphore(%arg7 : memref<!tpu.dma_semaphore, #tpu.memory_space<semaphore_mem>>)
    %dma_wait3A_801 = arith.constant 0 : i32
    %dma_wait3A_802 = arith.constant 0 : i32
    %dma_wait3A_803 = arith.constant 0 : i32
    %dma_wait3A_804 = tpu.memref_slice %arg6[%dma_wait3A_802, %dma_wait3A_803] : memref<512x128xf32, #tpu.memory_space<vmem>> -> memref<128x128xf32, #tpu.memory_space<vmem>>
    %dma_wait3A_805 = arith.constant 0 : i32
    %dma_wait3A_806 = tpu.memref_slice %arg5[%dma_wait3A_801, %dma_wait3A_805] : memref<4x128xi32, #tpu.memory_space<vmem>> -> memref<1x128xi32, #tpu.memory_space<vmem>>
    %dma_wait3A_807 = tpu.memref_squeeze %dma_wait3A_806 : memref<1x128xi32, #tpu.memory_space<vmem>> -> memref<128xi32, #tpu.memory_space<vmem>>
    %dma_wait3A_808 = arith.constant 0 : i32
    %dma_wait3A_809 = arith.constant 0 : i32
    %dma_wait3A_810 = tpu.memref_slice %arg3[%dma_wait3A_808, %dma_wait3A_809] : memref<16384x128xf32, #tpu.memory_space<hbm>> -> memref<16384x128xf32, #tpu.memory_space<hbm>>
    tpu.wait_indirect_dma semaphore(%arg7 : memref<!tpu.dma_semaphore, #tpu.memory_space<semaphore_mem>>) src(%dma_wait3A_810 : memref<16384x128xf32, #tpu.memory_space<hbm>>) dst(%dma_wait3A_804 : memref<128x128xf32, #tpu.memory_space<vmem>>)
    %dma_wait3A_811 = arith.constant 1 : i32
    %dma_wait3A_812 = arith.constant 128 : i32
    %dma_wait3A_813 = arith.constant 0 : i32
    %dma_wait3A_814 = tpu.memref_slice %arg6[%dma_wait3A_812, %dma_wait3A_813] : memref<512x128xf32, #tpu.memory_space<vmem>> -> memref<128x128xf32, #tpu.memory_space<vmem>>
    %dma_wait3A_815 = arith.constant 0 : i32
    %dma_wait3A_816 = tpu.memref_slice %arg5[%dma_wait3A_811, %dma_wait3A_815] : memref<4x128xi32, #tpu.memory_space<vmem>> -> memref<1x128xi32, #tpu.memory_space<vmem>>
    %dma_wait3A_817 = tpu.memref_squeeze %dma_wait3A_816 : memref<1x128xi32, #tpu.memory_space<vmem>> -> memref<128xi32, #tpu.memory_space<vmem>>
    %dma_wait3A_818 = arith.constant 0 : i32
    %dma_wait3A_819 = arith.constant 0 : i32
    %dma_wait3A_820 = tpu.memref_slice %arg3[%dma_wait3A_818, %dma_wait3A_819] : memref<16384x128xf32, #tpu.memory_space<hbm>> -> memref<16384x128xf32, #tpu.memory_space<hbm>>
    tpu.wait_indirect_dma semaphore(%arg7 : memref<!tpu.dma_semaphore, #tpu.memory_space<semaphore_mem>>) src(%dma_wait3A_820 : memref<16384x128xf32, #tpu.memory_space<hbm>>) dst(%dma_wait3A_814 : memref<128x128xf32, #tpu.memory_space<vmem>>)
    %dma_wait3A_821 = arith.constant 2 : i32
    %dma_wait3A_822 = arith.constant 256 : i32
    %dma_wait3A_823 = arith.constant 0 : i32
    %dma_wait3A_824 = tpu.memref_slice %arg6[%dma_wait3A_822, %dma_wait3A_823] : memref<512x128xf32, #tpu.memory_space<vmem>> -> memref<128x128xf32, #tpu.memory_space<vmem>>
    %dma_wait3A_825 = arith.constant 0 : i32
    %dma_wait3A_826 = tpu.memref_slice %arg5[%dma_wait3A_821, %dma_wait3A_825] : memref<4x128xi32, #tpu.memory_space<vmem>> -> memref<1x128xi32, #tpu.memory_space<vmem>>
    %dma_wait3A_827 = tpu.memref_squeeze %dma_wait3A_826 : memref<1x128xi32, #tpu.memory_space<vmem>> -> memref<128xi32, #tpu.memory_space<vmem>>
    %dma_wait3A_828 = arith.constant 0 : i32
    %dma_wait3A_829 = arith.constant 0 : i32
    %dma_wait3A_830 = tpu.memref_slice %arg3[%dma_wait3A_828, %dma_wait3A_829] : memref<16384x128xf32, #tpu.memory_space<hbm>> -> memref<16384x128xf32, #tpu.memory_space<hbm>>
    tpu.wait_indirect_dma semaphore(%arg7 : memref<!tpu.dma_semaphore, #tpu.memory_space<semaphore_mem>>) src(%dma_wait3A_830 : memref<16384x128xf32, #tpu.memory_space<hbm>>) dst(%dma_wait3A_824 : memref<128x128xf32, #tpu.memory_space<vmem>>)
    %dma_wait3A_831 = arith.constant 3 : i32
    %dma_wait3A_832 = arith.constant 384 : i32
    %dma_wait3A_833 = arith.constant 0 : i32
    %dma_wait3A_834 = tpu.memref_slice %arg6[%dma_wait3A_832, %dma_wait3A_833] : memref<512x128xf32, #tpu.memory_space<vmem>> -> memref<128x128xf32, #tpu.memory_space<vmem>>
    %dma_wait3A_835 = arith.constant 0 : i32
    %dma_wait3A_836 = tpu.memref_slice %arg5[%dma_wait3A_831, %dma_wait3A_835] : memref<4x128xi32, #tpu.memory_space<vmem>> -> memref<1x128xi32, #tpu.memory_space<vmem>>
    %dma_wait3A_837 = tpu.memref_squeeze %dma_wait3A_836 : memref<1x128xi32, #tpu.memory_space<vmem>> -> memref<128xi32, #tpu.memory_space<vmem>>
    %dma_wait3A_838 = arith.constant 0 : i32
    %dma_wait3A_839 = arith.constant 0 : i32
    %dma_wait3A_840 = tpu.memref_slice %arg3[%dma_wait3A_838, %dma_wait3A_839] : memref<16384x128xf32, #tpu.memory_space<hbm>> -> memref<16384x128xf32, #tpu.memory_space<hbm>>
    tpu.wait_indirect_dma semaphore(%arg7 : memref<!tpu.dma_semaphore, #tpu.memory_space<semaphore_mem>>) src(%dma_wait3A_840 : memref<16384x128xf32, #tpu.memory_space<hbm>>) dst(%dma_wait3A_834 : memref<128x128xf32, #tpu.memory_space<vmem>>)
    "tpu.region"() ({
      %run_scoped3A = tpu.sem_alloc : memref<!tpu.dma_semaphore, #tpu.memory_space<semaphore_mem>>
      %dma_start3A_841 = arith.constant 0 : i32
      %dma_start3A_842 = tpu.memref_slice %arg4[%add3A_736, %dma_start3A_841] : memref<131072x128xf32, #tpu.memory_space<hbm>> -> memref<512x128xf32, #tpu.memory_space<hbm>>
      %dma_start3A_843 = arith.constant 0 : i32
      %dma_start3A_844 = tpu.memref_slice %arg4[%add3A_736, %dma_start3A_843] : memref<131072x128xf32, #tpu.memory_space<hbm>> -> memref<512x128xf32, #tpu.memory_space<hbm>>
      tpu.enqueue_dma source(%arg6 : memref<512x128xf32, #tpu.memory_space<vmem>>) target(%dma_start3A_844 : memref<512x128xf32, #tpu.memory_space<hbm>>) target_semaphore(%run_scoped3A : memref<!tpu.dma_semaphore, #tpu.memory_space<semaphore_mem>>)
      %dma_wait3A_845 = arith.constant 0 : i32
      %dma_wait3A_846 = tpu.memref_slice %arg4[%add3A_736, %dma_wait3A_845] : memref<131072x128xf32, #tpu.memory_space<hbm>> -> memref<512x128xf32, #tpu.memory_space<hbm>>
      %dma_wait3A_847 = arith.constant 0 : i32
      %dma_wait3A_848 = tpu.memref_slice %arg4[%add3A_736, %dma_wait3A_847] : memref<131072x128xf32, #tpu.memory_space<hbm>> -> memref<512x128xf32, #tpu.memory_space<hbm>>
      tpu.wait_dma2 semaphore(%run_scoped3A : memref<!tpu.dma_semaphore, #tpu.memory_space<semaphore_mem>>) src(%arg6 : memref<512x128xf32, #tpu.memory_space<vmem>>) dst(%dma_wait3A_848 : memref<512x128xf32, #tpu.memory_space<hbm>>)
      tpu.yield
    }) : () -> ()
    return
  }
}

#map = affine_map<(d0, d1) -> (0, 0)>
module attributes {stable_mosaic.version = 14 : i64} {
  func.func @gk(%arg0: i32, %arg1: i32, %arg2: memref<1024x128xi32, #tpu.memory_space<hbm>>, %arg3: memref<16384x64xf32, #tpu.memory_space<hbm>>, %arg4: memref<131072x64xf32, #tpu.memory_space<hbm>>, %arg5: memref<8x128xi32, #tpu.memory_space<vmem>>, %arg6: memref<1024x64xf32, #tpu.memory_space<vmem>>, %arg7: memref<!tpu.dma_semaphore, #tpu.memory_space<semaphore_mem>>) attributes {dimension_semantics = [#tpu.dimension_semantics<core_parallel>, #tpu.dimension_semantics<subcore_parallel>], iteration_bounds = array<i64: 2, 16>, scalar_prefetch = 0 : i64, scratch_operands = 3 : i64, tpu.core_type = #tpu.core_type<sc_vector_subcore>, window_params = [{transform_indices = #map}, {transform_indices = #map}, {transform_indices = #map}]} {
    %mul3A = arith.constant 2 : i32
    %mul3A_0 = arith.muli %arg1, %mul3A : i32
    %add3A = arith.addi %mul3A_0, %arg0 : i32
    %mul3A_1 = arith.constant 4096 : i32
    %mul3A_2 = arith.muli %add3A, %mul3A_1 : i32
    %add3A_3 = arith.constant 0 : i32
    %add3A_4 = arith.addi %mul3A_2, %add3A_3 : i32
    %jit3A = arith.constant 128 : i32
    %div3A = arith.divsi %add3A_4, %jit3A : i32
    %sign3A = arith.constant 0 : i32
    %sign3A_5 = arith.cmpi sgt, %add3A_4, %sign3A : i32
    %sign3A_6 = arith.extui %sign3A_5 : i1 to i32
    %sign3A_7 = arith.constant 0 : i32
    %sign3A_8 = arith.cmpi slt, %add3A_4, %sign3A_7 : i32
    %sign3A_9 = arith.extui %sign3A_8 : i1 to i32
    %sign3A_10 = arith.subi %sign3A_6, %sign3A_9 : i32
    %sign3A_11 = arith.constant 0 : i32
    %sign3A_12 = arith.cmpi sgt, %jit3A, %sign3A_11 : i32
    %sign3A_13 = arith.extui %sign3A_12 : i1 to i32
    %sign3A_14 = arith.constant 0 : i32
    %sign3A_15 = arith.cmpi slt, %jit3A, %sign3A_14 : i32
    %sign3A_16 = arith.extui %sign3A_15 : i1 to i32
    %sign3A_17 = arith.subi %sign3A_13, %sign3A_16 : i32
    %ne3A = arith.cmpi ne, %sign3A_10, %sign3A_17 : i32
    %rem3A = arith.remsi %add3A_4, %jit3A : i32
    %ne3A_18 = arith.constant 0 : i32
    %ne3A_19 = arith.cmpi ne, %rem3A, %ne3A_18 : i32
    %and3A = arith.andi %ne3A, %ne3A_19 : i1
    %sub3A = arith.constant 1 : i32
    %sub3A_20 = arith.subi %div3A, %sub3A : i32
    %select_n3A = arith.select %and3A, %sub3A_20, %div3A : i32
    "tpu.region"() ({
      %run_scoped3A = tpu.sem_alloc : memref<!tpu.dma_semaphore, #tpu.memory_space<semaphore_mem>>
      %dma_start3A_737 = arith.constant 0 : i32
      %dma_start3A_738 = tpu.memref_slice %arg2[%select_n3A, %dma_start3A_737] : memref<1024x128xi32, #tpu.memory_space<hbm>> -> memref<8x128xi32, #tpu.memory_space<hbm>>
      %dma_start3A_739 = arith.constant 0 : i32
      %dma_start3A_740 = tpu.memref_slice %arg2[%select_n3A, %dma_start3A_739] : memref<1024x128xi32, #tpu.memory_space<hbm>> -> memref<8x128xi32, #tpu.memory_space<hbm>>
      tpu.enqueue_dma source(%dma_start3A_740 : memref<8x128xi32, #tpu.memory_space<hbm>>) target(%arg5 : memref<8x128xi32, #tpu.memory_space<vmem>>) target_semaphore(%run_scoped3A : memref<!tpu.dma_semaphore, #tpu.memory_space<semaphore_mem>>)
      %dma_wait3A_741 = arith.constant 0 : i32
      %dma_wait3A_742 = tpu.memref_slice %arg2[%select_n3A, %dma_wait3A_741] : memref<1024x128xi32, #tpu.memory_space<hbm>> -> memref<8x128xi32, #tpu.memory_space<hbm>>
      %dma_wait3A_743 = arith.constant 0 : i32
      %dma_wait3A_744 = tpu.memref_slice %arg2[%select_n3A, %dma_wait3A_743] : memref<1024x128xi32, #tpu.memory_space<hbm>> -> memref<8x128xi32, #tpu.memory_space<hbm>>
      tpu.wait_dma2 semaphore(%run_scoped3A : memref<!tpu.dma_semaphore, #tpu.memory_space<semaphore_mem>>) src(%dma_wait3A_744 : memref<8x128xi32, #tpu.memory_space<hbm>>) dst(%arg5 : memref<8x128xi32, #tpu.memory_space<vmem>>)
      tpu.yield
    }) : () -> ()
    %dma_start3A = arith.constant 0 : i32
    %dma_start3A_21 = arith.constant 0 : i32
    %dma_start3A_22 = arith.constant 0 : i32
    %dma_start3A_23 = tpu.memref_slice %arg6[%dma_start3A_21, %dma_start3A_22] : memref<1024x64xf32, #tpu.memory_space<vmem>> -> memref<128x64xf32, #tpu.memory_space<vmem>>
    %dma_start3A_24 = arith.constant 0 : i32
    %dma_start3A_25 = tpu.memref_slice %arg5[%dma_start3A, %dma_start3A_24] : memref<8x128xi32, #tpu.memory_space<vmem>> -> memref<1x128xi32, #tpu.memory_space<vmem>>
    %dma_start3A_26 = tpu.memref_squeeze %dma_start3A_25 : memref<1x128xi32, #tpu.memory_space<vmem>> -> memref<128xi32, #tpu.memory_space<vmem>>
    %dma_start3A_27 = arith.constant 0 : i32
    %dma_start3A_28 = arith.constant 0 : i32
    %dma_start3A_29 = tpu.memref_slice %arg3[%dma_start3A_27, %dma_start3A_28] : memref<16384x64xf32, #tpu.memory_space<hbm>> -> memref<16384x64xf32, #tpu.memory_space<hbm>>
    tpu.enqueue_indirect_dma source(%dma_start3A_29 : memref<16384x64xf32, #tpu.memory_space<hbm>>) target(%dma_start3A_23 : memref<128x64xf32, #tpu.memory_space<vmem>>) offsets(%dma_start3A_26 : memref<128xi32, #tpu.memory_space<vmem>>) semaphore(%arg7 : memref<!tpu.dma_semaphore, #tpu.memory_space<semaphore_mem>>)
    %dma_start3A_30 = arith.constant 1 : i32
    %dma_start3A_31 = arith.constant 128 : i32
    %dma_start3A_32 = arith.constant 0 : i32
    %dma_start3A_33 = tpu.memref_slice %arg6[%dma_start3A_31, %dma_start3A_32] : memref<1024x64xf32, #tpu.memory_space<vmem>> -> memref<128x64xf32, #tpu.memory_space<vmem>>
    %dma_start3A_34 = arith.constant 0 : i32
    %dma_start3A_35 = tpu.memref_slice %arg5[%dma_start3A_30, %dma_start3A_34] : memref<8x128xi32, #tpu.memory_space<vmem>> -> memref<1x128xi32, #tpu.memory_space<vmem>>
    %dma_start3A_36 = tpu.memref_squeeze %dma_start3A_35 : memref<1x128xi32, #tpu.memory_space<vmem>> -> memref<128xi32, #tpu.memory_space<vmem>>
    %dma_start3A_37 = arith.constant 0 : i32
    %dma_start3A_38 = arith.constant 0 : i32
    %dma_start3A_39 = tpu.memref_slice %arg3[%dma_start3A_37, %dma_start3A_38] : memref<16384x64xf32, #tpu.memory_space<hbm>> -> memref<16384x64xf32, #tpu.memory_space<hbm>>
    tpu.enqueue_indirect_dma source(%dma_start3A_39 : memref<16384x64xf32, #tpu.memory_space<hbm>>) target(%dma_start3A_33 : memref<128x64xf32, #tpu.memory_space<vmem>>) offsets(%dma_start3A_36 : memref<128xi32, #tpu.memory_space<vmem>>) semaphore(%arg7 : memref<!tpu.dma_semaphore, #tpu.memory_space<semaphore_mem>>)
    %dma_start3A_40 = arith.constant 2 : i32
    %dma_start3A_41 = arith.constant 256 : i32
    %dma_start3A_42 = arith.constant 0 : i32
    %dma_start3A_43 = tpu.memref_slice %arg6[%dma_start3A_41, %dma_start3A_42] : memref<1024x64xf32, #tpu.memory_space<vmem>> -> memref<128x64xf32, #tpu.memory_space<vmem>>
    %dma_start3A_44 = arith.constant 0 : i32
    %dma_start3A_45 = tpu.memref_slice %arg5[%dma_start3A_40, %dma_start3A_44] : memref<8x128xi32, #tpu.memory_space<vmem>> -> memref<1x128xi32, #tpu.memory_space<vmem>>
    %dma_start3A_46 = tpu.memref_squeeze %dma_start3A_45 : memref<1x128xi32, #tpu.memory_space<vmem>> -> memref<128xi32, #tpu.memory_space<vmem>>
    %dma_start3A_47 = arith.constant 0 : i32
    %dma_start3A_48 = arith.constant 0 : i32
    %dma_start3A_49 = tpu.memref_slice %arg3[%dma_start3A_47, %dma_start3A_48] : memref<16384x64xf32, #tpu.memory_space<hbm>> -> memref<16384x64xf32, #tpu.memory_space<hbm>>
    tpu.enqueue_indirect_dma source(%dma_start3A_49 : memref<16384x64xf32, #tpu.memory_space<hbm>>) target(%dma_start3A_43 : memref<128x64xf32, #tpu.memory_space<vmem>>) offsets(%dma_start3A_46 : memref<128xi32, #tpu.memory_space<vmem>>) semaphore(%arg7 : memref<!tpu.dma_semaphore, #tpu.memory_space<semaphore_mem>>)
    %dma_start3A_50 = arith.constant 3 : i32
    %dma_start3A_51 = arith.constant 384 : i32
    %dma_start3A_52 = arith.constant 0 : i32
    %dma_start3A_53 = tpu.memref_slice %arg6[%dma_start3A_51, %dma_start3A_52] : memref<1024x64xf32, #tpu.memory_space<vmem>> -> memref<128x64xf32, #tpu.memory_space<vmem>>
    %dma_start3A_54 = arith.constant 0 : i32
    %dma_start3A_55 = tpu.memref_slice %arg5[%dma_start3A_50, %dma_start3A_54] : memref<8x128xi32, #tpu.memory_space<vmem>> -> memref<1x128xi32, #tpu.memory_space<vmem>>
    %dma_start3A_56 = tpu.memref_squeeze %dma_start3A_55 : memref<1x128xi32, #tpu.memory_space<vmem>> -> memref<128xi32, #tpu.memory_space<vmem>>
    %dma_start3A_57 = arith.constant 0 : i32
    %dma_start3A_58 = arith.constant 0 : i32
    %dma_start3A_59 = tpu.memref_slice %arg3[%dma_start3A_57, %dma_start3A_58] : memref<16384x64xf32, #tpu.memory_space<hbm>> -> memref<16384x64xf32, #tpu.memory_space<hbm>>
    tpu.enqueue_indirect_dma source(%dma_start3A_59 : memref<16384x64xf32, #tpu.memory_space<hbm>>) target(%dma_start3A_53 : memref<128x64xf32, #tpu.memory_space<vmem>>) offsets(%dma_start3A_56 : memref<128xi32, #tpu.memory_space<vmem>>) semaphore(%arg7 : memref<!tpu.dma_semaphore, #tpu.memory_space<semaphore_mem>>)
    %dma_start3A_60 = arith.constant 4 : i32
    %dma_start3A_61 = arith.constant 512 : i32
    %dma_start3A_62 = arith.constant 0 : i32
    %dma_start3A_63 = tpu.memref_slice %arg6[%dma_start3A_61, %dma_start3A_62] : memref<1024x64xf32, #tpu.memory_space<vmem>> -> memref<128x64xf32, #tpu.memory_space<vmem>>
    %dma_start3A_64 = arith.constant 0 : i32
    %dma_start3A_65 = tpu.memref_slice %arg5[%dma_start3A_60, %dma_start3A_64] : memref<8x128xi32, #tpu.memory_space<vmem>> -> memref<1x128xi32, #tpu.memory_space<vmem>>
    %dma_start3A_66 = tpu.memref_squeeze %dma_start3A_65 : memref<1x128xi32, #tpu.memory_space<vmem>> -> memref<128xi32, #tpu.memory_space<vmem>>
    %dma_start3A_67 = arith.constant 0 : i32
    %dma_start3A_68 = arith.constant 0 : i32
    %dma_start3A_69 = tpu.memref_slice %arg3[%dma_start3A_67, %dma_start3A_68] : memref<16384x64xf32, #tpu.memory_space<hbm>> -> memref<16384x64xf32, #tpu.memory_space<hbm>>
    tpu.enqueue_indirect_dma source(%dma_start3A_69 : memref<16384x64xf32, #tpu.memory_space<hbm>>) target(%dma_start3A_63 : memref<128x64xf32, #tpu.memory_space<vmem>>) offsets(%dma_start3A_66 : memref<128xi32, #tpu.memory_space<vmem>>) semaphore(%arg7 : memref<!tpu.dma_semaphore, #tpu.memory_space<semaphore_mem>>)
    %dma_start3A_70 = arith.constant 5 : i32
    %dma_start3A_71 = arith.constant 640 : i32
    %dma_start3A_72 = arith.constant 0 : i32
    %dma_start3A_73 = tpu.memref_slice %arg6[%dma_start3A_71, %dma_start3A_72] : memref<1024x64xf32, #tpu.memory_space<vmem>> -> memref<128x64xf32, #tpu.memory_space<vmem>>
    %dma_start3A_74 = arith.constant 0 : i32
    %dma_start3A_75 = tpu.memref_slice %arg5[%dma_start3A_70, %dma_start3A_74] : memref<8x128xi32, #tpu.memory_space<vmem>> -> memref<1x128xi32, #tpu.memory_space<vmem>>
    %dma_start3A_76 = tpu.memref_squeeze %dma_start3A_75 : memref<1x128xi32, #tpu.memory_space<vmem>> -> memref<128xi32, #tpu.memory_space<vmem>>
    %dma_start3A_77 = arith.constant 0 : i32
    %dma_start3A_78 = arith.constant 0 : i32
    %dma_start3A_79 = tpu.memref_slice %arg3[%dma_start3A_77, %dma_start3A_78] : memref<16384x64xf32, #tpu.memory_space<hbm>> -> memref<16384x64xf32, #tpu.memory_space<hbm>>
    tpu.enqueue_indirect_dma source(%dma_start3A_79 : memref<16384x64xf32, #tpu.memory_space<hbm>>) target(%dma_start3A_73 : memref<128x64xf32, #tpu.memory_space<vmem>>) offsets(%dma_start3A_76 : memref<128xi32, #tpu.memory_space<vmem>>) semaphore(%arg7 : memref<!tpu.dma_semaphore, #tpu.memory_space<semaphore_mem>>)
    %dma_start3A_80 = arith.constant 6 : i32
    %dma_start3A_81 = arith.constant 768 : i32
    %dma_start3A_82 = arith.constant 0 : i32
    %dma_start3A_83 = tpu.memref_slice %arg6[%dma_start3A_81, %dma_start3A_82] : memref<1024x64xf32, #tpu.memory_space<vmem>> -> memref<128x64xf32, #tpu.memory_space<vmem>>
    %dma_start3A_84 = arith.constant 0 : i32
    %dma_start3A_85 = tpu.memref_slice %arg5[%dma_start3A_80, %dma_start3A_84] : memref<8x128xi32, #tpu.memory_space<vmem>> -> memref<1x128xi32, #tpu.memory_space<vmem>>
    %dma_start3A_86 = tpu.memref_squeeze %dma_start3A_85 : memref<1x128xi32, #tpu.memory_space<vmem>> -> memref<128xi32, #tpu.memory_space<vmem>>
    %dma_start3A_87 = arith.constant 0 : i32
    %dma_start3A_88 = arith.constant 0 : i32
    %dma_start3A_89 = tpu.memref_slice %arg3[%dma_start3A_87, %dma_start3A_88] : memref<16384x64xf32, #tpu.memory_space<hbm>> -> memref<16384x64xf32, #tpu.memory_space<hbm>>
    tpu.enqueue_indirect_dma source(%dma_start3A_89 : memref<16384x64xf32, #tpu.memory_space<hbm>>) target(%dma_start3A_83 : memref<128x64xf32, #tpu.memory_space<vmem>>) offsets(%dma_start3A_86 : memref<128xi32, #tpu.memory_space<vmem>>) semaphore(%arg7 : memref<!tpu.dma_semaphore, #tpu.memory_space<semaphore_mem>>)
    %dma_start3A_90 = arith.constant 7 : i32
    %dma_start3A_91 = arith.constant 896 : i32
    %dma_start3A_92 = arith.constant 0 : i32
    %dma_start3A_93 = tpu.memref_slice %arg6[%dma_start3A_91, %dma_start3A_92] : memref<1024x64xf32, #tpu.memory_space<vmem>> -> memref<128x64xf32, #tpu.memory_space<vmem>>
    %dma_start3A_94 = arith.constant 0 : i32
    %dma_start3A_95 = tpu.memref_slice %arg5[%dma_start3A_90, %dma_start3A_94] : memref<8x128xi32, #tpu.memory_space<vmem>> -> memref<1x128xi32, #tpu.memory_space<vmem>>
    %dma_start3A_96 = tpu.memref_squeeze %dma_start3A_95 : memref<1x128xi32, #tpu.memory_space<vmem>> -> memref<128xi32, #tpu.memory_space<vmem>>
    %dma_start3A_97 = arith.constant 0 : i32
    %dma_start3A_98 = arith.constant 0 : i32
    %dma_start3A_99 = tpu.memref_slice %arg3[%dma_start3A_97, %dma_start3A_98] : memref<16384x64xf32, #tpu.memory_space<hbm>> -> memref<16384x64xf32, #tpu.memory_space<hbm>>
    tpu.enqueue_indirect_dma source(%dma_start3A_99 : memref<16384x64xf32, #tpu.memory_space<hbm>>) target(%dma_start3A_93 : memref<128x64xf32, #tpu.memory_space<vmem>>) offsets(%dma_start3A_96 : memref<128xi32, #tpu.memory_space<vmem>>) semaphore(%arg7 : memref<!tpu.dma_semaphore, #tpu.memory_space<semaphore_mem>>)
    %dma_wait3A = arith.constant 0 : i32
    %dma_wait3A_100 = arith.constant 0 : i32
    %dma_wait3A_101 = arith.constant 0 : i32
    %dma_wait3A_102 = tpu.memref_slice %arg6[%dma_wait3A_100, %dma_wait3A_101] : memref<1024x64xf32, #tpu.memory_space<vmem>> -> memref<128x64xf32, #tpu.memory_space<vmem>>
    %dma_wait3A_103 = arith.constant 0 : i32
    %dma_wait3A_104 = tpu.memref_slice %arg5[%dma_wait3A, %dma_wait3A_103] : memref<8x128xi32, #tpu.memory_space<vmem>> -> memref<1x128xi32, #tpu.memory_space<vmem>>
    %dma_wait3A_105 = tpu.memref_squeeze %dma_wait3A_104 : memref<1x128xi32, #tpu.memory_space<vmem>> -> memref<128xi32, #tpu.memory_space<vmem>>
    %dma_wait3A_106 = arith.constant 0 : i32
    %dma_wait3A_107 = arith.constant 0 : i32
    %dma_wait3A_108 = tpu.memref_slice %arg3[%dma_wait3A_106, %dma_wait3A_107] : memref<16384x64xf32, #tpu.memory_space<hbm>> -> memref<16384x64xf32, #tpu.memory_space<hbm>>
    tpu.wait_indirect_dma semaphore(%arg7 : memref<!tpu.dma_semaphore, #tpu.memory_space<semaphore_mem>>) src(%dma_wait3A_108 : memref<16384x64xf32, #tpu.memory_space<hbm>>) dst(%dma_wait3A_102 : memref<128x64xf32, #tpu.memory_space<vmem>>)
    %dma_wait3A_109 = arith.constant 1 : i32
    %dma_wait3A_110 = arith.constant 128 : i32
    %dma_wait3A_111 = arith.constant 0 : i32
    %dma_wait3A_112 = tpu.memref_slice %arg6[%dma_wait3A_110, %dma_wait3A_111] : memref<1024x64xf32, #tpu.memory_space<vmem>> -> memref<128x64xf32, #tpu.memory_space<vmem>>
    %dma_wait3A_113 = arith.constant 0 : i32
    %dma_wait3A_114 = tpu.memref_slice %arg5[%dma_wait3A_109, %dma_wait3A_113] : memref<8x128xi32, #tpu.memory_space<vmem>> -> memref<1x128xi32, #tpu.memory_space<vmem>>
    %dma_wait3A_115 = tpu.memref_squeeze %dma_wait3A_114 : memref<1x128xi32, #tpu.memory_space<vmem>> -> memref<128xi32, #tpu.memory_space<vmem>>
    %dma_wait3A_116 = arith.constant 0 : i32
    %dma_wait3A_117 = arith.constant 0 : i32
    %dma_wait3A_118 = tpu.memref_slice %arg3[%dma_wait3A_116, %dma_wait3A_117] : memref<16384x64xf32, #tpu.memory_space<hbm>> -> memref<16384x64xf32, #tpu.memory_space<hbm>>
    tpu.wait_indirect_dma semaphore(%arg7 : memref<!tpu.dma_semaphore, #tpu.memory_space<semaphore_mem>>) src(%dma_wait3A_118 : memref<16384x64xf32, #tpu.memory_space<hbm>>) dst(%dma_wait3A_112 : memref<128x64xf32, #tpu.memory_space<vmem>>)
    %dma_wait3A_119 = arith.constant 2 : i32
    %dma_wait3A_120 = arith.constant 256 : i32
    %dma_wait3A_121 = arith.constant 0 : i32
    %dma_wait3A_122 = tpu.memref_slice %arg6[%dma_wait3A_120, %dma_wait3A_121] : memref<1024x64xf32, #tpu.memory_space<vmem>> -> memref<128x64xf32, #tpu.memory_space<vmem>>
    %dma_wait3A_123 = arith.constant 0 : i32
    %dma_wait3A_124 = tpu.memref_slice %arg5[%dma_wait3A_119, %dma_wait3A_123] : memref<8x128xi32, #tpu.memory_space<vmem>> -> memref<1x128xi32, #tpu.memory_space<vmem>>
    %dma_wait3A_125 = tpu.memref_squeeze %dma_wait3A_124 : memref<1x128xi32, #tpu.memory_space<vmem>> -> memref<128xi32, #tpu.memory_space<vmem>>
    %dma_wait3A_126 = arith.constant 0 : i32
    %dma_wait3A_127 = arith.constant 0 : i32
    %dma_wait3A_128 = tpu.memref_slice %arg3[%dma_wait3A_126, %dma_wait3A_127] : memref<16384x64xf32, #tpu.memory_space<hbm>> -> memref<16384x64xf32, #tpu.memory_space<hbm>>
    tpu.wait_indirect_dma semaphore(%arg7 : memref<!tpu.dma_semaphore, #tpu.memory_space<semaphore_mem>>) src(%dma_wait3A_128 : memref<16384x64xf32, #tpu.memory_space<hbm>>) dst(%dma_wait3A_122 : memref<128x64xf32, #tpu.memory_space<vmem>>)
    %dma_wait3A_129 = arith.constant 3 : i32
    %dma_wait3A_130 = arith.constant 384 : i32
    %dma_wait3A_131 = arith.constant 0 : i32
    %dma_wait3A_132 = tpu.memref_slice %arg6[%dma_wait3A_130, %dma_wait3A_131] : memref<1024x64xf32, #tpu.memory_space<vmem>> -> memref<128x64xf32, #tpu.memory_space<vmem>>
    %dma_wait3A_133 = arith.constant 0 : i32
    %dma_wait3A_134 = tpu.memref_slice %arg5[%dma_wait3A_129, %dma_wait3A_133] : memref<8x128xi32, #tpu.memory_space<vmem>> -> memref<1x128xi32, #tpu.memory_space<vmem>>
    %dma_wait3A_135 = tpu.memref_squeeze %dma_wait3A_134 : memref<1x128xi32, #tpu.memory_space<vmem>> -> memref<128xi32, #tpu.memory_space<vmem>>
    %dma_wait3A_136 = arith.constant 0 : i32
    %dma_wait3A_137 = arith.constant 0 : i32
    %dma_wait3A_138 = tpu.memref_slice %arg3[%dma_wait3A_136, %dma_wait3A_137] : memref<16384x64xf32, #tpu.memory_space<hbm>> -> memref<16384x64xf32, #tpu.memory_space<hbm>>
    tpu.wait_indirect_dma semaphore(%arg7 : memref<!tpu.dma_semaphore, #tpu.memory_space<semaphore_mem>>) src(%dma_wait3A_138 : memref<16384x64xf32, #tpu.memory_space<hbm>>) dst(%dma_wait3A_132 : memref<128x64xf32, #tpu.memory_space<vmem>>)
    %dma_wait3A_139 = arith.constant 4 : i32
    %dma_wait3A_140 = arith.constant 512 : i32
    %dma_wait3A_141 = arith.constant 0 : i32
    %dma_wait3A_142 = tpu.memref_slice %arg6[%dma_wait3A_140, %dma_wait3A_141] : memref<1024x64xf32, #tpu.memory_space<vmem>> -> memref<128x64xf32, #tpu.memory_space<vmem>>
    %dma_wait3A_143 = arith.constant 0 : i32
    %dma_wait3A_144 = tpu.memref_slice %arg5[%dma_wait3A_139, %dma_wait3A_143] : memref<8x128xi32, #tpu.memory_space<vmem>> -> memref<1x128xi32, #tpu.memory_space<vmem>>
    %dma_wait3A_145 = tpu.memref_squeeze %dma_wait3A_144 : memref<1x128xi32, #tpu.memory_space<vmem>> -> memref<128xi32, #tpu.memory_space<vmem>>
    %dma_wait3A_146 = arith.constant 0 : i32
    %dma_wait3A_147 = arith.constant 0 : i32
    %dma_wait3A_148 = tpu.memref_slice %arg3[%dma_wait3A_146, %dma_wait3A_147] : memref<16384x64xf32, #tpu.memory_space<hbm>> -> memref<16384x64xf32, #tpu.memory_space<hbm>>
    tpu.wait_indirect_dma semaphore(%arg7 : memref<!tpu.dma_semaphore, #tpu.memory_space<semaphore_mem>>) src(%dma_wait3A_148 : memref<16384x64xf32, #tpu.memory_space<hbm>>) dst(%dma_wait3A_142 : memref<128x64xf32, #tpu.memory_space<vmem>>)
    %dma_wait3A_149 = arith.constant 5 : i32
    %dma_wait3A_150 = arith.constant 640 : i32
    %dma_wait3A_151 = arith.constant 0 : i32
    %dma_wait3A_152 = tpu.memref_slice %arg6[%dma_wait3A_150, %dma_wait3A_151] : memref<1024x64xf32, #tpu.memory_space<vmem>> -> memref<128x64xf32, #tpu.memory_space<vmem>>
    %dma_wait3A_153 = arith.constant 0 : i32
    %dma_wait3A_154 = tpu.memref_slice %arg5[%dma_wait3A_149, %dma_wait3A_153] : memref<8x128xi32, #tpu.memory_space<vmem>> -> memref<1x128xi32, #tpu.memory_space<vmem>>
    %dma_wait3A_155 = tpu.memref_squeeze %dma_wait3A_154 : memref<1x128xi32, #tpu.memory_space<vmem>> -> memref<128xi32, #tpu.memory_space<vmem>>
    %dma_wait3A_156 = arith.constant 0 : i32
    %dma_wait3A_157 = arith.constant 0 : i32
    %dma_wait3A_158 = tpu.memref_slice %arg3[%dma_wait3A_156, %dma_wait3A_157] : memref<16384x64xf32, #tpu.memory_space<hbm>> -> memref<16384x64xf32, #tpu.memory_space<hbm>>
    tpu.wait_indirect_dma semaphore(%arg7 : memref<!tpu.dma_semaphore, #tpu.memory_space<semaphore_mem>>) src(%dma_wait3A_158 : memref<16384x64xf32, #tpu.memory_space<hbm>>) dst(%dma_wait3A_152 : memref<128x64xf32, #tpu.memory_space<vmem>>)
    %dma_wait3A_159 = arith.constant 6 : i32
    %dma_wait3A_160 = arith.constant 768 : i32
    %dma_wait3A_161 = arith.constant 0 : i32
    %dma_wait3A_162 = tpu.memref_slice %arg6[%dma_wait3A_160, %dma_wait3A_161] : memref<1024x64xf32, #tpu.memory_space<vmem>> -> memref<128x64xf32, #tpu.memory_space<vmem>>
    %dma_wait3A_163 = arith.constant 0 : i32
    %dma_wait3A_164 = tpu.memref_slice %arg5[%dma_wait3A_159, %dma_wait3A_163] : memref<8x128xi32, #tpu.memory_space<vmem>> -> memref<1x128xi32, #tpu.memory_space<vmem>>
    %dma_wait3A_165 = tpu.memref_squeeze %dma_wait3A_164 : memref<1x128xi32, #tpu.memory_space<vmem>> -> memref<128xi32, #tpu.memory_space<vmem>>
    %dma_wait3A_166 = arith.constant 0 : i32
    %dma_wait3A_167 = arith.constant 0 : i32
    %dma_wait3A_168 = tpu.memref_slice %arg3[%dma_wait3A_166, %dma_wait3A_167] : memref<16384x64xf32, #tpu.memory_space<hbm>> -> memref<16384x64xf32, #tpu.memory_space<hbm>>
    tpu.wait_indirect_dma semaphore(%arg7 : memref<!tpu.dma_semaphore, #tpu.memory_space<semaphore_mem>>) src(%dma_wait3A_168 : memref<16384x64xf32, #tpu.memory_space<hbm>>) dst(%dma_wait3A_162 : memref<128x64xf32, #tpu.memory_space<vmem>>)
    %dma_wait3A_169 = arith.constant 7 : i32
    %dma_wait3A_170 = arith.constant 896 : i32
    %dma_wait3A_171 = arith.constant 0 : i32
    %dma_wait3A_172 = tpu.memref_slice %arg6[%dma_wait3A_170, %dma_wait3A_171] : memref<1024x64xf32, #tpu.memory_space<vmem>> -> memref<128x64xf32, #tpu.memory_space<vmem>>
    %dma_wait3A_173 = arith.constant 0 : i32
    %dma_wait3A_174 = tpu.memref_slice %arg5[%dma_wait3A_169, %dma_wait3A_173] : memref<8x128xi32, #tpu.memory_space<vmem>> -> memref<1x128xi32, #tpu.memory_space<vmem>>
    %dma_wait3A_175 = tpu.memref_squeeze %dma_wait3A_174 : memref<1x128xi32, #tpu.memory_space<vmem>> -> memref<128xi32, #tpu.memory_space<vmem>>
    %dma_wait3A_176 = arith.constant 0 : i32
    %dma_wait3A_177 = arith.constant 0 : i32
    %dma_wait3A_178 = tpu.memref_slice %arg3[%dma_wait3A_176, %dma_wait3A_177] : memref<16384x64xf32, #tpu.memory_space<hbm>> -> memref<16384x64xf32, #tpu.memory_space<hbm>>
    tpu.wait_indirect_dma semaphore(%arg7 : memref<!tpu.dma_semaphore, #tpu.memory_space<semaphore_mem>>) src(%dma_wait3A_178 : memref<16384x64xf32, #tpu.memory_space<hbm>>) dst(%dma_wait3A_172 : memref<128x64xf32, #tpu.memory_space<vmem>>)
    "tpu.region"() ({
      %run_scoped3A = tpu.sem_alloc : memref<!tpu.dma_semaphore, #tpu.memory_space<semaphore_mem>>
      %dma_start3A_737 = arith.constant 0 : i32
      %dma_start3A_738 = tpu.memref_slice %arg4[%add3A_4, %dma_start3A_737] : memref<131072x64xf32, #tpu.memory_space<hbm>> -> memref<1024x64xf32, #tpu.memory_space<hbm>>
      %dma_start3A_739 = arith.constant 0 : i32
      %dma_start3A_740 = tpu.memref_slice %arg4[%add3A_4, %dma_start3A_739] : memref<131072x64xf32, #tpu.memory_space<hbm>> -> memref<1024x64xf32, #tpu.memory_space<hbm>>
      tpu.enqueue_dma source(%arg6 : memref<1024x64xf32, #tpu.memory_space<vmem>>) target(%dma_start3A_740 : memref<1024x64xf32, #tpu.memory_space<hbm>>) target_semaphore(%run_scoped3A : memref<!tpu.dma_semaphore, #tpu.memory_space<semaphore_mem>>)
      %dma_wait3A_741 = arith.constant 0 : i32
      %dma_wait3A_742 = tpu.memref_slice %arg4[%add3A_4, %dma_wait3A_741] : memref<131072x64xf32, #tpu.memory_space<hbm>> -> memref<1024x64xf32, #tpu.memory_space<hbm>>
      %dma_wait3A_743 = arith.constant 0 : i32
      %dma_wait3A_744 = tpu.memref_slice %arg4[%add3A_4, %dma_wait3A_743] : memref<131072x64xf32, #tpu.memory_space<hbm>> -> memref<1024x64xf32, #tpu.memory_space<hbm>>
      tpu.wait_dma2 semaphore(%run_scoped3A : memref<!tpu.dma_semaphore, #tpu.memory_space<semaphore_mem>>) src(%arg6 : memref<1024x64xf32, #tpu.memory_space<vmem>>) dst(%dma_wait3A_744 : memref<1024x64xf32, #tpu.memory_space<hbm>>)
      tpu.yield
    }) : () -> ()
    %add3A_179 = arith.constant 1024 : i32
    %add3A_180 = arith.addi %mul3A_2, %add3A_179 : i32
    %jit3A_181 = arith.constant 128 : i32
    %div3A_182 = arith.divsi %add3A_180, %jit3A_181 : i32
    %sign3A_183 = arith.constant 0 : i32
    %sign3A_184 = arith.cmpi sgt, %add3A_180, %sign3A_183 : i32
    %sign3A_185 = arith.extui %sign3A_184 : i1 to i32
    %sign3A_186 = arith.constant 0 : i32
    %sign3A_187 = arith.cmpi slt, %add3A_180, %sign3A_186 : i32
    %sign3A_188 = arith.extui %sign3A_187 : i1 to i32
    %sign3A_189 = arith.subi %sign3A_185, %sign3A_188 : i32
    %sign3A_190 = arith.constant 0 : i32
    %sign3A_191 = arith.cmpi sgt, %jit3A_181, %sign3A_190 : i32
    %sign3A_192 = arith.extui %sign3A_191 : i1 to i32
    %sign3A_193 = arith.constant 0 : i32
    %sign3A_194 = arith.cmpi slt, %jit3A_181, %sign3A_193 : i32
    %sign3A_195 = arith.extui %sign3A_194 : i1 to i32
    %sign3A_196 = arith.subi %sign3A_192, %sign3A_195 : i32
    %ne3A_197 = arith.cmpi ne, %sign3A_189, %sign3A_196 : i32
    %rem3A_198 = arith.remsi %add3A_180, %jit3A_181 : i32
    %ne3A_199 = arith.constant 0 : i32
    %ne3A_200 = arith.cmpi ne, %rem3A_198, %ne3A_199 : i32
    %and3A_201 = arith.andi %ne3A_197, %ne3A_200 : i1
    %sub3A_202 = arith.constant 1 : i32
    %sub3A_203 = arith.subi %div3A_182, %sub3A_202 : i32
    %select_n3A_204 = arith.select %and3A_201, %sub3A_203, %div3A_182 : i32
    "tpu.region"() ({
      %run_scoped3A = tpu.sem_alloc : memref<!tpu.dma_semaphore, #tpu.memory_space<semaphore_mem>>
      %dma_start3A_737 = arith.constant 0 : i32
      %dma_start3A_738 = tpu.memref_slice %arg2[%select_n3A_204, %dma_start3A_737] : memref<1024x128xi32, #tpu.memory_space<hbm>> -> memref<8x128xi32, #tpu.memory_space<hbm>>
      %dma_start3A_739 = arith.constant 0 : i32
      %dma_start3A_740 = tpu.memref_slice %arg2[%select_n3A_204, %dma_start3A_739] : memref<1024x128xi32, #tpu.memory_space<hbm>> -> memref<8x128xi32, #tpu.memory_space<hbm>>
      tpu.enqueue_dma source(%dma_start3A_740 : memref<8x128xi32, #tpu.memory_space<hbm>>) target(%arg5 : memref<8x128xi32, #tpu.memory_space<vmem>>) target_semaphore(%run_scoped3A : memref<!tpu.dma_semaphore, #tpu.memory_space<semaphore_mem>>)
      %dma_wait3A_741 = arith.constant 0 : i32
      %dma_wait3A_742 = tpu.memref_slice %arg2[%select_n3A_204, %dma_wait3A_741] : memref<1024x128xi32, #tpu.memory_space<hbm>> -> memref<8x128xi32, #tpu.memory_space<hbm>>
      %dma_wait3A_743 = arith.constant 0 : i32
      %dma_wait3A_744 = tpu.memref_slice %arg2[%select_n3A_204, %dma_wait3A_743] : memref<1024x128xi32, #tpu.memory_space<hbm>> -> memref<8x128xi32, #tpu.memory_space<hbm>>
      tpu.wait_dma2 semaphore(%run_scoped3A : memref<!tpu.dma_semaphore, #tpu.memory_space<semaphore_mem>>) src(%dma_wait3A_744 : memref<8x128xi32, #tpu.memory_space<hbm>>) dst(%arg5 : memref<8x128xi32, #tpu.memory_space<vmem>>)
      tpu.yield
    }) : () -> ()
    %dma_start3A_205 = arith.constant 0 : i32
    %dma_start3A_206 = arith.constant 0 : i32
    %dma_start3A_207 = arith.constant 0 : i32
    %dma_start3A_208 = tpu.memref_slice %arg6[%dma_start3A_206, %dma_start3A_207] : memref<1024x64xf32, #tpu.memory_space<vmem>> -> memref<128x64xf32, #tpu.memory_space<vmem>>
    %dma_start3A_209 = arith.constant 0 : i32
    %dma_start3A_210 = tpu.memref_slice %arg5[%dma_start3A_205, %dma_start3A_209] : memref<8x128xi32, #tpu.memory_space<vmem>> -> memref<1x128xi32, #tpu.memory_space<vmem>>
    %dma_start3A_211 = tpu.memref_squeeze %dma_start3A_210 : memref<1x128xi32, #tpu.memory_space<vmem>> -> memref<128xi32, #tpu.memory_space<vmem>>
    %dma_start3A_212 = arith.constant 0 : i32
    %dma_start3A_213 = arith.constant 0 : i32
    %dma_start3A_214 = tpu.memref_slice %arg3[%dma_start3A_212, %dma_start3A_213] : memref<16384x64xf32, #tpu.memory_space<hbm>> -> memref<16384x64xf32, #tpu.memory_space<hbm>>
    tpu.enqueue_indirect_dma source(%dma_start3A_214 : memref<16384x64xf32, #tpu.memory_space<hbm>>) target(%dma_start3A_208 : memref<128x64xf32, #tpu.memory_space<vmem>>) offsets(%dma_start3A_211 : memref<128xi32, #tpu.memory_space<vmem>>) semaphore(%arg7 : memref<!tpu.dma_semaphore, #tpu.memory_space<semaphore_mem>>)
    %dma_start3A_215 = arith.constant 1 : i32
    %dma_start3A_216 = arith.constant 128 : i32
    %dma_start3A_217 = arith.constant 0 : i32
    %dma_start3A_218 = tpu.memref_slice %arg6[%dma_start3A_216, %dma_start3A_217] : memref<1024x64xf32, #tpu.memory_space<vmem>> -> memref<128x64xf32, #tpu.memory_space<vmem>>
    %dma_start3A_219 = arith.constant 0 : i32
    %dma_start3A_220 = tpu.memref_slice %arg5[%dma_start3A_215, %dma_start3A_219] : memref<8x128xi32, #tpu.memory_space<vmem>> -> memref<1x128xi32, #tpu.memory_space<vmem>>
    %dma_start3A_221 = tpu.memref_squeeze %dma_start3A_220 : memref<1x128xi32, #tpu.memory_space<vmem>> -> memref<128xi32, #tpu.memory_space<vmem>>
    %dma_start3A_222 = arith.constant 0 : i32
    %dma_start3A_223 = arith.constant 0 : i32
    %dma_start3A_224 = tpu.memref_slice %arg3[%dma_start3A_222, %dma_start3A_223] : memref<16384x64xf32, #tpu.memory_space<hbm>> -> memref<16384x64xf32, #tpu.memory_space<hbm>>
    tpu.enqueue_indirect_dma source(%dma_start3A_224 : memref<16384x64xf32, #tpu.memory_space<hbm>>) target(%dma_start3A_218 : memref<128x64xf32, #tpu.memory_space<vmem>>) offsets(%dma_start3A_221 : memref<128xi32, #tpu.memory_space<vmem>>) semaphore(%arg7 : memref<!tpu.dma_semaphore, #tpu.memory_space<semaphore_mem>>)
    %dma_start3A_225 = arith.constant 2 : i32
    %dma_start3A_226 = arith.constant 256 : i32
    %dma_start3A_227 = arith.constant 0 : i32
    %dma_start3A_228 = tpu.memref_slice %arg6[%dma_start3A_226, %dma_start3A_227] : memref<1024x64xf32, #tpu.memory_space<vmem>> -> memref<128x64xf32, #tpu.memory_space<vmem>>
    %dma_start3A_229 = arith.constant 0 : i32
    %dma_start3A_230 = tpu.memref_slice %arg5[%dma_start3A_225, %dma_start3A_229] : memref<8x128xi32, #tpu.memory_space<vmem>> -> memref<1x128xi32, #tpu.memory_space<vmem>>
    %dma_start3A_231 = tpu.memref_squeeze %dma_start3A_230 : memref<1x128xi32, #tpu.memory_space<vmem>> -> memref<128xi32, #tpu.memory_space<vmem>>
    %dma_start3A_232 = arith.constant 0 : i32
    %dma_start3A_233 = arith.constant 0 : i32
    %dma_start3A_234 = tpu.memref_slice %arg3[%dma_start3A_232, %dma_start3A_233] : memref<16384x64xf32, #tpu.memory_space<hbm>> -> memref<16384x64xf32, #tpu.memory_space<hbm>>
    tpu.enqueue_indirect_dma source(%dma_start3A_234 : memref<16384x64xf32, #tpu.memory_space<hbm>>) target(%dma_start3A_228 : memref<128x64xf32, #tpu.memory_space<vmem>>) offsets(%dma_start3A_231 : memref<128xi32, #tpu.memory_space<vmem>>) semaphore(%arg7 : memref<!tpu.dma_semaphore, #tpu.memory_space<semaphore_mem>>)
    %dma_start3A_235 = arith.constant 3 : i32
    %dma_start3A_236 = arith.constant 384 : i32
    %dma_start3A_237 = arith.constant 0 : i32
    %dma_start3A_238 = tpu.memref_slice %arg6[%dma_start3A_236, %dma_start3A_237] : memref<1024x64xf32, #tpu.memory_space<vmem>> -> memref<128x64xf32, #tpu.memory_space<vmem>>
    %dma_start3A_239 = arith.constant 0 : i32
    %dma_start3A_240 = tpu.memref_slice %arg5[%dma_start3A_235, %dma_start3A_239] : memref<8x128xi32, #tpu.memory_space<vmem>> -> memref<1x128xi32, #tpu.memory_space<vmem>>
    %dma_start3A_241 = tpu.memref_squeeze %dma_start3A_240 : memref<1x128xi32, #tpu.memory_space<vmem>> -> memref<128xi32, #tpu.memory_space<vmem>>
    %dma_start3A_242 = arith.constant 0 : i32
    %dma_start3A_243 = arith.constant 0 : i32
    %dma_start3A_244 = tpu.memref_slice %arg3[%dma_start3A_242, %dma_start3A_243] : memref<16384x64xf32, #tpu.memory_space<hbm>> -> memref<16384x64xf32, #tpu.memory_space<hbm>>
    tpu.enqueue_indirect_dma source(%dma_start3A_244 : memref<16384x64xf32, #tpu.memory_space<hbm>>) target(%dma_start3A_238 : memref<128x64xf32, #tpu.memory_space<vmem>>) offsets(%dma_start3A_241 : memref<128xi32, #tpu.memory_space<vmem>>) semaphore(%arg7 : memref<!tpu.dma_semaphore, #tpu.memory_space<semaphore_mem>>)
    %dma_start3A_245 = arith.constant 4 : i32
    %dma_start3A_246 = arith.constant 512 : i32
    %dma_start3A_247 = arith.constant 0 : i32
    %dma_start3A_248 = tpu.memref_slice %arg6[%dma_start3A_246, %dma_start3A_247] : memref<1024x64xf32, #tpu.memory_space<vmem>> -> memref<128x64xf32, #tpu.memory_space<vmem>>
    %dma_start3A_249 = arith.constant 0 : i32
    %dma_start3A_250 = tpu.memref_slice %arg5[%dma_start3A_245, %dma_start3A_249] : memref<8x128xi32, #tpu.memory_space<vmem>> -> memref<1x128xi32, #tpu.memory_space<vmem>>
    %dma_start3A_251 = tpu.memref_squeeze %dma_start3A_250 : memref<1x128xi32, #tpu.memory_space<vmem>> -> memref<128xi32, #tpu.memory_space<vmem>>
    %dma_start3A_252 = arith.constant 0 : i32
    %dma_start3A_253 = arith.constant 0 : i32
    %dma_start3A_254 = tpu.memref_slice %arg3[%dma_start3A_252, %dma_start3A_253] : memref<16384x64xf32, #tpu.memory_space<hbm>> -> memref<16384x64xf32, #tpu.memory_space<hbm>>
    tpu.enqueue_indirect_dma source(%dma_start3A_254 : memref<16384x64xf32, #tpu.memory_space<hbm>>) target(%dma_start3A_248 : memref<128x64xf32, #tpu.memory_space<vmem>>) offsets(%dma_start3A_251 : memref<128xi32, #tpu.memory_space<vmem>>) semaphore(%arg7 : memref<!tpu.dma_semaphore, #tpu.memory_space<semaphore_mem>>)
    %dma_start3A_255 = arith.constant 5 : i32
    %dma_start3A_256 = arith.constant 640 : i32
    %dma_start3A_257 = arith.constant 0 : i32
    %dma_start3A_258 = tpu.memref_slice %arg6[%dma_start3A_256, %dma_start3A_257] : memref<1024x64xf32, #tpu.memory_space<vmem>> -> memref<128x64xf32, #tpu.memory_space<vmem>>
    %dma_start3A_259 = arith.constant 0 : i32
    %dma_start3A_260 = tpu.memref_slice %arg5[%dma_start3A_255, %dma_start3A_259] : memref<8x128xi32, #tpu.memory_space<vmem>> -> memref<1x128xi32, #tpu.memory_space<vmem>>
    %dma_start3A_261 = tpu.memref_squeeze %dma_start3A_260 : memref<1x128xi32, #tpu.memory_space<vmem>> -> memref<128xi32, #tpu.memory_space<vmem>>
    %dma_start3A_262 = arith.constant 0 : i32
    %dma_start3A_263 = arith.constant 0 : i32
    %dma_start3A_264 = tpu.memref_slice %arg3[%dma_start3A_262, %dma_start3A_263] : memref<16384x64xf32, #tpu.memory_space<hbm>> -> memref<16384x64xf32, #tpu.memory_space<hbm>>
    tpu.enqueue_indirect_dma source(%dma_start3A_264 : memref<16384x64xf32, #tpu.memory_space<hbm>>) target(%dma_start3A_258 : memref<128x64xf32, #tpu.memory_space<vmem>>) offsets(%dma_start3A_261 : memref<128xi32, #tpu.memory_space<vmem>>) semaphore(%arg7 : memref<!tpu.dma_semaphore, #tpu.memory_space<semaphore_mem>>)
    %dma_start3A_265 = arith.constant 6 : i32
    %dma_start3A_266 = arith.constant 768 : i32
    %dma_start3A_267 = arith.constant 0 : i32
    %dma_start3A_268 = tpu.memref_slice %arg6[%dma_start3A_266, %dma_start3A_267] : memref<1024x64xf32, #tpu.memory_space<vmem>> -> memref<128x64xf32, #tpu.memory_space<vmem>>
    %dma_start3A_269 = arith.constant 0 : i32
    %dma_start3A_270 = tpu.memref_slice %arg5[%dma_start3A_265, %dma_start3A_269] : memref<8x128xi32, #tpu.memory_space<vmem>> -> memref<1x128xi32, #tpu.memory_space<vmem>>
    %dma_start3A_271 = tpu.memref_squeeze %dma_start3A_270 : memref<1x128xi32, #tpu.memory_space<vmem>> -> memref<128xi32, #tpu.memory_space<vmem>>
    %dma_start3A_272 = arith.constant 0 : i32
    %dma_start3A_273 = arith.constant 0 : i32
    %dma_start3A_274 = tpu.memref_slice %arg3[%dma_start3A_272, %dma_start3A_273] : memref<16384x64xf32, #tpu.memory_space<hbm>> -> memref<16384x64xf32, #tpu.memory_space<hbm>>
    tpu.enqueue_indirect_dma source(%dma_start3A_274 : memref<16384x64xf32, #tpu.memory_space<hbm>>) target(%dma_start3A_268 : memref<128x64xf32, #tpu.memory_space<vmem>>) offsets(%dma_start3A_271 : memref<128xi32, #tpu.memory_space<vmem>>) semaphore(%arg7 : memref<!tpu.dma_semaphore, #tpu.memory_space<semaphore_mem>>)
    %dma_start3A_275 = arith.constant 7 : i32
    %dma_start3A_276 = arith.constant 896 : i32
    %dma_start3A_277 = arith.constant 0 : i32
    %dma_start3A_278 = tpu.memref_slice %arg6[%dma_start3A_276, %dma_start3A_277] : memref<1024x64xf32, #tpu.memory_space<vmem>> -> memref<128x64xf32, #tpu.memory_space<vmem>>
    %dma_start3A_279 = arith.constant 0 : i32
    %dma_start3A_280 = tpu.memref_slice %arg5[%dma_start3A_275, %dma_start3A_279] : memref<8x128xi32, #tpu.memory_space<vmem>> -> memref<1x128xi32, #tpu.memory_space<vmem>>
    %dma_start3A_281 = tpu.memref_squeeze %dma_start3A_280 : memref<1x128xi32, #tpu.memory_space<vmem>> -> memref<128xi32, #tpu.memory_space<vmem>>
    %dma_start3A_282 = arith.constant 0 : i32
    %dma_start3A_283 = arith.constant 0 : i32
    %dma_start3A_284 = tpu.memref_slice %arg3[%dma_start3A_282, %dma_start3A_283] : memref<16384x64xf32, #tpu.memory_space<hbm>> -> memref<16384x64xf32, #tpu.memory_space<hbm>>
    tpu.enqueue_indirect_dma source(%dma_start3A_284 : memref<16384x64xf32, #tpu.memory_space<hbm>>) target(%dma_start3A_278 : memref<128x64xf32, #tpu.memory_space<vmem>>) offsets(%dma_start3A_281 : memref<128xi32, #tpu.memory_space<vmem>>) semaphore(%arg7 : memref<!tpu.dma_semaphore, #tpu.memory_space<semaphore_mem>>)
    %dma_wait3A_285 = arith.constant 0 : i32
    %dma_wait3A_286 = arith.constant 0 : i32
    %dma_wait3A_287 = arith.constant 0 : i32
    %dma_wait3A_288 = tpu.memref_slice %arg6[%dma_wait3A_286, %dma_wait3A_287] : memref<1024x64xf32, #tpu.memory_space<vmem>> -> memref<128x64xf32, #tpu.memory_space<vmem>>
    %dma_wait3A_289 = arith.constant 0 : i32
    %dma_wait3A_290 = tpu.memref_slice %arg5[%dma_wait3A_285, %dma_wait3A_289] : memref<8x128xi32, #tpu.memory_space<vmem>> -> memref<1x128xi32, #tpu.memory_space<vmem>>
    %dma_wait3A_291 = tpu.memref_squeeze %dma_wait3A_290 : memref<1x128xi32, #tpu.memory_space<vmem>> -> memref<128xi32, #tpu.memory_space<vmem>>
    %dma_wait3A_292 = arith.constant 0 : i32
    %dma_wait3A_293 = arith.constant 0 : i32
    %dma_wait3A_294 = tpu.memref_slice %arg3[%dma_wait3A_292, %dma_wait3A_293] : memref<16384x64xf32, #tpu.memory_space<hbm>> -> memref<16384x64xf32, #tpu.memory_space<hbm>>
    tpu.wait_indirect_dma semaphore(%arg7 : memref<!tpu.dma_semaphore, #tpu.memory_space<semaphore_mem>>) src(%dma_wait3A_294 : memref<16384x64xf32, #tpu.memory_space<hbm>>) dst(%dma_wait3A_288 : memref<128x64xf32, #tpu.memory_space<vmem>>)
    %dma_wait3A_295 = arith.constant 1 : i32
    %dma_wait3A_296 = arith.constant 128 : i32
    %dma_wait3A_297 = arith.constant 0 : i32
    %dma_wait3A_298 = tpu.memref_slice %arg6[%dma_wait3A_296, %dma_wait3A_297] : memref<1024x64xf32, #tpu.memory_space<vmem>> -> memref<128x64xf32, #tpu.memory_space<vmem>>
    %dma_wait3A_299 = arith.constant 0 : i32
    %dma_wait3A_300 = tpu.memref_slice %arg5[%dma_wait3A_295, %dma_wait3A_299] : memref<8x128xi32, #tpu.memory_space<vmem>> -> memref<1x128xi32, #tpu.memory_space<vmem>>
    %dma_wait3A_301 = tpu.memref_squeeze %dma_wait3A_300 : memref<1x128xi32, #tpu.memory_space<vmem>> -> memref<128xi32, #tpu.memory_space<vmem>>
    %dma_wait3A_302 = arith.constant 0 : i32
    %dma_wait3A_303 = arith.constant 0 : i32
    %dma_wait3A_304 = tpu.memref_slice %arg3[%dma_wait3A_302, %dma_wait3A_303] : memref<16384x64xf32, #tpu.memory_space<hbm>> -> memref<16384x64xf32, #tpu.memory_space<hbm>>
    tpu.wait_indirect_dma semaphore(%arg7 : memref<!tpu.dma_semaphore, #tpu.memory_space<semaphore_mem>>) src(%dma_wait3A_304 : memref<16384x64xf32, #tpu.memory_space<hbm>>) dst(%dma_wait3A_298 : memref<128x64xf32, #tpu.memory_space<vmem>>)
    %dma_wait3A_305 = arith.constant 2 : i32
    %dma_wait3A_306 = arith.constant 256 : i32
    %dma_wait3A_307 = arith.constant 0 : i32
    %dma_wait3A_308 = tpu.memref_slice %arg6[%dma_wait3A_306, %dma_wait3A_307] : memref<1024x64xf32, #tpu.memory_space<vmem>> -> memref<128x64xf32, #tpu.memory_space<vmem>>
    %dma_wait3A_309 = arith.constant 0 : i32
    %dma_wait3A_310 = tpu.memref_slice %arg5[%dma_wait3A_305, %dma_wait3A_309] : memref<8x128xi32, #tpu.memory_space<vmem>> -> memref<1x128xi32, #tpu.memory_space<vmem>>
    %dma_wait3A_311 = tpu.memref_squeeze %dma_wait3A_310 : memref<1x128xi32, #tpu.memory_space<vmem>> -> memref<128xi32, #tpu.memory_space<vmem>>
    %dma_wait3A_312 = arith.constant 0 : i32
    %dma_wait3A_313 = arith.constant 0 : i32
    %dma_wait3A_314 = tpu.memref_slice %arg3[%dma_wait3A_312, %dma_wait3A_313] : memref<16384x64xf32, #tpu.memory_space<hbm>> -> memref<16384x64xf32, #tpu.memory_space<hbm>>
    tpu.wait_indirect_dma semaphore(%arg7 : memref<!tpu.dma_semaphore, #tpu.memory_space<semaphore_mem>>) src(%dma_wait3A_314 : memref<16384x64xf32, #tpu.memory_space<hbm>>) dst(%dma_wait3A_308 : memref<128x64xf32, #tpu.memory_space<vmem>>)
    %dma_wait3A_315 = arith.constant 3 : i32
    %dma_wait3A_316 = arith.constant 384 : i32
    %dma_wait3A_317 = arith.constant 0 : i32
    %dma_wait3A_318 = tpu.memref_slice %arg6[%dma_wait3A_316, %dma_wait3A_317] : memref<1024x64xf32, #tpu.memory_space<vmem>> -> memref<128x64xf32, #tpu.memory_space<vmem>>
    %dma_wait3A_319 = arith.constant 0 : i32
    %dma_wait3A_320 = tpu.memref_slice %arg5[%dma_wait3A_315, %dma_wait3A_319] : memref<8x128xi32, #tpu.memory_space<vmem>> -> memref<1x128xi32, #tpu.memory_space<vmem>>
    %dma_wait3A_321 = tpu.memref_squeeze %dma_wait3A_320 : memref<1x128xi32, #tpu.memory_space<vmem>> -> memref<128xi32, #tpu.memory_space<vmem>>
    %dma_wait3A_322 = arith.constant 0 : i32
    %dma_wait3A_323 = arith.constant 0 : i32
    %dma_wait3A_324 = tpu.memref_slice %arg3[%dma_wait3A_322, %dma_wait3A_323] : memref<16384x64xf32, #tpu.memory_space<hbm>> -> memref<16384x64xf32, #tpu.memory_space<hbm>>
    tpu.wait_indirect_dma semaphore(%arg7 : memref<!tpu.dma_semaphore, #tpu.memory_space<semaphore_mem>>) src(%dma_wait3A_324 : memref<16384x64xf32, #tpu.memory_space<hbm>>) dst(%dma_wait3A_318 : memref<128x64xf32, #tpu.memory_space<vmem>>)
    %dma_wait3A_325 = arith.constant 4 : i32
    %dma_wait3A_326 = arith.constant 512 : i32
    %dma_wait3A_327 = arith.constant 0 : i32
    %dma_wait3A_328 = tpu.memref_slice %arg6[%dma_wait3A_326, %dma_wait3A_327] : memref<1024x64xf32, #tpu.memory_space<vmem>> -> memref<128x64xf32, #tpu.memory_space<vmem>>
    %dma_wait3A_329 = arith.constant 0 : i32
    %dma_wait3A_330 = tpu.memref_slice %arg5[%dma_wait3A_325, %dma_wait3A_329] : memref<8x128xi32, #tpu.memory_space<vmem>> -> memref<1x128xi32, #tpu.memory_space<vmem>>
    %dma_wait3A_331 = tpu.memref_squeeze %dma_wait3A_330 : memref<1x128xi32, #tpu.memory_space<vmem>> -> memref<128xi32, #tpu.memory_space<vmem>>
    %dma_wait3A_332 = arith.constant 0 : i32
    %dma_wait3A_333 = arith.constant 0 : i32
    %dma_wait3A_334 = tpu.memref_slice %arg3[%dma_wait3A_332, %dma_wait3A_333] : memref<16384x64xf32, #tpu.memory_space<hbm>> -> memref<16384x64xf32, #tpu.memory_space<hbm>>
    tpu.wait_indirect_dma semaphore(%arg7 : memref<!tpu.dma_semaphore, #tpu.memory_space<semaphore_mem>>) src(%dma_wait3A_334 : memref<16384x64xf32, #tpu.memory_space<hbm>>) dst(%dma_wait3A_328 : memref<128x64xf32, #tpu.memory_space<vmem>>)
    %dma_wait3A_335 = arith.constant 5 : i32
    %dma_wait3A_336 = arith.constant 640 : i32
    %dma_wait3A_337 = arith.constant 0 : i32
    %dma_wait3A_338 = tpu.memref_slice %arg6[%dma_wait3A_336, %dma_wait3A_337] : memref<1024x64xf32, #tpu.memory_space<vmem>> -> memref<128x64xf32, #tpu.memory_space<vmem>>
    %dma_wait3A_339 = arith.constant 0 : i32
    %dma_wait3A_340 = tpu.memref_slice %arg5[%dma_wait3A_335, %dma_wait3A_339] : memref<8x128xi32, #tpu.memory_space<vmem>> -> memref<1x128xi32, #tpu.memory_space<vmem>>
    %dma_wait3A_341 = tpu.memref_squeeze %dma_wait3A_340 : memref<1x128xi32, #tpu.memory_space<vmem>> -> memref<128xi32, #tpu.memory_space<vmem>>
    %dma_wait3A_342 = arith.constant 0 : i32
    %dma_wait3A_343 = arith.constant 0 : i32
    %dma_wait3A_344 = tpu.memref_slice %arg3[%dma_wait3A_342, %dma_wait3A_343] : memref<16384x64xf32, #tpu.memory_space<hbm>> -> memref<16384x64xf32, #tpu.memory_space<hbm>>
    tpu.wait_indirect_dma semaphore(%arg7 : memref<!tpu.dma_semaphore, #tpu.memory_space<semaphore_mem>>) src(%dma_wait3A_344 : memref<16384x64xf32, #tpu.memory_space<hbm>>) dst(%dma_wait3A_338 : memref<128x64xf32, #tpu.memory_space<vmem>>)
    %dma_wait3A_345 = arith.constant 6 : i32
    %dma_wait3A_346 = arith.constant 768 : i32
    %dma_wait3A_347 = arith.constant 0 : i32
    %dma_wait3A_348 = tpu.memref_slice %arg6[%dma_wait3A_346, %dma_wait3A_347] : memref<1024x64xf32, #tpu.memory_space<vmem>> -> memref<128x64xf32, #tpu.memory_space<vmem>>
    %dma_wait3A_349 = arith.constant 0 : i32
    %dma_wait3A_350 = tpu.memref_slice %arg5[%dma_wait3A_345, %dma_wait3A_349] : memref<8x128xi32, #tpu.memory_space<vmem>> -> memref<1x128xi32, #tpu.memory_space<vmem>>
    %dma_wait3A_351 = tpu.memref_squeeze %dma_wait3A_350 : memref<1x128xi32, #tpu.memory_space<vmem>> -> memref<128xi32, #tpu.memory_space<vmem>>
    %dma_wait3A_352 = arith.constant 0 : i32
    %dma_wait3A_353 = arith.constant 0 : i32
    %dma_wait3A_354 = tpu.memref_slice %arg3[%dma_wait3A_352, %dma_wait3A_353] : memref<16384x64xf32, #tpu.memory_space<hbm>> -> memref<16384x64xf32, #tpu.memory_space<hbm>>
    tpu.wait_indirect_dma semaphore(%arg7 : memref<!tpu.dma_semaphore, #tpu.memory_space<semaphore_mem>>) src(%dma_wait3A_354 : memref<16384x64xf32, #tpu.memory_space<hbm>>) dst(%dma_wait3A_348 : memref<128x64xf32, #tpu.memory_space<vmem>>)
    %dma_wait3A_355 = arith.constant 7 : i32
    %dma_wait3A_356 = arith.constant 896 : i32
    %dma_wait3A_357 = arith.constant 0 : i32
    %dma_wait3A_358 = tpu.memref_slice %arg6[%dma_wait3A_356, %dma_wait3A_357] : memref<1024x64xf32, #tpu.memory_space<vmem>> -> memref<128x64xf32, #tpu.memory_space<vmem>>
    %dma_wait3A_359 = arith.constant 0 : i32
    %dma_wait3A_360 = tpu.memref_slice %arg5[%dma_wait3A_355, %dma_wait3A_359] : memref<8x128xi32, #tpu.memory_space<vmem>> -> memref<1x128xi32, #tpu.memory_space<vmem>>
    %dma_wait3A_361 = tpu.memref_squeeze %dma_wait3A_360 : memref<1x128xi32, #tpu.memory_space<vmem>> -> memref<128xi32, #tpu.memory_space<vmem>>
    %dma_wait3A_362 = arith.constant 0 : i32
    %dma_wait3A_363 = arith.constant 0 : i32
    %dma_wait3A_364 = tpu.memref_slice %arg3[%dma_wait3A_362, %dma_wait3A_363] : memref<16384x64xf32, #tpu.memory_space<hbm>> -> memref<16384x64xf32, #tpu.memory_space<hbm>>
    tpu.wait_indirect_dma semaphore(%arg7 : memref<!tpu.dma_semaphore, #tpu.memory_space<semaphore_mem>>) src(%dma_wait3A_364 : memref<16384x64xf32, #tpu.memory_space<hbm>>) dst(%dma_wait3A_358 : memref<128x64xf32, #tpu.memory_space<vmem>>)
    "tpu.region"() ({
      %run_scoped3A = tpu.sem_alloc : memref<!tpu.dma_semaphore, #tpu.memory_space<semaphore_mem>>
      %dma_start3A_737 = arith.constant 0 : i32
      %dma_start3A_738 = tpu.memref_slice %arg4[%add3A_180, %dma_start3A_737] : memref<131072x64xf32, #tpu.memory_space<hbm>> -> memref<1024x64xf32, #tpu.memory_space<hbm>>
      %dma_start3A_739 = arith.constant 0 : i32
      %dma_start3A_740 = tpu.memref_slice %arg4[%add3A_180, %dma_start3A_739] : memref<131072x64xf32, #tpu.memory_space<hbm>> -> memref<1024x64xf32, #tpu.memory_space<hbm>>
      tpu.enqueue_dma source(%arg6 : memref<1024x64xf32, #tpu.memory_space<vmem>>) target(%dma_start3A_740 : memref<1024x64xf32, #tpu.memory_space<hbm>>) target_semaphore(%run_scoped3A : memref<!tpu.dma_semaphore, #tpu.memory_space<semaphore_mem>>)
      %dma_wait3A_741 = arith.constant 0 : i32
      %dma_wait3A_742 = tpu.memref_slice %arg4[%add3A_180, %dma_wait3A_741] : memref<131072x64xf32, #tpu.memory_space<hbm>> -> memref<1024x64xf32, #tpu.memory_space<hbm>>
      %dma_wait3A_743 = arith.constant 0 : i32
      %dma_wait3A_744 = tpu.memref_slice %arg4[%add3A_180, %dma_wait3A_743] : memref<131072x64xf32, #tpu.memory_space<hbm>> -> memref<1024x64xf32, #tpu.memory_space<hbm>>
      tpu.wait_dma2 semaphore(%run_scoped3A : memref<!tpu.dma_semaphore, #tpu.memory_space<semaphore_mem>>) src(%arg6 : memref<1024x64xf32, #tpu.memory_space<vmem>>) dst(%dma_wait3A_744 : memref<1024x64xf32, #tpu.memory_space<hbm>>)
      tpu.yield
    }) : () -> ()
    %add3A_365 = arith.constant 2048 : i32
    %add3A_366 = arith.addi %mul3A_2, %add3A_365 : i32
    %jit3A_367 = arith.constant 128 : i32
    %div3A_368 = arith.divsi %add3A_366, %jit3A_367 : i32
    %sign3A_369 = arith.constant 0 : i32
    %sign3A_370 = arith.cmpi sgt, %add3A_366, %sign3A_369 : i32
    %sign3A_371 = arith.extui %sign3A_370 : i1 to i32
    %sign3A_372 = arith.constant 0 : i32
    %sign3A_373 = arith.cmpi slt, %add3A_366, %sign3A_372 : i32
    %sign3A_374 = arith.extui %sign3A_373 : i1 to i32
    %sign3A_375 = arith.subi %sign3A_371, %sign3A_374 : i32
    %sign3A_376 = arith.constant 0 : i32
    %sign3A_377 = arith.cmpi sgt, %jit3A_367, %sign3A_376 : i32
    %sign3A_378 = arith.extui %sign3A_377 : i1 to i32
    %sign3A_379 = arith.constant 0 : i32
    %sign3A_380 = arith.cmpi slt, %jit3A_367, %sign3A_379 : i32
    %sign3A_381 = arith.extui %sign3A_380 : i1 to i32
    %sign3A_382 = arith.subi %sign3A_378, %sign3A_381 : i32
    %ne3A_383 = arith.cmpi ne, %sign3A_375, %sign3A_382 : i32
    %rem3A_384 = arith.remsi %add3A_366, %jit3A_367 : i32
    %ne3A_385 = arith.constant 0 : i32
    %ne3A_386 = arith.cmpi ne, %rem3A_384, %ne3A_385 : i32
    %and3A_387 = arith.andi %ne3A_383, %ne3A_386 : i1
    %sub3A_388 = arith.constant 1 : i32
    %sub3A_389 = arith.subi %div3A_368, %sub3A_388 : i32
    %select_n3A_390 = arith.select %and3A_387, %sub3A_389, %div3A_368 : i32
    "tpu.region"() ({
      %run_scoped3A = tpu.sem_alloc : memref<!tpu.dma_semaphore, #tpu.memory_space<semaphore_mem>>
      %dma_start3A_737 = arith.constant 0 : i32
      %dma_start3A_738 = tpu.memref_slice %arg2[%select_n3A_390, %dma_start3A_737] : memref<1024x128xi32, #tpu.memory_space<hbm>> -> memref<8x128xi32, #tpu.memory_space<hbm>>
      %dma_start3A_739 = arith.constant 0 : i32
      %dma_start3A_740 = tpu.memref_slice %arg2[%select_n3A_390, %dma_start3A_739] : memref<1024x128xi32, #tpu.memory_space<hbm>> -> memref<8x128xi32, #tpu.memory_space<hbm>>
      tpu.enqueue_dma source(%dma_start3A_740 : memref<8x128xi32, #tpu.memory_space<hbm>>) target(%arg5 : memref<8x128xi32, #tpu.memory_space<vmem>>) target_semaphore(%run_scoped3A : memref<!tpu.dma_semaphore, #tpu.memory_space<semaphore_mem>>)
      %dma_wait3A_741 = arith.constant 0 : i32
      %dma_wait3A_742 = tpu.memref_slice %arg2[%select_n3A_390, %dma_wait3A_741] : memref<1024x128xi32, #tpu.memory_space<hbm>> -> memref<8x128xi32, #tpu.memory_space<hbm>>
      %dma_wait3A_743 = arith.constant 0 : i32
      %dma_wait3A_744 = tpu.memref_slice %arg2[%select_n3A_390, %dma_wait3A_743] : memref<1024x128xi32, #tpu.memory_space<hbm>> -> memref<8x128xi32, #tpu.memory_space<hbm>>
      tpu.wait_dma2 semaphore(%run_scoped3A : memref<!tpu.dma_semaphore, #tpu.memory_space<semaphore_mem>>) src(%dma_wait3A_744 : memref<8x128xi32, #tpu.memory_space<hbm>>) dst(%arg5 : memref<8x128xi32, #tpu.memory_space<vmem>>)
      tpu.yield
    }) : () -> ()
    %dma_start3A_391 = arith.constant 0 : i32
    %dma_start3A_392 = arith.constant 0 : i32
    %dma_start3A_393 = arith.constant 0 : i32
    %dma_start3A_394 = tpu.memref_slice %arg6[%dma_start3A_392, %dma_start3A_393] : memref<1024x64xf32, #tpu.memory_space<vmem>> -> memref<128x64xf32, #tpu.memory_space<vmem>>
    %dma_start3A_395 = arith.constant 0 : i32
    %dma_start3A_396 = tpu.memref_slice %arg5[%dma_start3A_391, %dma_start3A_395] : memref<8x128xi32, #tpu.memory_space<vmem>> -> memref<1x128xi32, #tpu.memory_space<vmem>>
    %dma_start3A_397 = tpu.memref_squeeze %dma_start3A_396 : memref<1x128xi32, #tpu.memory_space<vmem>> -> memref<128xi32, #tpu.memory_space<vmem>>
    %dma_start3A_398 = arith.constant 0 : i32
    %dma_start3A_399 = arith.constant 0 : i32
    %dma_start3A_400 = tpu.memref_slice %arg3[%dma_start3A_398, %dma_start3A_399] : memref<16384x64xf32, #tpu.memory_space<hbm>> -> memref<16384x64xf32, #tpu.memory_space<hbm>>
    tpu.enqueue_indirect_dma source(%dma_start3A_400 : memref<16384x64xf32, #tpu.memory_space<hbm>>) target(%dma_start3A_394 : memref<128x64xf32, #tpu.memory_space<vmem>>) offsets(%dma_start3A_397 : memref<128xi32, #tpu.memory_space<vmem>>) semaphore(%arg7 : memref<!tpu.dma_semaphore, #tpu.memory_space<semaphore_mem>>)
    %dma_start3A_401 = arith.constant 1 : i32
    %dma_start3A_402 = arith.constant 128 : i32
    %dma_start3A_403 = arith.constant 0 : i32
    %dma_start3A_404 = tpu.memref_slice %arg6[%dma_start3A_402, %dma_start3A_403] : memref<1024x64xf32, #tpu.memory_space<vmem>> -> memref<128x64xf32, #tpu.memory_space<vmem>>
    %dma_start3A_405 = arith.constant 0 : i32
    %dma_start3A_406 = tpu.memref_slice %arg5[%dma_start3A_401, %dma_start3A_405] : memref<8x128xi32, #tpu.memory_space<vmem>> -> memref<1x128xi32, #tpu.memory_space<vmem>>
    %dma_start3A_407 = tpu.memref_squeeze %dma_start3A_406 : memref<1x128xi32, #tpu.memory_space<vmem>> -> memref<128xi32, #tpu.memory_space<vmem>>
    %dma_start3A_408 = arith.constant 0 : i32
    %dma_start3A_409 = arith.constant 0 : i32
    %dma_start3A_410 = tpu.memref_slice %arg3[%dma_start3A_408, %dma_start3A_409] : memref<16384x64xf32, #tpu.memory_space<hbm>> -> memref<16384x64xf32, #tpu.memory_space<hbm>>
    tpu.enqueue_indirect_dma source(%dma_start3A_410 : memref<16384x64xf32, #tpu.memory_space<hbm>>) target(%dma_start3A_404 : memref<128x64xf32, #tpu.memory_space<vmem>>) offsets(%dma_start3A_407 : memref<128xi32, #tpu.memory_space<vmem>>) semaphore(%arg7 : memref<!tpu.dma_semaphore, #tpu.memory_space<semaphore_mem>>)
    %dma_start3A_411 = arith.constant 2 : i32
    %dma_start3A_412 = arith.constant 256 : i32
    %dma_start3A_413 = arith.constant 0 : i32
    %dma_start3A_414 = tpu.memref_slice %arg6[%dma_start3A_412, %dma_start3A_413] : memref<1024x64xf32, #tpu.memory_space<vmem>> -> memref<128x64xf32, #tpu.memory_space<vmem>>
    %dma_start3A_415 = arith.constant 0 : i32
    %dma_start3A_416 = tpu.memref_slice %arg5[%dma_start3A_411, %dma_start3A_415] : memref<8x128xi32, #tpu.memory_space<vmem>> -> memref<1x128xi32, #tpu.memory_space<vmem>>
    %dma_start3A_417 = tpu.memref_squeeze %dma_start3A_416 : memref<1x128xi32, #tpu.memory_space<vmem>> -> memref<128xi32, #tpu.memory_space<vmem>>
    %dma_start3A_418 = arith.constant 0 : i32
    %dma_start3A_419 = arith.constant 0 : i32
    %dma_start3A_420 = tpu.memref_slice %arg3[%dma_start3A_418, %dma_start3A_419] : memref<16384x64xf32, #tpu.memory_space<hbm>> -> memref<16384x64xf32, #tpu.memory_space<hbm>>
    tpu.enqueue_indirect_dma source(%dma_start3A_420 : memref<16384x64xf32, #tpu.memory_space<hbm>>) target(%dma_start3A_414 : memref<128x64xf32, #tpu.memory_space<vmem>>) offsets(%dma_start3A_417 : memref<128xi32, #tpu.memory_space<vmem>>) semaphore(%arg7 : memref<!tpu.dma_semaphore, #tpu.memory_space<semaphore_mem>>)
    %dma_start3A_421 = arith.constant 3 : i32
    %dma_start3A_422 = arith.constant 384 : i32
    %dma_start3A_423 = arith.constant 0 : i32
    %dma_start3A_424 = tpu.memref_slice %arg6[%dma_start3A_422, %dma_start3A_423] : memref<1024x64xf32, #tpu.memory_space<vmem>> -> memref<128x64xf32, #tpu.memory_space<vmem>>
    %dma_start3A_425 = arith.constant 0 : i32
    %dma_start3A_426 = tpu.memref_slice %arg5[%dma_start3A_421, %dma_start3A_425] : memref<8x128xi32, #tpu.memory_space<vmem>> -> memref<1x128xi32, #tpu.memory_space<vmem>>
    %dma_start3A_427 = tpu.memref_squeeze %dma_start3A_426 : memref<1x128xi32, #tpu.memory_space<vmem>> -> memref<128xi32, #tpu.memory_space<vmem>>
    %dma_start3A_428 = arith.constant 0 : i32
    %dma_start3A_429 = arith.constant 0 : i32
    %dma_start3A_430 = tpu.memref_slice %arg3[%dma_start3A_428, %dma_start3A_429] : memref<16384x64xf32, #tpu.memory_space<hbm>> -> memref<16384x64xf32, #tpu.memory_space<hbm>>
    tpu.enqueue_indirect_dma source(%dma_start3A_430 : memref<16384x64xf32, #tpu.memory_space<hbm>>) target(%dma_start3A_424 : memref<128x64xf32, #tpu.memory_space<vmem>>) offsets(%dma_start3A_427 : memref<128xi32, #tpu.memory_space<vmem>>) semaphore(%arg7 : memref<!tpu.dma_semaphore, #tpu.memory_space<semaphore_mem>>)
    %dma_start3A_431 = arith.constant 4 : i32
    %dma_start3A_432 = arith.constant 512 : i32
    %dma_start3A_433 = arith.constant 0 : i32
    %dma_start3A_434 = tpu.memref_slice %arg6[%dma_start3A_432, %dma_start3A_433] : memref<1024x64xf32, #tpu.memory_space<vmem>> -> memref<128x64xf32, #tpu.memory_space<vmem>>
    %dma_start3A_435 = arith.constant 0 : i32
    %dma_start3A_436 = tpu.memref_slice %arg5[%dma_start3A_431, %dma_start3A_435] : memref<8x128xi32, #tpu.memory_space<vmem>> -> memref<1x128xi32, #tpu.memory_space<vmem>>
    %dma_start3A_437 = tpu.memref_squeeze %dma_start3A_436 : memref<1x128xi32, #tpu.memory_space<vmem>> -> memref<128xi32, #tpu.memory_space<vmem>>
    %dma_start3A_438 = arith.constant 0 : i32
    %dma_start3A_439 = arith.constant 0 : i32
    %dma_start3A_440 = tpu.memref_slice %arg3[%dma_start3A_438, %dma_start3A_439] : memref<16384x64xf32, #tpu.memory_space<hbm>> -> memref<16384x64xf32, #tpu.memory_space<hbm>>
    tpu.enqueue_indirect_dma source(%dma_start3A_440 : memref<16384x64xf32, #tpu.memory_space<hbm>>) target(%dma_start3A_434 : memref<128x64xf32, #tpu.memory_space<vmem>>) offsets(%dma_start3A_437 : memref<128xi32, #tpu.memory_space<vmem>>) semaphore(%arg7 : memref<!tpu.dma_semaphore, #tpu.memory_space<semaphore_mem>>)
    %dma_start3A_441 = arith.constant 5 : i32
    %dma_start3A_442 = arith.constant 640 : i32
    %dma_start3A_443 = arith.constant 0 : i32
    %dma_start3A_444 = tpu.memref_slice %arg6[%dma_start3A_442, %dma_start3A_443] : memref<1024x64xf32, #tpu.memory_space<vmem>> -> memref<128x64xf32, #tpu.memory_space<vmem>>
    %dma_start3A_445 = arith.constant 0 : i32
    %dma_start3A_446 = tpu.memref_slice %arg5[%dma_start3A_441, %dma_start3A_445] : memref<8x128xi32, #tpu.memory_space<vmem>> -> memref<1x128xi32, #tpu.memory_space<vmem>>
    %dma_start3A_447 = tpu.memref_squeeze %dma_start3A_446 : memref<1x128xi32, #tpu.memory_space<vmem>> -> memref<128xi32, #tpu.memory_space<vmem>>
    %dma_start3A_448 = arith.constant 0 : i32
    %dma_start3A_449 = arith.constant 0 : i32
    %dma_start3A_450 = tpu.memref_slice %arg3[%dma_start3A_448, %dma_start3A_449] : memref<16384x64xf32, #tpu.memory_space<hbm>> -> memref<16384x64xf32, #tpu.memory_space<hbm>>
    tpu.enqueue_indirect_dma source(%dma_start3A_450 : memref<16384x64xf32, #tpu.memory_space<hbm>>) target(%dma_start3A_444 : memref<128x64xf32, #tpu.memory_space<vmem>>) offsets(%dma_start3A_447 : memref<128xi32, #tpu.memory_space<vmem>>) semaphore(%arg7 : memref<!tpu.dma_semaphore, #tpu.memory_space<semaphore_mem>>)
    %dma_start3A_451 = arith.constant 6 : i32
    %dma_start3A_452 = arith.constant 768 : i32
    %dma_start3A_453 = arith.constant 0 : i32
    %dma_start3A_454 = tpu.memref_slice %arg6[%dma_start3A_452, %dma_start3A_453] : memref<1024x64xf32, #tpu.memory_space<vmem>> -> memref<128x64xf32, #tpu.memory_space<vmem>>
    %dma_start3A_455 = arith.constant 0 : i32
    %dma_start3A_456 = tpu.memref_slice %arg5[%dma_start3A_451, %dma_start3A_455] : memref<8x128xi32, #tpu.memory_space<vmem>> -> memref<1x128xi32, #tpu.memory_space<vmem>>
    %dma_start3A_457 = tpu.memref_squeeze %dma_start3A_456 : memref<1x128xi32, #tpu.memory_space<vmem>> -> memref<128xi32, #tpu.memory_space<vmem>>
    %dma_start3A_458 = arith.constant 0 : i32
    %dma_start3A_459 = arith.constant 0 : i32
    %dma_start3A_460 = tpu.memref_slice %arg3[%dma_start3A_458, %dma_start3A_459] : memref<16384x64xf32, #tpu.memory_space<hbm>> -> memref<16384x64xf32, #tpu.memory_space<hbm>>
    tpu.enqueue_indirect_dma source(%dma_start3A_460 : memref<16384x64xf32, #tpu.memory_space<hbm>>) target(%dma_start3A_454 : memref<128x64xf32, #tpu.memory_space<vmem>>) offsets(%dma_start3A_457 : memref<128xi32, #tpu.memory_space<vmem>>) semaphore(%arg7 : memref<!tpu.dma_semaphore, #tpu.memory_space<semaphore_mem>>)
    %dma_start3A_461 = arith.constant 7 : i32
    %dma_start3A_462 = arith.constant 896 : i32
    %dma_start3A_463 = arith.constant 0 : i32
    %dma_start3A_464 = tpu.memref_slice %arg6[%dma_start3A_462, %dma_start3A_463] : memref<1024x64xf32, #tpu.memory_space<vmem>> -> memref<128x64xf32, #tpu.memory_space<vmem>>
    %dma_start3A_465 = arith.constant 0 : i32
    %dma_start3A_466 = tpu.memref_slice %arg5[%dma_start3A_461, %dma_start3A_465] : memref<8x128xi32, #tpu.memory_space<vmem>> -> memref<1x128xi32, #tpu.memory_space<vmem>>
    %dma_start3A_467 = tpu.memref_squeeze %dma_start3A_466 : memref<1x128xi32, #tpu.memory_space<vmem>> -> memref<128xi32, #tpu.memory_space<vmem>>
    %dma_start3A_468 = arith.constant 0 : i32
    %dma_start3A_469 = arith.constant 0 : i32
    %dma_start3A_470 = tpu.memref_slice %arg3[%dma_start3A_468, %dma_start3A_469] : memref<16384x64xf32, #tpu.memory_space<hbm>> -> memref<16384x64xf32, #tpu.memory_space<hbm>>
    tpu.enqueue_indirect_dma source(%dma_start3A_470 : memref<16384x64xf32, #tpu.memory_space<hbm>>) target(%dma_start3A_464 : memref<128x64xf32, #tpu.memory_space<vmem>>) offsets(%dma_start3A_467 : memref<128xi32, #tpu.memory_space<vmem>>) semaphore(%arg7 : memref<!tpu.dma_semaphore, #tpu.memory_space<semaphore_mem>>)
    %dma_wait3A_471 = arith.constant 0 : i32
    %dma_wait3A_472 = arith.constant 0 : i32
    %dma_wait3A_473 = arith.constant 0 : i32
    %dma_wait3A_474 = tpu.memref_slice %arg6[%dma_wait3A_472, %dma_wait3A_473] : memref<1024x64xf32, #tpu.memory_space<vmem>> -> memref<128x64xf32, #tpu.memory_space<vmem>>
    %dma_wait3A_475 = arith.constant 0 : i32
    %dma_wait3A_476 = tpu.memref_slice %arg5[%dma_wait3A_471, %dma_wait3A_475] : memref<8x128xi32, #tpu.memory_space<vmem>> -> memref<1x128xi32, #tpu.memory_space<vmem>>
    %dma_wait3A_477 = tpu.memref_squeeze %dma_wait3A_476 : memref<1x128xi32, #tpu.memory_space<vmem>> -> memref<128xi32, #tpu.memory_space<vmem>>
    %dma_wait3A_478 = arith.constant 0 : i32
    %dma_wait3A_479 = arith.constant 0 : i32
    %dma_wait3A_480 = tpu.memref_slice %arg3[%dma_wait3A_478, %dma_wait3A_479] : memref<16384x64xf32, #tpu.memory_space<hbm>> -> memref<16384x64xf32, #tpu.memory_space<hbm>>
    tpu.wait_indirect_dma semaphore(%arg7 : memref<!tpu.dma_semaphore, #tpu.memory_space<semaphore_mem>>) src(%dma_wait3A_480 : memref<16384x64xf32, #tpu.memory_space<hbm>>) dst(%dma_wait3A_474 : memref<128x64xf32, #tpu.memory_space<vmem>>)
    %dma_wait3A_481 = arith.constant 1 : i32
    %dma_wait3A_482 = arith.constant 128 : i32
    %dma_wait3A_483 = arith.constant 0 : i32
    %dma_wait3A_484 = tpu.memref_slice %arg6[%dma_wait3A_482, %dma_wait3A_483] : memref<1024x64xf32, #tpu.memory_space<vmem>> -> memref<128x64xf32, #tpu.memory_space<vmem>>
    %dma_wait3A_485 = arith.constant 0 : i32
    %dma_wait3A_486 = tpu.memref_slice %arg5[%dma_wait3A_481, %dma_wait3A_485] : memref<8x128xi32, #tpu.memory_space<vmem>> -> memref<1x128xi32, #tpu.memory_space<vmem>>
    %dma_wait3A_487 = tpu.memref_squeeze %dma_wait3A_486 : memref<1x128xi32, #tpu.memory_space<vmem>> -> memref<128xi32, #tpu.memory_space<vmem>>
    %dma_wait3A_488 = arith.constant 0 : i32
    %dma_wait3A_489 = arith.constant 0 : i32
    %dma_wait3A_490 = tpu.memref_slice %arg3[%dma_wait3A_488, %dma_wait3A_489] : memref<16384x64xf32, #tpu.memory_space<hbm>> -> memref<16384x64xf32, #tpu.memory_space<hbm>>
    tpu.wait_indirect_dma semaphore(%arg7 : memref<!tpu.dma_semaphore, #tpu.memory_space<semaphore_mem>>) src(%dma_wait3A_490 : memref<16384x64xf32, #tpu.memory_space<hbm>>) dst(%dma_wait3A_484 : memref<128x64xf32, #tpu.memory_space<vmem>>)
    %dma_wait3A_491 = arith.constant 2 : i32
    %dma_wait3A_492 = arith.constant 256 : i32
    %dma_wait3A_493 = arith.constant 0 : i32
    %dma_wait3A_494 = tpu.memref_slice %arg6[%dma_wait3A_492, %dma_wait3A_493] : memref<1024x64xf32, #tpu.memory_space<vmem>> -> memref<128x64xf32, #tpu.memory_space<vmem>>
    %dma_wait3A_495 = arith.constant 0 : i32
    %dma_wait3A_496 = tpu.memref_slice %arg5[%dma_wait3A_491, %dma_wait3A_495] : memref<8x128xi32, #tpu.memory_space<vmem>> -> memref<1x128xi32, #tpu.memory_space<vmem>>
    %dma_wait3A_497 = tpu.memref_squeeze %dma_wait3A_496 : memref<1x128xi32, #tpu.memory_space<vmem>> -> memref<128xi32, #tpu.memory_space<vmem>>
    %dma_wait3A_498 = arith.constant 0 : i32
    %dma_wait3A_499 = arith.constant 0 : i32
    %dma_wait3A_500 = tpu.memref_slice %arg3[%dma_wait3A_498, %dma_wait3A_499] : memref<16384x64xf32, #tpu.memory_space<hbm>> -> memref<16384x64xf32, #tpu.memory_space<hbm>>
    tpu.wait_indirect_dma semaphore(%arg7 : memref<!tpu.dma_semaphore, #tpu.memory_space<semaphore_mem>>) src(%dma_wait3A_500 : memref<16384x64xf32, #tpu.memory_space<hbm>>) dst(%dma_wait3A_494 : memref<128x64xf32, #tpu.memory_space<vmem>>)
    %dma_wait3A_501 = arith.constant 3 : i32
    %dma_wait3A_502 = arith.constant 384 : i32
    %dma_wait3A_503 = arith.constant 0 : i32
    %dma_wait3A_504 = tpu.memref_slice %arg6[%dma_wait3A_502, %dma_wait3A_503] : memref<1024x64xf32, #tpu.memory_space<vmem>> -> memref<128x64xf32, #tpu.memory_space<vmem>>
    %dma_wait3A_505 = arith.constant 0 : i32
    %dma_wait3A_506 = tpu.memref_slice %arg5[%dma_wait3A_501, %dma_wait3A_505] : memref<8x128xi32, #tpu.memory_space<vmem>> -> memref<1x128xi32, #tpu.memory_space<vmem>>
    %dma_wait3A_507 = tpu.memref_squeeze %dma_wait3A_506 : memref<1x128xi32, #tpu.memory_space<vmem>> -> memref<128xi32, #tpu.memory_space<vmem>>
    %dma_wait3A_508 = arith.constant 0 : i32
    %dma_wait3A_509 = arith.constant 0 : i32
    %dma_wait3A_510 = tpu.memref_slice %arg3[%dma_wait3A_508, %dma_wait3A_509] : memref<16384x64xf32, #tpu.memory_space<hbm>> -> memref<16384x64xf32, #tpu.memory_space<hbm>>
    tpu.wait_indirect_dma semaphore(%arg7 : memref<!tpu.dma_semaphore, #tpu.memory_space<semaphore_mem>>) src(%dma_wait3A_510 : memref<16384x64xf32, #tpu.memory_space<hbm>>) dst(%dma_wait3A_504 : memref<128x64xf32, #tpu.memory_space<vmem>>)
    %dma_wait3A_511 = arith.constant 4 : i32
    %dma_wait3A_512 = arith.constant 512 : i32
    %dma_wait3A_513 = arith.constant 0 : i32
    %dma_wait3A_514 = tpu.memref_slice %arg6[%dma_wait3A_512, %dma_wait3A_513] : memref<1024x64xf32, #tpu.memory_space<vmem>> -> memref<128x64xf32, #tpu.memory_space<vmem>>
    %dma_wait3A_515 = arith.constant 0 : i32
    %dma_wait3A_516 = tpu.memref_slice %arg5[%dma_wait3A_511, %dma_wait3A_515] : memref<8x128xi32, #tpu.memory_space<vmem>> -> memref<1x128xi32, #tpu.memory_space<vmem>>
    %dma_wait3A_517 = tpu.memref_squeeze %dma_wait3A_516 : memref<1x128xi32, #tpu.memory_space<vmem>> -> memref<128xi32, #tpu.memory_space<vmem>>
    %dma_wait3A_518 = arith.constant 0 : i32
    %dma_wait3A_519 = arith.constant 0 : i32
    %dma_wait3A_520 = tpu.memref_slice %arg3[%dma_wait3A_518, %dma_wait3A_519] : memref<16384x64xf32, #tpu.memory_space<hbm>> -> memref<16384x64xf32, #tpu.memory_space<hbm>>
    tpu.wait_indirect_dma semaphore(%arg7 : memref<!tpu.dma_semaphore, #tpu.memory_space<semaphore_mem>>) src(%dma_wait3A_520 : memref<16384x64xf32, #tpu.memory_space<hbm>>) dst(%dma_wait3A_514 : memref<128x64xf32, #tpu.memory_space<vmem>>)
    %dma_wait3A_521 = arith.constant 5 : i32
    %dma_wait3A_522 = arith.constant 640 : i32
    %dma_wait3A_523 = arith.constant 0 : i32
    %dma_wait3A_524 = tpu.memref_slice %arg6[%dma_wait3A_522, %dma_wait3A_523] : memref<1024x64xf32, #tpu.memory_space<vmem>> -> memref<128x64xf32, #tpu.memory_space<vmem>>
    %dma_wait3A_525 = arith.constant 0 : i32
    %dma_wait3A_526 = tpu.memref_slice %arg5[%dma_wait3A_521, %dma_wait3A_525] : memref<8x128xi32, #tpu.memory_space<vmem>> -> memref<1x128xi32, #tpu.memory_space<vmem>>
    %dma_wait3A_527 = tpu.memref_squeeze %dma_wait3A_526 : memref<1x128xi32, #tpu.memory_space<vmem>> -> memref<128xi32, #tpu.memory_space<vmem>>
    %dma_wait3A_528 = arith.constant 0 : i32
    %dma_wait3A_529 = arith.constant 0 : i32
    %dma_wait3A_530 = tpu.memref_slice %arg3[%dma_wait3A_528, %dma_wait3A_529] : memref<16384x64xf32, #tpu.memory_space<hbm>> -> memref<16384x64xf32, #tpu.memory_space<hbm>>
    tpu.wait_indirect_dma semaphore(%arg7 : memref<!tpu.dma_semaphore, #tpu.memory_space<semaphore_mem>>) src(%dma_wait3A_530 : memref<16384x64xf32, #tpu.memory_space<hbm>>) dst(%dma_wait3A_524 : memref<128x64xf32, #tpu.memory_space<vmem>>)
    %dma_wait3A_531 = arith.constant 6 : i32
    %dma_wait3A_532 = arith.constant 768 : i32
    %dma_wait3A_533 = arith.constant 0 : i32
    %dma_wait3A_534 = tpu.memref_slice %arg6[%dma_wait3A_532, %dma_wait3A_533] : memref<1024x64xf32, #tpu.memory_space<vmem>> -> memref<128x64xf32, #tpu.memory_space<vmem>>
    %dma_wait3A_535 = arith.constant 0 : i32
    %dma_wait3A_536 = tpu.memref_slice %arg5[%dma_wait3A_531, %dma_wait3A_535] : memref<8x128xi32, #tpu.memory_space<vmem>> -> memref<1x128xi32, #tpu.memory_space<vmem>>
    %dma_wait3A_537 = tpu.memref_squeeze %dma_wait3A_536 : memref<1x128xi32, #tpu.memory_space<vmem>> -> memref<128xi32, #tpu.memory_space<vmem>>
    %dma_wait3A_538 = arith.constant 0 : i32
    %dma_wait3A_539 = arith.constant 0 : i32
    %dma_wait3A_540 = tpu.memref_slice %arg3[%dma_wait3A_538, %dma_wait3A_539] : memref<16384x64xf32, #tpu.memory_space<hbm>> -> memref<16384x64xf32, #tpu.memory_space<hbm>>
    tpu.wait_indirect_dma semaphore(%arg7 : memref<!tpu.dma_semaphore, #tpu.memory_space<semaphore_mem>>) src(%dma_wait3A_540 : memref<16384x64xf32, #tpu.memory_space<hbm>>) dst(%dma_wait3A_534 : memref<128x64xf32, #tpu.memory_space<vmem>>)
    %dma_wait3A_541 = arith.constant 7 : i32
    %dma_wait3A_542 = arith.constant 896 : i32
    %dma_wait3A_543 = arith.constant 0 : i32
    %dma_wait3A_544 = tpu.memref_slice %arg6[%dma_wait3A_542, %dma_wait3A_543] : memref<1024x64xf32, #tpu.memory_space<vmem>> -> memref<128x64xf32, #tpu.memory_space<vmem>>
    %dma_wait3A_545 = arith.constant 0 : i32
    %dma_wait3A_546 = tpu.memref_slice %arg5[%dma_wait3A_541, %dma_wait3A_545] : memref<8x128xi32, #tpu.memory_space<vmem>> -> memref<1x128xi32, #tpu.memory_space<vmem>>
    %dma_wait3A_547 = tpu.memref_squeeze %dma_wait3A_546 : memref<1x128xi32, #tpu.memory_space<vmem>> -> memref<128xi32, #tpu.memory_space<vmem>>
    %dma_wait3A_548 = arith.constant 0 : i32
    %dma_wait3A_549 = arith.constant 0 : i32
    %dma_wait3A_550 = tpu.memref_slice %arg3[%dma_wait3A_548, %dma_wait3A_549] : memref<16384x64xf32, #tpu.memory_space<hbm>> -> memref<16384x64xf32, #tpu.memory_space<hbm>>
    tpu.wait_indirect_dma semaphore(%arg7 : memref<!tpu.dma_semaphore, #tpu.memory_space<semaphore_mem>>) src(%dma_wait3A_550 : memref<16384x64xf32, #tpu.memory_space<hbm>>) dst(%dma_wait3A_544 : memref<128x64xf32, #tpu.memory_space<vmem>>)
    "tpu.region"() ({
      %run_scoped3A = tpu.sem_alloc : memref<!tpu.dma_semaphore, #tpu.memory_space<semaphore_mem>>
      %dma_start3A_737 = arith.constant 0 : i32
      %dma_start3A_738 = tpu.memref_slice %arg4[%add3A_366, %dma_start3A_737] : memref<131072x64xf32, #tpu.memory_space<hbm>> -> memref<1024x64xf32, #tpu.memory_space<hbm>>
      %dma_start3A_739 = arith.constant 0 : i32
      %dma_start3A_740 = tpu.memref_slice %arg4[%add3A_366, %dma_start3A_739] : memref<131072x64xf32, #tpu.memory_space<hbm>> -> memref<1024x64xf32, #tpu.memory_space<hbm>>
      tpu.enqueue_dma source(%arg6 : memref<1024x64xf32, #tpu.memory_space<vmem>>) target(%dma_start3A_740 : memref<1024x64xf32, #tpu.memory_space<hbm>>) target_semaphore(%run_scoped3A : memref<!tpu.dma_semaphore, #tpu.memory_space<semaphore_mem>>)
      %dma_wait3A_741 = arith.constant 0 : i32
      %dma_wait3A_742 = tpu.memref_slice %arg4[%add3A_366, %dma_wait3A_741] : memref<131072x64xf32, #tpu.memory_space<hbm>> -> memref<1024x64xf32, #tpu.memory_space<hbm>>
      %dma_wait3A_743 = arith.constant 0 : i32
      %dma_wait3A_744 = tpu.memref_slice %arg4[%add3A_366, %dma_wait3A_743] : memref<131072x64xf32, #tpu.memory_space<hbm>> -> memref<1024x64xf32, #tpu.memory_space<hbm>>
      tpu.wait_dma2 semaphore(%run_scoped3A : memref<!tpu.dma_semaphore, #tpu.memory_space<semaphore_mem>>) src(%arg6 : memref<1024x64xf32, #tpu.memory_space<vmem>>) dst(%dma_wait3A_744 : memref<1024x64xf32, #tpu.memory_space<hbm>>)
      tpu.yield
    }) : () -> ()
    %add3A_551 = arith.constant 3072 : i32
    %add3A_552 = arith.addi %mul3A_2, %add3A_551 : i32
    %jit3A_553 = arith.constant 128 : i32
    %div3A_554 = arith.divsi %add3A_552, %jit3A_553 : i32
    %sign3A_555 = arith.constant 0 : i32
    %sign3A_556 = arith.cmpi sgt, %add3A_552, %sign3A_555 : i32
    %sign3A_557 = arith.extui %sign3A_556 : i1 to i32
    %sign3A_558 = arith.constant 0 : i32
    %sign3A_559 = arith.cmpi slt, %add3A_552, %sign3A_558 : i32
    %sign3A_560 = arith.extui %sign3A_559 : i1 to i32
    %sign3A_561 = arith.subi %sign3A_557, %sign3A_560 : i32
    %sign3A_562 = arith.constant 0 : i32
    %sign3A_563 = arith.cmpi sgt, %jit3A_553, %sign3A_562 : i32
    %sign3A_564 = arith.extui %sign3A_563 : i1 to i32
    %sign3A_565 = arith.constant 0 : i32
    %sign3A_566 = arith.cmpi slt, %jit3A_553, %sign3A_565 : i32
    %sign3A_567 = arith.extui %sign3A_566 : i1 to i32
    %sign3A_568 = arith.subi %sign3A_564, %sign3A_567 : i32
    %ne3A_569 = arith.cmpi ne, %sign3A_561, %sign3A_568 : i32
    %rem3A_570 = arith.remsi %add3A_552, %jit3A_553 : i32
    %ne3A_571 = arith.constant 0 : i32
    %ne3A_572 = arith.cmpi ne, %rem3A_570, %ne3A_571 : i32
    %and3A_573 = arith.andi %ne3A_569, %ne3A_572 : i1
    %sub3A_574 = arith.constant 1 : i32
    %sub3A_575 = arith.subi %div3A_554, %sub3A_574 : i32
    %select_n3A_576 = arith.select %and3A_573, %sub3A_575, %div3A_554 : i32
    "tpu.region"() ({
      %run_scoped3A = tpu.sem_alloc : memref<!tpu.dma_semaphore, #tpu.memory_space<semaphore_mem>>
      %dma_start3A_737 = arith.constant 0 : i32
      %dma_start3A_738 = tpu.memref_slice %arg2[%select_n3A_576, %dma_start3A_737] : memref<1024x128xi32, #tpu.memory_space<hbm>> -> memref<8x128xi32, #tpu.memory_space<hbm>>
      %dma_start3A_739 = arith.constant 0 : i32
      %dma_start3A_740 = tpu.memref_slice %arg2[%select_n3A_576, %dma_start3A_739] : memref<1024x128xi32, #tpu.memory_space<hbm>> -> memref<8x128xi32, #tpu.memory_space<hbm>>
      tpu.enqueue_dma source(%dma_start3A_740 : memref<8x128xi32, #tpu.memory_space<hbm>>) target(%arg5 : memref<8x128xi32, #tpu.memory_space<vmem>>) target_semaphore(%run_scoped3A : memref<!tpu.dma_semaphore, #tpu.memory_space<semaphore_mem>>)
      %dma_wait3A_741 = arith.constant 0 : i32
      %dma_wait3A_742 = tpu.memref_slice %arg2[%select_n3A_576, %dma_wait3A_741] : memref<1024x128xi32, #tpu.memory_space<hbm>> -> memref<8x128xi32, #tpu.memory_space<hbm>>
      %dma_wait3A_743 = arith.constant 0 : i32
      %dma_wait3A_744 = tpu.memref_slice %arg2[%select_n3A_576, %dma_wait3A_743] : memref<1024x128xi32, #tpu.memory_space<hbm>> -> memref<8x128xi32, #tpu.memory_space<hbm>>
      tpu.wait_dma2 semaphore(%run_scoped3A : memref<!tpu.dma_semaphore, #tpu.memory_space<semaphore_mem>>) src(%dma_wait3A_744 : memref<8x128xi32, #tpu.memory_space<hbm>>) dst(%arg5 : memref<8x128xi32, #tpu.memory_space<vmem>>)
      tpu.yield
    }) : () -> ()
    %dma_start3A_577 = arith.constant 0 : i32
    %dma_start3A_578 = arith.constant 0 : i32
    %dma_start3A_579 = arith.constant 0 : i32
    %dma_start3A_580 = tpu.memref_slice %arg6[%dma_start3A_578, %dma_start3A_579] : memref<1024x64xf32, #tpu.memory_space<vmem>> -> memref<128x64xf32, #tpu.memory_space<vmem>>
    %dma_start3A_581 = arith.constant 0 : i32
    %dma_start3A_582 = tpu.memref_slice %arg5[%dma_start3A_577, %dma_start3A_581] : memref<8x128xi32, #tpu.memory_space<vmem>> -> memref<1x128xi32, #tpu.memory_space<vmem>>
    %dma_start3A_583 = tpu.memref_squeeze %dma_start3A_582 : memref<1x128xi32, #tpu.memory_space<vmem>> -> memref<128xi32, #tpu.memory_space<vmem>>
    %dma_start3A_584 = arith.constant 0 : i32
    %dma_start3A_585 = arith.constant 0 : i32
    %dma_start3A_586 = tpu.memref_slice %arg3[%dma_start3A_584, %dma_start3A_585] : memref<16384x64xf32, #tpu.memory_space<hbm>> -> memref<16384x64xf32, #tpu.memory_space<hbm>>
    tpu.enqueue_indirect_dma source(%dma_start3A_586 : memref<16384x64xf32, #tpu.memory_space<hbm>>) target(%dma_start3A_580 : memref<128x64xf32, #tpu.memory_space<vmem>>) offsets(%dma_start3A_583 : memref<128xi32, #tpu.memory_space<vmem>>) semaphore(%arg7 : memref<!tpu.dma_semaphore, #tpu.memory_space<semaphore_mem>>)
    %dma_start3A_587 = arith.constant 1 : i32
    %dma_start3A_588 = arith.constant 128 : i32
    %dma_start3A_589 = arith.constant 0 : i32
    %dma_start3A_590 = tpu.memref_slice %arg6[%dma_start3A_588, %dma_start3A_589] : memref<1024x64xf32, #tpu.memory_space<vmem>> -> memref<128x64xf32, #tpu.memory_space<vmem>>
    %dma_start3A_591 = arith.constant 0 : i32
    %dma_start3A_592 = tpu.memref_slice %arg5[%dma_start3A_587, %dma_start3A_591] : memref<8x128xi32, #tpu.memory_space<vmem>> -> memref<1x128xi32, #tpu.memory_space<vmem>>
    %dma_start3A_593 = tpu.memref_squeeze %dma_start3A_592 : memref<1x128xi32, #tpu.memory_space<vmem>> -> memref<128xi32, #tpu.memory_space<vmem>>
    %dma_start3A_594 = arith.constant 0 : i32
    %dma_start3A_595 = arith.constant 0 : i32
    %dma_start3A_596 = tpu.memref_slice %arg3[%dma_start3A_594, %dma_start3A_595] : memref<16384x64xf32, #tpu.memory_space<hbm>> -> memref<16384x64xf32, #tpu.memory_space<hbm>>
    tpu.enqueue_indirect_dma source(%dma_start3A_596 : memref<16384x64xf32, #tpu.memory_space<hbm>>) target(%dma_start3A_590 : memref<128x64xf32, #tpu.memory_space<vmem>>) offsets(%dma_start3A_593 : memref<128xi32, #tpu.memory_space<vmem>>) semaphore(%arg7 : memref<!tpu.dma_semaphore, #tpu.memory_space<semaphore_mem>>)
    %dma_start3A_597 = arith.constant 2 : i32
    %dma_start3A_598 = arith.constant 256 : i32
    %dma_start3A_599 = arith.constant 0 : i32
    %dma_start3A_600 = tpu.memref_slice %arg6[%dma_start3A_598, %dma_start3A_599] : memref<1024x64xf32, #tpu.memory_space<vmem>> -> memref<128x64xf32, #tpu.memory_space<vmem>>
    %dma_start3A_601 = arith.constant 0 : i32
    %dma_start3A_602 = tpu.memref_slice %arg5[%dma_start3A_597, %dma_start3A_601] : memref<8x128xi32, #tpu.memory_space<vmem>> -> memref<1x128xi32, #tpu.memory_space<vmem>>
    %dma_start3A_603 = tpu.memref_squeeze %dma_start3A_602 : memref<1x128xi32, #tpu.memory_space<vmem>> -> memref<128xi32, #tpu.memory_space<vmem>>
    %dma_start3A_604 = arith.constant 0 : i32
    %dma_start3A_605 = arith.constant 0 : i32
    %dma_start3A_606 = tpu.memref_slice %arg3[%dma_start3A_604, %dma_start3A_605] : memref<16384x64xf32, #tpu.memory_space<hbm>> -> memref<16384x64xf32, #tpu.memory_space<hbm>>
    tpu.enqueue_indirect_dma source(%dma_start3A_606 : memref<16384x64xf32, #tpu.memory_space<hbm>>) target(%dma_start3A_600 : memref<128x64xf32, #tpu.memory_space<vmem>>) offsets(%dma_start3A_603 : memref<128xi32, #tpu.memory_space<vmem>>) semaphore(%arg7 : memref<!tpu.dma_semaphore, #tpu.memory_space<semaphore_mem>>)
    %dma_start3A_607 = arith.constant 3 : i32
    %dma_start3A_608 = arith.constant 384 : i32
    %dma_start3A_609 = arith.constant 0 : i32
    %dma_start3A_610 = tpu.memref_slice %arg6[%dma_start3A_608, %dma_start3A_609] : memref<1024x64xf32, #tpu.memory_space<vmem>> -> memref<128x64xf32, #tpu.memory_space<vmem>>
    %dma_start3A_611 = arith.constant 0 : i32
    %dma_start3A_612 = tpu.memref_slice %arg5[%dma_start3A_607, %dma_start3A_611] : memref<8x128xi32, #tpu.memory_space<vmem>> -> memref<1x128xi32, #tpu.memory_space<vmem>>
    %dma_start3A_613 = tpu.memref_squeeze %dma_start3A_612 : memref<1x128xi32, #tpu.memory_space<vmem>> -> memref<128xi32, #tpu.memory_space<vmem>>
    %dma_start3A_614 = arith.constant 0 : i32
    %dma_start3A_615 = arith.constant 0 : i32
    %dma_start3A_616 = tpu.memref_slice %arg3[%dma_start3A_614, %dma_start3A_615] : memref<16384x64xf32, #tpu.memory_space<hbm>> -> memref<16384x64xf32, #tpu.memory_space<hbm>>
    tpu.enqueue_indirect_dma source(%dma_start3A_616 : memref<16384x64xf32, #tpu.memory_space<hbm>>) target(%dma_start3A_610 : memref<128x64xf32, #tpu.memory_space<vmem>>) offsets(%dma_start3A_613 : memref<128xi32, #tpu.memory_space<vmem>>) semaphore(%arg7 : memref<!tpu.dma_semaphore, #tpu.memory_space<semaphore_mem>>)
    %dma_start3A_617 = arith.constant 4 : i32
    %dma_start3A_618 = arith.constant 512 : i32
    %dma_start3A_619 = arith.constant 0 : i32
    %dma_start3A_620 = tpu.memref_slice %arg6[%dma_start3A_618, %dma_start3A_619] : memref<1024x64xf32, #tpu.memory_space<vmem>> -> memref<128x64xf32, #tpu.memory_space<vmem>>
    %dma_start3A_621 = arith.constant 0 : i32
    %dma_start3A_622 = tpu.memref_slice %arg5[%dma_start3A_617, %dma_start3A_621] : memref<8x128xi32, #tpu.memory_space<vmem>> -> memref<1x128xi32, #tpu.memory_space<vmem>>
    %dma_start3A_623 = tpu.memref_squeeze %dma_start3A_622 : memref<1x128xi32, #tpu.memory_space<vmem>> -> memref<128xi32, #tpu.memory_space<vmem>>
    %dma_start3A_624 = arith.constant 0 : i32
    %dma_start3A_625 = arith.constant 0 : i32
    %dma_start3A_626 = tpu.memref_slice %arg3[%dma_start3A_624, %dma_start3A_625] : memref<16384x64xf32, #tpu.memory_space<hbm>> -> memref<16384x64xf32, #tpu.memory_space<hbm>>
    tpu.enqueue_indirect_dma source(%dma_start3A_626 : memref<16384x64xf32, #tpu.memory_space<hbm>>) target(%dma_start3A_620 : memref<128x64xf32, #tpu.memory_space<vmem>>) offsets(%dma_start3A_623 : memref<128xi32, #tpu.memory_space<vmem>>) semaphore(%arg7 : memref<!tpu.dma_semaphore, #tpu.memory_space<semaphore_mem>>)
    %dma_start3A_627 = arith.constant 5 : i32
    %dma_start3A_628 = arith.constant 640 : i32
    %dma_start3A_629 = arith.constant 0 : i32
    %dma_start3A_630 = tpu.memref_slice %arg6[%dma_start3A_628, %dma_start3A_629] : memref<1024x64xf32, #tpu.memory_space<vmem>> -> memref<128x64xf32, #tpu.memory_space<vmem>>
    %dma_start3A_631 = arith.constant 0 : i32
    %dma_start3A_632 = tpu.memref_slice %arg5[%dma_start3A_627, %dma_start3A_631] : memref<8x128xi32, #tpu.memory_space<vmem>> -> memref<1x128xi32, #tpu.memory_space<vmem>>
    %dma_start3A_633 = tpu.memref_squeeze %dma_start3A_632 : memref<1x128xi32, #tpu.memory_space<vmem>> -> memref<128xi32, #tpu.memory_space<vmem>>
    %dma_start3A_634 = arith.constant 0 : i32
    %dma_start3A_635 = arith.constant 0 : i32
    %dma_start3A_636 = tpu.memref_slice %arg3[%dma_start3A_634, %dma_start3A_635] : memref<16384x64xf32, #tpu.memory_space<hbm>> -> memref<16384x64xf32, #tpu.memory_space<hbm>>
    tpu.enqueue_indirect_dma source(%dma_start3A_636 : memref<16384x64xf32, #tpu.memory_space<hbm>>) target(%dma_start3A_630 : memref<128x64xf32, #tpu.memory_space<vmem>>) offsets(%dma_start3A_633 : memref<128xi32, #tpu.memory_space<vmem>>) semaphore(%arg7 : memref<!tpu.dma_semaphore, #tpu.memory_space<semaphore_mem>>)
    %dma_start3A_637 = arith.constant 6 : i32
    %dma_start3A_638 = arith.constant 768 : i32
    %dma_start3A_639 = arith.constant 0 : i32
    %dma_start3A_640 = tpu.memref_slice %arg6[%dma_start3A_638, %dma_start3A_639] : memref<1024x64xf32, #tpu.memory_space<vmem>> -> memref<128x64xf32, #tpu.memory_space<vmem>>
    %dma_start3A_641 = arith.constant 0 : i32
    %dma_start3A_642 = tpu.memref_slice %arg5[%dma_start3A_637, %dma_start3A_641] : memref<8x128xi32, #tpu.memory_space<vmem>> -> memref<1x128xi32, #tpu.memory_space<vmem>>
    %dma_start3A_643 = tpu.memref_squeeze %dma_start3A_642 : memref<1x128xi32, #tpu.memory_space<vmem>> -> memref<128xi32, #tpu.memory_space<vmem>>
    %dma_start3A_644 = arith.constant 0 : i32
    %dma_start3A_645 = arith.constant 0 : i32
    %dma_start3A_646 = tpu.memref_slice %arg3[%dma_start3A_644, %dma_start3A_645] : memref<16384x64xf32, #tpu.memory_space<hbm>> -> memref<16384x64xf32, #tpu.memory_space<hbm>>
    tpu.enqueue_indirect_dma source(%dma_start3A_646 : memref<16384x64xf32, #tpu.memory_space<hbm>>) target(%dma_start3A_640 : memref<128x64xf32, #tpu.memory_space<vmem>>) offsets(%dma_start3A_643 : memref<128xi32, #tpu.memory_space<vmem>>) semaphore(%arg7 : memref<!tpu.dma_semaphore, #tpu.memory_space<semaphore_mem>>)
    %dma_start3A_647 = arith.constant 7 : i32
    %dma_start3A_648 = arith.constant 896 : i32
    %dma_start3A_649 = arith.constant 0 : i32
    %dma_start3A_650 = tpu.memref_slice %arg6[%dma_start3A_648, %dma_start3A_649] : memref<1024x64xf32, #tpu.memory_space<vmem>> -> memref<128x64xf32, #tpu.memory_space<vmem>>
    %dma_start3A_651 = arith.constant 0 : i32
    %dma_start3A_652 = tpu.memref_slice %arg5[%dma_start3A_647, %dma_start3A_651] : memref<8x128xi32, #tpu.memory_space<vmem>> -> memref<1x128xi32, #tpu.memory_space<vmem>>
    %dma_start3A_653 = tpu.memref_squeeze %dma_start3A_652 : memref<1x128xi32, #tpu.memory_space<vmem>> -> memref<128xi32, #tpu.memory_space<vmem>>
    %dma_start3A_654 = arith.constant 0 : i32
    %dma_start3A_655 = arith.constant 0 : i32
    %dma_start3A_656 = tpu.memref_slice %arg3[%dma_start3A_654, %dma_start3A_655] : memref<16384x64xf32, #tpu.memory_space<hbm>> -> memref<16384x64xf32, #tpu.memory_space<hbm>>
    tpu.enqueue_indirect_dma source(%dma_start3A_656 : memref<16384x64xf32, #tpu.memory_space<hbm>>) target(%dma_start3A_650 : memref<128x64xf32, #tpu.memory_space<vmem>>) offsets(%dma_start3A_653 : memref<128xi32, #tpu.memory_space<vmem>>) semaphore(%arg7 : memref<!tpu.dma_semaphore, #tpu.memory_space<semaphore_mem>>)
    %dma_wait3A_657 = arith.constant 0 : i32
    %dma_wait3A_658 = arith.constant 0 : i32
    %dma_wait3A_659 = arith.constant 0 : i32
    %dma_wait3A_660 = tpu.memref_slice %arg6[%dma_wait3A_658, %dma_wait3A_659] : memref<1024x64xf32, #tpu.memory_space<vmem>> -> memref<128x64xf32, #tpu.memory_space<vmem>>
    %dma_wait3A_661 = arith.constant 0 : i32
    %dma_wait3A_662 = tpu.memref_slice %arg5[%dma_wait3A_657, %dma_wait3A_661] : memref<8x128xi32, #tpu.memory_space<vmem>> -> memref<1x128xi32, #tpu.memory_space<vmem>>
    %dma_wait3A_663 = tpu.memref_squeeze %dma_wait3A_662 : memref<1x128xi32, #tpu.memory_space<vmem>> -> memref<128xi32, #tpu.memory_space<vmem>>
    %dma_wait3A_664 = arith.constant 0 : i32
    %dma_wait3A_665 = arith.constant 0 : i32
    %dma_wait3A_666 = tpu.memref_slice %arg3[%dma_wait3A_664, %dma_wait3A_665] : memref<16384x64xf32, #tpu.memory_space<hbm>> -> memref<16384x64xf32, #tpu.memory_space<hbm>>
    tpu.wait_indirect_dma semaphore(%arg7 : memref<!tpu.dma_semaphore, #tpu.memory_space<semaphore_mem>>) src(%dma_wait3A_666 : memref<16384x64xf32, #tpu.memory_space<hbm>>) dst(%dma_wait3A_660 : memref<128x64xf32, #tpu.memory_space<vmem>>)
    %dma_wait3A_667 = arith.constant 1 : i32
    %dma_wait3A_668 = arith.constant 128 : i32
    %dma_wait3A_669 = arith.constant 0 : i32
    %dma_wait3A_670 = tpu.memref_slice %arg6[%dma_wait3A_668, %dma_wait3A_669] : memref<1024x64xf32, #tpu.memory_space<vmem>> -> memref<128x64xf32, #tpu.memory_space<vmem>>
    %dma_wait3A_671 = arith.constant 0 : i32
    %dma_wait3A_672 = tpu.memref_slice %arg5[%dma_wait3A_667, %dma_wait3A_671] : memref<8x128xi32, #tpu.memory_space<vmem>> -> memref<1x128xi32, #tpu.memory_space<vmem>>
    %dma_wait3A_673 = tpu.memref_squeeze %dma_wait3A_672 : memref<1x128xi32, #tpu.memory_space<vmem>> -> memref<128xi32, #tpu.memory_space<vmem>>
    %dma_wait3A_674 = arith.constant 0 : i32
    %dma_wait3A_675 = arith.constant 0 : i32
    %dma_wait3A_676 = tpu.memref_slice %arg3[%dma_wait3A_674, %dma_wait3A_675] : memref<16384x64xf32, #tpu.memory_space<hbm>> -> memref<16384x64xf32, #tpu.memory_space<hbm>>
    tpu.wait_indirect_dma semaphore(%arg7 : memref<!tpu.dma_semaphore, #tpu.memory_space<semaphore_mem>>) src(%dma_wait3A_676 : memref<16384x64xf32, #tpu.memory_space<hbm>>) dst(%dma_wait3A_670 : memref<128x64xf32, #tpu.memory_space<vmem>>)
    %dma_wait3A_677 = arith.constant 2 : i32
    %dma_wait3A_678 = arith.constant 256 : i32
    %dma_wait3A_679 = arith.constant 0 : i32
    %dma_wait3A_680 = tpu.memref_slice %arg6[%dma_wait3A_678, %dma_wait3A_679] : memref<1024x64xf32, #tpu.memory_space<vmem>> -> memref<128x64xf32, #tpu.memory_space<vmem>>
    %dma_wait3A_681 = arith.constant 0 : i32
    %dma_wait3A_682 = tpu.memref_slice %arg5[%dma_wait3A_677, %dma_wait3A_681] : memref<8x128xi32, #tpu.memory_space<vmem>> -> memref<1x128xi32, #tpu.memory_space<vmem>>
    %dma_wait3A_683 = tpu.memref_squeeze %dma_wait3A_682 : memref<1x128xi32, #tpu.memory_space<vmem>> -> memref<128xi32, #tpu.memory_space<vmem>>
    %dma_wait3A_684 = arith.constant 0 : i32
    %dma_wait3A_685 = arith.constant 0 : i32
    %dma_wait3A_686 = tpu.memref_slice %arg3[%dma_wait3A_684, %dma_wait3A_685] : memref<16384x64xf32, #tpu.memory_space<hbm>> -> memref<16384x64xf32, #tpu.memory_space<hbm>>
    tpu.wait_indirect_dma semaphore(%arg7 : memref<!tpu.dma_semaphore, #tpu.memory_space<semaphore_mem>>) src(%dma_wait3A_686 : memref<16384x64xf32, #tpu.memory_space<hbm>>) dst(%dma_wait3A_680 : memref<128x64xf32, #tpu.memory_space<vmem>>)
    %dma_wait3A_687 = arith.constant 3 : i32
    %dma_wait3A_688 = arith.constant 384 : i32
    %dma_wait3A_689 = arith.constant 0 : i32
    %dma_wait3A_690 = tpu.memref_slice %arg6[%dma_wait3A_688, %dma_wait3A_689] : memref<1024x64xf32, #tpu.memory_space<vmem>> -> memref<128x64xf32, #tpu.memory_space<vmem>>
    %dma_wait3A_691 = arith.constant 0 : i32
    %dma_wait3A_692 = tpu.memref_slice %arg5[%dma_wait3A_687, %dma_wait3A_691] : memref<8x128xi32, #tpu.memory_space<vmem>> -> memref<1x128xi32, #tpu.memory_space<vmem>>
    %dma_wait3A_693 = tpu.memref_squeeze %dma_wait3A_692 : memref<1x128xi32, #tpu.memory_space<vmem>> -> memref<128xi32, #tpu.memory_space<vmem>>
    %dma_wait3A_694 = arith.constant 0 : i32
    %dma_wait3A_695 = arith.constant 0 : i32
    %dma_wait3A_696 = tpu.memref_slice %arg3[%dma_wait3A_694, %dma_wait3A_695] : memref<16384x64xf32, #tpu.memory_space<hbm>> -> memref<16384x64xf32, #tpu.memory_space<hbm>>
    tpu.wait_indirect_dma semaphore(%arg7 : memref<!tpu.dma_semaphore, #tpu.memory_space<semaphore_mem>>) src(%dma_wait3A_696 : memref<16384x64xf32, #tpu.memory_space<hbm>>) dst(%dma_wait3A_690 : memref<128x64xf32, #tpu.memory_space<vmem>>)
    %dma_wait3A_697 = arith.constant 4 : i32
    %dma_wait3A_698 = arith.constant 512 : i32
    %dma_wait3A_699 = arith.constant 0 : i32
    %dma_wait3A_700 = tpu.memref_slice %arg6[%dma_wait3A_698, %dma_wait3A_699] : memref<1024x64xf32, #tpu.memory_space<vmem>> -> memref<128x64xf32, #tpu.memory_space<vmem>>
    %dma_wait3A_701 = arith.constant 0 : i32
    %dma_wait3A_702 = tpu.memref_slice %arg5[%dma_wait3A_697, %dma_wait3A_701] : memref<8x128xi32, #tpu.memory_space<vmem>> -> memref<1x128xi32, #tpu.memory_space<vmem>>
    %dma_wait3A_703 = tpu.memref_squeeze %dma_wait3A_702 : memref<1x128xi32, #tpu.memory_space<vmem>> -> memref<128xi32, #tpu.memory_space<vmem>>
    %dma_wait3A_704 = arith.constant 0 : i32
    %dma_wait3A_705 = arith.constant 0 : i32
    %dma_wait3A_706 = tpu.memref_slice %arg3[%dma_wait3A_704, %dma_wait3A_705] : memref<16384x64xf32, #tpu.memory_space<hbm>> -> memref<16384x64xf32, #tpu.memory_space<hbm>>
    tpu.wait_indirect_dma semaphore(%arg7 : memref<!tpu.dma_semaphore, #tpu.memory_space<semaphore_mem>>) src(%dma_wait3A_706 : memref<16384x64xf32, #tpu.memory_space<hbm>>) dst(%dma_wait3A_700 : memref<128x64xf32, #tpu.memory_space<vmem>>)
    %dma_wait3A_707 = arith.constant 5 : i32
    %dma_wait3A_708 = arith.constant 640 : i32
    %dma_wait3A_709 = arith.constant 0 : i32
    %dma_wait3A_710 = tpu.memref_slice %arg6[%dma_wait3A_708, %dma_wait3A_709] : memref<1024x64xf32, #tpu.memory_space<vmem>> -> memref<128x64xf32, #tpu.memory_space<vmem>>
    %dma_wait3A_711 = arith.constant 0 : i32
    %dma_wait3A_712 = tpu.memref_slice %arg5[%dma_wait3A_707, %dma_wait3A_711] : memref<8x128xi32, #tpu.memory_space<vmem>> -> memref<1x128xi32, #tpu.memory_space<vmem>>
    %dma_wait3A_713 = tpu.memref_squeeze %dma_wait3A_712 : memref<1x128xi32, #tpu.memory_space<vmem>> -> memref<128xi32, #tpu.memory_space<vmem>>
    %dma_wait3A_714 = arith.constant 0 : i32
    %dma_wait3A_715 = arith.constant 0 : i32
    %dma_wait3A_716 = tpu.memref_slice %arg3[%dma_wait3A_714, %dma_wait3A_715] : memref<16384x64xf32, #tpu.memory_space<hbm>> -> memref<16384x64xf32, #tpu.memory_space<hbm>>
    tpu.wait_indirect_dma semaphore(%arg7 : memref<!tpu.dma_semaphore, #tpu.memory_space<semaphore_mem>>) src(%dma_wait3A_716 : memref<16384x64xf32, #tpu.memory_space<hbm>>) dst(%dma_wait3A_710 : memref<128x64xf32, #tpu.memory_space<vmem>>)
    %dma_wait3A_717 = arith.constant 6 : i32
    %dma_wait3A_718 = arith.constant 768 : i32
    %dma_wait3A_719 = arith.constant 0 : i32
    %dma_wait3A_720 = tpu.memref_slice %arg6[%dma_wait3A_718, %dma_wait3A_719] : memref<1024x64xf32, #tpu.memory_space<vmem>> -> memref<128x64xf32, #tpu.memory_space<vmem>>
    %dma_wait3A_721 = arith.constant 0 : i32
    %dma_wait3A_722 = tpu.memref_slice %arg5[%dma_wait3A_717, %dma_wait3A_721] : memref<8x128xi32, #tpu.memory_space<vmem>> -> memref<1x128xi32, #tpu.memory_space<vmem>>
    %dma_wait3A_723 = tpu.memref_squeeze %dma_wait3A_722 : memref<1x128xi32, #tpu.memory_space<vmem>> -> memref<128xi32, #tpu.memory_space<vmem>>
    %dma_wait3A_724 = arith.constant 0 : i32
    %dma_wait3A_725 = arith.constant 0 : i32
    %dma_wait3A_726 = tpu.memref_slice %arg3[%dma_wait3A_724, %dma_wait3A_725] : memref<16384x64xf32, #tpu.memory_space<hbm>> -> memref<16384x64xf32, #tpu.memory_space<hbm>>
    tpu.wait_indirect_dma semaphore(%arg7 : memref<!tpu.dma_semaphore, #tpu.memory_space<semaphore_mem>>) src(%dma_wait3A_726 : memref<16384x64xf32, #tpu.memory_space<hbm>>) dst(%dma_wait3A_720 : memref<128x64xf32, #tpu.memory_space<vmem>>)
    %dma_wait3A_727 = arith.constant 7 : i32
    %dma_wait3A_728 = arith.constant 896 : i32
    %dma_wait3A_729 = arith.constant 0 : i32
    %dma_wait3A_730 = tpu.memref_slice %arg6[%dma_wait3A_728, %dma_wait3A_729] : memref<1024x64xf32, #tpu.memory_space<vmem>> -> memref<128x64xf32, #tpu.memory_space<vmem>>
    %dma_wait3A_731 = arith.constant 0 : i32
    %dma_wait3A_732 = tpu.memref_slice %arg5[%dma_wait3A_727, %dma_wait3A_731] : memref<8x128xi32, #tpu.memory_space<vmem>> -> memref<1x128xi32, #tpu.memory_space<vmem>>
    %dma_wait3A_733 = tpu.memref_squeeze %dma_wait3A_732 : memref<1x128xi32, #tpu.memory_space<vmem>> -> memref<128xi32, #tpu.memory_space<vmem>>
    %dma_wait3A_734 = arith.constant 0 : i32
    %dma_wait3A_735 = arith.constant 0 : i32
    %dma_wait3A_736 = tpu.memref_slice %arg3[%dma_wait3A_734, %dma_wait3A_735] : memref<16384x64xf32, #tpu.memory_space<hbm>> -> memref<16384x64xf32, #tpu.memory_space<hbm>>
    tpu.wait_indirect_dma semaphore(%arg7 : memref<!tpu.dma_semaphore, #tpu.memory_space<semaphore_mem>>) src(%dma_wait3A_736 : memref<16384x64xf32, #tpu.memory_space<hbm>>) dst(%dma_wait3A_730 : memref<128x64xf32, #tpu.memory_space<vmem>>)
    "tpu.region"() ({
      %run_scoped3A = tpu.sem_alloc : memref<!tpu.dma_semaphore, #tpu.memory_space<semaphore_mem>>
      %dma_start3A_737 = arith.constant 0 : i32
      %dma_start3A_738 = tpu.memref_slice %arg4[%add3A_552, %dma_start3A_737] : memref<131072x64xf32, #tpu.memory_space<hbm>> -> memref<1024x64xf32, #tpu.memory_space<hbm>>
      %dma_start3A_739 = arith.constant 0 : i32
      %dma_start3A_740 = tpu.memref_slice %arg4[%add3A_552, %dma_start3A_739] : memref<131072x64xf32, #tpu.memory_space<hbm>> -> memref<1024x64xf32, #tpu.memory_space<hbm>>
      tpu.enqueue_dma source(%arg6 : memref<1024x64xf32, #tpu.memory_space<vmem>>) target(%dma_start3A_740 : memref<1024x64xf32, #tpu.memory_space<hbm>>) target_semaphore(%run_scoped3A : memref<!tpu.dma_semaphore, #tpu.memory_space<semaphore_mem>>)
      %dma_wait3A_741 = arith.constant 0 : i32
      %dma_wait3A_742 = tpu.memref_slice %arg4[%add3A_552, %dma_wait3A_741] : memref<131072x64xf32, #tpu.memory_space<hbm>> -> memref<1024x64xf32, #tpu.memory_space<hbm>>
      %dma_wait3A_743 = arith.constant 0 : i32
      %dma_wait3A_744 = tpu.memref_slice %arg4[%add3A_552, %dma_wait3A_743] : memref<131072x64xf32, #tpu.memory_space<hbm>> -> memref<1024x64xf32, #tpu.memory_space<hbm>>
      tpu.wait_dma2 semaphore(%run_scoped3A : memref<!tpu.dma_semaphore, #tpu.memory_space<semaphore_mem>>) src(%arg6 : memref<1024x64xf32, #tpu.memory_space<vmem>>) dst(%dma_wait3A_744 : memref<1024x64xf32, #tpu.memory_space<hbm>>)
      tpu.yield
    }) : () -> ()
    return
  }
}

module attributes {stable_mosaic.version = 14 : i64} {
  func.func @body(%arg0: i32, %arg1: i32, %arg2: memref<1x128x512xf32, #tpu.memory_space<vmem>>, %arg3: memref<1x128x512xf32, #tpu.memory_space<vmem>>, %arg4: memref<1x128x512xf32, #tpu.memory_space<vmem>>, %arg5: memref<128x256xf32, #tpu.memory_space<vmem>>, %arg6: memref<128x128xf32, #tpu.memory_space<vmem>>, %arg7: memref<1x128x512xf32, #tpu.memory_space<vmem>>, %arg8: memref<128x128xf32, #tpu.memory_space<vmem>>, %arg9: memref<128x128xf32, #tpu.memory_space<vmem>>) attributes {dimension_semantics = [#tpu.dimension_semantics<arbitrary>, #tpu.dimension_semantics<arbitrary>], iteration_bounds = array<i64: 8, 4>, scalar_prefetch = 0 : i64, scratch_operands = 1 : i64, tpu.core_type = #tpu.core_type<tc>, window_params = [{transform_indices = @transform_0, window_bounds = array<i64: 1, 128, 512>}, {transform_indices = @transform_1, window_bounds = array<i64: 1, 128, 512>}, {transform_indices = @transform_2, window_bounds = array<i64: 1, 128, 512>}, {pipeline_mode = #tpu.pipeline_mode<synchronous>, transform_indices = @transform_3, window_bounds = array<i64: 128, 256>}, {pipeline_mode = #tpu.pipeline_mode<synchronous>, transform_indices = @transform_4, window_bounds = array<i64: 128, 128>}, {transform_indices = @transform_5, window_bounds = array<i64: 1, 128, 512>}, {pipeline_mode = #tpu.pipeline_mode<synchronous>, transform_indices = @transform_6, window_bounds = array<i64: 128, 128>}]} {
    %get3A = arith.constant 0 : index
    %get3A_0 = arith.constant 0 : index
    %get3A_1 = arith.constant 0 : index
    %get3A_2 = vector.load %arg2[%get3A, %get3A_0, %get3A_1] : memref<1x128x512xf32, #tpu.memory_space<vmem>>, vector<1x128x512xf32>
    %get3A_3 = vector.shape_cast %get3A_2 : vector<1x128x512xf32> to vector<128x512xf32>
    %get3A_4 = arith.constant 0 : index
    %get3A_5 = arith.constant 0 : index
    %get3A_6 = arith.constant 0 : index
    %get3A_7 = vector.load %arg3[%get3A_4, %get3A_5, %get3A_6] : memref<1x128x512xf32, #tpu.memory_space<vmem>>, vector<1x128x512xf32>
    %get3A_8 = vector.shape_cast %get3A_7 : vector<1x128x512xf32> to vector<128x512xf32>
    %add3A = arith.addf %get3A_3, %get3A_8 : vector<128x512xf32>
    %get3A_9 = arith.constant 0 : index
    %get3A_10 = arith.constant 0 : index
    %get3A_11 = arith.constant 0 : index
    %get3A_12 = vector.load %arg4[%get3A_9, %get3A_10, %get3A_11] : memref<1x128x512xf32, #tpu.memory_space<vmem>>, vector<1x128x512xf32>
    %get3A_13 = vector.shape_cast %get3A_12 : vector<1x128x512xf32> to vector<128x512xf32>
    %concatenate3A = tpu.concatenate %add3A, %get3A_13 in 0 : vector<128x512xf32>, vector<128x512xf32> -> vector<256x512xf32>
    %get3A_14 = arith.constant 0 : index
    %get3A_15 = arith.constant 0 : index
    %get3A_16 = vector.load %arg5[%get3A_14, %get3A_15] : memref<128x256xf32, #tpu.memory_space<vmem>>, vector<128x256xf32>
    %dot_general3A = arith.constant dense<0.000000e+00> : vector<128x512xf32>
    %dot_general3A_17 = tpu.matmul %get3A_16, %concatenate3A, %dot_general3A {dimension_numbers = #tpu.dot_dimension_numbers<[1], [0], [0], [1], [0, 0, 1, 1], [], []>, transpose_lhs_hint = false} : vector<128x256xf32>, vector<256x512xf32>, vector<128x512xf32> -> vector<128x512xf32>
    %get3A_18 = arith.constant 0 : index
    %get3A_19 = arith.constant 0 : index
    %get3A_20 = vector.load %arg6[%get3A_18, %get3A_19] : memref<128x128xf32, #tpu.memory_space<vmem>>, vector<128x1xf32>
    %add3A_21 = vector.broadcast %get3A_20 : vector<128x1xf32> to vector<128x512xf32>
    %add3A_22 = arith.addf %dot_general3A_17, %add3A_21 : vector<128x512xf32>
    %swap3A = arith.constant 0 : index
    %swap3A_23 = arith.constant 0 : index
    %swap3A_24 = arith.constant 0 : index
    %swap3A_25 = vector.load %arg7[%swap3A, %swap3A_23, %swap3A_24] : memref<1x128x512xf32, #tpu.memory_space<vmem>>, vector<1x128x512xf32>
    %swap3A_26 = vector.shape_cast %swap3A_25 : vector<1x128x512xf32> to vector<128x512xf32>
    %swap3A_27 = vector.shape_cast %add3A_22 : vector<128x512xf32> to vector<1x128x512xf32>
    tpu.vector_store %arg7[%swap3A, %swap3A_23, %swap3A_24], %swap3A_27 {strides = array<i32>} : memref<1x128x512xf32, #tpu.memory_space<vmem>>, vector<1x128x512xf32>,
    %eq3A = arith.constant 0 : i32
    %eq3A_28 = arith.cmpi eq, %arg0, %eq3A : i32
    %eq3A_29 = arith.constant 0 : i32
    %eq3A_30 = arith.cmpi eq, %arg1, %eq3A_29 : i32
    %and3A = arith.andi %eq3A_28, %eq3A_30 : i1
    %convert_element_type3A = arith.extui %and3A : i1 to i32
    %cond3A = arith.constant 0 : i32
    %cond3A_31 = arith.cmpi ne, %convert_element_type3A, %cond3A : i32
    scf.if %cond3A_31 {
      %broadcast_in_dim3A = arith.constant 0.000000e+00 : f32
      %broadcast_in_dim3A_53 = vector.broadcast %broadcast_in_dim3A : f32 to vector<128x128xf32>
      %swap3A_54 = arith.constant 0 : index
      %swap3A_55 = arith.constant 0 : index
      %swap3A_56 = vector.load %arg9[%swap3A_54, %swap3A_55] : memref<128x128xf32, #tpu.memory_space<vmem>>, vector<128x128xf32>
      tpu.vector_store %arg9[%swap3A_54, %swap3A_55], %broadcast_in_dim3A_53 {strides = array<i32>} : memref<128x128xf32, #tpu.memory_space<vmem>>, vector<128x128xf32>,
    } else {
    }
    %get3A_32 = arith.constant 0 : index
    %get3A_33 = arith.constant 0 : index
    %get3A_34 = vector.load %arg9[%get3A_32, %get3A_33] : memref<128x128xf32, #tpu.memory_space<vmem>>, vector<128x128xf32>
    %slice3A = vector.extract_strided_slice %add3A_22 {offsets = [0, 0], sizes = [128, 128], strides = [1, 1]} : vector<128x512xf32> to vector<128x128xf32>
    %add3A_35 = arith.addf %get3A_34, %slice3A : vector<128x128xf32>
    %slice3A_36 = vector.extract_strided_slice %add3A_22 {offsets = [0, 128], sizes = [128, 128], strides = [1, 1]} : vector<128x512xf32> to vector<128x128xf32>
    %add3A_37 = arith.addf %add3A_35, %slice3A_36 : vector<128x128xf32>
    %slice3A_38 = vector.extract_strided_slice %add3A_22 {offsets = [0, 256], sizes = [128, 128], strides = [1, 1]} : vector<128x512xf32> to vector<128x128xf32>
    %add3A_39 = arith.addf %add3A_37, %slice3A_38 : vector<128x128xf32>
    %slice3A_40 = vector.extract_strided_slice %add3A_22 {offsets = [0, 384], sizes = [128, 128], strides = [1, 1]} : vector<128x512xf32> to vector<128x128xf32>
    %add3A_41 = arith.addf %add3A_39, %slice3A_40 : vector<128x128xf32>
    %swap3A_42 = arith.constant 0 : index
    %swap3A_43 = arith.constant 0 : index
    %swap3A_44 = vector.load %arg9[%swap3A_42, %swap3A_43] : memref<128x128xf32, #tpu.memory_space<vmem>>, vector<128x128xf32>
    tpu.vector_store %arg9[%swap3A_42, %swap3A_43], %add3A_41 {strides = array<i32>} : memref<128x128xf32, #tpu.memory_space<vmem>>, vector<128x128xf32>,
    %eq3A_45 = arith.constant 7 : i32
    %eq3A_46 = arith.cmpi eq, %arg0, %eq3A_45 : i32
    %eq3A_47 = arith.constant 3 : i32
    %eq3A_48 = arith.cmpi eq, %arg1, %eq3A_47 : i32
    %and3A_49 = arith.andi %eq3A_46, %eq3A_48 : i1
    %convert_element_type3A_50 = arith.extui %and3A_49 : i1 to i32
    %cond3A_51 = arith.constant 0 : i32
    %cond3A_52 = arith.cmpi ne, %convert_element_type3A_50, %cond3A_51 : i32
    scf.if %cond3A_52 {
      %get3A_53 = arith.constant 0 : index
      %get3A_54 = arith.constant 0 : index
      %get3A_55 = vector.load %arg9[%get3A_53, %get3A_54] : memref<128x128xf32, #tpu.memory_space<vmem>>, vector<128x128xf32>
      %slice3A_56 = vector.extract_strided_slice %get3A_55 {offsets = [0, 0], sizes = [128, 64], strides = [1, 1]} : vector<128x128xf32> to vector<128x64xf32>
      %slice3A_57 = vector.extract_strided_slice %get3A_55 {offsets = [0, 64], sizes = [128, 64], strides = [1, 1]} : vector<128x128xf32> to vector<128x64xf32>
      %add3A_58 = arith.addf %slice3A_56, %slice3A_57 : vector<128x64xf32>
      %slice3A_59 = vector.extract_strided_slice %add3A_58 {offsets = [0, 0], sizes = [128, 32], strides = [1, 1]} : vector<128x64xf32> to vector<128x32xf32>
      %slice3A_60 = vector.extract_strided_slice %add3A_58 {offsets = [0, 32], sizes = [128, 32], strides = [1, 1]} : vector<128x64xf32> to vector<128x32xf32>
      %add3A_61 = arith.addf %slice3A_59, %slice3A_60 : vector<128x32xf32>
      %slice3A_62 = vector.extract_strided_slice %add3A_61 {offsets = [0, 0], sizes = [128, 16], strides = [1, 1]} : vector<128x32xf32> to vector<128x16xf32>
      %slice3A_63 = vector.extract_strided_slice %add3A_61 {offsets = [0, 16], sizes = [128, 16], strides = [1, 1]} : vector<128x32xf32> to vector<128x16xf32>
      %add3A_64 = arith.addf %slice3A_62, %slice3A_63 : vector<128x16xf32>
      %slice3A_65 = vector.extract_strided_slice %add3A_64 {offsets = [0, 0], sizes = [128, 8], strides = [1, 1]} : vector<128x16xf32> to vector<128x8xf32>
      %slice3A_66 = vector.extract_strided_slice %add3A_64 {offsets = [0, 8], sizes = [128, 8], strides = [1, 1]} : vector<128x16xf32> to vector<128x8xf32>
      %add3A_67 = arith.addf %slice3A_65, %slice3A_66 : vector<128x8xf32>
      %slice3A_68 = vector.extract_strided_slice %add3A_67 {offsets = [0, 0], sizes = [128, 4], strides = [1, 1]} : vector<128x8xf32> to vector<128x4xf32>
      %slice3A_69 = vector.extract_strided_slice %add3A_67 {offsets = [0, 4], sizes = [128, 4], strides = [1, 1]} : vector<128x8xf32> to vector<128x4xf32>
      %add3A_70 = arith.addf %slice3A_68, %slice3A_69 : vector<128x4xf32>
      %slice3A_71 = vector.extract_strided_slice %add3A_70 {offsets = [0, 0], sizes = [128, 2], strides = [1, 1]} : vector<128x4xf32> to vector<128x2xf32>
      %slice3A_72 = vector.extract_strided_slice %add3A_70 {offsets = [0, 2], sizes = [128, 2], strides = [1, 1]} : vector<128x4xf32> to vector<128x2xf32>
      %add3A_73 = arith.addf %slice3A_71, %slice3A_72 : vector<128x2xf32>
      %slice3A_74 = vector.extract_strided_slice %add3A_73 {offsets = [0, 0], sizes = [128, 1], strides = [1, 1]} : vector<128x2xf32> to vector<128x1xf32>
      %slice3A_75 = vector.extract_strided_slice %add3A_73 {offsets = [0, 1], sizes = [128, 1], strides = [1, 1]} : vector<128x2xf32> to vector<128x1xf32>
      %add3A_76 = arith.addf %slice3A_74, %slice3A_75 : vector<128x1xf32>
      %broadcast_in_dim3A = vector.shape_cast %add3A_76 : vector<128x1xf32> to vector<128x1xf32>
      %broadcast_in_dim3A_77 = vector.broadcast %broadcast_in_dim3A : vector<128x1xf32> to vector<128x128xf32>
      %swap3A_78 = arith.constant 0 : index
      %swap3A_79 = arith.constant 0 : index
      %swap3A_80 = vector.load %arg8[%swap3A_78, %swap3A_79] : memref<128x128xf32, #tpu.memory_space<vmem>>, vector<128x128xf32>
      tpu.vector_store %arg8[%swap3A_78, %swap3A_79], %broadcast_in_dim3A_77 {strides = array<i32>} : memref<128x128xf32, #tpu.memory_space<vmem>>, vector<128x128xf32>,
    } else {
    }
    return
  }
  func.func @transform_0(%arg0: i32, %arg1: i32) -> (i32, i32, i32) {
    %c0_i32 = arith.constant 0 : i32
    %c0_i32_0 = arith.constant 0 : i32
    return %arg0, %c0_i32, %arg1 : i32, i32, i32
  }
  func.func @transform_1(%arg0: i32, %arg1: i32) -> (i32, i32, i32) {
    %c0_i32 = arith.constant 0 : i32
    %c0_i32_0 = arith.constant 0 : i32
    return %arg0, %c0_i32, %arg1 : i32, i32, i32
  }
  func.func @transform_2(%arg0: i32, %arg1: i32) -> (i32, i32, i32) {
    %c0_i32 = arith.constant 0 : i32
    %c0_i32_0 = arith.constant 0 : i32
    return %arg0, %c0_i32, %arg1 : i32, i32, i32
  }
  func.func @transform_3(%arg0: i32, %arg1: i32) -> (i32, i32) {
    %c0_i32 = arith.constant 0 : i32
    %c0_i32_0 = arith.constant 0 : i32
    %c0_i32_1 = arith.constant 0 : i32
    return %c0_i32, %c0_i32_0 : i32, i32
  }
  func.func @transform_4(%arg0: i32, %arg1: i32) -> (i32, i32) {
    %c0_i32 = arith.constant 0 : i32
    %c0_i32_0 = arith.constant 0 : i32
    %c0_i32_1 = arith.constant 0 : i32
    return %c0_i32, %c0_i32_0 : i32, i32
  }
  func.func @transform_5(%arg0: i32, %arg1: i32) -> (i32, i32, i32) {
    %c0_i32 = arith.constant 0 : i32
    %c0_i32_0 = arith.constant 0 : i32
    return %arg0, %c0_i32, %arg1 : i32, i32, i32
  }
  func.func @transform_6(%arg0: i32, %arg1: i32) -> (i32, i32) {
    %c0_i32 = arith.constant 0 : i32
    %c0_i32_0 = arith.constant 0 : i32
    %c0_i32_1 = arith.constant 0 : i32
    return %c0_i32, %c0_i32_0 : i32, i32
  }
}

module attributes {stable_mosaic.version = 14 : i64} {
  func.func @body(%arg0: i32, %arg1: i32, %arg2: memref<1x128x512xf32, #tpu.memory_space<vmem>>, %arg3: memref<128x128xf32, #tpu.memory_space<vmem>>, %arg4: memref<128x128xf32, #tpu.memory_space<vmem>>, %arg5: memref<128x128xf32, #tpu.memory_space<vmem>>, %arg6: memref<128x128xf32, #tpu.memory_space<vmem>>, %arg7: memref<1x128x512xf32, #tpu.memory_space<vmem>>, %arg8: memref<1x1x512xf32, #tpu.memory_space<vmem>>) attributes {dimension_semantics = [#tpu.dimension_semantics<arbitrary>, #tpu.dimension_semantics<arbitrary>], iteration_bounds = array<i64: 8, 4>, scalar_prefetch = 0 : i64, scratch_operands = 0 : i64, tpu.core_type = #tpu.core_type<tc>, window_params = [{transform_indices = @transform_0, window_bounds = array<i64: 1, 128, 512>}, {pipeline_mode = #tpu.pipeline_mode<synchronous>, transform_indices = @transform_1, window_bounds = array<i64: 128, 128>}, {pipeline_mode = #tpu.pipeline_mode<synchronous>, transform_indices = @transform_2, window_bounds = array<i64: 128, 128>}, {pipeline_mode = #tpu.pipeline_mode<synchronous>, transform_indices = @transform_3, window_bounds = array<i64: 128, 128>}, {pipeline_mode = #tpu.pipeline_mode<synchronous>, transform_indices = @transform_4, window_bounds = array<i64: 128, 128>}, {transform_indices = @transform_5, window_bounds = array<i64: 1, 128, 512>}, {transform_indices = @transform_6, window_bounds = array<i64: 1, 1, 512>}]} {
    %get3A = arith.constant 0 : index
    %get3A_0 = arith.constant 0 : index
    %get3A_1 = vector.load %arg3[%get3A, %get3A_0] : memref<128x128xf32, #tpu.memory_space<vmem>>, vector<128x1xf32>
    %get3A_2 = arith.constant 0 : index
    %get3A_3 = arith.constant 0 : index
    %get3A_4 = vector.load %arg4[%get3A_2, %get3A_3] : memref<128x128xf32, #tpu.memory_space<vmem>>, vector<128x1xf32>
    %get3A_5 = arith.constant 0 : index
    %get3A_6 = arith.constant 0 : index
    %get3A_7 = arith.constant 0 : index
    %get3A_8 = vector.load %arg2[%get3A_5, %get3A_6, %get3A_7] : memref<1x128x512xf32, #tpu.memory_space<vmem>>, vector<1x128x512xf32>
    %get3A_9 = vector.shape_cast %get3A_8 : vector<1x128x512xf32> to vector<128x512xf32>
    %sub3A = vector.broadcast %get3A_1 : vector<128x1xf32> to vector<128x512xf32>
    %sub3A_10 = arith.subf %get3A_9, %sub3A : vector<128x512xf32>
    %add3A = arith.constant 9.99999974E-6 : f32
    %add3A_11 = vector.broadcast %add3A : f32 to vector<128x1xf32>
    %add3A_12 = arith.addf %get3A_4, %add3A_11 : vector<128x1xf32>
    %sqrt3A = math.sqrt %add3A_12 : vector<128x1xf32>
    %div3A = vector.broadcast %sqrt3A : vector<128x1xf32> to vector<128x512xf32>
    %div3A_13 = arith.divf %sub3A_10, %div3A : vector<128x512xf32>
    %get3A_14 = arith.constant 0 : index
    %get3A_15 = arith.constant 0 : index
    %get3A_16 = vector.load %arg5[%get3A_14, %get3A_15] : memref<128x128xf32, #tpu.memory_space<vmem>>, vector<128x1xf32>
    %mul3A = vector.broadcast %get3A_16 : vector<128x1xf32> to vector<128x512xf32>
    %mul3A_17 = arith.mulf %div3A_13, %mul3A : vector<128x512xf32>
    %get3A_18 = arith.constant 0 : index
    %get3A_19 = arith.constant 0 : index
    %get3A_20 = vector.load %arg6[%get3A_18, %get3A_19] : memref<128x128xf32, #tpu.memory_space<vmem>>, vector<128x1xf32>
    %add3A_21 = vector.broadcast %get3A_20 : vector<128x1xf32> to vector<128x512xf32>
    %add3A_22 = arith.addf %mul3A_17, %add3A_21 : vector<128x512xf32>
    %ge3A = arith.constant 0.000000e+00 : f32
    %ge3A_23 = vector.broadcast %ge3A : f32 to vector<128x512xf32>
    %ge3A_24 = arith.cmpf oge, %add3A_22, %ge3A_23 : vector<128x512xf32>
    %mul3A_25 = arith.constant 2.000000e-01 : f32
    %mul3A_26 = vector.broadcast %mul3A_25 : f32 to vector<128x512xf32>
    %mul3A_27 = arith.mulf %add3A_22, %mul3A_26 : vector<128x512xf32>
    %select_n3A = arith.select %ge3A_24, %add3A_22, %mul3A_27 : vector<128x512xi1>, vector<128x512xf32>
    %swap3A = arith.constant 0 : index
    %swap3A_28 = arith.constant 0 : index
    %swap3A_29 = arith.constant 0 : index
    %swap3A_30 = vector.load %arg7[%swap3A, %swap3A_28, %swap3A_29] : memref<1x128x512xf32, #tpu.memory_space<vmem>>, vector<1x128x512xf32>
    %swap3A_31 = vector.shape_cast %swap3A_30 : vector<1x128x512xf32> to vector<128x512xf32>
    %swap3A_32 = vector.shape_cast %select_n3A : vector<128x512xf32> to vector<1x128x512xf32>
    tpu.vector_store %arg7[%swap3A, %swap3A_28, %swap3A_29], %swap3A_32 {strides = array<i32>} : memref<1x128x512xf32, #tpu.memory_space<vmem>>, vector<1x128x512xf32>,
    %mul3A_33 = arith.mulf %select_n3A, %select_n3A : vector<128x512xf32>
    %reduce_sum3A = arith.constant dense<0.000000e+00> : vector<512xf32>
    %reduce_sum3A_34 = vector.multi_reduction <add>, %mul3A_33, %reduce_sum3A [0] : vector<128x512xf32> to vector<512xf32>
    %broadcast_in_dim3A = vector.shape_cast %reduce_sum3A_34 : vector<512xf32> to vector<1x512xf32>
    %swap3A_35 = arith.constant 0 : index
    %swap3A_36 = arith.constant 0 : index
    %swap3A_37 = arith.constant 0 : index
    %swap3A_38 = vector.load %arg8[%swap3A_35, %swap3A_36, %swap3A_37] : memref<1x1x512xf32, #tpu.memory_space<vmem>>, vector<1x1x512xf32>
    %swap3A_39 = vector.shape_cast %swap3A_38 : vector<1x1x512xf32> to vector<1x512xf32>
    %swap3A_40 = vector.shape_cast %broadcast_in_dim3A : vector<1x512xf32> to vector<1x1x512xf32>
    tpu.vector_store %arg8[%swap3A_35, %swap3A_36, %swap3A_37], %swap3A_40 {strides = array<i32>} : memref<1x1x512xf32, #tpu.memory_space<vmem>>, vector<1x1x512xf32>,
    return
  }
  func.func @transform_0(%arg0: i32, %arg1: i32) -> (i32, i32, i32) {
    %c0_i32 = arith.constant 0 : i32
    %c0_i32_0 = arith.constant 0 : i32
    return %arg0, %c0_i32, %arg1 : i32, i32, i32
  }
  func.func @transform_1(%arg0: i32, %arg1: i32) -> (i32, i32) {
    %c0_i32 = arith.constant 0 : i32
    %c0_i32_0 = arith.constant 0 : i32
    %c0_i32_1 = arith.constant 0 : i32
    return %c0_i32, %c0_i32_0 : i32, i32
  }
  func.func @transform_2(%arg0: i32, %arg1: i32) -> (i32, i32) {
    %c0_i32 = arith.constant 0 : i32
    %c0_i32_0 = arith.constant 0 : i32
    %c0_i32_1 = arith.constant 0 : i32
    return %c0_i32, %c0_i32_0 : i32, i32
  }
  func.func @transform_3(%arg0: i32, %arg1: i32) -> (i32, i32) {
    %c0_i32 = arith.constant 0 : i32
    %c0_i32_0 = arith.constant 0 : i32
    %c0_i32_1 = arith.constant 0 : i32
    return %c0_i32, %c0_i32_0 : i32, i32
  }
  func.func @transform_4(%arg0: i32, %arg1: i32) -> (i32, i32) {
    %c0_i32 = arith.constant 0 : i32
    %c0_i32_0 = arith.constant 0 : i32
    %c0_i32_1 = arith.constant 0 : i32
    return %c0_i32, %c0_i32_0 : i32, i32
  }
  func.func @transform_5(%arg0: i32, %arg1: i32) -> (i32, i32, i32) {
    %c0_i32 = arith.constant 0 : i32
    %c0_i32_0 = arith.constant 0 : i32
    return %arg0, %c0_i32, %arg1 : i32, i32, i32
  }
  func.func @transform_6(%arg0: i32, %arg1: i32) -> (i32, i32, i32) {
    %c0_i32 = arith.constant 0 : i32
    %c0_i32_0 = arith.constant 0 : i32
    return %arg0, %c0_i32, %arg1 : i32, i32, i32
  }
}

module attributes {stable_mosaic.version = 14 : i64} {
  func.func @body(%arg0: i32, %arg1: i32, %arg2: memref<1x256x128xf32, #tpu.memory_space<vmem>>, %arg3: memref<1x128x2048xf32, #tpu.memory_space<vmem>>, %arg4: memref<1x1x2048xf32, #tpu.memory_space<vmem>>, %arg5: memref<1x1x1x256xf32, #tpu.memory_space<vmem>>, %arg6: memref<1x8x256xi32, #tpu.memory_space<vmem>>) attributes {dimension_semantics = [#tpu.dimension_semantics<arbitrary>, #tpu.dimension_semantics<arbitrary>], iteration_bounds = array<i64: 8, 8>, scalar_prefetch = 0 : i64, scratch_operands = 0 : i64, tpu.core_type = #tpu.core_type<tc>, window_params = [{transform_indices = @transform_0, window_bounds = array<i64: 1, 256, 128>}, {transform_indices = @transform_1, window_bounds = array<i64: 1, 128, 2048>}, {transform_indices = @transform_2, window_bounds = array<i64: 1, 1, 2048>}, {transform_indices = @transform_3, window_bounds = array<i64: 1, 1, 1, 256>}, {transform_indices = @transform_4, window_bounds = array<i64: 1, 8, 256>}]} {
    %get3A = arith.constant 0 : index
    %get3A_0 = arith.constant 0 : index
    %get3A_1 = arith.constant 0 : index
    %get3A_2 = vector.load %arg2[%get3A, %get3A_0, %get3A_1] : memref<1x256x128xf32, #tpu.memory_space<vmem>>, vector<1x256x128xf32>
    %get3A_3 = vector.shape_cast %get3A_2 : vector<1x256x128xf32> to vector<256x128xf32>
    %get3A_4 = arith.constant 0 : index
    %get3A_5 = arith.constant 0 : index
    %get3A_6 = arith.constant 0 : index
    %get3A_7 = vector.load %arg3[%get3A_4, %get3A_5, %get3A_6] : memref<1x128x2048xf32, #tpu.memory_space<vmem>>, vector<1x128x2048xf32>
    %get3A_8 = vector.shape_cast %get3A_7 : vector<1x128x2048xf32> to vector<128x2048xf32>
    %dot_general3A = arith.constant dense<0.000000e+00> : vector<256x2048xf32>
    %dot_general3A_9 = tpu.matmul %get3A_3, %get3A_8, %dot_general3A {dimension_numbers = #tpu.dot_dimension_numbers<[1], [0], [0], [1], [0, 0, 1, 1], [], []>, transpose_lhs_hint = false} : vector<256x128xf32>, vector<128x2048xf32>, vector<256x2048xf32> -> vector<256x2048xf32>
    %mul3A = arith.constant -2.000000e+00 : f32
    %mul3A_10 = vector.broadcast %mul3A : f32 to vector<256x2048xf32>
    %mul3A_11 = arith.mulf %mul3A_10, %dot_general3A_9 : vector<256x2048xf32>
    %get3A_12 = arith.constant 0 : index
    %get3A_13 = arith.constant 0 : index
    %get3A_14 = arith.constant 0 : index
    %get3A_15 = arith.constant 0 : index
    %get3A_16 = vector.load %arg5[%get3A_12, %get3A_13, %get3A_14, %get3A_15] : memref<1x1x1x256xf32, #tpu.memory_space<vmem>>, vector<1x1x1x256xf32>
    %get3A_17 = vector.shape_cast %get3A_16 : vector<1x1x1x256xf32> to vector<256xf32>
    %get3A_18 = arith.constant 0 : index
    %get3A_19 = arith.constant 0 : index
    %get3A_20 = arith.constant 0 : index
    %get3A_21 = vector.load %arg4[%get3A_18, %get3A_19, %get3A_20] : memref<1x1x2048xf32, #tpu.memory_space<vmem>>, vector<1x1x2048xf32>
    %get3A_22 = vector.shape_cast %get3A_21 : vector<1x1x2048xf32> to vector<1x2048xf32>
    %neg3A = arith.constant 0.000000e+00 : f32
    %neg3A_23 = vector.broadcast %neg3A : f32 to vector<1x2048xf32>
    %neg3A_24 = arith.subf %neg3A_23, %get3A_22 : vector<1x2048xf32>
    %sub3A = vector.broadcast %neg3A_24 : vector<1x2048xf32> to vector<256x2048xf32>
    %sub3A_25 = arith.subf %sub3A, %mul3A_11 : vector<256x2048xf32>
    %broadcast_in_dim3A = vector.shape_cast %get3A_17 : vector<256xf32> to vector<256x1xf32>
    %sub3A_26 = vector.broadcast %broadcast_in_dim3A : vector<256x1xf32> to vector<256x2048xf32>
    %sub3A_27 = arith.subf %sub3A_25, %sub3A_26 : vector<256x2048xf32>
    %iota3A = tpu.iota {dimensions = array<i32: 1>} : vector<256x2048xi32>
    %reduce_max3A = arith.constant dense<0xFF800000> : vector<256xf32>
    %reduce_max3A_28 = vector.multi_reduction <maximumf>, %sub3A_27, %reduce_max3A [1] : vector<256x2048xf32> to vector<256xf32>
    %broadcast_in_dim3A_29 = vector.shape_cast %reduce_max3A_28 : vector<256xf32> to vector<256x1xf32>
    %eq3A = vector.broadcast %broadcast_in_dim3A_29 : vector<256x1xf32> to vector<256x2048xf32>
    %eq3A_30 = arith.cmpf oeq, %sub3A_27, %eq3A : vector<256x2048xf32>
    %jit3A = arith.constant 2048 : i32
    %broadcast_in_dim3A_31 = vector.broadcast %jit3A : i32 to vector<256x2048xi32>
    %select_n3A = arith.select %eq3A_30, %iota3A, %broadcast_in_dim3A_31 : vector<256x2048xi1>, vector<256x2048xi32>
    %reduce_min3A = arith.constant dense<2147483647> : vector<256xi32>
    %reduce_min3A_32 = vector.multi_reduction <minsi>, %select_n3A, %reduce_min3A [1] : vector<256x2048xi32> to vector<256xi32>
    %broadcast_in_dim3A_33 = vector.shape_cast %reduce_min3A_32 : vector<256xi32> to vector<256x1xi32>
    %eq3A_34 = vector.broadcast %broadcast_in_dim3A_33 : vector<256x1xi32> to vector<256x2048xi32>
    %eq3A_35 = arith.cmpi eq, %iota3A, %eq3A_34 : vector<256x2048xi32>
    %jit3A_36 = arith.constant 0xFF800000 : f32
    %broadcast_in_dim3A_37 = vector.broadcast %jit3A_36 : f32 to vector<256x2048xf32>
    %select_n3A_38 = arith.select %eq3A_35, %broadcast_in_dim3A_37, %sub3A_27 : vector<256x2048xi1>, vector<256x2048xf32>
    %reduce_max3A_39 = arith.constant dense<0xFF800000> : vector<256xf32>
    %reduce_max3A_40 = vector.multi_reduction <maximumf>, %select_n3A_38, %reduce_max3A_39 [1] : vector<256x2048xf32> to vector<256xf32>
    %broadcast_in_dim3A_41 = vector.shape_cast %reduce_max3A_40 : vector<256xf32> to vector<256x1xf32>
    %eq3A_42 = vector.broadcast %broadcast_in_dim3A_41 : vector<256x1xf32> to vector<256x2048xf32>
    %eq3A_43 = arith.cmpf oeq, %select_n3A_38, %eq3A_42 : vector<256x2048xf32>
    %jit3A_44 = arith.constant 2048 : i32
    %broadcast_in_dim3A_45 = vector.broadcast %jit3A_44 : i32 to vector<256x2048xi32>
    %select_n3A_46 = arith.select %eq3A_43, %iota3A, %broadcast_in_dim3A_45 : vector<256x2048xi1>, vector<256x2048xi32>
    %reduce_min3A_47 = arith.constant dense<2147483647> : vector<256xi32>
    %reduce_min3A_48 = vector.multi_reduction <minsi>, %select_n3A_46, %reduce_min3A_47 [1] : vector<256x2048xi32> to vector<256xi32>
    %broadcast_in_dim3A_49 = vector.shape_cast %reduce_min3A_48 : vector<256xi32> to vector<256x1xi32>
    %eq3A_50 = vector.broadcast %broadcast_in_dim3A_49 : vector<256x1xi32> to vector<256x2048xi32>
    %eq3A_51 = arith.cmpi eq, %iota3A, %eq3A_50 : vector<256x2048xi32>
    %jit3A_52 = arith.constant 0xFF800000 : f32
    %broadcast_in_dim3A_53 = vector.broadcast %jit3A_52 : f32 to vector<256x2048xf32>
    %select_n3A_54 = arith.select %eq3A_51, %broadcast_in_dim3A_53, %select_n3A_38 : vector<256x2048xi1>, vector<256x2048xf32>
    %reduce_max3A_55 = arith.constant dense<0xFF800000> : vector<256xf32>
    %reduce_max3A_56 = vector.multi_reduction <maximumf>, %select_n3A_54, %reduce_max3A_55 [1] : vector<256x2048xf32> to vector<256xf32>
    %broadcast_in_dim3A_57 = vector.shape_cast %reduce_max3A_56 : vector<256xf32> to vector<256x1xf32>
    %eq3A_58 = vector.broadcast %broadcast_in_dim3A_57 : vector<256x1xf32> to vector<256x2048xf32>
    %eq3A_59 = arith.cmpf oeq, %select_n3A_54, %eq3A_58 : vector<256x2048xf32>
    %jit3A_60 = arith.constant 2048 : i32
    %broadcast_in_dim3A_61 = vector.broadcast %jit3A_60 : i32 to vector<256x2048xi32>
    %select_n3A_62 = arith.select %eq3A_59, %iota3A, %broadcast_in_dim3A_61 : vector<256x2048xi1>, vector<256x2048xi32>
    %reduce_min3A_63 = arith.constant dense<2147483647> : vector<256xi32>
    %reduce_min3A_64 = vector.multi_reduction <minsi>, %select_n3A_62, %reduce_min3A_63 [1] : vector<256x2048xi32> to vector<256xi32>
    %broadcast_in_dim3A_65 = vector.shape_cast %reduce_min3A_64 : vector<256xi32> to vector<256x1xi32>
    %eq3A_66 = vector.broadcast %broadcast_in_dim3A_65 : vector<256x1xi32> to vector<256x2048xi32>
    %eq3A_67 = arith.cmpi eq, %iota3A, %eq3A_66 : vector<256x2048xi32>
    %jit3A_68 = arith.constant 0xFF800000 : f32
    %broadcast_in_dim3A_69 = vector.broadcast %jit3A_68 : f32 to vector<256x2048xf32>
    %select_n3A_70 = arith.select %eq3A_67, %broadcast_in_dim3A_69, %select_n3A_54 : vector<256x2048xi1>, vector<256x2048xf32>
    %reduce_max3A_71 = arith.constant dense<0xFF800000> : vector<256xf32>
    %reduce_max3A_72 = vector.multi_reduction <maximumf>, %select_n3A_70, %reduce_max3A_71 [1] : vector<256x2048xf32> to vector<256xf32>
    %broadcast_in_dim3A_73 = vector.shape_cast %reduce_max3A_72 : vector<256xf32> to vector<256x1xf32>
    %eq3A_74 = vector.broadcast %broadcast_in_dim3A_73 : vector<256x1xf32> to vector<256x2048xf32>
    %eq3A_75 = arith.cmpf oeq, %select_n3A_70, %eq3A_74 : vector<256x2048xf32>
    %jit3A_76 = arith.constant 2048 : i32
    %broadcast_in_dim3A_77 = vector.broadcast %jit3A_76 : i32 to vector<256x2048xi32>
    %select_n3A_78 = arith.select %eq3A_75, %iota3A, %broadcast_in_dim3A_77 : vector<256x2048xi1>, vector<256x2048xi32>
    %reduce_min3A_79 = arith.constant dense<2147483647> : vector<256xi32>
    %reduce_min3A_80 = vector.multi_reduction <minsi>, %select_n3A_78, %reduce_min3A_79 [1] : vector<256x2048xi32> to vector<256xi32>
    %broadcast_in_dim3A_81 = vector.shape_cast %reduce_min3A_80 : vector<256xi32> to vector<256x1xi32>
    %eq3A_82 = vector.broadcast %broadcast_in_dim3A_81 : vector<256x1xi32> to vector<256x2048xi32>
    %eq3A_83 = arith.cmpi eq, %iota3A, %eq3A_82 : vector<256x2048xi32>
    %jit3A_84 = arith.constant 0xFF800000 : f32
    %broadcast_in_dim3A_85 = vector.broadcast %jit3A_84 : f32 to vector<256x2048xf32>
    %select_n3A_86 = arith.select %eq3A_83, %broadcast_in_dim3A_85, %select_n3A_70 : vector<256x2048xi1>, vector<256x2048xf32>
    %reduce_max3A_87 = arith.constant dense<0xFF800000> : vector<256xf32>
    %reduce_max3A_88 = vector.multi_reduction <maximumf>, %select_n3A_86, %reduce_max3A_87 [1] : vector<256x2048xf32> to vector<256xf32>
    %broadcast_in_dim3A_89 = vector.shape_cast %reduce_max3A_88 : vector<256xf32> to vector<256x1xf32>
    %eq3A_90 = vector.broadcast %broadcast_in_dim3A_89 : vector<256x1xf32> to vector<256x2048xf32>
    %eq3A_91 = arith.cmpf oeq, %select_n3A_86, %eq3A_90 : vector<256x2048xf32>
    %jit3A_92 = arith.constant 2048 : i32
    %broadcast_in_dim3A_93 = vector.broadcast %jit3A_92 : i32 to vector<256x2048xi32>
    %select_n3A_94 = arith.select %eq3A_91, %iota3A, %broadcast_in_dim3A_93 : vector<256x2048xi1>, vector<256x2048xi32>
    %reduce_min3A_95 = arith.constant dense<2147483647> : vector<256xi32>
    %reduce_min3A_96 = vector.multi_reduction <minsi>, %select_n3A_94, %reduce_min3A_95 [1] : vector<256x2048xi32> to vector<256xi32>
    %broadcast_in_dim3A_97 = vector.shape_cast %reduce_min3A_96 : vector<256xi32> to vector<256x1xi32>
    %eq3A_98 = vector.broadcast %broadcast_in_dim3A_97 : vector<256x1xi32> to vector<256x2048xi32>
    %eq3A_99 = arith.cmpi eq, %iota3A, %eq3A_98 : vector<256x2048xi32>
    %jit3A_100 = arith.constant 0xFF800000 : f32
    %broadcast_in_dim3A_101 = vector.broadcast %jit3A_100 : f32 to vector<256x2048xf32>
    %select_n3A_102 = arith.select %eq3A_99, %broadcast_in_dim3A_101, %select_n3A_86 : vector<256x2048xi1>, vector<256x2048xf32>
    %reduce_max3A_103 = arith.constant dense<0xFF800000> : vector<256xf32>
    %reduce_max3A_104 = vector.multi_reduction <maximumf>, %select_n3A_102, %reduce_max3A_103 [1] : vector<256x2048xf32> to vector<256xf32>
    %broadcast_in_dim3A_105 = vector.shape_cast %reduce_max3A_104 : vector<256xf32> to vector<256x1xf32>
    %eq3A_106 = vector.broadcast %broadcast_in_dim3A_105 : vector<256x1xf32> to vector<256x2048xf32>
    %eq3A_107 = arith.cmpf oeq, %select_n3A_102, %eq3A_106 : vector<256x2048xf32>
    %jit3A_108 = arith.constant 2048 : i32
    %broadcast_in_dim3A_109 = vector.broadcast %jit3A_108 : i32 to vector<256x2048xi32>
    %select_n3A_110 = arith.select %eq3A_107, %iota3A, %broadcast_in_dim3A_109 : vector<256x2048xi1>, vector<256x2048xi32>
    %reduce_min3A_111 = arith.constant dense<2147483647> : vector<256xi32>
    %reduce_min3A_112 = vector.multi_reduction <minsi>, %select_n3A_110, %reduce_min3A_111 [1] : vector<256x2048xi32> to vector<256xi32>
    %broadcast_in_dim3A_113 = vector.shape_cast %reduce_min3A_112 : vector<256xi32> to vector<256x1xi32>
    %eq3A_114 = vector.broadcast %broadcast_in_dim3A_113 : vector<256x1xi32> to vector<256x2048xi32>
    %eq3A_115 = arith.cmpi eq, %iota3A, %eq3A_114 : vector<256x2048xi32>
    %jit3A_116 = arith.constant 0xFF800000 : f32
    %broadcast_in_dim3A_117 = vector.broadcast %jit3A_116 : f32 to vector<256x2048xf32>
    %select_n3A_118 = arith.select %eq3A_115, %broadcast_in_dim3A_117, %select_n3A_102 : vector<256x2048xi1>, vector<256x2048xf32>
    %reduce_max3A_119 = arith.constant dense<0xFF800000> : vector<256xf32>
    %reduce_max3A_120 = vector.multi_reduction <maximumf>, %select_n3A_118, %reduce_max3A_119 [1] : vector<256x2048xf32> to vector<256xf32>
    %broadcast_in_dim3A_121 = vector.shape_cast %reduce_max3A_120 : vector<256xf32> to vector<256x1xf32>
    %eq3A_122 = vector.broadcast %broadcast_in_dim3A_121 : vector<256x1xf32> to vector<256x2048xf32>
    %eq3A_123 = arith.cmpf oeq, %select_n3A_118, %eq3A_122 : vector<256x2048xf32>
    %jit3A_124 = arith.constant 2048 : i32
    %broadcast_in_dim3A_125 = vector.broadcast %jit3A_124 : i32 to vector<256x2048xi32>
    %select_n3A_126 = arith.select %eq3A_123, %iota3A, %broadcast_in_dim3A_125 : vector<256x2048xi1>, vector<256x2048xi32>
    %reduce_min3A_127 = arith.constant dense<2147483647> : vector<256xi32>
    %reduce_min3A_128 = vector.multi_reduction <minsi>, %select_n3A_126, %reduce_min3A_127 [1] : vector<256x2048xi32> to vector<256xi32>
    %broadcast_in_dim3A_129 = vector.shape_cast %reduce_min3A_128 : vector<256xi32> to vector<256x1xi32>
    %eq3A_130 = vector.broadcast %broadcast_in_dim3A_129 : vector<256x1xi32> to vector<256x2048xi32>
    %eq3A_131 = arith.cmpi eq, %iota3A, %eq3A_130 : vector<256x2048xi32>
    %jit3A_132 = arith.constant 0xFF800000 : f32
    %broadcast_in_dim3A_133 = vector.broadcast %jit3A_132 : f32 to vector<256x2048xf32>
    %select_n3A_134 = arith.select %eq3A_131, %broadcast_in_dim3A_133, %select_n3A_118 : vector<256x2048xi1>, vector<256x2048xf32>
    %reduce_max3A_135 = arith.constant dense<0xFF800000> : vector<256xf32>
    %reduce_max3A_136 = vector.multi_reduction <maximumf>, %select_n3A_134, %reduce_max3A_135 [1] : vector<256x2048xf32> to vector<256xf32>
    %broadcast_in_dim3A_137 = vector.shape_cast %reduce_max3A_136 : vector<256xf32> to vector<256x1xf32>
    %eq3A_138 = vector.broadcast %broadcast_in_dim3A_137 : vector<256x1xf32> to vector<256x2048xf32>
    %eq3A_139 = arith.cmpf oeq, %select_n3A_134, %eq3A_138 : vector<256x2048xf32>
    %jit3A_140 = arith.constant 2048 : i32
    %broadcast_in_dim3A_141 = vector.broadcast %jit3A_140 : i32 to vector<256x2048xi32>
    %select_n3A_142 = arith.select %eq3A_139, %iota3A, %broadcast_in_dim3A_141 : vector<256x2048xi1>, vector<256x2048xi32>
    %reduce_min3A_143 = arith.constant dense<2147483647> : vector<256xi32>
    %reduce_min3A_144 = vector.multi_reduction <minsi>, %select_n3A_142, %reduce_min3A_143 [1] : vector<256x2048xi32> to vector<256xi32>
    %stack3A = vector.shape_cast %reduce_min3A_32 : vector<256xi32> to vector<1x256xi32>
    %stack3A_145 = vector.shape_cast %reduce_min3A_48 : vector<256xi32> to vector<1x256xi32>
    %stack3A_146 = vector.shape_cast %reduce_min3A_64 : vector<256xi32> to vector<1x256xi32>
    %stack3A_147 = vector.shape_cast %reduce_min3A_80 : vector<256xi32> to vector<1x256xi32>
    %stack3A_148 = vector.shape_cast %reduce_min3A_96 : vector<256xi32> to vector<1x256xi32>
    %stack3A_149 = vector.shape_cast %reduce_min3A_112 : vector<256xi32> to vector<1x256xi32>
    %stack3A_150 = vector.shape_cast %reduce_min3A_128 : vector<256xi32> to vector<1x256xi32>
    %stack3A_151 = vector.shape_cast %reduce_min3A_144 : vector<256xi32> to vector<1x256xi32>
    %stack3A_152 = tpu.concatenate %stack3A, %stack3A_145, %stack3A_146, %stack3A_147, %stack3A_148, %stack3A_149, %stack3A_150, %stack3A_151 in 0 : vector<1x256xi32>, vector<1x256xi32>, vector<1x256xi32>, vector<1x256xi32>, vector<1x256xi32>, vector<1x256xi32>, vector<1x256xi32>, vector<1x256xi32> -> vector<8x256xi32>
    %mul3A_153 = arith.constant 2048 : i32
    %mul3A_154 = arith.muli %arg0, %mul3A_153 : i32
    %add3A = vector.broadcast %mul3A_154 : i32 to vector<8x256xi32>
    %add3A_155 = arith.addi %stack3A_152, %add3A : vector<8x256xi32>
    %swap3A = arith.constant 0 : index
    %swap3A_156 = arith.constant 0 : index
    %swap3A_157 = arith.constant 0 : index
    %swap3A_158 = vector.load %arg6[%swap3A, %swap3A_156, %swap3A_157] : memref<1x8x256xi32, #tpu.memory_space<vmem>>, vector<1x8x256xi32>
    %swap3A_159 = vector.shape_cast %swap3A_158 : vector<1x8x256xi32> to vector<8x256xi32>
    %swap3A_160 = vector.shape_cast %add3A_155 : vector<8x256xi32> to vector<1x8x256xi32>
    tpu.vector_store %arg6[%swap3A, %swap3A_156, %swap3A_157], %swap3A_160 {strides = array<i32>} : memref<1x8x256xi32, #tpu.memory_space<vmem>>, vector<1x8x256xi32>,
    return
  }
  func.func @transform_0(%arg0: i32, %arg1: i32) -> (i32, i32, i32) {
    %c0_i32 = arith.constant 0 : i32
    %c0_i32_0 = arith.constant 0 : i32
    return %arg0, %arg1, %c0_i32 : i32, i32, i32
  }
  func.func @transform_1(%arg0: i32, %arg1: i32) -> (i32, i32, i32) {
    %c0_i32 = arith.constant 0 : i32
    %c0_i32_0 = arith.constant 0 : i32
    %c0_i32_1 = arith.constant 0 : i32
    return %arg0, %c0_i32, %c0_i32_0 : i32, i32, i32
  }
  func.func @transform_2(%arg0: i32, %arg1: i32) -> (i32, i32, i32) {
    %c0_i32 = arith.constant 0 : i32
    %c0_i32_0 = arith.constant 0 : i32
    %c0_i32_1 = arith.constant 0 : i32
    return %arg0, %c0_i32, %c0_i32_0 : i32, i32, i32
  }
  func.func @transform_3(%arg0: i32, %arg1: i32) -> (i32, i32, i32, i32) {
    %c0_i32 = arith.constant 0 : i32
    %c0_i32_0 = arith.constant 0 : i32
    %c0_i32_1 = arith.constant 0 : i32
    return %arg0, %arg1, %c0_i32, %c0_i32_0 : i32, i32, i32, i32
  }
  func.func @transform_4(%arg0: i32, %arg1: i32) -> (i32, i32, i32) {
    %c0_i32 = arith.constant 0 : i32
    %c0_i32_0 = arith.constant 0 : i32
    return %arg0, %c0_i32, %arg1 : i32, i32, i32
  }
}

module attributes {stable_mosaic.version = 14 : i64} {
  func.func @body(%arg0: i32, %arg1: memref<2048x128xf32, #tpu.memory_space<vmem>>, %arg2: memref<256x128xf32, #tpu.memory_space<vmem>>, %arg3: memref<64x256xf32, #tpu.memory_space<vmem>>, %arg4: memref<8x64xf32, #tpu.memory_space<vmem>>, %arg5: memref<2048x64xf32, #tpu.memory_space<vmem>>, %arg6: memref<256x64xf32, #tpu.memory_space<vmem>>, %arg7: memref<8x64xf32, #tpu.memory_space<vmem>>, %arg8: memref<8x64xf32, #tpu.memory_space<vmem>>) attributes {dimension_semantics = [#tpu.dimension_semantics<arbitrary>], iteration_bounds = array<i64: 64>, scalar_prefetch = 0 : i64, scratch_operands = 1 : i64, tpu.core_type = #tpu.core_type<tc>, window_params = [{transform_indices = @transform_0, window_bounds = array<i64: 2048, 128>}, {transform_indices = @transform_1, window_bounds = array<i64: 256, 128>}, {pipeline_mode = #tpu.pipeline_mode<synchronous>, transform_indices = @transform_2, window_bounds = array<i64: 64, 256>}, {pipeline_mode = #tpu.pipeline_mode<synchronous>, transform_indices = @transform_3, window_bounds = array<i64: 8, 64>}, {transform_indices = @transform_4, window_bounds = array<i64: 2048, 64>}, {transform_indices = @transform_5, window_bounds = array<i64: 256, 64>}, {pipeline_mode = #tpu.pipeline_mode<synchronous>, transform_indices = @transform_6, window_bounds = array<i64: 8, 64>}]} {
    %get3A = arith.constant 0 : index
    %get3A_0 = arith.constant 0 : index
    %get3A_1 = vector.load %arg1[%get3A, %get3A_0] : memref<2048x128xf32, #tpu.memory_space<vmem>>, vector<2048x128xf32>
    %get3A_2 = arith.constant 0 : index
    %get3A_3 = arith.constant 0 : index
    %get3A_4 = vector.load %arg2[%get3A_2, %get3A_3] : memref<256x128xf32, #tpu.memory_space<vmem>>, vector<256x128xf32>
    %broadcast_in_dim3A = vector.shape_cast %get3A_4 : vector<256x128xf32> to vector<256x1x128xf32>
    %broadcast_in_dim3A_5 = vector.shape_cast %broadcast_in_dim3A : vector<256x1x128xf32> to vector<256x1x128xf32>
    %broadcast_in_dim3A_6 = vector.broadcast %broadcast_in_dim3A_5 : vector<256x1x128xf32> to vector<256x8x128xf32>
    %reshape3A = vector.shape_cast %broadcast_in_dim3A_6 : vector<256x8x128xf32> to vector<2048x128xf32>
    %sub3A = arith.subf %get3A_1, %reshape3A : vector<2048x128xf32>
    %concatenate3A = tpu.concatenate %sub3A, %reshape3A in 1 : vector<2048x128xf32>, vector<2048x128xf32> -> vector<2048x256xf32>
    %get3A_7 = arith.constant 0 : index
    %get3A_8 = arith.constant 0 : index
    %get3A_9 = vector.load %arg3[%get3A_7, %get3A_8] : memref<64x256xf32, #tpu.memory_space<vmem>>, vector<64x256xf32>
    %dot_general3A = arith.constant dense<0.000000e+00> : vector<2048x64xf32>
    %dot_general3A_10 = tpu.matmul %concatenate3A, %get3A_9, %dot_general3A {dimension_numbers = #tpu.dot_dimension_numbers<[1], [1], [0], [0], [0, 0, 1, 0], [], []>, transpose_lhs_hint = false} : vector<2048x256xf32>, vector<64x256xf32>, vector<2048x64xf32> -> vector<2048x64xf32>
    %get3A_11 = arith.constant 0 : index
    %get3A_12 = arith.constant 0 : index
    %get3A_13 = vector.load %arg4[%get3A_11, %get3A_12] : memref<8x64xf32, #tpu.memory_space<vmem>>, vector<1x64xf32>
    %add3A = vector.broadcast %get3A_13 : vector<1x64xf32> to vector<2048x64xf32>
    %add3A_14 = arith.addf %dot_general3A_10, %add3A : vector<2048x64xf32>
    %swap3A = arith.constant 0 : index
    %swap3A_15 = arith.constant 0 : index
    %swap3A_16 = vector.load %arg5[%swap3A, %swap3A_15] : memref<2048x64xf32, #tpu.memory_space<vmem>>, vector<2048x64xf32>
    tpu.vector_store %arg5[%swap3A, %swap3A_15], %add3A_14 {strides = array<i32>} : memref<2048x64xf32, #tpu.memory_space<vmem>>, vector<2048x64xf32>,
    %reshape3A_17 = vector.shape_cast %add3A_14 : vector<2048x64xf32> to vector<256x8x64xf32>
    %reduce_max3A = arith.constant dense<0xFF800000> : vector<256x64xf32>
    %reduce_max3A_18 = vector.multi_reduction <maximumf>, %reshape3A_17, %reduce_max3A [1] : vector<256x8x64xf32> to vector<256x64xf32>
    %swap3A_19 = arith.constant 0 : index
    %swap3A_20 = arith.constant 0 : index
    %swap3A_21 = vector.load %arg6[%swap3A_19, %swap3A_20] : memref<256x64xf32, #tpu.memory_space<vmem>>, vector<256x64xf32>
    tpu.vector_store %arg6[%swap3A_19, %swap3A_20], %reduce_max3A_18 {strides = array<i32>} : memref<256x64xf32, #tpu.memory_space<vmem>>, vector<256x64xf32>,
    %reduce_sum3A = arith.constant dense<0.000000e+00> : vector<64xf32>
    %reduce_sum3A_22 = vector.multi_reduction <add>, %add3A_14, %reduce_sum3A [0] : vector<2048x64xf32> to vector<64xf32>
    %broadcast_in_dim3A_23 = vector.shape_cast %reduce_sum3A_22 : vector<64xf32> to vector<1x64xf32>
    %eq3A = arith.constant 0 : i32
    %eq3A_24 = arith.cmpi eq, %arg0, %eq3A : i32
    %convert_element_type3A = arith.extui %eq3A_24 : i1 to i32
    %cond3A = arith.constant 0 : i32
    %cond3A_25 = arith.cmpi ne, %convert_element_type3A, %cond3A : i32
    scf.if %cond3A_25 {
      %broadcast_in_dim3A_40 = arith.constant 0.000000e+00 : f32
      %broadcast_in_dim3A_41 = vector.broadcast %broadcast_in_dim3A_40 : f32 to vector<8x64xf32>
      %swap3A_42 = arith.constant 0 : index
      %swap3A_43 = arith.constant 0 : index
      %swap3A_44 = vector.load %arg8[%swap3A_42, %swap3A_43] : memref<8x64xf32, #tpu.memory_space<vmem>>, vector<8x64xf32>
      tpu.vector_store %arg8[%swap3A_42, %swap3A_43], %broadcast_in_dim3A_41 {strides = array<i32>} : memref<8x64xf32, #tpu.memory_space<vmem>>, vector<8x64xf32>,
    } else {
    }
    %get3A_26 = arith.constant 0 : index
    %get3A_27 = arith.constant 0 : index
    %get3A_28 = vector.load %arg8[%get3A_26, %get3A_27] : memref<8x64xf32, #tpu.memory_space<vmem>>, vector<8x64xf32>
    %broadcast_in_dim3A_29 = vector.shape_cast %broadcast_in_dim3A_23 : vector<1x64xf32> to vector<1x64xf32>
    %broadcast_in_dim3A_30 = vector.broadcast %broadcast_in_dim3A_29 : vector<1x64xf32> to vector<8x64xf32>
    %add3A_31 = arith.addf %get3A_28, %broadcast_in_dim3A_30 : vector<8x64xf32>
    %swap3A_32 = arith.constant 0 : index
    %swap3A_33 = arith.constant 0 : index
    %swap3A_34 = vector.load %arg8[%swap3A_32, %swap3A_33] : memref<8x64xf32, #tpu.memory_space<vmem>>, vector<8x64xf32>
    tpu.vector_store %arg8[%swap3A_32, %swap3A_33], %add3A_31 {strides = array<i32>} : memref<8x64xf32, #tpu.memory_space<vmem>>, vector<8x64xf32>,
    %eq3A_35 = arith.constant 63 : i32
    %eq3A_36 = arith.cmpi eq, %arg0, %eq3A_35 : i32
    %convert_element_type3A_37 = arith.extui %eq3A_36 : i1 to i32
    %cond3A_38 = arith.constant 0 : i32
    %cond3A_39 = arith.cmpi ne, %convert_element_type3A_37, %cond3A_38 : i32
    scf.if %cond3A_39 {
      %get3A_40 = arith.constant 0 : index
      %get3A_41 = arith.constant 0 : index
      %get3A_42 = vector.load %arg8[%get3A_40, %get3A_41] : memref<8x64xf32, #tpu.memory_space<vmem>>, vector<8x64xf32>
      %swap3A_43 = arith.constant 0 : index
      %swap3A_44 = arith.constant 0 : index
      %swap3A_45 = vector.load %arg7[%swap3A_43, %swap3A_44] : memref<8x64xf32, #tpu.memory_space<vmem>>, vector<8x64xf32>
      tpu.vector_store %arg7[%swap3A_43, %swap3A_44], %get3A_42 {strides = array<i32>} : memref<8x64xf32, #tpu.memory_space<vmem>>, vector<8x64xf32>,
    } else {
    }
    return
  }
  func.func @transform_0(%arg0: i32) -> (i32, i32) {
    %c0_i32 = arith.constant 0 : i32
    %c0_i32_0 = arith.constant 0 : i32
    return %arg0, %c0_i32 : i32, i32
  }
  func.func @transform_1(%arg0: i32) -> (i32, i32) {
    %c0_i32 = arith.constant 0 : i32
    %c0_i32_0 = arith.constant 0 : i32
    return %arg0, %c0_i32 : i32, i32
  }
  func.func @transform_2(%arg0: i32) -> (i32, i32) {
    %c0_i32 = arith.constant 0 : i32
    %c0_i32_0 = arith.constant 0 : i32
    %c0_i32_1 = arith.constant 0 : i32
    return %c0_i32, %c0_i32_0 : i32, i32
  }
  func.func @transform_3(%arg0: i32) -> (i32, i32) {
    %c0_i32 = arith.constant 0 : i32
    %c0_i32_0 = arith.constant 0 : i32
    %c0_i32_1 = arith.constant 0 : i32
    return %c0_i32, %c0_i32_0 : i32, i32
  }
  func.func @transform_4(%arg0: i32) -> (i32, i32) {
    %c0_i32 = arith.constant 0 : i32
    %c0_i32_0 = arith.constant 0 : i32
    return %arg0, %c0_i32 : i32, i32
  }
  func.func @transform_5(%arg0: i32) -> (i32, i32) {
    %c0_i32 = arith.constant 0 : i32
    %c0_i32_0 = arith.constant 0 : i32
    return %arg0, %c0_i32 : i32, i32
  }
  func.func @transform_6(%arg0: i32) -> (i32, i32) {
    %c0_i32 = arith.constant 0 : i32
    %c0_i32_0 = arith.constant 0 : i32
    %c0_i32_1 = arith.constant 0 : i32
    return %c0_i32, %c0_i32_0 : i32, i32
  }
}

module attributes {stable_mosaic.version = 14 : i64} {
  func.func @body(%arg0: i32, %arg1: i32, %arg2: memref<1x64x512xf32, #tpu.memory_space<vmem>>, %arg3: memref<64x128xf32, #tpu.memory_space<vmem>>, %arg4: memref<64x128xf32, #tpu.memory_space<vmem>>, %arg5: memref<64x128xf32, #tpu.memory_space<vmem>>, %arg6: memref<64x128xf32, #tpu.memory_space<vmem>>, %arg7: memref<1x64x512xf32, #tpu.memory_space<vmem>>, %arg8: memref<1x1x512xf32, #tpu.memory_space<vmem>>) attributes {dimension_semantics = [#tpu.dimension_semantics<arbitrary>, #tpu.dimension_semantics<arbitrary>], iteration_bounds = array<i64: 8, 4>, scalar_prefetch = 0 : i64, scratch_operands = 0 : i64, tpu.core_type = #tpu.core_type<tc>, window_params = [{transform_indices = @transform_0, window_bounds = array<i64: 1, 64, 512>}, {pipeline_mode = #tpu.pipeline_mode<synchronous>, transform_indices = @transform_1, window_bounds = array<i64: 64, 128>}, {pipeline_mode = #tpu.pipeline_mode<synchronous>, transform_indices = @transform_2, window_bounds = array<i64: 64, 128>}, {pipeline_mode = #tpu.pipeline_mode<synchronous>, transform_indices = @transform_3, window_bounds = array<i64: 64, 128>}, {pipeline_mode = #tpu.pipeline_mode<synchronous>, transform_indices = @transform_4, window_bounds = array<i64: 64, 128>}, {transform_indices = @transform_5, window_bounds = array<i64: 1, 64, 512>}, {transform_indices = @transform_6, window_bounds = array<i64: 1, 1, 512>}]} {
    %get3A = arith.constant 0 : index
    %get3A_0 = arith.constant 0 : index
    %get3A_1 = vector.load %arg3[%get3A, %get3A_0] : memref<64x128xf32, #tpu.memory_space<vmem>>, vector<64x1xf32>
    %get3A_2 = arith.constant 0 : index
    %get3A_3 = arith.constant 0 : index
    %get3A_4 = vector.load %arg4[%get3A_2, %get3A_3] : memref<64x128xf32, #tpu.memory_space<vmem>>, vector<64x1xf32>
    %get3A_5 = arith.constant 0 : index
    %get3A_6 = arith.constant 0 : index
    %get3A_7 = arith.constant 0 : index
    %get3A_8 = vector.load %arg2[%get3A_5, %get3A_6, %get3A_7] : memref<1x64x512xf32, #tpu.memory_space<vmem>>, vector<1x64x512xf32>
    %get3A_9 = vector.shape_cast %get3A_8 : vector<1x64x512xf32> to vector<64x512xf32>
    %sub3A = vector.broadcast %get3A_1 : vector<64x1xf32> to vector<64x512xf32>
    %sub3A_10 = arith.subf %get3A_9, %sub3A : vector<64x512xf32>
    %add3A = arith.constant 9.99999974E-6 : f32
    %add3A_11 = vector.broadcast %add3A : f32 to vector<64x1xf32>
    %add3A_12 = arith.addf %get3A_4, %add3A_11 : vector<64x1xf32>
    %sqrt3A = math.sqrt %add3A_12 : vector<64x1xf32>
    %div3A = vector.broadcast %sqrt3A : vector<64x1xf32> to vector<64x512xf32>
    %div3A_13 = arith.divf %sub3A_10, %div3A : vector<64x512xf32>
    %get3A_14 = arith.constant 0 : index
    %get3A_15 = arith.constant 0 : index
    %get3A_16 = vector.load %arg5[%get3A_14, %get3A_15] : memref<64x128xf32, #tpu.memory_space<vmem>>, vector<64x1xf32>
    %mul3A = vector.broadcast %get3A_16 : vector<64x1xf32> to vector<64x512xf32>
    %mul3A_17 = arith.mulf %div3A_13, %mul3A : vector<64x512xf32>
    %get3A_18 = arith.constant 0 : index
    %get3A_19 = arith.constant 0 : index
    %get3A_20 = vector.load %arg6[%get3A_18, %get3A_19] : memref<64x128xf32, #tpu.memory_space<vmem>>, vector<64x1xf32>
    %add3A_21 = vector.broadcast %get3A_20 : vector<64x1xf32> to vector<64x512xf32>
    %add3A_22 = arith.addf %mul3A_17, %add3A_21 : vector<64x512xf32>
    %ge3A = arith.constant 0.000000e+00 : f32
    %ge3A_23 = vector.broadcast %ge3A : f32 to vector<64x512xf32>
    %ge3A_24 = arith.cmpf oge, %add3A_22, %ge3A_23 : vector<64x512xf32>
    %mul3A_25 = arith.constant 2.000000e-01 : f32
    %mul3A_26 = vector.broadcast %mul3A_25 : f32 to vector<64x512xf32>
    %mul3A_27 = arith.mulf %add3A_22, %mul3A_26 : vector<64x512xf32>
    %select_n3A = arith.select %ge3A_24, %add3A_22, %mul3A_27 : vector<64x512xi1>, vector<64x512xf32>
    %swap3A = arith.constant 0 : index
    %swap3A_28 = arith.constant 0 : index
    %swap3A_29 = arith.constant 0 : index
    %swap3A_30 = vector.load %arg7[%swap3A, %swap3A_28, %swap3A_29] : memref<1x64x512xf32, #tpu.memory_space<vmem>>, vector<1x64x512xf32>
    %swap3A_31 = vector.shape_cast %swap3A_30 : vector<1x64x512xf32> to vector<64x512xf32>
    %swap3A_32 = vector.shape_cast %select_n3A : vector<64x512xf32> to vector<1x64x512xf32>
    tpu.vector_store %arg7[%swap3A, %swap3A_28, %swap3A_29], %swap3A_32 {strides = array<i32>} : memref<1x64x512xf32, #tpu.memory_space<vmem>>, vector<1x64x512xf32>,
    %mul3A_33 = arith.mulf %select_n3A, %select_n3A : vector<64x512xf32>
    %reduce_sum3A = arith.constant dense<0.000000e+00> : vector<512xf32>
    %reduce_sum3A_34 = vector.multi_reduction <add>, %mul3A_33, %reduce_sum3A [0] : vector<64x512xf32> to vector<512xf32>
    %broadcast_in_dim3A = vector.shape_cast %reduce_sum3A_34 : vector<512xf32> to vector<1x512xf32>
    %swap3A_35 = arith.constant 0 : index
    %swap3A_36 = arith.constant 0 : index
    %swap3A_37 = arith.constant 0 : index
    %swap3A_38 = vector.load %arg8[%swap3A_35, %swap3A_36, %swap3A_37] : memref<1x1x512xf32, #tpu.memory_space<vmem>>, vector<1x1x512xf32>
    %swap3A_39 = vector.shape_cast %swap3A_38 : vector<1x1x512xf32> to vector<1x512xf32>
    %swap3A_40 = vector.shape_cast %broadcast_in_dim3A : vector<1x512xf32> to vector<1x1x512xf32>
    tpu.vector_store %arg8[%swap3A_35, %swap3A_36, %swap3A_37], %swap3A_40 {strides = array<i32>} : memref<1x1x512xf32, #tpu.memory_space<vmem>>, vector<1x1x512xf32>,
    return
  }
  func.func @transform_0(%arg0: i32, %arg1: i32) -> (i32, i32, i32) {
    %c0_i32 = arith.constant 0 : i32
    %c0_i32_0 = arith.constant 0 : i32
    return %arg0, %c0_i32, %arg1 : i32, i32, i32
  }
  func.func @transform_1(%arg0: i32, %arg1: i32) -> (i32, i32) {
    %c0_i32 = arith.constant 0 : i32
    %c0_i32_0 = arith.constant 0 : i32
    %c0_i32_1 = arith.constant 0 : i32
    return %c0_i32, %c0_i32_0 : i32, i32
  }
  func.func @transform_2(%arg0: i32, %arg1: i32) -> (i32, i32) {
    %c0_i32 = arith.constant 0 : i32
    %c0_i32_0 = arith.constant 0 : i32
    %c0_i32_1 = arith.constant 0 : i32
    return %c0_i32, %c0_i32_0 : i32, i32
  }
  func.func @transform_3(%arg0: i32, %arg1: i32) -> (i32, i32) {
    %c0_i32 = arith.constant 0 : i32
    %c0_i32_0 = arith.constant 0 : i32
    %c0_i32_1 = arith.constant 0 : i32
    return %c0_i32, %c0_i32_0 : i32, i32
  }
  func.func @transform_4(%arg0: i32, %arg1: i32) -> (i32, i32) {
    %c0_i32 = arith.constant 0 : i32
    %c0_i32_0 = arith.constant 0 : i32
    %c0_i32_1 = arith.constant 0 : i32
    return %c0_i32, %c0_i32_0 : i32, i32
  }
  func.func @transform_5(%arg0: i32, %arg1: i32) -> (i32, i32, i32) {
    %c0_i32 = arith.constant 0 : i32
    %c0_i32_0 = arith.constant 0 : i32
    return %arg0, %c0_i32, %arg1 : i32, i32, i32
  }
  func.func @transform_6(%arg0: i32, %arg1: i32) -> (i32, i32, i32) {
    %c0_i32 = arith.constant 0 : i32
    %c0_i32_0 = arith.constant 0 : i32
    return %arg0, %c0_i32, %arg1 : i32, i32, i32
  }
}

module attributes {stable_mosaic.version = 14 : i64} {
  func.func @body(%arg0: i32, %arg1: i32, %arg2: memref<1x256x64xf32, #tpu.memory_space<vmem>>, %arg3: memref<1x64x2048xf32, #tpu.memory_space<vmem>>, %arg4: memref<1x1x2048xf32, #tpu.memory_space<vmem>>, %arg5: memref<1x1x1x256xf32, #tpu.memory_space<vmem>>, %arg6: memref<1x8x256xi32, #tpu.memory_space<vmem>>) attributes {dimension_semantics = [#tpu.dimension_semantics<arbitrary>, #tpu.dimension_semantics<arbitrary>], iteration_bounds = array<i64: 8, 8>, scalar_prefetch = 0 : i64, scratch_operands = 0 : i64, tpu.core_type = #tpu.core_type<tc>, window_params = [{transform_indices = @transform_0, window_bounds = array<i64: 1, 256, 64>}, {transform_indices = @transform_1, window_bounds = array<i64: 1, 64, 2048>}, {transform_indices = @transform_2, window_bounds = array<i64: 1, 1, 2048>}, {transform_indices = @transform_3, window_bounds = array<i64: 1, 1, 1, 256>}, {transform_indices = @transform_4, window_bounds = array<i64: 1, 8, 256>}]} {
    %get3A = arith.constant 0 : index
    %get3A_0 = arith.constant 0 : index
    %get3A_1 = arith.constant 0 : index
    %get3A_2 = vector.load %arg2[%get3A, %get3A_0, %get3A_1] : memref<1x256x64xf32, #tpu.memory_space<vmem>>, vector<1x256x64xf32>
    %get3A_3 = vector.shape_cast %get3A_2 : vector<1x256x64xf32> to vector<256x64xf32>
    %get3A_4 = arith.constant 0 : index
    %get3A_5 = arith.constant 0 : index
    %get3A_6 = arith.constant 0 : index
    %get3A_7 = vector.load %arg3[%get3A_4, %get3A_5, %get3A_6] : memref<1x64x2048xf32, #tpu.memory_space<vmem>>, vector<1x64x2048xf32>
    %get3A_8 = vector.shape_cast %get3A_7 : vector<1x64x2048xf32> to vector<64x2048xf32>
    %dot_general3A = arith.constant dense<0.000000e+00> : vector<256x2048xf32>
    %dot_general3A_9 = tpu.matmul %get3A_3, %get3A_8, %dot_general3A {dimension_numbers = #tpu.dot_dimension_numbers<[1], [0], [0], [1], [0, 0, 1, 1], [], []>, transpose_lhs_hint = false} : vector<256x64xf32>, vector<64x2048xf32>, vector<256x2048xf32> -> vector<256x2048xf32>
    %mul3A = arith.constant -2.000000e+00 : f32
    %mul3A_10 = vector.broadcast %mul3A : f32 to vector<256x2048xf32>
    %mul3A_11 = arith.mulf %mul3A_10, %dot_general3A_9 : vector<256x2048xf32>
    %get3A_12 = arith.constant 0 : index
    %get3A_13 = arith.constant 0 : index
    %get3A_14 = arith.constant 0 : index
    %get3A_15 = arith.constant 0 : index
    %get3A_16 = vector.load %arg5[%get3A_12, %get3A_13, %get3A_14, %get3A_15] : memref<1x1x1x256xf32, #tpu.memory_space<vmem>>, vector<1x1x1x256xf32>
    %get3A_17 = vector.shape_cast %get3A_16 : vector<1x1x1x256xf32> to vector<256xf32>
    %get3A_18 = arith.constant 0 : index
    %get3A_19 = arith.constant 0 : index
    %get3A_20 = arith.constant 0 : index
    %get3A_21 = vector.load %arg4[%get3A_18, %get3A_19, %get3A_20] : memref<1x1x2048xf32, #tpu.memory_space<vmem>>, vector<1x1x2048xf32>
    %get3A_22 = vector.shape_cast %get3A_21 : vector<1x1x2048xf32> to vector<1x2048xf32>
    %neg3A = arith.constant 0.000000e+00 : f32
    %neg3A_23 = vector.broadcast %neg3A : f32 to vector<1x2048xf32>
    %neg3A_24 = arith.subf %neg3A_23, %get3A_22 : vector<1x2048xf32>
    %sub3A = vector.broadcast %neg3A_24 : vector<1x2048xf32> to vector<256x2048xf32>
    %sub3A_25 = arith.subf %sub3A, %mul3A_11 : vector<256x2048xf32>
    %broadcast_in_dim3A = vector.shape_cast %get3A_17 : vector<256xf32> to vector<256x1xf32>
    %sub3A_26 = vector.broadcast %broadcast_in_dim3A : vector<256x1xf32> to vector<256x2048xf32>
    %sub3A_27 = arith.subf %sub3A_25, %sub3A_26 : vector<256x2048xf32>
    %iota3A = tpu.iota {dimensions = array<i32: 1>} : vector<256x2048xi32>
    %reduce_max3A = arith.constant dense<0xFF800000> : vector<256xf32>
    %reduce_max3A_28 = vector.multi_reduction <maximumf>, %sub3A_27, %reduce_max3A [1] : vector<256x2048xf32> to vector<256xf32>
    %broadcast_in_dim3A_29 = vector.shape_cast %reduce_max3A_28 : vector<256xf32> to vector<256x1xf32>
    %eq3A = vector.broadcast %broadcast_in_dim3A_29 : vector<256x1xf32> to vector<256x2048xf32>
    %eq3A_30 = arith.cmpf oeq, %sub3A_27, %eq3A : vector<256x2048xf32>
    %jit3A = arith.constant 2048 : i32
    %broadcast_in_dim3A_31 = vector.broadcast %jit3A : i32 to vector<256x2048xi32>
    %select_n3A = arith.select %eq3A_30, %iota3A, %broadcast_in_dim3A_31 : vector<256x2048xi1>, vector<256x2048xi32>
    %reduce_min3A = arith.constant dense<2147483647> : vector<256xi32>
    %reduce_min3A_32 = vector.multi_reduction <minsi>, %select_n3A, %reduce_min3A [1] : vector<256x2048xi32> to vector<256xi32>
    %broadcast_in_dim3A_33 = vector.shape_cast %reduce_min3A_32 : vector<256xi32> to vector<256x1xi32>
    %eq3A_34 = vector.broadcast %broadcast_in_dim3A_33 : vector<256x1xi32> to vector<256x2048xi32>
    %eq3A_35 = arith.cmpi eq, %iota3A, %eq3A_34 : vector<256x2048xi32>
    %jit3A_36 = arith.constant 0xFF800000 : f32
    %broadcast_in_dim3A_37 = vector.broadcast %jit3A_36 : f32 to vector<256x2048xf32>
    %select_n3A_38 = arith.select %eq3A_35, %broadcast_in_dim3A_37, %sub3A_27 : vector<256x2048xi1>, vector<256x2048xf32>
    %reduce_max3A_39 = arith.constant dense<0xFF800000> : vector<256xf32>
    %reduce_max3A_40 = vector.multi_reduction <maximumf>, %select_n3A_38, %reduce_max3A_39 [1] : vector<256x2048xf32> to vector<256xf32>
    %broadcast_in_dim3A_41 = vector.shape_cast %reduce_max3A_40 : vector<256xf32> to vector<256x1xf32>
    %eq3A_42 = vector.broadcast %broadcast_in_dim3A_41 : vector<256x1xf32> to vector<256x2048xf32>
    %eq3A_43 = arith.cmpf oeq, %select_n3A_38, %eq3A_42 : vector<256x2048xf32>
    %jit3A_44 = arith.constant 2048 : i32
    %broadcast_in_dim3A_45 = vector.broadcast %jit3A_44 : i32 to vector<256x2048xi32>
    %select_n3A_46 = arith.select %eq3A_43, %iota3A, %broadcast_in_dim3A_45 : vector<256x2048xi1>, vector<256x2048xi32>
    %reduce_min3A_47 = arith.constant dense<2147483647> : vector<256xi32>
    %reduce_min3A_48 = vector.multi_reduction <minsi>, %select_n3A_46, %reduce_min3A_47 [1] : vector<256x2048xi32> to vector<256xi32>
    %broadcast_in_dim3A_49 = vector.shape_cast %reduce_min3A_48 : vector<256xi32> to vector<256x1xi32>
    %eq3A_50 = vector.broadcast %broadcast_in_dim3A_49 : vector<256x1xi32> to vector<256x2048xi32>
    %eq3A_51 = arith.cmpi eq, %iota3A, %eq3A_50 : vector<256x2048xi32>
    %jit3A_52 = arith.constant 0xFF800000 : f32
    %broadcast_in_dim3A_53 = vector.broadcast %jit3A_52 : f32 to vector<256x2048xf32>
    %select_n3A_54 = arith.select %eq3A_51, %broadcast_in_dim3A_53, %select_n3A_38 : vector<256x2048xi1>, vector<256x2048xf32>
    %reduce_max3A_55 = arith.constant dense<0xFF800000> : vector<256xf32>
    %reduce_max3A_56 = vector.multi_reduction <maximumf>, %select_n3A_54, %reduce_max3A_55 [1] : vector<256x2048xf32> to vector<256xf32>
    %broadcast_in_dim3A_57 = vector.shape_cast %reduce_max3A_56 : vector<256xf32> to vector<256x1xf32>
    %eq3A_58 = vector.broadcast %broadcast_in_dim3A_57 : vector<256x1xf32> to vector<256x2048xf32>
    %eq3A_59 = arith.cmpf oeq, %select_n3A_54, %eq3A_58 : vector<256x2048xf32>
    %jit3A_60 = arith.constant 2048 : i32
    %broadcast_in_dim3A_61 = vector.broadcast %jit3A_60 : i32 to vector<256x2048xi32>
    %select_n3A_62 = arith.select %eq3A_59, %iota3A, %broadcast_in_dim3A_61 : vector<256x2048xi1>, vector<256x2048xi32>
    %reduce_min3A_63 = arith.constant dense<2147483647> : vector<256xi32>
    %reduce_min3A_64 = vector.multi_reduction <minsi>, %select_n3A_62, %reduce_min3A_63 [1] : vector<256x2048xi32> to vector<256xi32>
    %broadcast_in_dim3A_65 = vector.shape_cast %reduce_min3A_64 : vector<256xi32> to vector<256x1xi32>
    %eq3A_66 = vector.broadcast %broadcast_in_dim3A_65 : vector<256x1xi32> to vector<256x2048xi32>
    %eq3A_67 = arith.cmpi eq, %iota3A, %eq3A_66 : vector<256x2048xi32>
    %jit3A_68 = arith.constant 0xFF800000 : f32
    %broadcast_in_dim3A_69 = vector.broadcast %jit3A_68 : f32 to vector<256x2048xf32>
    %select_n3A_70 = arith.select %eq3A_67, %broadcast_in_dim3A_69, %select_n3A_54 : vector<256x2048xi1>, vector<256x2048xf32>
    %reduce_max3A_71 = arith.constant dense<0xFF800000> : vector<256xf32>
    %reduce_max3A_72 = vector.multi_reduction <maximumf>, %select_n3A_70, %reduce_max3A_71 [1] : vector<256x2048xf32> to vector<256xf32>
    %broadcast_in_dim3A_73 = vector.shape_cast %reduce_max3A_72 : vector<256xf32> to vector<256x1xf32>
    %eq3A_74 = vector.broadcast %broadcast_in_dim3A_73 : vector<256x1xf32> to vector<256x2048xf32>
    %eq3A_75 = arith.cmpf oeq, %select_n3A_70, %eq3A_74 : vector<256x2048xf32>
    %jit3A_76 = arith.constant 2048 : i32
    %broadcast_in_dim3A_77 = vector.broadcast %jit3A_76 : i32 to vector<256x2048xi32>
    %select_n3A_78 = arith.select %eq3A_75, %iota3A, %broadcast_in_dim3A_77 : vector<256x2048xi1>, vector<256x2048xi32>
    %reduce_min3A_79 = arith.constant dense<2147483647> : vector<256xi32>
    %reduce_min3A_80 = vector.multi_reduction <minsi>, %select_n3A_78, %reduce_min3A_79 [1] : vector<256x2048xi32> to vector<256xi32>
    %broadcast_in_dim3A_81 = vector.shape_cast %reduce_min3A_80 : vector<256xi32> to vector<256x1xi32>
    %eq3A_82 = vector.broadcast %broadcast_in_dim3A_81 : vector<256x1xi32> to vector<256x2048xi32>
    %eq3A_83 = arith.cmpi eq, %iota3A, %eq3A_82 : vector<256x2048xi32>
    %jit3A_84 = arith.constant 0xFF800000 : f32
    %broadcast_in_dim3A_85 = vector.broadcast %jit3A_84 : f32 to vector<256x2048xf32>
    %select_n3A_86 = arith.select %eq3A_83, %broadcast_in_dim3A_85, %select_n3A_70 : vector<256x2048xi1>, vector<256x2048xf32>
    %reduce_max3A_87 = arith.constant dense<0xFF800000> : vector<256xf32>
    %reduce_max3A_88 = vector.multi_reduction <maximumf>, %select_n3A_86, %reduce_max3A_87 [1] : vector<256x2048xf32> to vector<256xf32>
    %broadcast_in_dim3A_89 = vector.shape_cast %reduce_max3A_88 : vector<256xf32> to vector<256x1xf32>
    %eq3A_90 = vector.broadcast %broadcast_in_dim3A_89 : vector<256x1xf32> to vector<256x2048xf32>
    %eq3A_91 = arith.cmpf oeq, %select_n3A_86, %eq3A_90 : vector<256x2048xf32>
    %jit3A_92 = arith.constant 2048 : i32
    %broadcast_in_dim3A_93 = vector.broadcast %jit3A_92 : i32 to vector<256x2048xi32>
    %select_n3A_94 = arith.select %eq3A_91, %iota3A, %broadcast_in_dim3A_93 : vector<256x2048xi1>, vector<256x2048xi32>
    %reduce_min3A_95 = arith.constant dense<2147483647> : vector<256xi32>
    %reduce_min3A_96 = vector.multi_reduction <minsi>, %select_n3A_94, %reduce_min3A_95 [1] : vector<256x2048xi32> to vector<256xi32>
    %broadcast_in_dim3A_97 = vector.shape_cast %reduce_min3A_96 : vector<256xi32> to vector<256x1xi32>
    %eq3A_98 = vector.broadcast %broadcast_in_dim3A_97 : vector<256x1xi32> to vector<256x2048xi32>
    %eq3A_99 = arith.cmpi eq, %iota3A, %eq3A_98 : vector<256x2048xi32>
    %jit3A_100 = arith.constant 0xFF800000 : f32
    %broadcast_in_dim3A_101 = vector.broadcast %jit3A_100 : f32 to vector<256x2048xf32>
    %select_n3A_102 = arith.select %eq3A_99, %broadcast_in_dim3A_101, %select_n3A_86 : vector<256x2048xi1>, vector<256x2048xf32>
    %reduce_max3A_103 = arith.constant dense<0xFF800000> : vector<256xf32>
    %reduce_max3A_104 = vector.multi_reduction <maximumf>, %select_n3A_102, %reduce_max3A_103 [1] : vector<256x2048xf32> to vector<256xf32>
    %broadcast_in_dim3A_105 = vector.shape_cast %reduce_max3A_104 : vector<256xf32> to vector<256x1xf32>
    %eq3A_106 = vector.broadcast %broadcast_in_dim3A_105 : vector<256x1xf32> to vector<256x2048xf32>
    %eq3A_107 = arith.cmpf oeq, %select_n3A_102, %eq3A_106 : vector<256x2048xf32>
    %jit3A_108 = arith.constant 2048 : i32
    %broadcast_in_dim3A_109 = vector.broadcast %jit3A_108 : i32 to vector<256x2048xi32>
    %select_n3A_110 = arith.select %eq3A_107, %iota3A, %broadcast_in_dim3A_109 : vector<256x2048xi1>, vector<256x2048xi32>
    %reduce_min3A_111 = arith.constant dense<2147483647> : vector<256xi32>
    %reduce_min3A_112 = vector.multi_reduction <minsi>, %select_n3A_110, %reduce_min3A_111 [1] : vector<256x2048xi32> to vector<256xi32>
    %broadcast_in_dim3A_113 = vector.shape_cast %reduce_min3A_112 : vector<256xi32> to vector<256x1xi32>
    %eq3A_114 = vector.broadcast %broadcast_in_dim3A_113 : vector<256x1xi32> to vector<256x2048xi32>
    %eq3A_115 = arith.cmpi eq, %iota3A, %eq3A_114 : vector<256x2048xi32>
    %jit3A_116 = arith.constant 0xFF800000 : f32
    %broadcast_in_dim3A_117 = vector.broadcast %jit3A_116 : f32 to vector<256x2048xf32>
    %select_n3A_118 = arith.select %eq3A_115, %broadcast_in_dim3A_117, %select_n3A_102 : vector<256x2048xi1>, vector<256x2048xf32>
    %reduce_max3A_119 = arith.constant dense<0xFF800000> : vector<256xf32>
    %reduce_max3A_120 = vector.multi_reduction <maximumf>, %select_n3A_118, %reduce_max3A_119 [1] : vector<256x2048xf32> to vector<256xf32>
    %broadcast_in_dim3A_121 = vector.shape_cast %reduce_max3A_120 : vector<256xf32> to vector<256x1xf32>
    %eq3A_122 = vector.broadcast %broadcast_in_dim3A_121 : vector<256x1xf32> to vector<256x2048xf32>
    %eq3A_123 = arith.cmpf oeq, %select_n3A_118, %eq3A_122 : vector<256x2048xf32>
    %jit3A_124 = arith.constant 2048 : i32
    %broadcast_in_dim3A_125 = vector.broadcast %jit3A_124 : i32 to vector<256x2048xi32>
    %select_n3A_126 = arith.select %eq3A_123, %iota3A, %broadcast_in_dim3A_125 : vector<256x2048xi1>, vector<256x2048xi32>
    %reduce_min3A_127 = arith.constant dense<2147483647> : vector<256xi32>
    %reduce_min3A_128 = vector.multi_reduction <minsi>, %select_n3A_126, %reduce_min3A_127 [1] : vector<256x2048xi32> to vector<256xi32>
    %broadcast_in_dim3A_129 = vector.shape_cast %reduce_min3A_128 : vector<256xi32> to vector<256x1xi32>
    %eq3A_130 = vector.broadcast %broadcast_in_dim3A_129 : vector<256x1xi32> to vector<256x2048xi32>
    %eq3A_131 = arith.cmpi eq, %iota3A, %eq3A_130 : vector<256x2048xi32>
    %jit3A_132 = arith.constant 0xFF800000 : f32
    %broadcast_in_dim3A_133 = vector.broadcast %jit3A_132 : f32 to vector<256x2048xf32>
    %select_n3A_134 = arith.select %eq3A_131, %broadcast_in_dim3A_133, %select_n3A_118 : vector<256x2048xi1>, vector<256x2048xf32>
    %reduce_max3A_135 = arith.constant dense<0xFF800000> : vector<256xf32>
    %reduce_max3A_136 = vector.multi_reduction <maximumf>, %select_n3A_134, %reduce_max3A_135 [1] : vector<256x2048xf32> to vector<256xf32>
    %broadcast_in_dim3A_137 = vector.shape_cast %reduce_max3A_136 : vector<256xf32> to vector<256x1xf32>
    %eq3A_138 = vector.broadcast %broadcast_in_dim3A_137 : vector<256x1xf32> to vector<256x2048xf32>
    %eq3A_139 = arith.cmpf oeq, %select_n3A_134, %eq3A_138 : vector<256x2048xf32>
    %jit3A_140 = arith.constant 2048 : i32
    %broadcast_in_dim3A_141 = vector.broadcast %jit3A_140 : i32 to vector<256x2048xi32>
    %select_n3A_142 = arith.select %eq3A_139, %iota3A, %broadcast_in_dim3A_141 : vector<256x2048xi1>, vector<256x2048xi32>
    %reduce_min3A_143 = arith.constant dense<2147483647> : vector<256xi32>
    %reduce_min3A_144 = vector.multi_reduction <minsi>, %select_n3A_142, %reduce_min3A_143 [1] : vector<256x2048xi32> to vector<256xi32>
    %stack3A = vector.shape_cast %reduce_min3A_32 : vector<256xi32> to vector<1x256xi32>
    %stack3A_145 = vector.shape_cast %reduce_min3A_48 : vector<256xi32> to vector<1x256xi32>
    %stack3A_146 = vector.shape_cast %reduce_min3A_64 : vector<256xi32> to vector<1x256xi32>
    %stack3A_147 = vector.shape_cast %reduce_min3A_80 : vector<256xi32> to vector<1x256xi32>
    %stack3A_148 = vector.shape_cast %reduce_min3A_96 : vector<256xi32> to vector<1x256xi32>
    %stack3A_149 = vector.shape_cast %reduce_min3A_112 : vector<256xi32> to vector<1x256xi32>
    %stack3A_150 = vector.shape_cast %reduce_min3A_128 : vector<256xi32> to vector<1x256xi32>
    %stack3A_151 = vector.shape_cast %reduce_min3A_144 : vector<256xi32> to vector<1x256xi32>
    %stack3A_152 = tpu.concatenate %stack3A, %stack3A_145, %stack3A_146, %stack3A_147, %stack3A_148, %stack3A_149, %stack3A_150, %stack3A_151 in 0 : vector<1x256xi32>, vector<1x256xi32>, vector<1x256xi32>, vector<1x256xi32>, vector<1x256xi32>, vector<1x256xi32>, vector<1x256xi32>, vector<1x256xi32> -> vector<8x256xi32>
    %mul3A_153 = arith.constant 2048 : i32
    %mul3A_154 = arith.muli %arg0, %mul3A_153 : i32
    %add3A = vector.broadcast %mul3A_154 : i32 to vector<8x256xi32>
    %add3A_155 = arith.addi %stack3A_152, %add3A : vector<8x256xi32>
    %swap3A = arith.constant 0 : index
    %swap3A_156 = arith.constant 0 : index
    %swap3A_157 = arith.constant 0 : index
    %swap3A_158 = vector.load %arg6[%swap3A, %swap3A_156, %swap3A_157] : memref<1x8x256xi32, #tpu.memory_space<vmem>>, vector<1x8x256xi32>
    %swap3A_159 = vector.shape_cast %swap3A_158 : vector<1x8x256xi32> to vector<8x256xi32>
    %swap3A_160 = vector.shape_cast %add3A_155 : vector<8x256xi32> to vector<1x8x256xi32>
    tpu.vector_store %arg6[%swap3A, %swap3A_156, %swap3A_157], %swap3A_160 {strides = array<i32>} : memref<1x8x256xi32, #tpu.memory_space<vmem>>, vector<1x8x256xi32>,
    return
  }
  func.func @transform_0(%arg0: i32, %arg1: i32) -> (i32, i32, i32) {
    %c0_i32 = arith.constant 0 : i32
    %c0_i32_0 = arith.constant 0 : i32
    return %arg0, %arg1, %c0_i32 : i32, i32, i32
  }
  func.func @transform_1(%arg0: i32, %arg1: i32) -> (i32, i32, i32) {
    %c0_i32 = arith.constant 0 : i32
    %c0_i32_0 = arith.constant 0 : i32
    %c0_i32_1 = arith.constant 0 : i32
    return %arg0, %c0_i32, %c0_i32_0 : i32, i32, i32
  }
  func.func @transform_2(%arg0: i32, %arg1: i32) -> (i32, i32, i32) {
    %c0_i32 = arith.constant 0 : i32
    %c0_i32_0 = arith.constant 0 : i32
    %c0_i32_1 = arith.constant 0 : i32
    return %arg0, %c0_i32, %c0_i32_0 : i32, i32, i32
  }
  func.func @transform_3(%arg0: i32, %arg1: i32) -> (i32, i32, i32, i32) {
    %c0_i32 = arith.constant 0 : i32
    %c0_i32_0 = arith.constant 0 : i32
    %c0_i32_1 = arith.constant 0 : i32
    return %arg0, %arg1, %c0_i32, %c0_i32_0 : i32, i32, i32, i32
  }
  func.func @transform_4(%arg0: i32, %arg1: i32) -> (i32, i32, i32) {
    %c0_i32 = arith.constant 0 : i32
    %c0_i32_0 = arith.constant 0 : i32
    return %arg0, %c0_i32, %arg1 : i32, i32, i32
  }
}

module attributes {stable_mosaic.version = 14 : i64} {
  func.func @body(%arg0: i32, %arg1: memref<2048x64xf32, #tpu.memory_space<vmem>>, %arg2: memref<256x64xf32, #tpu.memory_space<vmem>>, %arg3: memref<128x128xf32, #tpu.memory_space<vmem>>, %arg4: memref<8x128xf32, #tpu.memory_space<vmem>>, %arg5: memref<2048x128xf32, #tpu.memory_space<vmem>>, %arg6: memref<256x128xf32, #tpu.memory_space<vmem>>, %arg7: memref<8x128xf32, #tpu.memory_space<vmem>>, %arg8: memref<8x128xf32, #tpu.memory_space<vmem>>) attributes {dimension_semantics = [#tpu.dimension_semantics<arbitrary>], iteration_bounds = array<i64: 64>, scalar_prefetch = 0 : i64, scratch_operands = 1 : i64, tpu.core_type = #tpu.core_type<tc>, window_params = [{transform_indices = @transform_0, window_bounds = array<i64: 2048, 64>}, {transform_indices = @transform_1, window_bounds = array<i64: 256, 64>}, {pipeline_mode = #tpu.pipeline_mode<synchronous>, transform_indices = @transform_2, window_bounds = array<i64: 128, 128>}, {pipeline_mode = #tpu.pipeline_mode<synchronous>, transform_indices = @transform_3, window_bounds = array<i64: 8, 128>}, {transform_indices = @transform_4, window_bounds = array<i64: 2048, 128>}, {transform_indices = @transform_5, window_bounds = array<i64: 256, 128>}, {pipeline_mode = #tpu.pipeline_mode<synchronous>, transform_indices = @transform_6, window_bounds = array<i64: 8, 128>}]} {
    %get3A = arith.constant 0 : index
    %get3A_0 = arith.constant 0 : index
    %get3A_1 = vector.load %arg1[%get3A, %get3A_0] : memref<2048x64xf32, #tpu.memory_space<vmem>>, vector<2048x64xf32>
    %get3A_2 = arith.constant 0 : index
    %get3A_3 = arith.constant 0 : index
    %get3A_4 = vector.load %arg2[%get3A_2, %get3A_3] : memref<256x64xf32, #tpu.memory_space<vmem>>, vector<256x64xf32>
    %broadcast_in_dim3A = vector.shape_cast %get3A_4 : vector<256x64xf32> to vector<256x1x64xf32>
    %broadcast_in_dim3A_5 = vector.shape_cast %broadcast_in_dim3A : vector<256x1x64xf32> to vector<256x1x64xf32>
    %broadcast_in_dim3A_6 = vector.broadcast %broadcast_in_dim3A_5 : vector<256x1x64xf32> to vector<256x8x64xf32>
    %reshape3A = vector.shape_cast %broadcast_in_dim3A_6 : vector<256x8x64xf32> to vector<2048x64xf32>
    %sub3A = arith.subf %get3A_1, %reshape3A : vector<2048x64xf32>
    %concatenate3A = tpu.concatenate %sub3A, %reshape3A in 1 : vector<2048x64xf32>, vector<2048x64xf32> -> vector<2048x128xf32>
    %get3A_7 = arith.constant 0 : index
    %get3A_8 = arith.constant 0 : index
    %get3A_9 = vector.load %arg3[%get3A_7, %get3A_8] : memref<128x128xf32, #tpu.memory_space<vmem>>, vector<128x128xf32>
    %dot_general3A = arith.constant dense<0.000000e+00> : vector<2048x128xf32>
    %dot_general3A_10 = tpu.matmul %concatenate3A, %get3A_9, %dot_general3A {dimension_numbers = #tpu.dot_dimension_numbers<[1], [1], [0], [0], [0, 0, 1, 0], [], []>, transpose_lhs_hint = false} : vector<2048x128xf32>, vector<128x128xf32>, vector<2048x128xf32> -> vector<2048x128xf32>
    %get3A_11 = arith.constant 0 : index
    %get3A_12 = arith.constant 0 : index
    %get3A_13 = vector.load %arg4[%get3A_11, %get3A_12] : memref<8x128xf32, #tpu.memory_space<vmem>>, vector<1x128xf32>
    %add3A = vector.broadcast %get3A_13 : vector<1x128xf32> to vector<2048x128xf32>
    %add3A_14 = arith.addf %dot_general3A_10, %add3A : vector<2048x128xf32>
    %swap3A = arith.constant 0 : index
    %swap3A_15 = arith.constant 0 : index
    %swap3A_16 = vector.load %arg5[%swap3A, %swap3A_15] : memref<2048x128xf32, #tpu.memory_space<vmem>>, vector<2048x128xf32>
    tpu.vector_store %arg5[%swap3A, %swap3A_15], %add3A_14 {strides = array<i32>} : memref<2048x128xf32, #tpu.memory_space<vmem>>, vector<2048x128xf32>,
    %reshape3A_17 = vector.shape_cast %add3A_14 : vector<2048x128xf32> to vector<256x8x128xf32>
    %reduce_max3A = arith.constant dense<0xFF800000> : vector<256x128xf32>
    %reduce_max3A_18 = vector.multi_reduction <maximumf>, %reshape3A_17, %reduce_max3A [1] : vector<256x8x128xf32> to vector<256x128xf32>
    %swap3A_19 = arith.constant 0 : index
    %swap3A_20 = arith.constant 0 : index
    %swap3A_21 = vector.load %arg6[%swap3A_19, %swap3A_20] : memref<256x128xf32, #tpu.memory_space<vmem>>, vector<256x128xf32>
    tpu.vector_store %arg6[%swap3A_19, %swap3A_20], %reduce_max3A_18 {strides = array<i32>} : memref<256x128xf32, #tpu.memory_space<vmem>>, vector<256x128xf32>,
    %reduce_sum3A = arith.constant dense<0.000000e+00> : vector<128xf32>
    %reduce_sum3A_22 = vector.multi_reduction <add>, %add3A_14, %reduce_sum3A [0] : vector<2048x128xf32> to vector<128xf32>
    %broadcast_in_dim3A_23 = vector.shape_cast %reduce_sum3A_22 : vector<128xf32> to vector<1x128xf32>
    %eq3A = arith.constant 0 : i32
    %eq3A_24 = arith.cmpi eq, %arg0, %eq3A : i32
    %convert_element_type3A = arith.extui %eq3A_24 : i1 to i32
    %cond3A = arith.constant 0 : i32
    %cond3A_25 = arith.cmpi ne, %convert_element_type3A, %cond3A : i32
    scf.if %cond3A_25 {
      %broadcast_in_dim3A_40 = arith.constant 0.000000e+00 : f32
      %broadcast_in_dim3A_41 = vector.broadcast %broadcast_in_dim3A_40 : f32 to vector<8x128xf32>
      %swap3A_42 = arith.constant 0 : index
      %swap3A_43 = arith.constant 0 : index
      %swap3A_44 = vector.load %arg8[%swap3A_42, %swap3A_43] : memref<8x128xf32, #tpu.memory_space<vmem>>, vector<8x128xf32>
      tpu.vector_store %arg8[%swap3A_42, %swap3A_43], %broadcast_in_dim3A_41 {strides = array<i32>} : memref<8x128xf32, #tpu.memory_space<vmem>>, vector<8x128xf32>,
    } else {
    }
    %get3A_26 = arith.constant 0 : index
    %get3A_27 = arith.constant 0 : index
    %get3A_28 = vector.load %arg8[%get3A_26, %get3A_27] : memref<8x128xf32, #tpu.memory_space<vmem>>, vector<8x128xf32>
    %broadcast_in_dim3A_29 = vector.shape_cast %broadcast_in_dim3A_23 : vector<1x128xf32> to vector<1x128xf32>
    %broadcast_in_dim3A_30 = vector.broadcast %broadcast_in_dim3A_29 : vector<1x128xf32> to vector<8x128xf32>
    %add3A_31 = arith.addf %get3A_28, %broadcast_in_dim3A_30 : vector<8x128xf32>
    %swap3A_32 = arith.constant 0 : index
    %swap3A_33 = arith.constant 0 : index
    %swap3A_34 = vector.load %arg8[%swap3A_32, %swap3A_33] : memref<8x128xf32, #tpu.memory_space<vmem>>, vector<8x128xf32>
    tpu.vector_store %arg8[%swap3A_32, %swap3A_33], %add3A_31 {strides = array<i32>} : memref<8x128xf32, #tpu.memory_space<vmem>>, vector<8x128xf32>,
    %eq3A_35 = arith.constant 63 : i32
    %eq3A_36 = arith.cmpi eq, %arg0, %eq3A_35 : i32
    %convert_element_type3A_37 = arith.extui %eq3A_36 : i1 to i32
    %cond3A_38 = arith.constant 0 : i32
    %cond3A_39 = arith.cmpi ne, %convert_element_type3A_37, %cond3A_38 : i32
    scf.if %cond3A_39 {
      %get3A_40 = arith.constant 0 : index
      %get3A_41 = arith.constant 0 : index
      %get3A_42 = vector.load %arg8[%get3A_40, %get3A_41] : memref<8x128xf32, #tpu.memory_space<vmem>>, vector<8x128xf32>
      %swap3A_43 = arith.constant 0 : index
      %swap3A_44 = arith.constant 0 : index
      %swap3A_45 = vector.load %arg7[%swap3A_43, %swap3A_44] : memref<8x128xf32, #tpu.memory_space<vmem>>, vector<8x128xf32>
      tpu.vector_store %arg7[%swap3A_43, %swap3A_44], %get3A_42 {strides = array<i32>} : memref<8x128xf32, #tpu.memory_space<vmem>>, vector<8x128xf32>,
    } else {
    }
    return
  }
  func.func @transform_0(%arg0: i32) -> (i32, i32) {
    %c0_i32 = arith.constant 0 : i32
    %c0_i32_0 = arith.constant 0 : i32
    return %arg0, %c0_i32 : i32, i32
  }
  func.func @transform_1(%arg0: i32) -> (i32, i32) {
    %c0_i32 = arith.constant 0 : i32
    %c0_i32_0 = arith.constant 0 : i32
    return %arg0, %c0_i32 : i32, i32
  }
  func.func @transform_2(%arg0: i32) -> (i32, i32) {
    %c0_i32 = arith.constant 0 : i32
    %c0_i32_0 = arith.constant 0 : i32
    %c0_i32_1 = arith.constant 0 : i32
    return %c0_i32, %c0_i32_0 : i32, i32
  }
  func.func @transform_3(%arg0: i32) -> (i32, i32) {
    %c0_i32 = arith.constant 0 : i32
    %c0_i32_0 = arith.constant 0 : i32
    %c0_i32_1 = arith.constant 0 : i32
    return %c0_i32, %c0_i32_0 : i32, i32
  }
  func.func @transform_4(%arg0: i32) -> (i32, i32) {
    %c0_i32 = arith.constant 0 : i32
    %c0_i32_0 = arith.constant 0 : i32
    return %arg0, %c0_i32 : i32, i32
  }
  func.func @transform_5(%arg0: i32) -> (i32, i32) {
    %c0_i32 = arith.constant 0 : i32
    %c0_i32_0 = arith.constant 0 : i32
    return %arg0, %c0_i32 : i32, i32
  }
  func.func @transform_6(%arg0: i32) -> (i32, i32) {
    %c0_i32 = arith.constant 0 : i32
    %c0_i32_0 = arith.constant 0 : i32
    %c0_i32_1 = arith.constant 0 : i32
    return %c0_i32, %c0_i32_0 : i32, i32
  }
}

module attributes {stable_mosaic.version = 14 : i64} {
  func.func @body(%arg0: i32, %arg1: memref<256x128xf32, #tpu.memory_space<vmem>>, %arg2: memref<256x128xf32, #tpu.memory_space<vmem>>, %arg3: memref<8x128xf32, #tpu.memory_space<vmem>>, %arg4: memref<8x128xf32, #tpu.memory_space<vmem>>, %arg5: memref<8x128xf32, #tpu.memory_space<vmem>>, %arg6: memref<8x128xf32, #tpu.memory_space<vmem>>, %arg7: memref<128x256xf32, #tpu.memory_space<vmem>>, %arg8: memref<8x256xf32, #tpu.memory_space<vmem>>, %arg9: memref<8x256xf32, #tpu.memory_space<vmem>>, %arg10: memref<1x8x256xf32, #tpu.memory_space<vmem>>) attributes {dimension_semantics = [#tpu.dimension_semantics<arbitrary>], iteration_bounds = array<i64: 64>, scalar_prefetch = 0 : i64, scratch_operands = 0 : i64, tpu.core_type = #tpu.core_type<tc>, window_params = [{transform_indices = @transform_0, window_bounds = array<i64: 256, 128>}, {transform_indices = @transform_1, window_bounds = array<i64: 256, 128>}, {pipeline_mode = #tpu.pipeline_mode<synchronous>, transform_indices = @transform_2, window_bounds = array<i64: 8, 128>}, {pipeline_mode = #tpu.pipeline_mode<synchronous>, transform_indices = @transform_3, window_bounds = array<i64: 8, 128>}, {pipeline_mode = #tpu.pipeline_mode<synchronous>, transform_indices = @transform_4, window_bounds = array<i64: 8, 128>}, {pipeline_mode = #tpu.pipeline_mode<synchronous>, transform_indices = @transform_5, window_bounds = array<i64: 8, 128>}, {pipeline_mode = #tpu.pipeline_mode<synchronous>, transform_indices = @transform_6, window_bounds = array<i64: 128, 256>}, {pipeline_mode = #tpu.pipeline_mode<synchronous>, transform_indices = @transform_7, window_bounds = array<i64: 8, 256>}, {pipeline_mode = #tpu.pipeline_mode<synchronous>, transform_indices = @transform_8, window_bounds = array<i64: 8, 256>}, {transform_indices = @transform_9, window_bounds = array<i64: 1, 8, 256>}]} {
    %get3A = arith.constant 0 : index
    %get3A_0 = arith.constant 0 : index
    %get3A_1 = vector.load %arg2[%get3A, %get3A_0] : memref<256x128xf32, #tpu.memory_space<vmem>>, vector<256x128xf32>
    %get3A_2 = arith.constant 0 : index
    %get3A_3 = arith.constant 0 : index
    %get3A_4 = vector.load %arg3[%get3A_2, %get3A_3] : memref<8x128xf32, #tpu.memory_space<vmem>>, vector<1x128xf32>
    %sub3A = vector.broadcast %get3A_4 : vector<1x128xf32> to vector<256x128xf32>
    %sub3A_5 = arith.subf %get3A_1, %sub3A : vector<256x128xf32>
    %get3A_6 = arith.constant 0 : index
    %get3A_7 = arith.constant 0 : index
    %get3A_8 = vector.load %arg4[%get3A_6, %get3A_7] : memref<8x128xf32, #tpu.memory_space<vmem>>, vector<1x128xf32>
    %add3A = arith.constant 9.99999974E-6 : f32
    %add3A_9 = vector.broadcast %add3A : f32 to vector<1x128xf32>
    %add3A_10 = arith.addf %get3A_8, %add3A_9 : vector<1x128xf32>
    %sqrt3A = math.sqrt %add3A_10 : vector<1x128xf32>
    %div3A = vector.broadcast %sqrt3A : vector<1x128xf32> to vector<256x128xf32>
    %div3A_11 = arith.divf %sub3A_5, %div3A : vector<256x128xf32>
    %get3A_12 = arith.constant 0 : index
    %get3A_13 = arith.constant 0 : index
    %get3A_14 = vector.load %arg5[%get3A_12, %get3A_13] : memref<8x128xf32, #tpu.memory_space<vmem>>, vector<1x128xf32>
    %mul3A = vector.broadcast %get3A_14 : vector<1x128xf32> to vector<256x128xf32>
    %mul3A_15 = arith.mulf %div3A_11, %mul3A : vector<256x128xf32>
    %get3A_16 = arith.constant 0 : index
    %get3A_17 = arith.constant 0 : index
    %get3A_18 = vector.load %arg6[%get3A_16, %get3A_17] : memref<8x128xf32, #tpu.memory_space<vmem>>, vector<1x128xf32>
    %add3A_19 = vector.broadcast %get3A_18 : vector<1x128xf32> to vector<256x128xf32>
    %add3A_20 = arith.addf %mul3A_15, %add3A_19 : vector<256x128xf32>
    %get3A_21 = arith.constant 0 : index
    %get3A_22 = arith.constant 0 : index
    %get3A_23 = vector.load %arg1[%get3A_21, %get3A_22] : memref<256x128xf32, #tpu.memory_space<vmem>>, vector<256x128xf32>
    %ge3A = arith.constant 0.000000e+00 : f32
    %ge3A_24 = vector.broadcast %ge3A : f32 to vector<256x128xf32>
    %ge3A_25 = arith.cmpf oge, %add3A_20, %ge3A_24 : vector<256x128xf32>
    %mul3A_26 = arith.constant 2.000000e-01 : f32
    %mul3A_27 = vector.broadcast %mul3A_26 : f32 to vector<256x128xf32>
    %mul3A_28 = arith.mulf %add3A_20, %mul3A_27 : vector<256x128xf32>
    %select_n3A = arith.select %ge3A_25, %add3A_20, %mul3A_28 : vector<256x128xi1>, vector<256x128xf32>
    %add3A_29 = arith.addf %get3A_23, %select_n3A : vector<256x128xf32>
    %get3A_30 = arith.constant 0 : index
    %get3A_31 = arith.constant 0 : index
    %get3A_32 = vector.load %arg7[%get3A_30, %get3A_31] : memref<128x256xf32, #tpu.memory_space<vmem>>, vector<128x256xf32>
    %dot_general3A = arith.constant dense<0.000000e+00> : vector<256x256xf32>
    %dot_general3A_33 = tpu.matmul %add3A_29, %get3A_32, %dot_general3A {dimension_numbers = #tpu.dot_dimension_numbers<[1], [0], [0], [1], [0, 0, 1, 1], [], []>, transpose_lhs_hint = false} : vector<256x128xf32>, vector<128x256xf32>, vector<256x256xf32> -> vector<256x256xf32>
    %get3A_34 = arith.constant 0 : index
    %get3A_35 = arith.constant 0 : index
    %get3A_36 = vector.load %arg8[%get3A_34, %get3A_35] : memref<8x256xf32, #tpu.memory_space<vmem>>, vector<1x256xf32>
    %add3A_37 = vector.broadcast %get3A_36 : vector<1x256xf32> to vector<256x256xf32>
    %add3A_38 = arith.addf %dot_general3A_33, %add3A_37 : vector<256x256xf32>
    %reduce_sum3A = arith.constant dense<0.000000e+00> : vector<256xf32>
    %reduce_sum3A_39 = vector.multi_reduction <add>, %add3A_38, %reduce_sum3A [0] : vector<256x256xf32> to vector<256xf32>
    %broadcast_in_dim3A = vector.shape_cast %reduce_sum3A_39 : vector<256xf32> to vector<1x256xf32>
    %mul3A_40 = arith.mulf %add3A_38, %add3A_38 : vector<256x256xf32>
    %reduce_sum3A_41 = arith.constant dense<0.000000e+00> : vector<256xf32>
    %reduce_sum3A_42 = vector.multi_reduction <add>, %mul3A_40, %reduce_sum3A_41 [0] : vector<256x256xf32> to vector<256xf32>
    %broadcast_in_dim3A_43 = vector.shape_cast %reduce_sum3A_42 : vector<256xf32> to vector<1x256xf32>
    %broadcast_in_dim3A_44 = arith.constant 0.000000e+00 : f32
    %broadcast_in_dim3A_45 = vector.broadcast %broadcast_in_dim3A_44 : f32 to vector<6x256xf32>
    %concatenate3A = tpu.concatenate %broadcast_in_dim3A, %broadcast_in_dim3A_43, %broadcast_in_dim3A_45 in 0 : vector<1x256xf32>, vector<1x256xf32>, vector<6x256xf32> -> vector<8x256xf32>
    %eq3A = arith.constant 0 : i32
    %eq3A_46 = arith.cmpi eq, %arg0, %eq3A : i32
    %convert_element_type3A = arith.extui %eq3A_46 : i1 to i32
    %cond3A = arith.constant 0 : i32
    %cond3A_47 = arith.cmpi ne, %convert_element_type3A, %cond3A : i32
    scf.if %cond3A_47 {
      %swap3A = arith.constant 0 : index
      %swap3A_93 = arith.constant 0 : index
      %swap3A_94 = vector.load %arg9[%swap3A, %swap3A_93] : memref<8x256xf32, #tpu.memory_space<vmem>>, vector<8x256xf32>
      tpu.vector_store %arg9[%swap3A, %swap3A_93], %concatenate3A {strides = array<i32>} : memref<8x256xf32, #tpu.memory_space<vmem>>, vector<8x256xf32>,
    } else {
    }
    %gt3A = arith.constant 0 : i32
    %gt3A_48 = arith.cmpi sgt, %arg0, %gt3A : i32
    %convert_element_type3A_49 = arith.extui %gt3A_48 : i1 to i32
    %cond3A_50 = arith.constant 0 : i32
    %cond3A_51 = arith.cmpi ne, %convert_element_type3A_49, %cond3A_50 : i32
    scf.if %cond3A_51 {
      %get3A_93 = arith.constant 0 : index
      %get3A_94 = arith.constant 0 : index
      %get3A_95 = vector.load %arg9[%get3A_93, %get3A_94] : memref<8x256xf32, #tpu.memory_space<vmem>>, vector<8x256xf32>
      %add3A_96 = arith.addf %get3A_95, %concatenate3A : vector<8x256xf32>
      %swap3A = arith.constant 0 : index
      %swap3A_97 = arith.constant 0 : index
      %swap3A_98 = vector.load %arg9[%swap3A, %swap3A_97] : memref<8x256xf32, #tpu.memory_space<vmem>>, vector<8x256xf32>
      tpu.vector_store %arg9[%swap3A, %swap3A_97], %add3A_96 {strides = array<i32>} : memref<8x256xf32, #tpu.memory_space<vmem>>, vector<8x256xf32>,
    } else {
    }
    %reduce_max3A = arith.constant dense<0xFF800000> : vector<256xf32>
    %reduce_max3A_52 = vector.multi_reduction <maximumf>, %add3A_38, %reduce_max3A [0] : vector<256x256xf32> to vector<256xf32>
    %broadcast_in_dim3A_53 = vector.shape_cast %reduce_max3A_52 : vector<256xf32> to vector<1x1x256xf32>
    %broadcast_in_dim3A_54 = vector.shape_cast %broadcast_in_dim3A_53 : vector<1x1x256xf32> to vector<1x1x256xf32>
    %broadcast_in_dim3A_55 = vector.broadcast %broadcast_in_dim3A_54 : vector<1x1x256xf32> to vector<1x8x256xf32>
    %jit3A = arith.constant 8 : i32
    %eq3A_56 = arith.constant 0 : i32
    %eq3A_57 = arith.cmpi eq, %jit3A, %eq3A_56 : i32
    %jit3A_58 = arith.constant 1 : i32
    %select_n3A_59 = arith.select %eq3A_57, %jit3A_58, %jit3A : i32
    %rem3A = arith.remsi %arg0, %select_n3A_59 : i32
    %ne3A = arith.constant 0 : i32
    %ne3A_60 = arith.cmpi ne, %rem3A, %ne3A : i32
    %lt3A = arith.constant 0 : i32
    %lt3A_61 = arith.cmpi slt, %rem3A, %lt3A : i32
    %lt3A_62 = arith.constant 0 : i32
    %lt3A_63 = arith.cmpi slt, %select_n3A_59, %lt3A_62 : i32
    %ne3A_64 = arith.xori %lt3A_61, %lt3A_63 : i1
    %and3A = arith.andi %ne3A_64, %ne3A_60 : i1
    %add3A_65 = arith.addi %rem3A, %select_n3A_59 : i32
    %select_n3A_66 = arith.select %and3A, %add3A_65, %rem3A : i32
    %eq3A_67 = arith.constant 0 : i32
    %eq3A_68 = arith.cmpi eq, %select_n3A_66, %eq3A_67 : i32
    %convert_element_type3A_69 = arith.extui %eq3A_68 : i1 to i32
    %cond3A_70 = arith.constant 0 : i32
    %cond3A_71 = arith.cmpi ne, %convert_element_type3A_69, %cond3A_70 : i32
    scf.if %cond3A_71 {
      %swap3A = arith.constant 0 : index
      %swap3A_93 = arith.constant 0 : index
      %swap3A_94 = arith.constant 0 : index
      %swap3A_95 = vector.load %arg10[%swap3A, %swap3A_93, %swap3A_94] : memref<1x8x256xf32, #tpu.memory_space<vmem>>, vector<1x8x256xf32>
      tpu.vector_store %arg10[%swap3A, %swap3A_93, %swap3A_94], %broadcast_in_dim3A_55 {strides = array<i32>} : memref<1x8x256xf32, #tpu.memory_space<vmem>>, vector<1x8x256xf32>,
    } else {
    }
    %jit3A_72 = arith.constant 8 : i32
    %eq3A_73 = arith.constant 0 : i32
    %eq3A_74 = arith.cmpi eq, %jit3A_72, %eq3A_73 : i32
    %jit3A_75 = arith.constant 1 : i32
    %select_n3A_76 = arith.select %eq3A_74, %jit3A_75, %jit3A_72 : i32
    %rem3A_77 = arith.remsi %arg0, %select_n3A_76 : i32
    %ne3A_78 = arith.constant 0 : i32
    %ne3A_79 = arith.cmpi ne, %rem3A_77, %ne3A_78 : i32
    %lt3A_80 = arith.constant 0 : i32
    %lt3A_81 = arith.cmpi slt, %rem3A_77, %lt3A_80 : i32
    %lt3A_82 = arith.constant 0 : i32
    %lt3A_83 = arith.cmpi slt, %select_n3A_76, %lt3A_82 : i32
    %ne3A_84 = arith.xori %lt3A_81, %lt3A_83 : i1
    %and3A_85 = arith.andi %ne3A_84, %ne3A_79 : i1
    %add3A_86 = arith.addi %rem3A_77, %select_n3A_76 : i32
    %select_n3A_87 = arith.select %and3A_85, %add3A_86, %rem3A_77 : i32
    %gt3A_88 = arith.constant 0 : i32
    %gt3A_89 = arith.cmpi sgt, %select_n3A_87, %gt3A_88 : i32
    %convert_element_type3A_90 = arith.extui %gt3A_89 : i1 to i32
    %cond3A_91 = arith.constant 0 : i32
    %cond3A_92 = arith.cmpi ne, %convert_element_type3A_90, %cond3A_91 : i32
    scf.if %cond3A_92 {
      %get3A_93 = arith.constant 0 : index
      %get3A_94 = arith.constant 0 : index
      %get3A_95 = arith.constant 0 : index
      %get3A_96 = vector.load %arg10[%get3A_93, %get3A_94, %get3A_95] : memref<1x8x256xf32, #tpu.memory_space<vmem>>, vector<1x8x256xf32>
      %max3A = arith.maximumf %get3A_96, %broadcast_in_dim3A_55 : vector<1x8x256xf32>
      %swap3A = arith.constant 0 : index
      %swap3A_97 = arith.constant 0 : index
      %swap3A_98 = arith.constant 0 : index
      %swap3A_99 = vector.load %arg10[%swap3A, %swap3A_97, %swap3A_98] : memref<1x8x256xf32, #tpu.memory_space<vmem>>, vector<1x8x256xf32>
      tpu.vector_store %arg10[%swap3A, %swap3A_97, %swap3A_98], %max3A {strides = array<i32>} : memref<1x8x256xf32, #tpu.memory_space<vmem>>, vector<1x8x256xf32>,
    } else {
    }
    return
  }
  func.func @transform_0(%arg0: i32) -> (i32, i32) {
    %c0_i32 = arith.constant 0 : i32
    %c0_i32_0 = arith.constant 0 : i32
    return %arg0, %c0_i32 : i32, i32
  }
  func.func @transform_1(%arg0: i32) -> (i32, i32) {
    %c0_i32 = arith.constant 0 : i32
    %c0_i32_0 = arith.constant 0 : i32
    return %arg0, %c0_i32 : i32, i32
  }
  func.func @transform_2(%arg0: i32) -> (i32, i32) {
    %c0_i32 = arith.constant 0 : i32
    %c0_i32_0 = arith.constant 0 : i32
    %c0_i32_1 = arith.constant 0 : i32
    return %c0_i32, %c0_i32_0 : i32, i32
  }
  func.func @transform_3(%arg0: i32) -> (i32, i32) {
    %c0_i32 = arith.constant 0 : i32
    %c0_i32_0 = arith.constant 0 : i32
    %c0_i32_1 = arith.constant 0 : i32
    return %c0_i32, %c0_i32_0 : i32, i32
  }
  func.func @transform_4(%arg0: i32) -> (i32, i32) {
    %c0_i32 = arith.constant 0 : i32
    %c0_i32_0 = arith.constant 0 : i32
    %c0_i32_1 = arith.constant 0 : i32
    return %c0_i32, %c0_i32_0 : i32, i32
  }
  func.func @transform_5(%arg0: i32) -> (i32, i32) {
    %c0_i32 = arith.constant 0 : i32
    %c0_i32_0 = arith.constant 0 : i32
    %c0_i32_1 = arith.constant 0 : i32
    return %c0_i32, %c0_i32_0 : i32, i32
  }
  func.func @transform_6(%arg0: i32) -> (i32, i32) {
    %c0_i32 = arith.constant 0 : i32
    %c0_i32_0 = arith.constant 0 : i32
    %c0_i32_1 = arith.constant 0 : i32
    return %c0_i32, %c0_i32_0 : i32, i32
  }
  func.func @transform_7(%arg0: i32) -> (i32, i32) {
    %c0_i32 = arith.constant 0 : i32
    %c0_i32_0 = arith.constant 0 : i32
    %c0_i32_1 = arith.constant 0 : i32
    return %c0_i32, %c0_i32_0 : i32, i32
  }
  func.func @transform_8(%arg0: i32) -> (i32, i32) {
    %c0_i32 = arith.constant 0 : i32
    %c0_i32_0 = arith.constant 0 : i32
    %c0_i32_1 = arith.constant 0 : i32
    return %c0_i32, %c0_i32_0 : i32, i32
  }
  func.func @transform_9(%arg0: i32) -> (i32, i32, i32) {
    %jit3A = arith.constant 8 : i32
    %div3A = arith.divsi %arg0, %jit3A : i32
    %sign3A = arith.constant 0 : i32
    %sign3A_0 = arith.cmpi sgt, %arg0, %sign3A : i32
    %sign3A_1 = arith.extui %sign3A_0 : i1 to i32
    %sign3A_2 = arith.constant 0 : i32
    %sign3A_3 = arith.cmpi slt, %arg0, %sign3A_2 : i32
    %sign3A_4 = arith.extui %sign3A_3 : i1 to i32
    %sign3A_5 = arith.subi %sign3A_1, %sign3A_4 : i32
    %sign3A_6 = arith.constant 0 : i32
    %sign3A_7 = arith.cmpi sgt, %jit3A, %sign3A_6 : i32
    %sign3A_8 = arith.extui %sign3A_7 : i1 to i32
    %sign3A_9 = arith.constant 0 : i32
    %sign3A_10 = arith.cmpi slt, %jit3A, %sign3A_9 : i32
    %sign3A_11 = arith.extui %sign3A_10 : i1 to i32
    %sign3A_12 = arith.subi %sign3A_8, %sign3A_11 : i32
    %ne3A = arith.cmpi ne, %sign3A_5, %sign3A_12 : i32
    %rem3A = arith.remsi %arg0, %jit3A : i32
    %ne3A_13 = arith.constant 0 : i32
    %ne3A_14 = arith.cmpi ne, %rem3A, %ne3A_13 : i32
    %and3A = arith.andi %ne3A, %ne3A_14 : i1
    %sub3A = arith.constant 1 : i32
    %sub3A_15 = arith.subi %div3A, %sub3A : i32
    %select_n3A = arith.select %and3A, %sub3A_15, %div3A : i32
    %c0_i32 = arith.constant 0 : i32
    %c0_i32_16 = arith.constant 0 : i32
    %c0_i32_17 = arith.constant 0 : i32
    return %select_n3A, %c0_i32, %c0_i32_16 : i32, i32, i32
  }
}

module attributes {stable_mosaic.version = 14 : i64} {
  func.func @body(%arg0: memref<8x256xf32, #tpu.memory_space<vmem>>, %arg1: memref<8x256xf32, #tpu.memory_space<vmem>>, %arg2: memref<8x256xf32, #tpu.memory_space<vmem>>, %arg3: memref<8x256xf32, #tpu.memory_space<vmem>>, %arg4: memref<256x128xf32, #tpu.memory_space<vmem>>, %arg5: memref<1x128xf32, #tpu.memory_space<vmem>>, %arg6: memref<1x128xf32, #tpu.memory_space<vmem>>, %arg7: memref<1x128xf32, #tpu.memory_space<vmem>>, %arg8: memref<128x128xf32, #tpu.memory_space<vmem>>, %arg9: memref<1x128xf32, #tpu.memory_space<vmem>>, %arg10: memref<1x128xf32, #tpu.memory_space<vmem>>, %arg11: memref<1x128xf32, #tpu.memory_space<vmem>>, %arg12: memref<128x128xf32, #tpu.memory_space<vmem>>, %arg13: memref<1x128xf32, #tpu.memory_space<vmem>>, %arg14: memref<8x128xf32, #tpu.memory_space<vmem>>) attributes {dimension_semantics = [], scalar_prefetch = 0 : i64, scratch_operands = 0 : i64, tpu.core_type = #tpu.core_type<tc>} {
    %get3A = arith.constant 0 : index
    %get3A_0 = arith.constant 0 : index
    %get3A_1 = vector.load %arg1[%get3A, %get3A_0] : memref<8x256xf32, #tpu.memory_space<vmem>>, vector<1x256xf32>
    %get3A_2 = vector.shape_cast %get3A_1 : vector<1x256xf32> to vector<256xf32>
    %get3A_3 = arith.constant 1 : index
    %get3A_4 = arith.constant 0 : index
    %get3A_5 = vector.load %arg1[%get3A_3, %get3A_4] : memref<8x256xf32, #tpu.memory_space<vmem>>, vector<1x256xf32>
    %get3A_6 = vector.shape_cast %get3A_5 : vector<1x256xf32> to vector<256xf32>
    %div3A = arith.constant 1.638400e+04 : f32
    %div3A_7 = vector.broadcast %div3A : f32 to vector<256xf32>
    %div3A_8 = arith.divf %get3A_2, %div3A_7 : vector<256xf32>
    %div3A_9 = arith.constant 1.638400e+04 : f32
    %div3A_10 = vector.broadcast %div3A_9 : f32 to vector<256xf32>
    %div3A_11 = arith.divf %get3A_6, %div3A_10 : vector<256xf32>
    %mul3A = arith.mulf %div3A_8, %div3A_8 : vector<256xf32>
    %sub3A = arith.subf %div3A_11, %mul3A : vector<256xf32>
    %get3A_12 = arith.constant 0 : index
    %get3A_13 = arith.constant 0 : index
    %get3A_14 = vector.load %arg0[%get3A_12, %get3A_13] : memref<8x256xf32, #tpu.memory_space<vmem>>, vector<8x256xf32>
    %broadcast_in_dim3A = vector.shape_cast %div3A_8 : vector<256xf32> to vector<1x256xf32>
    %sub3A_15 = vector.broadcast %broadcast_in_dim3A : vector<1x256xf32> to vector<8x256xf32>
    %sub3A_16 = arith.subf %get3A_14, %sub3A_15 : vector<8x256xf32>
    %add3A = arith.constant 9.99999974E-6 : f32
    %add3A_17 = vector.broadcast %add3A : f32 to vector<256xf32>
    %add3A_18 = arith.addf %sub3A, %add3A_17 : vector<256xf32>
    %sqrt3A = math.sqrt %add3A_18 : vector<256xf32>
    %broadcast_in_dim3A_19 = vector.shape_cast %sqrt3A : vector<256xf32> to vector<1x256xf32>
    %div3A_20 = vector.broadcast %broadcast_in_dim3A_19 : vector<1x256xf32> to vector<8x256xf32>
    %div3A_21 = arith.divf %sub3A_16, %div3A_20 : vector<8x256xf32>
    %get3A_22 = arith.constant 0 : index
    %get3A_23 = arith.constant 0 : index
    %get3A_24 = vector.load %arg2[%get3A_22, %get3A_23] : memref<8x256xf32, #tpu.memory_space<vmem>>, vector<1x256xf32>
    %mul3A_25 = vector.broadcast %get3A_24 : vector<1x256xf32> to vector<8x256xf32>
    %mul3A_26 = arith.mulf %div3A_21, %mul3A_25 : vector<8x256xf32>
    %get3A_27 = arith.constant 0 : index
    %get3A_28 = arith.constant 0 : index
    %get3A_29 = vector.load %arg3[%get3A_27, %get3A_28] : memref<8x256xf32, #tpu.memory_space<vmem>>, vector<1x256xf32>
    %add3A_30 = vector.broadcast %get3A_29 : vector<1x256xf32> to vector<8x256xf32>
    %add3A_31 = arith.addf %mul3A_26, %add3A_30 : vector<8x256xf32>
    %ge3A = arith.constant 0.000000e+00 : f32
    %ge3A_32 = vector.broadcast %ge3A : f32 to vector<8x256xf32>
    %ge3A_33 = arith.cmpf oge, %add3A_31, %ge3A_32 : vector<8x256xf32>
    %mul3A_34 = arith.constant 2.000000e-01 : f32
    %mul3A_35 = vector.broadcast %mul3A_34 : f32 to vector<8x256xf32>
    %mul3A_36 = arith.mulf %add3A_31, %mul3A_35 : vector<8x256xf32>
    %select_n3A = arith.select %ge3A_33, %add3A_31, %mul3A_36 : vector<8x256xi1>, vector<8x256xf32>
    %get3A_37 = arith.constant 0 : index
    %get3A_38 = arith.constant 0 : index
    %get3A_39 = vector.load %arg4[%get3A_37, %get3A_38] : memref<256x128xf32, #tpu.memory_space<vmem>>, vector<256x128xf32>
    %dot_general3A = arith.constant dense<0.000000e+00> : vector<8x128xf32>
    %dot_general3A_40 = tpu.matmul %select_n3A, %get3A_39, %dot_general3A {dimension_numbers = #tpu.dot_dimension_numbers<[1], [0], [0], [1], [0, 0, 1, 1], [], []>, transpose_lhs_hint = false} : vector<8x256xf32>, vector<256x128xf32>, vector<8x128xf32> -> vector<8x128xf32>
    %get3A_41 = arith.constant 0 : index
    %get3A_42 = arith.constant 0 : index
    %get3A_43 = vector.load %arg5[%get3A_41, %get3A_42] : memref<1x128xf32, #tpu.memory_space<vmem>>, vector<1x128xf32>
    %add3A_44 = vector.broadcast %get3A_43 : vector<1x128xf32> to vector<8x128xf32>
    %add3A_45 = arith.addf %dot_general3A_40, %add3A_44 : vector<8x128xf32>
    %reduce_sum3A = arith.constant dense<0.000000e+00> : vector<128xf32>
    %reduce_sum3A_46 = vector.multi_reduction <add>, %add3A_45, %reduce_sum3A [0] : vector<8x128xf32> to vector<128xf32>
    %div3A_47 = arith.constant 8.000000e+00 : f32
    %div3A_48 = vector.broadcast %div3A_47 : f32 to vector<128xf32>
    %div3A_49 = arith.divf %reduce_sum3A_46, %div3A_48 : vector<128xf32>
    %broadcast_in_dim3A_50 = vector.shape_cast %div3A_49 : vector<128xf32> to vector<1x128xf32>
    %sub3A_51 = vector.broadcast %broadcast_in_dim3A_50 : vector<1x128xf32> to vector<8x128xf32>
    %sub3A_52 = arith.subf %add3A_45, %sub3A_51 : vector<8x128xf32>
    %mul3A_53 = arith.mulf %sub3A_52, %sub3A_52 : vector<8x128xf32>
    %reduce_sum3A_54 = arith.constant dense<0.000000e+00> : vector<128xf32>
    %reduce_sum3A_55 = vector.multi_reduction <add>, %mul3A_53, %reduce_sum3A_54 [0] : vector<8x128xf32> to vector<128xf32>
    %div3A_56 = arith.constant 8.000000e+00 : f32
    %div3A_57 = vector.broadcast %div3A_56 : f32 to vector<128xf32>
    %div3A_58 = arith.divf %reduce_sum3A_55, %div3A_57 : vector<128xf32>
    %add3A_59 = arith.constant 9.99999974E-6 : f32
    %add3A_60 = vector.broadcast %add3A_59 : f32 to vector<128xf32>
    %add3A_61 = arith.addf %div3A_58, %add3A_60 : vector<128xf32>
    %sqrt3A_62 = math.sqrt %add3A_61 : vector<128xf32>
    %broadcast_in_dim3A_63 = vector.shape_cast %sqrt3A_62 : vector<128xf32> to vector<1x128xf32>
    %div3A_64 = vector.broadcast %broadcast_in_dim3A_63 : vector<1x128xf32> to vector<8x128xf32>
    %div3A_65 = arith.divf %sub3A_52, %div3A_64 : vector<8x128xf32>
    %get3A_66 = arith.constant 0 : index
    %get3A_67 = arith.constant 0 : index
    %get3A_68 = vector.load %arg6[%get3A_66, %get3A_67] : memref<1x128xf32, #tpu.memory_space<vmem>>, vector<1x128xf32>
    %mul3A_69 = vector.broadcast %get3A_68 : vector<1x128xf32> to vector<8x128xf32>
    %mul3A_70 = arith.mulf %div3A_65, %mul3A_69 : vector<8x128xf32>
    %get3A_71 = arith.constant 0 : index
    %get3A_72 = arith.constant 0 : index
    %get3A_73 = vector.load %arg7[%get3A_71, %get3A_72] : memref<1x128xf32, #tpu.memory_space<vmem>>, vector<1x128xf32>
    %add3A_74 = vector.broadcast %get3A_73 : vector<1x128xf32> to vector<8x128xf32>
    %add3A_75 = arith.addf %mul3A_70, %add3A_74 : vector<8x128xf32>
    %ge3A_76 = arith.constant 0.000000e+00 : f32
    %ge3A_77 = vector.broadcast %ge3A_76 : f32 to vector<8x128xf32>
    %ge3A_78 = arith.cmpf oge, %add3A_75, %ge3A_77 : vector<8x128xf32>
    %mul3A_79 = arith.constant 2.000000e-01 : f32
    %mul3A_80 = vector.broadcast %mul3A_79 : f32 to vector<8x128xf32>
    %mul3A_81 = arith.mulf %add3A_75, %mul3A_80 : vector<8x128xf32>
    %select_n3A_82 = arith.select %ge3A_78, %add3A_75, %mul3A_81 : vector<8x128xi1>, vector<8x128xf32>
    %get3A_83 = arith.constant 0 : index
    %get3A_84 = arith.constant 0 : index
    %get3A_85 = vector.load %arg8[%get3A_83, %get3A_84] : memref<128x128xf32, #tpu.memory_space<vmem>>, vector<128x128xf32>
    %dot_general3A_86 = arith.constant dense<0.000000e+00> : vector<8x128xf32>
    %dot_general3A_87 = tpu.matmul %select_n3A_82, %get3A_85, %dot_general3A_86 {dimension_numbers = #tpu.dot_dimension_numbers<[1], [0], [0], [1], [0, 0, 1, 1], [], []>, transpose_lhs_hint = false} : vector<8x128xf32>, vector<128x128xf32>, vector<8x128xf32> -> vector<8x128xf32>
    %get3A_88 = arith.constant 0 : index
    %get3A_89 = arith.constant 0 : index
    %get3A_90 = vector.load %arg9[%get3A_88, %get3A_89] : memref<1x128xf32, #tpu.memory_space<vmem>>, vector<1x128xf32>
    %add3A_91 = vector.broadcast %get3A_90 : vector<1x128xf32> to vector<8x128xf32>
    %add3A_92 = arith.addf %dot_general3A_87, %add3A_91 : vector<8x128xf32>
    %reduce_sum3A_93 = arith.constant dense<0.000000e+00> : vector<128xf32>
    %reduce_sum3A_94 = vector.multi_reduction <add>, %add3A_92, %reduce_sum3A_93 [0] : vector<8x128xf32> to vector<128xf32>
    %div3A_95 = arith.constant 8.000000e+00 : f32
    %div3A_96 = vector.broadcast %div3A_95 : f32 to vector<128xf32>
    %div3A_97 = arith.divf %reduce_sum3A_94, %div3A_96 : vector<128xf32>
    %broadcast_in_dim3A_98 = vector.shape_cast %div3A_97 : vector<128xf32> to vector<1x128xf32>
    %sub3A_99 = vector.broadcast %broadcast_in_dim3A_98 : vector<1x128xf32> to vector<8x128xf32>
    %sub3A_100 = arith.subf %add3A_92, %sub3A_99 : vector<8x128xf32>
    %mul3A_101 = arith.mulf %sub3A_100, %sub3A_100 : vector<8x128xf32>
    %reduce_sum3A_102 = arith.constant dense<0.000000e+00> : vector<128xf32>
    %reduce_sum3A_103 = vector.multi_reduction <add>, %mul3A_101, %reduce_sum3A_102 [0] : vector<8x128xf32> to vector<128xf32>
    %div3A_104 = arith.constant 8.000000e+00 : f32
    %div3A_105 = vector.broadcast %div3A_104 : f32 to vector<128xf32>
    %div3A_106 = arith.divf %reduce_sum3A_103, %div3A_105 : vector<128xf32>
    %add3A_107 = arith.constant 9.99999974E-6 : f32
    %add3A_108 = vector.broadcast %add3A_107 : f32 to vector<128xf32>
    %add3A_109 = arith.addf %div3A_106, %add3A_108 : vector<128xf32>
    %sqrt3A_110 = math.sqrt %add3A_109 : vector<128xf32>
    %broadcast_in_dim3A_111 = vector.shape_cast %sqrt3A_110 : vector<128xf32> to vector<1x128xf32>
    %div3A_112 = vector.broadcast %broadcast_in_dim3A_111 : vector<1x128xf32> to vector<8x128xf32>
    %div3A_113 = arith.divf %sub3A_100, %div3A_112 : vector<8x128xf32>
    %get3A_114 = arith.constant 0 : index
    %get3A_115 = arith.constant 0 : index
    %get3A_116 = vector.load %arg10[%get3A_114, %get3A_115] : memref<1x128xf32, #tpu.memory_space<vmem>>, vector<1x128xf32>
    %mul3A_117 = vector.broadcast %get3A_116 : vector<1x128xf32> to vector<8x128xf32>
    %mul3A_118 = arith.mulf %div3A_113, %mul3A_117 : vector<8x128xf32>
    %get3A_119 = arith.constant 0 : index
    %get3A_120 = arith.constant 0 : index
    %get3A_121 = vector.load %arg11[%get3A_119, %get3A_120] : memref<1x128xf32, #tpu.memory_space<vmem>>, vector<1x128xf32>
    %add3A_122 = vector.broadcast %get3A_121 : vector<1x128xf32> to vector<8x128xf32>
    %add3A_123 = arith.addf %mul3A_118, %add3A_122 : vector<8x128xf32>
    %ge3A_124 = arith.constant 0.000000e+00 : f32
    %ge3A_125 = vector.broadcast %ge3A_124 : f32 to vector<8x128xf32>
    %ge3A_126 = arith.cmpf oge, %add3A_123, %ge3A_125 : vector<8x128xf32>
    %mul3A_127 = arith.constant 2.000000e-01 : f32
    %mul3A_128 = vector.broadcast %mul3A_127 : f32 to vector<8x128xf32>
    %mul3A_129 = arith.mulf %add3A_123, %mul3A_128 : vector<8x128xf32>
    %select_n3A_130 = arith.select %ge3A_126, %add3A_123, %mul3A_129 : vector<8x128xi1>, vector<8x128xf32>
    %get3A_131 = arith.constant 0 : index
    %get3A_132 = arith.constant 0 : index
    %get3A_133 = vector.load %arg12[%get3A_131, %get3A_132] : memref<128x128xf32, #tpu.memory_space<vmem>>, vector<128x128xf32>
    %dot_general3A_134 = arith.constant dense<0.000000e+00> : vector<8x128xf32>
    %dot_general3A_135 = tpu.matmul %select_n3A_130, %get3A_133, %dot_general3A_134 {dimension_numbers = #tpu.dot_dimension_numbers<[1], [0], [0], [1], [0, 0, 1, 1], [], []>, transpose_lhs_hint = false} : vector<8x128xf32>, vector<128x128xf32>, vector<8x128xf32> -> vector<8x128xf32>
    %get3A_136 = arith.constant 0 : index
    %get3A_137 = arith.constant 0 : index
    %get3A_138 = vector.load %arg13[%get3A_136, %get3A_137] : memref<1x128xf32, #tpu.memory_space<vmem>>, vector<1x128xf32>
    %add3A_139 = vector.broadcast %get3A_138 : vector<1x128xf32> to vector<8x128xf32>
    %add3A_140 = arith.addf %dot_general3A_135, %add3A_139 : vector<8x128xf32>
    %swap3A = arith.constant 0 : index
    %swap3A_141 = arith.constant 0 : index
    %swap3A_142 = vector.load %arg14[%swap3A, %swap3A_141] : memref<8x128xf32, #tpu.memory_space<vmem>>, vector<8x128xf32>
    tpu.vector_store %arg14[%swap3A, %swap3A_141], %add3A_140 {strides = array<i32>} : memref<8x128xf32, #tpu.memory_space<vmem>>, vector<8x128xf32>,
    return
  }
}

</mosaic_0001>

<sc_bundles>
// kernel: kernel.13.cloned.1.call-start
scs
__scs_entry_jumppad:
0x0: {  	(pc) =	sbr.rel $0x88, $3  }
0x1: {  	(tag) =	ssettag $0x0;
	lr =	simm.s32 $0x1  }
0x2: {  	[smem:$0x3F84] =	sst lr;
	_ =	strace $0xD0000000  }
0x3: {  	_ = 	snop  }
0x4: {  	_ = 	snop  }
0x5: {  	_ = 	snop  }
0x6: {  	_ = 	snop  }
0x7: {  	_ = 	snop  }
__scs_overlays_trampoline_lowered:
0x8: {  	[smem:$0x3F93] =	sst s0  }
0x9: {  	[smem:$0x3F94] =	sst s1  }
0xa: {  	[smem:$0x3F95] =	sst s2  }
0xb: {  	[smem:$0x3F96] =	sst s3  }
0xc: {  	[smem:$0x3F97] =	sst s4  }
0xd: {  	[smem:$0x3F98] =	sst s5  }
0xe: {  	[smem:$0x3F99] =	sst s6  }
0xf: {  	[smem:$0x3F9A] =	sst s7  }
0x10: {  	[smem:$0x3F9B] =	sst s8  }
0x11: {  	[smem:$0x3F9C] =	sst s9;
	s0 =	simm.s32 @!p0 $0x0  }
0x12: {  	s1 =	sld [smem:$0x3F82];
	s0 =	simm.s32 @p0 $0x1  }
0x13: {  	[smem:$0x3F9D] =	sst s0;
	s0 =	simm.s32 @!p1 $0x0  }
0x14: {  	s2 =	sld [smem:$0x3F81];
	s0 =	simm.s32 @p1 $0x1  }
0x15: {  	[smem:$0x3F9E] =	sst s0;
	s0 =	simm.s32 @!p2 $0x0  }
0x16: {  	s3 =	sld [smem:$0x3FDB];
	s0 =	simm.s32 @p2 $0x1  }
0x17: {  	s4 =	simm.s32 $0x1BF5;
	[smem:$0x3FA0] =	sst s0  }
0x18: {  	s0 =	sld [smem:$0x3F83];
	_ =	swait.ge [sflag:s4], $0x0  }
0x19: {  	s7 =	sld [smem:$0x3F84]  }
0x1a: {  	s8 =	sadd.s32 $0xFFFFE003, lr  }
0x1b: {  	s9 =	sadd.s32 $0xFFFFFEF7, lr;
	s5 =	simm.s32 $0xFFFFFFFF;
	p2 =	slt.u32 s8, $0xFFFFF086  }
0x1c: {  	p1 =	slt.u32 s9, $0xF7A;
	s5 =	simm.s32 @!p2 $0x0  }
0x1d: {  	s5 =	simm.s32 @p1 $0x1;
	p0 =	seq.s32 s7, s2  }
0x1e: {  	s7 =	smul.u32 @!p0 $0xF7A, s2;
	p2 =	seq.s32 @!p0 s5, $0x0  }
0x1f: {  	s9 =	smul.u32 $0xF7A, s1;
	s8 =	simm.s32 @!p0 $0x1BF5;
	p2 =	por !p2, p0  }
0x20: {  	[sflag:s8] =	ssyncset.s32 @!p0 $0xFFFFF086;
	s6 =	sadd.s32 @!p0 s3, s7;
	s7 =	simm.s32 @!p0 $0x108  }
0x21: {  	s3 =	sadd.s32 s3, s9;
	s6 =	sadd.s32 @!p0 $0x88, s6;
	s7 =	simm.s32 @p2 $0x1082  }
0x22: {  	[simem:s7], [sflag:s8] =	dma.local @!p0 [hbm:s6], $0xF7A  }
0x23: {  	s9 =	sor.u32 $0xD0000000, s2;
	s6 =	simm.s32 $0x108;
	_ =	swait.ge @!p0 [sflag:s8], $0x0  }
0x24: {  	s3 =	sadd.s32 $0x88, s3;
	s6 =	simm.s32 @!p1 $0x1082;
	[sflag:s4] =	ssyncset.s32 $0xFFFFF086  }
0x25: {  	[simem:s6], [sflag:s4] =	dma.local [hbm:s3], $0xF7A  }
0x26: {  	[smem:$0x3F84] =	sst s1;
	(tag) =	ssettag s2;
	_ =	strace s9  }
0x27: {  	s1 =	sld [smem:$0x3F94]  }
0x28: {  	s2 =	sld [smem:$0x3F95]  }
0x29: {  	s4 =	sld [smem:$0x3F97]  }
0x2a: {  	p0 =	seq.s32 s5, $0x0;
	s5 =	sld [smem:$0x3F98]  }
0x2b: {  	s6 =	sld [smem:$0x3F99]  }
0x2c: {  	s7 =	sld [smem:$0x3F9A]  }
0x2d: {  	s3 =	simm.s32 $0x108;
	s8 =	sld [smem:$0x3F9B]  }
0x2e: {  	s3 =	simm.s32 @!p0 $0x1082;
	s9 =	sld [smem:$0x3F9C]  }
0x2f: {  	lr =	sadd.s32 s0, s3;
	s0 =	sld [smem:$0x3F93]  }
0x30: {  	s3 =	sld [smem:$0x3F96]  }
0x31: {  	[smem:$0x3F9F] =	sst s10  }
0x32: {  	s10 =	sld [smem:$0x3F9D];
	_ =	sdelay $0x3  }
0x33: {  	p0 =	seq.s32 s10, $0x1;
	s10 =	sld [smem:$0x3F9F];
	_ =	sdelay $0x3  }
0x34: {  	[smem:$0x3F9F] =	sst s10  }
0x35: {  	s10 =	sld [smem:$0x3F9E];
	_ =	sdelay $0x3  }
0x36: {  	p1 =	seq.s32 s10, $0x1;
	s10 =	sld [smem:$0x3F9F];
	_ =	sdelay $0x3  }
0x37: {  	[smem:$0x3F9F] =	sst s10  }
0x38: {  	s10 =	sld [smem:$0x3FA0]  }
0x39: {  	_ = 	snop;
	(pc) =	sbr.ind lr, $3  }
0x3a: {  	_ = 	snop  }
0x3b: {  	_ = 	snop  }
0x3c: {  	p2 =	seq.s32 s10, $0x1;
	s10 =	sld [smem:$0x3F9F]  }
0x3d: {  	_ =	shalt  }
0x3e: {  	_ =	shalt  }
0x3f: {  	_ =	shalt  }
0x40: {  	_ =	shalt  }
0x41: {  	_ =	shalt  }
0x42: {  	_ =	shalt  }
0x43: {  	_ =	shalt  }
0x44: {  	_ =	shalt  }
0x45: {  	_ =	shalt  }
0x46: {  	_ =	shalt  }
0x47: {  	_ =	shalt  }
0x48: {  	_ =	shalt  }
0x49: {  	_ =	shalt  }
0x4a: {  	_ =	shalt  }
0x4b: {  	_ =	shalt  }
0x4c: {  	_ =	shalt  }
0x4d: {  	_ =	shalt  }
0x4e: {  	_ =	shalt  }
0x4f: {  	_ =	shalt  }
0x50: {  	_ =	shalt  }
0x51: {  	_ =	shalt  }
0x52: {  	_ =	shalt  }
0x53: {  	_ =	shalt  }
0x54: {  	_ =	shalt  }
0x55: {  	_ =	shalt  }
0x56: {  	_ =	shalt  }
0x57: {  	_ =	shalt  }
0x58: {  	_ =	shalt  }
0x59: {  	_ =	shalt  }
0x5a: {  	_ =	shalt  }
0x5b: {  	_ =	shalt  }
0x5c: {  	_ =	shalt  }
0x5d: {  	_ =	shalt  }
0x5e: {  	_ =	shalt  }
0x5f: {  	_ =	shalt  }
0x60: {  	_ =	shalt  }
0x61: {  	_ =	shalt  }
0x62: {  	_ =	shalt  }
0x63: {  	_ =	shalt  }
0x64: {  	_ =	shalt  }
0x65: {  	_ =	shalt  }
0x66: {  	_ =	shalt  }
0x67: {  	_ =	shalt  }
0x68: {  	_ =	shalt  }
0x69: {  	_ =	shalt  }
0x6a: {  	_ =	shalt  }
0x6b: {  	_ =	shalt  }
0x6c: {  	_ =	shalt  }
0x6d: {  	_ =	shalt  }
0x6e: {  	_ =	shalt  }
0x6f: {  	_ =	shalt  }
0x70: {  	_ =	shalt  }
0x71: {  	_ =	shalt  }
0x72: {  	_ =	shalt  }
0x73: {  	_ =	shalt  }
0x74: {  	_ =	shalt  }
0x75: {  	_ =	shalt  }
0x76: {  	_ =	shalt  }
0x77: {  	_ =	shalt  }
0x78: {  	_ =	shalt  }
0x79: {  	_ =	shalt  }
0x7a: {  	_ =	shalt  }
0x7b: {  	_ =	shalt  }
0x7c: {  	_ =	shalt  }
0x7d: {  	_ =	shalt  }
0x7e: {  	_ =	shalt  }
0x7f: {  	_ =	shalt  }
0x80: {  	_ =	shalt  }
0x81: {  	_ =	shalt  }
0x82: {  	_ =	shalt  }
0x83: {  	_ =	shalt  }
0x84: {  	_ =	shalt  }
0x85: {  	_ =	shalt  }
0x86: {  	_ =	shalt  }
0x87: {  	_ =	shalt  }
.Lfunc_end0:
.L_simem_size_0:
called_computation.1_lowered:
.L_overlay_start_0:
0x88: {  	s2 =	sld [smem:$0x3FD9]  }
0x89: {  	s3 =	sld [smem:$0x3FFE];
	_ =	sdelay $0x1  }
0x8a: {  	s1 =	srdreg.scid  }
0x8b: {  	s0 =	sand.u32 $0x1, s1  }
0x8c: {  	s17 =	sshll.u32 s0, $0xA;
	s2 =	sadd.s32 s3, s2  }
0x8d: {  	s2 =	sadd.s32 s2, s17  }
0x8e: {  	[smem:$0x3FAB] =	sst s2  }
0x8f: {  	_ = 	snop  }
0x90: {  	(tm) =	ssettm $0x1  }
0x91: {  	s18 =	sld [smem:$0x3FFB];
	_ =	sdelay $0x3  }
0x92: {  	_ =	strace s18  }
0x93: {  	s2 =	sld [smem:$0x3FFC];
	_ =	sdelay $0x3  }
0x94: {  	_ =	strace s2  }
0x95: {  	s2 =	sld [smem:$0x3FFD];
	_ =	sdelay $0x3  }
0x96: {  	_ =	strace s2  }
0x97: {  	_ =	strace $0x8FFFFFFF  }
0x98: {  	s19 =	sld [smem:$0x3FDB];
	_ =	sdelay $0x1  }
0x99: {  	s20 =	simm.s32 $_scs_section_size  }
0x9a: {  	s4 =	simm.s32 $_size__tile_overlayer_lowered;
	s5 =	simm.s32 $_tile_overlayer_lowered  }
0x9b: {  	s6 =	simm.s32 $0x1BFF;
	s21 =	sshll.u32 s5, $0x1;
	s3 =	sadd.s32 s20, s19  }
0x9c: {  	s22 =	simm.s32 $0x0;
	s4 =	sshll.u32 s4, $0x1;
	s5 =	sadd.s32 s21, s3  }
0x9d: {  	[timem:s22], [sflag:s6] =	dma.local [hbm:s5], s4  }
0x9e: {  	_ =	swait.ge [sflag:s6], s4  }
0x9f: {  	s4 =	ssub.s32 $0x0, s4;
	[sflag:s6] =	ssyncset.done $0x0  }
0xa0: {  	[sflag:s6] =	ssyncadd.s32 s4;
	_ =	sdelay $0x1  }
0xa1: {  	s23 =	simm.s32 $0x1B8B  }
0xa2: {  	_ =	swait.ge [sflag:s23], $0x1  }
0xa3: {  	[sflag:s23] =	ssyncset.done $0x0  }
0xa4: {  	[sflag:s23] =	ssyncadd.s32 $0xFFFFFFFF  }
0xa5: {  	s4 =	sld [smem:$0x0]  }
0xa6: {  	s5 =	sand.u32 $0xFFFFFFFE, s1  }
0xa7: {  	p0 =	sne.s32 s1, s5  }
0xa8: {  	s5 =	sshll.u32 @p0 s5, $0xE  }
0xa9: {  	s5 =	sadd.s32 @p0 $0x11B8D, s5;
	s6 =	sshll.u32 @p0 s4, $0x11  }
0xaa: {  	s5 =	sor.u32 @p0 s6, s5  }
0xab: {  	[sflag:s5] =	ssyncadd.remote.s32 @p0 $0x1;
	_ =	sdelay $0x1  }
0xac: {  	s5 =	simm.s32 @p0 $0x1B8D  }
0xad: {  	_ =	swait.eq @p0 [sflag:s5], $0x1  }
0xae: {  	[sflag:s5] =	ssyncadd.s32 @p0 $0xFFFFFFFF  }
0xaf: {  	s6 =	sshll.u32 @!p0 s1, $0xE  }
0xb0: {  	s6 =	sor.u32 @!p0 $0x4000, s6;
	s5 =	simm.s32 @!p0 $0x1B8D  }
0xb1: {  	s4 =	sshll.u32 @!p0 s4, $0x11;
	s6 =	sadd.s32 @!p0 $0x11B8D, s6;
	_ =	swait.eq @!p0 [sflag:s5], $0x1  }
0xb2: {  	s4 =	sor.u32 @!p0 s4, s6;
	[sflag:s5] =	ssyncadd.s32 @!p0 $0xFFFFFFFF  }
0xb3: {  	s25 =	simm.s32 $0x1B8E;
	s24 =	sld [smem:$0x3FFE];
	[sflag:s4] =	ssyncadd.remote.s32 @!p0 $0x1  }
0xb4: {  	s26 =	simm.s32 $execute0_lowered;
	[smem:$0x3FD2] =	sst s25  }
0xb5: {  	s5 =	sshll.u32 s26, $0x1;
	_ =	strace $0x80000049;
	[dreg:$0x1] =	wrdreg $0xFFFFFFFF  }
0xb6: {  	s28 =	simm.s32 $_size_execute0_lowered;
	s3 =	sadd.s32 s3, s5;
	[dreg:$0x0] =	wrdreg $0x0  }
0xb7: {  	s5 =	sshll.u32 s28, $0x1;
	[dreg:$0x2] =	wrdreg s3  }
0xb8: {  	[dreg:$0x3] =	wrdreg s5  }
0xb9: {  	[dreg:$0x4] =	wrdreg $0xC0  }
0xba: {  	_ =	task [dreg:s22], $0x5FFFF  }
0xbb: {  	[dreg:$0x1] =	wrdreg $0xFFFFFFFF  }
0xbc: {  	[dreg:$0x0] =	wrdreg $0x60  }
0xbd: {  	[dreg:$0x2] =	wrdreg s24  }
0xbe: {  	[dreg:$0x3] =	wrdreg $0xA  }
0xbf: {  	_ =	task.clear_ibuf [dreg:s22], $0x4FFFF;
	_ =	strace $0x90000049  }
0xc0: {  	s29 =	simm.s32 $0xA;
	_ =	strace $0x8000004B  }
0xc1: {  	_ =	swait.ge [sflag:s29], $0x1  }
0xc2: {  	[sflag:s29] =	ssyncadd.s32 $0xFFFFFFFF  }
0xc3: {  	_ =	strace $0x9000004B  }
0xc4: {  	_ =	sfence  }
0xc5: {  	s30 =	sld [smem:$0x0];
	_ =	sdelay $0x2  }
0xc6: {  	s31 =	sshll.u32 s1, $0xD;
	s1 =	sshrl.u32 s1, $0x2  }
0xc7: {  	s4 =	sand.u32 $0x4000, s31;
	s1 =	sadd.s32 s1, s30  }
0xc8: {  	s0 =	sor.u32 s4, s0;
	s1 =	sshll.u32 s1, $0x11  }
0xc9: {  	s0 =	sor.u32 s1, s0  }
0xca: {  	s0 =	sadd.s32 $0x8F2B, s0  }
0xcb: {  	[sflag:s0] =	ssyncadd.remote.s32 $0x1  }
0xcc: {  	_ =	sfence.sel $0xFFFF  }
0xcd: {  	[dreg:$0x0] =	wrdreg $0xFFFFFFFF;
	(pc) =	sbr.abs _section_cstart, $3  }
0xce: {  	[dreg:$0x1] =	wrdreg $0xFFFFFFFF  }
0xcf: {  	_ =	task.clear_ibuf [dreg:s22], $0x2FFFF;
	_ =	strace $0x9FFFFFFF  }
0xd0: {  	(tm) =	ssettm $0x7FFFFFFF  }
0xd1: {  	_ =	shalt  }
tec
execute0_lowered:
.L_overlay_start_1:
0x0: {  	(tag) =	ssettag $0x1  }
0x1: {  	s1 =	srdreg.scid  }
0x2: {  	s0 =	stileid.u32;
	s29 =	sand.u32 $0x1, s1  }
0x3: {  	s3 =	sshll.u32 s0, $0xD;
	s4 =	sshll.u32 s29, $0xC  }
0x4: {  	s14 =	rddreg [dreg:$0x0];
	s2 =	simm.s32 $0x0;
	s30 =	sor.u32 s4, s3  }
0x5: {  	[smem:$0x7FF] =	sst s2;
	s28 =	sadd.s32 $0x88000, s14;
	s3 =	sshrl.u32 s30, $0x3  }
0x6: {  	_ =	strace $0x8000004A;
	s4 =	sadd.s32 s28, s3;
	s3 =	simm.s32 $0x2  }
0x7: {  	[tilespmem:s2], [sflag:$0x2] =	stream.linear.gather [hbm4b:s4+s2], $0x200, $0x38;
	[tilespmem:$0x10200] =	vst v63  }
0x8: {  	_ =	swait.ge [sflag:s3], $0x200  }
0x9: {  	s6 =	simm.s32 $0x80;
	[sflag:s3] =	ssyncset.done $0x0  }
0xa: {  	s7 =	simm.s32 $0x200;
	s5 =	sadd.s32 $0x48000, s14;
	[sflag:s3] =	ssyncadd.s32 $0xFFFFFE00  }
0xb: {  	[tilespmem:s7], [sflag:$0x1] =	stream.indirect.gather [hbm4b:s5+s6], $0x80, s2, s6, $0xb8;
	[tilespmem:$0x10200] =	vst v63  }
0xc: {  	s8 =	simm.s32 $0x4200  }
0xd: {  	[tilespmem:s8], [sflag:$0x1] =	stream.indirect.gather [hbm4b:s5+s6], $0x80, s6, s6, $0xb8;
	[tilespmem:$0x10200] =	vst v63  }
0xe: {  	s9 =	simm.s32 $0x100;
	s10 =	simm.s32 $0x8200  }
0xf: {  	[tilespmem:s10], [sflag:$0x1] =	stream.indirect.gather [hbm4b:s5+s6], $0x80, s9, s6, $0xb8;
	[tilespmem:$0x10200] =	vst v63  }
0x10: {  	s11 =	simm.s32 $0x180;
	s12 =	simm.s32 $0xC200;
	s13 =	simm.s32 $0x1  }
0x11: {  	[tilespmem:s12], [sflag:$0x1] =	stream.indirect.gather [hbm4b:s5+s6], $0x80, s11, s6, $0xb8;
	[tilespmem:$0x10200] =	vst v63  }
0x12: {  	_ =	swait.ge [sflag:s13], $0x4000  }
0x13: {  	[sflag:s13] =	ssyncset.done $0x0  }
0x14: {  	[sflag:s13] =	ssyncadd.s32 $0xFFFFC000  }
0x15: {  	_ =	swait.ge [sflag:s13], $0x4000  }
0x16: {  	[sflag:s13] =	ssyncset.done $0x0  }
0x17: {  	[sflag:s13] =	ssyncadd.s32 $0xFFFFC000  }
0x18: {  	_ =	swait.ge [sflag:s13], $0x4000  }
0x19: {  	[sflag:s13] =	ssyncset.done $0x0  }
0x1a: {  	[sflag:s13] =	ssyncadd.s32 $0xFFFFC000  }
0x1b: {  	_ =	swait.ge [sflag:s13], $0x4000  }
0x1c: {  	s31 =	sadd.s32 $0x4C8000, s14;
	s26 =	sshll.u32 s30, $0x4;
	[sflag:s13] =	ssyncset.done $0x0  }
0x1d: {  	s14 =	sadd.s32 s31, s26;
	[sflag:s13] =	ssyncadd.s32 $0xFFFFC000  }
0x1e: {  	[hbm4b:s14+s2] =	stream.linear.scatter [tilespmem:s7], [sflag:$0x2], $0x10000, $0x38;
	[tilespmem:$0x10200] =	vst v63  }
0x1f: {  	s16 =	sor.u32 $0x200, s30;
	_ =	swait.ge [sflag:s3], $0x10000  }
0x20: {  	s15 =	sshrl.u32 s16, $0x3;
	[sflag:s3] =	ssyncset.done $0x0  }
0x21: {  	s15 =	sadd.s32 s28, s15;
	[sflag:s3] =	ssyncadd.s32 $0xFFFF0000  }
0x22: {  	[tilespmem:s2], [sflag:$0x2] =	stream.linear.gather [hbm4b:s15+s2], $0x200, $0x38;
	[tilespmem:$0x10200] =	vst v63  }
0x23: {  	_ =	swait.ge [sflag:s3], $0x200  }
0x24: {  	[sflag:s3] =	ssyncset.done $0x0  }
0x25: {  	[sflag:s3] =	ssyncadd.s32 $0xFFFFFE00  }
0x26: {  	[tilespmem:s7], [sflag:$0x1] =	stream.indirect.gather [hbm4b:s5+s6], $0x80, s2, s6, $0xb8;
	[tilespmem:$0x10200] =	vst v63  }
0x27: {  	_ = 	snop  }
0x28: {  	[tilespmem:s8], [sflag:$0x1] =	stream.indirect.gather [hbm4b:s5+s6], $0x80, s6, s6, $0xb8;
	[tilespmem:$0x10200] =	vst v63  }
0x29: {  	_ = 	snop  }
0x2a: {  	[tilespmem:s10], [sflag:$0x1] =	stream.indirect.gather [hbm4b:s5+s6], $0x80, s9, s6, $0xb8;
	[tilespmem:$0x10200] =	vst v63  }
0x2b: {  	_ = 	snop  }
0x2c: {  	[tilespmem:s12], [sflag:$0x1] =	stream.indirect.gather [hbm4b:s5+s6], $0x80, s11, s6, $0xb8;
	[tilespmem:$0x10200] =	vst v63  }
0x2d: {  	_ =	swait.ge [sflag:s13], $0x4000  }
0x2e: {  	[sflag:s13] =	ssyncset.done $0x0  }
0x2f: {  	[sflag:s13] =	ssyncadd.s32 $0xFFFFC000  }
0x30: {  	_ =	swait.ge [sflag:s13], $0x4000  }
0x31: {  	[sflag:s13] =	ssyncset.done $0x0  }
0x32: {  	[sflag:s13] =	ssyncadd.s32 $0xFFFFC000  }
0x33: {  	_ =	swait.ge [sflag:s13], $0x4000  }
0x34: {  	[sflag:s13] =	ssyncset.done $0x0  }
0x35: {  	[sflag:s13] =	ssyncadd.s32 $0xFFFFC000  }
0x36: {  	_ =	swait.ge [sflag:s13], $0x4000  }
0x37: {  	s16 =	sshll.u32 s16, $0x4;
	[sflag:s13] =	ssyncset.done $0x0  }
0x38: {  	s16 =	sadd.s32 s31, s16;
	[sflag:s13] =	ssyncadd.s32 $0xFFFFC000  }
0x39: {  	[hbm4b:s16+s2] =	stream.linear.scatter [tilespmem:s7], [sflag:$0x2], $0x10000, $0x38;
	[tilespmem:$0x10200] =	vst v63  }
0x3a: {  	s18 =	sor.u32 $0x400, s30;
	_ =	swait.ge [sflag:s3], $0x10000  }
0x3b: {  	s17 =	sshrl.u32 s18, $0x3;
	[sflag:s3] =	ssyncset.done $0x0  }
0x3c: {  	s17 =	sadd.s32 s28, s17;
	[sflag:s3] =	ssyncadd.s32 $0xFFFF0000  }
0x3d: {  	[tilespmem:s2], [sflag:$0x2] =	stream.linear.gather [hbm4b:s17+s2], $0x200, $0x38;
	[tilespmem:$0x10200] =	vst v63  }
0x3e: {  	_ =	swait.ge [sflag:s3], $0x200  }
0x3f: {  	[sflag:s3] =	ssyncset.done $0x0  }
0x40: {  	[sflag:s3] =	ssyncadd.s32 $0xFFFFFE00  }
0x41: {  	[tilespmem:s7], [sflag:$0x1] =	stream.indirect.gather [hbm4b:s5+s6], $0x80, s2, s6, $0xb8;
	[tilespmem:$0x10200] =	vst v63  }
0x42: {  	_ = 	snop  }
0x43: {  	[tilespmem:s8], [sflag:$0x1] =	stream.indirect.gather [hbm4b:s5+s6], $0x80, s6, s6, $0xb8;
	[tilespmem:$0x10200] =	vst v63  }
0x44: {  	_ = 	snop  }
0x45: {  	[tilespmem:s10], [sflag:$0x1] =	stream.indirect.gather [hbm4b:s5+s6], $0x80, s9, s6, $0xb8;
	[tilespmem:$0x10200] =	vst v63  }
0x46: {  	_ = 	snop  }
0x47: {  	[tilespmem:s12], [sflag:$0x1] =	stream.indirect.gather [hbm4b:s5+s6], $0x80, s11, s6, $0xb8;
	[tilespmem:$0x10200] =	vst v63  }
0x48: {  	_ =	swait.ge [sflag:s13], $0x4000  }
0x49: {  	[sflag:s13] =	ssyncset.done $0x0  }
0x4a: {  	[sflag:s13] =	ssyncadd.s32 $0xFFFFC000  }
0x4b: {  	_ =	swait.ge [sflag:s13], $0x4000  }
0x4c: {  	[sflag:s13] =	ssyncset.done $0x0  }
0x4d: {  	[sflag:s13] =	ssyncadd.s32 $0xFFFFC000  }
0x4e: {  	_ =	swait.ge [sflag:s13], $0x4000  }
0x4f: {  	[sflag:s13] =	ssyncset.done $0x0  }
0x50: {  	[sflag:s13] =	ssyncadd.s32 $0xFFFFC000  }
0x51: {  	_ =	swait.ge [sflag:s13], $0x4000  }
0x52: {  	s18 =	sshll.u32 s18, $0x4;
	[sflag:s13] =	ssyncset.done $0x0  }
0x53: {  	s18 =	sadd.s32 s31, s18;
	[sflag:s13] =	ssyncadd.s32 $0xFFFFC000  }
0x54: {  	[hbm4b:s18+s2] =	stream.linear.scatter [tilespmem:s7], [sflag:$0x2], $0x10000, $0x38;
	[tilespmem:$0x10200] =	vst v63  }
0x55: {  	s20 =	sor.u32 $0x600, s30;
	_ =	swait.ge [sflag:s3], $0x10000  }
0x56: {  	s19 =	sshrl.u32 s20, $0x3;
	[sflag:s3] =	ssyncset.done $0x0  }
0x57: {  	s19 =	sadd.s32 s28, s19;
	[sflag:s3] =	ssyncadd.s32 $0xFFFF0000  }
0x58: {  	[tilespmem:s2], [sflag:$0x2] =	stream.linear.gather [hbm4b:s19+s2], $0x200, $0x38;
	[tilespmem:$0x10200] =	vst v63  }
0x59: {  	_ =	swait.ge [sflag:s3], $0x200  }
0x5a: {  	[sflag:s3] =	ssyncset.done $0x0  }
0x5b: {  	[sflag:s3] =	ssyncadd.s32 $0xFFFFFE00  }
0x5c: {  	[tilespmem:s7], [sflag:$0x1] =	stream.indirect.gather [hbm4b:s5+s6], $0x80, s2, s6, $0xb8;
	[tilespmem:$0x10200] =	vst v63  }
0x5d: {  	_ = 	snop  }
0x5e: {  	[tilespmem:s8], [sflag:$0x1] =	stream.indirect.gather [hbm4b:s5+s6], $0x80, s6, s6, $0xb8;
	[tilespmem:$0x10200] =	vst v63  }
0x5f: {  	_ = 	snop  }
0x60: {  	[tilespmem:s10], [sflag:$0x1] =	stream.indirect.gather [hbm4b:s5+s6], $0x80, s9, s6, $0xb8;
	[tilespmem:$0x10200] =	vst v63  }
0x61: {  	_ = 	snop  }
0x62: {  	[tilespmem:s12], [sflag:$0x1] =	stream.indirect.gather [hbm4b:s5+s6], $0x80, s11, s6, $0xb8;
	[tilespmem:$0x10200] =	vst v63  }
0x63: {  	_ =	swait.ge [sflag:s13], $0x4000  }
0x64: {  	[sflag:s13] =	ssyncset.done $0x0  }
0x65: {  	[sflag:s13] =	ssyncadd.s32 $0xFFFFC000  }
0x66: {  	_ =	swait.ge [sflag:s13], $0x4000  }
0x67: {  	[sflag:s13] =	ssyncset.done $0x0  }
0x68: {  	[sflag:s13] =	ssyncadd.s32 $0xFFFFC000  }
0x69: {  	_ =	swait.ge [sflag:s13], $0x4000  }
0x6a: {  	[sflag:s13] =	ssyncset.done $0x0  }
0x6b: {  	[sflag:s13] =	ssyncadd.s32 $0xFFFFC000  }
0x6c: {  	_ =	swait.ge [sflag:s13], $0x4000  }
0x6d: {  	s20 =	sshll.u32 s20, $0x4;
	[sflag:s13] =	ssyncset.done $0x0  }
0x6e: {  	s20 =	sadd.s32 s31, s20;
	[sflag:s13] =	ssyncadd.s32 $0xFFFFC000  }
0x6f: {  	[hbm4b:s20+s2] =	stream.linear.scatter [tilespmem:s7], [sflag:$0x2], $0x10000, $0x38;
	[tilespmem:$0x10200] =	vst v63  }
0x70: {  	s22 =	sor.u32 $0x800, s30;
	_ =	swait.ge [sflag:s3], $0x10000  }
0x71: {  	s21 =	sshrl.u32 s22, $0x3;
	[sflag:s3] =	ssyncset.done $0x0  }
0x72: {  	s21 =	sadd.s32 s28, s21;
	[sflag:s3] =	ssyncadd.s32 $0xFFFF0000  }
0x73: {  	[tilespmem:s2], [sflag:$0x2] =	stream.linear.gather [hbm4b:s21+s2], $0x200, $0x38;
	[tilespmem:$0x10200] =	vst v63  }
0x74: {  	_ =	swait.ge [sflag:s3], $0x200  }
0x75: {  	[sflag:s3] =	ssyncset.done $0x0  }
0x76: {  	[sflag:s3] =	ssyncadd.s32 $0xFFFFFE00  }
0x77: {  	[tilespmem:s7], [sflag:$0x1] =	stream.indirect.gather [hbm4b:s5+s6], $0x80, s2, s6, $0xb8;
	[tilespmem:$0x10200] =	vst v63  }
0x78: {  	_ = 	snop  }
0x79: {  	[tilespmem:s8], [sflag:$0x1] =	stream.indirect.gather [hbm4b:s5+s6], $0x80, s6, s6, $0xb8;
	[tilespmem:$0x10200] =	vst v63  }
0x7a: {  	_ = 	snop  }
0x7b: {  	[tilespmem:s10], [sflag:$0x1] =	stream.indirect.gather [hbm4b:s5+s6], $0x80, s9, s6, $0xb8;
	[tilespmem:$0x10200] =	vst v63  }
0x7c: {  	_ = 	snop  }
0x7d: {  	[tilespmem:s12], [sflag:$0x1] =	stream.indirect.gather [hbm4b:s5+s6], $0x80, s11, s6, $0xb8;
	[tilespmem:$0x10200] =	vst v63  }
0x7e: {  	_ =	swait.ge [sflag:s13], $0x4000  }
0x7f: {  	[sflag:s13] =	ssyncset.done $0x0  }
0x80: {  	[sflag:s13] =	ssyncadd.s32 $0xFFFFC000  }
0x81: {  	_ =	swait.ge [sflag:s13], $0x4000  }
0x82: {  	[sflag:s13] =	ssyncset.done $0x0  }
0x83: {  	[sflag:s13] =	ssyncadd.s32 $0xFFFFC000  }
0x84: {  	_ =	swait.ge [sflag:s13], $0x4000  }
0x85: {  	[sflag:s13] =	ssyncset.done $0x0  }
0x86: {  	[sflag:s13] =	ssyncadd.s32 $0xFFFFC000  }
0x87: {  	_ =	swait.ge [sflag:s13], $0x4000  }
0x88: {  	s22 =	sshll.u32 s22, $0x4;
	[sflag:s13] =	ssyncset.done $0x0  }
0x89: {  	s22 =	sadd.s32 s31, s22;
	[sflag:s13] =	ssyncadd.s32 $0xFFFFC000  }
0x8a: {  	[hbm4b:s22+s2] =	stream.linear.scatter [tilespmem:s7], [sflag:$0x2], $0x10000, $0x38;
	[tilespmem:$0x10200] =	vst v63  }
0x8b: {  	s24 =	sor.u32 $0xA00, s30;
	_ =	swait.ge [sflag:s3], $0x10000  }
0x8c: {  	s23 =	sshrl.u32 s24, $0x3;
	[sflag:s3] =	ssyncset.done $0x0  }
0x8d: {  	s23 =	sadd.s32 s28, s23;
	[sflag:s3] =	ssyncadd.s32 $0xFFFF0000  }
0x8e: {  	[tilespmem:s2], [sflag:$0x2] =	stream.linear.gather [hbm4b:s23+s2], $0x200, $0x38;
	[tilespmem:$0x10200] =	vst v63  }
0x8f: {  	_ =	swait.ge [sflag:s3], $0x200  }
0x90: {  	[sflag:s3] =	ssyncset.done $0x0  }
0x91: {  	[sflag:s3] =	ssyncadd.s32 $0xFFFFFE00  }
0x92: {  	[tilespmem:s7], [sflag:$0x1] =	stream.indirect.gather [hbm4b:s5+s6], $0x80, s2, s6, $0xb8;
	[tilespmem:$0x10200] =	vst v63  }
0x93: {  	_ = 	snop  }
0x94: {  	[tilespmem:s8], [sflag:$0x1] =	stream.indirect.gather [hbm4b:s5+s6], $0x80, s6, s6, $0xb8;
	[tilespmem:$0x10200] =	vst v63  }
0x95: {  	_ = 	snop  }
0x96: {  	[tilespmem:s10], [sflag:$0x1] =	stream.indirect.gather [hbm4b:s5+s6], $0x80, s9, s6, $0xb8;
	[tilespmem:$0x10200] =	vst v63  }
0x97: {  	_ = 	snop  }
0x98: {  	[tilespmem:s12], [sflag:$0x1] =	stream.indirect.gather [hbm4b:s5+s6], $0x80, s11, s6, $0xb8;
	[tilespmem:$0x10200] =	vst v63  }
0x99: {  	_ =	swait.ge [sflag:s13], $0x4000  }
0x9a: {  	[sflag:s13] =	ssyncset.done $0x0  }
0x9b: {  	[sflag:s13] =	ssyncadd.s32 $0xFFFFC000  }
0x9c: {  	_ =	swait.ge [sflag:s13], $0x4000  }
0x9d: {  	[sflag:s13] =	ssyncset.done $0x0  }
0x9e: {  	[sflag:s13] =	ssyncadd.s32 $0xFFFFC000  }
0x9f: {  	_ =	swait.ge [sflag:s13], $0x4000  }
0xa0: {  	[sflag:s13] =	ssyncset.done $0x0  }
0xa1: {  	[sflag:s13] =	ssyncadd.s32 $0xFFFFC000  }
0xa2: {  	_ =	swait.ge [sflag:s13], $0x4000  }
0xa3: {  	s24 =	sshll.u32 s24, $0x4;
	[sflag:s13] =	ssyncset.done $0x0  }
0xa4: {  	s24 =	sadd.s32 s31, s24;
	[sflag:s13] =	ssyncadd.s32 $0xFFFFC000  }
0xa5: {  	[hbm4b:s24+s2] =	stream.linear.scatter [tilespmem:s7], [sflag:$0x2], $0x10000, $0x38;
	[tilespmem:$0x10200] =	vst v63  }
0xa6: {  	s26 =	sor.u32 $0xC00, s30;
	_ =	swait.ge [sflag:s3], $0x10000  }
0xa7: {  	s25 =	sshrl.u32 s26, $0x3;
	[sflag:s3] =	ssyncset.done $0x0  }
0xa8: {  	s25 =	sadd.s32 s28, s25;
	[sflag:s3] =	ssyncadd.s32 $0xFFFF0000  }
0xa9: {  	[tilespmem:s2], [sflag:$0x2] =	stream.linear.gather [hbm4b:s25+s2], $0x200, $0x38;
	[tilespmem:$0x10200] =	vst v63  }
0xaa: {  	_ =	swait.ge [sflag:s3], $0x200  }
0xab: {  	[sflag:s3] =	ssyncset.done $0x0  }
0xac: {  	[sflag:s3] =	ssyncadd.s32 $0xFFFFFE00  }
0xad: {  	[tilespmem:s7], [sflag:$0x1] =	stream.indirect.gather [hbm4b:s5+s6], $0x80, s2, s6, $0xb8;
	[tilespmem:$0x10200] =	vst v63  }
0xae: {  	_ = 	snop  }
0xaf: {  	[tilespmem:s8], [sflag:$0x1] =	stream.indirect.gather [hbm4b:s5+s6], $0x80, s6, s6, $0xb8;
	[tilespmem:$0x10200] =	vst v63  }
0xb0: {  	_ = 	snop  }
0xb1: {  	[tilespmem:s10], [sflag:$0x1] =	stream.indirect.gather [hbm4b:s5+s6], $0x80, s9, s6, $0xb8;
	[tilespmem:$0x10200] =	vst v63  }
0xb2: {  	_ = 	snop  }
0xb3: {  	[tilespmem:s12], [sflag:$0x1] =	stream.indirect.gather [hbm4b:s5+s6], $0x80, s11, s6, $0xb8;
	[tilespmem:$0x10200] =	vst v63  }
0xb4: {  	_ =	swait.ge [sflag:s13], $0x4000  }
0xb5: {  	[sflag:s13] =	ssyncset.done $0x0  }
0xb6: {  	[sflag:s13] =	ssyncadd.s32 $0xFFFFC000  }
0xb7: {  	_ =	swait.ge [sflag:s13], $0x4000  }
0xb8: {  	[sflag:s13] =	ssyncset.done $0x0  }
0xb9: {  	[sflag:s13] =	ssyncadd.s32 $0xFFFFC000  }
0xba: {  	_ =	swait.ge [sflag:s13], $0x4000  }
0xbb: {  	[sflag:s13] =	ssyncset.done $0x0  }
0xbc: {  	[sflag:s13] =	ssyncadd.s32 $0xFFFFC000  }
0xbd: {  	_ =	swait.ge [sflag:s13], $0x4000  }
0xbe: {  	s26 =	sshll.u32 s26, $0x4;
	[sflag:s13] =	ssyncset.done $0x0  }
0xbf: {  	s26 =	sadd.s32 s31, s26;
	[sflag:s13] =	ssyncadd.s32 $0xFFFFC000  }
0xc0: {  	[hbm4b:s26+s2] =	stream.linear.scatter [tilespmem:s7], [sflag:$0x2], $0x10000, $0x38;
	[tilespmem:$0x10200] =	vst v63  }
0xc1: {  	s30 =	sor.u32 $0xE00, s30;
	_ =	swait.ge [sflag:s3], $0x10000  }
0xc2: {  	s1 =	sshrl.u32 s30, $0x3;
	[sflag:s3] =	ssyncset.done $0x0  }
0xc3: {  	s28 =	sadd.s32 s28, s1;
	[sflag:s3] =	ssyncadd.s32 $0xFFFF0000  }
0xc4: {  	[tilespmem:s2], [sflag:$0x2] =	stream.linear.gather [hbm4b:s28+s2], $0x200, $0x38;
	[tilespmem:$0x10200] =	vst v63  }
0xc5: {  	_ =	swait.ge [sflag:s3], $0x200  }
0xc6: {  	[sflag:s3] =	ssyncset.done $0x0  }
0xc7: {  	[sflag:s3] =	ssyncadd.s32 $0xFFFFFE00  }
0xc8: {  	[tilespmem:s7], [sflag:$0x1] =	stream.indirect.gather [hbm4b:s5+s6], $0x80, s2, s6, $0xb8;
	[tilespmem:$0x10200] =	vst v63  }
0xc9: {  	_ = 	snop  }
0xca: {  	[tilespmem:s8], [sflag:$0x1] =	stream.indirect.gather [hbm4b:s5+s6], $0x80, s6, s6, $0xb8;
	[tilespmem:$0x10200] =	vst v63  }
0xcb: {  	_ = 	snop  }
0xcc: {  	[tilespmem:s10], [sflag:$0x1] =	stream.indirect.gather [hbm4b:s5+s6], $0x80, s9, s6, $0xb8;
	[tilespmem:$0x10200] =	vst v63  }
0xcd: {  	_ = 	snop  }
0xce: {  	[tilespmem:s12], [sflag:$0x1] =	stream.indirect.gather [hbm4b:s5+s6], $0x80, s11, s6, $0xb8;
	[tilespmem:$0x10200] =	vst v63  }
0xcf: {  	_ =	swait.ge [sflag:s13], $0x4000  }
0xd0: {  	[sflag:s13] =	ssyncset.done $0x0  }
0xd1: {  	[sflag:s13] =	ssyncadd.s32 $0xFFFFC000  }
0xd2: {  	_ =	swait.ge [sflag:s13], $0x4000  }
0xd3: {  	[sflag:s13] =	ssyncset.done $0x0  }
0xd4: {  	s1 =	ssub.s32 $0x2, s29;
	[sflag:s13] =	ssyncadd.s32 $0xFFFFC000  }
0xd5: {  	s29 =	sshrl.u32 s1, $0x1;
	_ =	swait.ge [sflag:s13], $0x4000  }
0xd6: {  	s1 =	ssub.s32 s1, s29;
	[sflag:s13] =	ssyncset.done $0x0  }
0xd7: {  	s1 =	smax.u32 s1, $0x1;
	[sflag:s13] =	ssyncadd.s32 $0xFFFFC000  }
0xd8: {  	p0 =	sne.s32 s1, $0x1;
	_ =	swait.ge [sflag:s13], $0x4000  }
.Ltmp0:
0xd9: {  	s29 =	sshll.u32 s30, $0x4;
	[sflag:s13] =	ssyncset.done $0x0;
	(pc) =	sbr.rel @!p0 .LBB2_2-.Ltmp0, $4  }
0xda: {  	s29 =	sadd.s32 s31, s29;
	[sflag:s13] =	ssyncadd.s32 $0xFFFFC000  }
0xdb: {  	[hbm4b:s29+s2] =	stream.linear.scatter [tilespmem:s7], [sflag:$0x2], $0x10000, $0x38;
	[tilespmem:$0x10200] =	vst v63  }
0xdc: {  	_ =	swait.ge [sflag:s3], $0x10000  }
0xdd: {  	s30 =	sadd.s32 $0xFFFFFFFF, s1;
	[sflag:s3] =	ssyncset.done $0x0  }
.LBB2_1:
0xde: {  	p0 =	sne.s32 s30, $0x1;
	s30 =	sadd.s32 $0xFFFFFFFF, s30;
	[sflag:s3] =	ssyncadd.s32 $0xFFFF0000  }
0xdf: {  	[tilespmem:s2], [sflag:$0x2] =	stream.linear.gather [hbm4b:s4+s2], $0x200, $0x38;
	[tilespmem:$0x10200] =	vst v63  }
0xe0: {  	_ =	swait.ge [sflag:s3], $0x200  }
0xe1: {  	[sflag:s3] =	ssyncset.done $0x0  }
0xe2: {  	[sflag:s3] =	ssyncadd.s32 $0xFFFFFE00  }
0xe3: {  	[tilespmem:s7], [sflag:$0x1] =	stream.indirect.gather [hbm4b:s5+s6], $0x80, s2, s6, $0xb8;
	[tilespmem:$0x10200] =	vst v63  }
0xe4: {  	_ = 	snop  }
0xe5: {  	[tilespmem:s8], [sflag:$0x1] =	stream.indirect.gather [hbm4b:s5+s6], $0x80, s6, s6, $0xb8;
	[tilespmem:$0x10200] =	vst v63  }
0xe6: {  	_ = 	snop  }
0xe7: {  	[tilespmem:s10], [sflag:$0x1] =	stream.indirect.gather [hbm4b:s5+s6], $0x80, s9, s6, $0xb8;
	[tilespmem:$0x10200] =	vst v63  }
0xe8: {  	_ = 	snop  }
0xe9: {  	[tilespmem:s12], [sflag:$0x1] =	stream.indirect.gather [hbm4b:s5+s6], $0x80, s11, s6, $0xb8;
	[tilespmem:$0x10200] =	vst v63  }
0xea: {  	_ =	swait.ge [sflag:s13], $0x4000  }
0xeb: {  	[sflag:s13] =	ssyncset.done $0x0  }
0xec: {  	[sflag:s13] =	ssyncadd.s32 $0xFFFFC000  }
0xed: {  	_ =	swait.ge [sflag:s13], $0x4000  }
0xee: {  	[sflag:s13] =	ssyncset.done $0x0  }
0xef: {  	[sflag:s13] =	ssyncadd.s32 $0xFFFFC000  }
0xf0: {  	_ =	swait.ge [sflag:s13], $0x4000  }
0xf1: {  	[sflag:s13] =	ssyncset.done $0x0  }
0xf2: {  	[sflag:s13] =	ssyncadd.s32 $0xFFFFC000  }
0xf3: {  	_ =	swait.ge [sflag:s13], $0x4000  }
0xf4: {  	[sflag:s13] =	ssyncset.done $0x0  }
0xf5: {  	[sflag:s13] =	ssyncadd.s32 $0xFFFFC000  }
0xf6: {  	[hbm4b:s14+s2] =	stream.linear.scatter [tilespmem:s7], [sflag:$0x2], $0x10000, $0x38;
	[tilespmem:$0x10200] =	vst v63  }
0xf7: {  	_ =	swait.ge [sflag:s3], $0x10000  }
0xf8: {  	[sflag:s3] =	ssyncset.done $0x0  }
0xf9: {  	[sflag:s3] =	ssyncadd.s32 $0xFFFF0000  }
0xfa: {  	[tilespmem:s2], [sflag:$0x2] =	stream.linear.gather [hbm4b:s15+s2], $0x200, $0x38;
	[tilespmem:$0x10200] =	vst v63  }
0xfb: {  	_ =	swait.ge [sflag:s3], $0x200  }
0xfc: {  	[sflag:s3] =	ssyncset.done $0x0  }
0xfd: {  	[sflag:s3] =	ssyncadd.s32 $0xFFFFFE00  }
0xfe: {  	[tilespmem:s7], [sflag:$0x1] =	stream.indirect.gather [hbm4b:s5+s6], $0x80, s2, s6, $0xb8;
	[tilespmem:$0x10200] =	vst v63  }
0xff: {  	_ = 	snop  }
0x100: {  	[tilespmem:s8], [sflag:$0x1] =	stream.indirect.gather [hbm4b:s5+s6], $0x80, s6, s6, $0xb8;
	[tilespmem:$0x10200] =	vst v63  }
0x101: {  	_ = 	snop  }
0x102: {  	[tilespmem:s10], [sflag:$0x1] =	stream.indirect.gather [hbm4b:s5+s6], $0x80, s9, s6, $0xb8;
	[tilespmem:$0x10200] =	vst v63  }
0x103: {  	_ = 	snop  }
0x104: {  	[tilespmem:s12], [sflag:$0x1] =	stream.indirect.gather [hbm4b:s5+s6], $0x80, s11, s6, $0xb8;
	[tilespmem:$0x10200] =	vst v63  }
0x105: {  	_ =	swait.ge [sflag:s13], $0x4000  }
0x106: {  	[sflag:s13] =	ssyncset.done $0x0  }
0x107: {  	[sflag:s13] =	ssyncadd.s32 $0xFFFFC000  }
0x108: {  	_ =	swait.ge [sflag:s13], $0x4000  }
0x109: {  	[sflag:s13] =	ssyncset.done $0x0  }
0x10a: {  	[sflag:s13] =	ssyncadd.s32 $0xFFFFC000  }
0x10b: {  	_ =	swait.ge [sflag:s13], $0x4000  }
0x10c: {  	[sflag:s13] =	ssyncset.done $0x0  }
0x10d: {  	[sflag:s13] =	ssyncadd.s32 $0xFFFFC000  }
0x10e: {  	_ =	swait.ge [sflag:s13], $0x4000  }
0x10f: {  	[sflag:s13] =	ssyncset.done $0x0  }
0x110: {  	[sflag:s13] =	ssyncadd.s32 $0xFFFFC000  }
0x111: {  	[hbm4b:s16+s2] =	stream.linear.scatter [tilespmem:s7], [sflag:$0x2], $0x10000, $0x38;
	[tilespmem:$0x10200] =	vst v63  }
0x112: {  	_ =	swait.ge [sflag:s3], $0x10000  }
0x113: {  	[sflag:s3] =	ssyncset.done $0x0  }
0x114: {  	[sflag:s3] =	ssyncadd.s32 $0xFFFF0000  }
0x115: {  	[tilespmem:s2], [sflag:$0x2] =	stream.linear.gather [hbm4b:s17+s2], $0x200, $0x38;
	[tilespmem:$0x10200] =	vst v63  }
0x116: {  	_ =	swait.ge [sflag:s3], $0x200  }
0x117: {  	[sflag:s3] =	ssyncset.done $0x0  }
0x118: {  	[sflag:s3] =	ssyncadd.s32 $0xFFFFFE00  }
0x119: {  	[tilespmem:s7], [sflag:$0x1] =	stream.indirect.gather [hbm4b:s5+s6], $0x80, s2, s6, $0xb8;
	[tilespmem:$0x10200] =	vst v63  }
0x11a: {  	_ = 	snop  }
0x11b: {  	[tilespmem:s8], [sflag:$0x1] =	stream.indirect.gather [hbm4b:s5+s6], $0x80, s6, s6, $0xb8;
	[tilespmem:$0x10200] =	vst v63  }
0x11c: {  	_ = 	snop  }
0x11d: {  	[tilespmem:s10], [sflag:$0x1] =	stream.indirect.gather [hbm4b:s5+s6], $0x80, s9, s6, $0xb8;
	[tilespmem:$0x10200] =	vst v63  }
0x11e: {  	_ = 	snop  }
0x11f: {  	[tilespmem:s12], [sflag:$0x1] =	stream.indirect.gather [hbm4b:s5+s6], $0x80, s11, s6, $0xb8;
	[tilespmem:$0x10200] =	vst v63  }
0x120: {  	_ =	swait.ge [sflag:s13], $0x4000  }
0x121: {  	[sflag:s13] =	ssyncset.done $0x0  }
0x122: {  	[sflag:s13] =	ssyncadd.s32 $0xFFFFC000  }
0x123: {  	_ =	swait.ge [sflag:s13], $0x4000  }
0x124: {  	[sflag:s13] =	ssyncset.done $0x0  }
0x125: {  	[sflag:s13] =	ssyncadd.s32 $0xFFFFC000  }
0x126: {  	_ =	swait.ge [sflag:s13], $0x4000  }
0x127: {  	[sflag:s13] =	ssyncset.done $0x0  }
0x128: {  	[sflag:s13] =	ssyncadd.s32 $0xFFFFC000  }
0x129: {  	_ =	swait.ge [sflag:s13], $0x4000  }
0x12a: {  	[sflag:s13] =	ssyncset.done $0x0  }
0x12b: {  	[sflag:s13] =	ssyncadd.s32 $0xFFFFC000  }
0x12c: {  	[hbm4b:s18+s2] =	stream.linear.scatter [tilespmem:s7], [sflag:$0x2], $0x10000, $0x38;
	[tilespmem:$0x10200] =	vst v63  }
0x12d: {  	_ =	swait.ge [sflag:s3], $0x10000  }
0x12e: {  	[sflag:s3] =	ssyncset.done $0x0  }
0x12f: {  	[sflag:s3] =	ssyncadd.s32 $0xFFFF0000  }
0x130: {  	[tilespmem:s2], [sflag:$0x2] =	stream.linear.gather [hbm4b:s19+s2], $0x200, $0x38;
	[tilespmem:$0x10200] =	vst v63  }
0x131: {  	_ =	swait.ge [sflag:s3], $0x200  }
0x132: {  	[sflag:s3] =	ssyncset.done $0x0  }
0x133: {  	[sflag:s3] =	ssyncadd.s32 $0xFFFFFE00  }
0x134: {  	[tilespmem:s7], [sflag:$0x1] =	stream.indirect.gather [hbm4b:s5+s6], $0x80, s2, s6, $0xb8;
	[tilespmem:$0x10200] =	vst v63  }
0x135: {  	_ = 	snop  }
0x136: {  	[tilespmem:s8], [sflag:$0x1] =	stream.indirect.gather [hbm4b:s5+s6], $0x80, s6, s6, $0xb8;
	[tilespmem:$0x10200] =	vst v63  }
0x137: {  	_ = 	snop  }
0x138: {  	[tilespmem:s10], [sflag:$0x1] =	stream.indirect.gather [hbm4b:s5+s6], $0x80, s9, s6, $0xb8;
	[tilespmem:$0x10200] =	vst v63  }
0x139: {  	_ = 	snop  }
0x13a: {  	[tilespmem:s12], [sflag:$0x1] =	stream.indirect.gather [hbm4b:s5+s6], $0x80, s11, s6, $0xb8;
	[tilespmem:$0x10200] =	vst v63  }
0x13b: {  	_ =	swait.ge [sflag:s13], $0x4000  }
0x13c: {  	[sflag:s13] =	ssyncset.done $0x0  }
0x13d: {  	[sflag:s13] =	ssyncadd.s32 $0xFFFFC000  }
0x13e: {  	_ =	swait.ge [sflag:s13], $0x4000  }
0x13f: {  	[sflag:s13] =	ssyncset.done $0x0  }
0x140: {  	[sflag:s13] =	ssyncadd.s32 $0xFFFFC000  }
0x141: {  	_ =	swait.ge [sflag:s13], $0x4000  }
0x142: {  	[sflag:s13] =	ssyncset.done $0x0  }
0x143: {  	[sflag:s13] =	ssyncadd.s32 $0xFFFFC000  }
0x144: {  	_ =	swait.ge [sflag:s13], $0x4000  }
0x145: {  	[sflag:s13] =	ssyncset.done $0x0  }
0x146: {  	[sflag:s13] =	ssyncadd.s32 $0xFFFFC000  }
0x147: {  	[hbm4b:s20+s2] =	stream.linear.scatter [tilespmem:s7], [sflag:$0x2], $0x10000, $0x38;
	[tilespmem:$0x10200] =	vst v63  }
0x148: {  	_ =	swait.ge [sflag:s3], $0x10000  }
0x149: {  	[sflag:s3] =	ssyncset.done $0x0  }
0x14a: {  	[sflag:s3] =	ssyncadd.s32 $0xFFFF0000  }
0x14b: {  	[tilespmem:s2], [sflag:$0x2] =	stream.linear.gather [hbm4b:s21+s2], $0x200, $0x38;
	[tilespmem:$0x10200] =	vst v63  }
0x14c: {  	_ =	swait.ge [sflag:s3], $0x200  }
0x14d: {  	[sflag:s3] =	ssyncset.done $0x0  }
0x14e: {  	[sflag:s3] =	ssyncadd.s32 $0xFFFFFE00  }
0x14f: {  	[tilespmem:s7], [sflag:$0x1] =	stream.indirect.gather [hbm4b:s5+s6], $0x80, s2, s6, $0xb8;
	[tilespmem:$0x10200] =	vst v63  }
0x150: {  	_ = 	snop  }
0x151: {  	[tilespmem:s8], [sflag:$0x1] =	stream.indirect.gather [hbm4b:s5+s6], $0x80, s6, s6, $0xb8;
	[tilespmem:$0x10200] =	vst v63  }
0x152: {  	_ = 	snop  }
0x153: {  	[tilespmem:s10], [sflag:$0x1] =	stream.indirect.gather [hbm4b:s5+s6], $0x80, s9, s6, $0xb8;
	[tilespmem:$0x10200] =	vst v63  }
0x154: {  	_ = 	snop  }
0x155: {  	[tilespmem:s12], [sflag:$0x1] =	stream.indirect.gather [hbm4b:s5+s6], $0x80, s11, s6, $0xb8;
	[tilespmem:$0x10200] =	vst v63  }
0x156: {  	_ =	swait.ge [sflag:s13], $0x4000  }
0x157: {  	[sflag:s13] =	ssyncset.done $0x0  }
0x158: {  	[sflag:s13] =	ssyncadd.s32 $0xFFFFC000  }
0x159: {  	_ =	swait.ge [sflag:s13], $0x4000  }
0x15a: {  	[sflag:s13] =	ssyncset.done $0x0  }
0x15b: {  	[sflag:s13] =	ssyncadd.s32 $0xFFFFC000  }
0x15c: {  	_ =	swait.ge [sflag:s13], $0x4000  }
0x15d: {  	[sflag:s13] =	ssyncset.done $0x0  }
0x15e: {  	[sflag:s13] =	ssyncadd.s32 $0xFFFFC000  }
0x15f: {  	_ =	swait.ge [sflag:s13], $0x4000  }
0x160: {  	[sflag:s13] =	ssyncset.done $0x0  }
0x161: {  	[sflag:s13] =	ssyncadd.s32 $0xFFFFC000  }
0x162: {  	[hbm4b:s22+s2] =	stream.linear.scatter [tilespmem:s7], [sflag:$0x2], $0x10000, $0x38;
	[tilespmem:$0x10200] =	vst v63  }
0x163: {  	_ =	swait.ge [sflag:s3], $0x10000  }
0x164: {  	[sflag:s3] =	ssyncset.done $0x0  }
0x165: {  	[sflag:s3] =	ssyncadd.s32 $0xFFFF0000  }
0x166: {  	[tilespmem:s2], [sflag:$0x2] =	stream.linear.gather [hbm4b:s23+s2], $0x200, $0x38;
	[tilespmem:$0x10200] =	vst v63  }
0x167: {  	_ =	swait.ge [sflag:s3], $0x200  }
0x168: {  	[sflag:s3] =	ssyncset.done $0x0  }
0x169: {  	[sflag:s3] =	ssyncadd.s32 $0xFFFFFE00  }
0x16a: {  	[tilespmem:s7], [sflag:$0x1] =	stream.indirect.gather [hbm4b:s5+s6], $0x80, s2, s6, $0xb8;
	[tilespmem:$0x10200] =	vst v63  }
0x16b: {  	_ = 	snop  }
0x16c: {  	[tilespmem:s8], [sflag:$0x1] =	stream.indirect.gather [hbm4b:s5+s6], $0x80, s6, s6, $0xb8;
	[tilespmem:$0x10200] =	vst v63  }
0x16d: {  	_ = 	snop  }
0x16e: {  	[tilespmem:s10], [sflag:$0x1] =	stream.indirect.gather [hbm4b:s5+s6], $0x80, s9, s6, $0xb8;
	[tilespmem:$0x10200] =	vst v63  }
0x16f: {  	_ = 	snop  }
0x170: {  	[tilespmem:s12], [sflag:$0x1] =	stream.indirect.gather [hbm4b:s5+s6], $0x80, s11, s6, $0xb8;
	[tilespmem:$0x10200] =	vst v63  }
0x171: {  	_ =	swait.ge [sflag:s13], $0x4000  }
0x172: {  	[sflag:s13] =	ssyncset.done $0x0  }
0x173: {  	[sflag:s13] =	ssyncadd.s32 $0xFFFFC000  }
0x174: {  	_ =	swait.ge [sflag:s13], $0x4000  }
0x175: {  	[sflag:s13] =	ssyncset.done $0x0  }
0x176: {  	[sflag:s13] =	ssyncadd.s32 $0xFFFFC000  }
0x177: {  	_ =	swait.ge [sflag:s13], $0x4000  }
0x178: {  	[sflag:s13] =	ssyncset.done $0x0  }
0x179: {  	[sflag:s13] =	ssyncadd.s32 $0xFFFFC000  }
0x17a: {  	_ =	swait.ge [sflag:s13], $0x4000  }
0x17b: {  	[sflag:s13] =	ssyncset.done $0x0  }
0x17c: {  	[sflag:s13] =	ssyncadd.s32 $0xFFFFC000  }
0x17d: {  	[hbm4b:s24+s2] =	stream.linear.scatter [tilespmem:s7], [sflag:$0x2], $0x10000, $0x38;
	[tilespmem:$0x10200] =	vst v63  }
0x17e: {  	_ =	swait.ge [sflag:s3], $0x10000  }
0x17f: {  	[sflag:s3] =	ssyncset.done $0x0  }
0x180: {  	[sflag:s3] =	ssyncadd.s32 $0xFFFF0000  }
0x181: {  	[tilespmem:s2], [sflag:$0x2] =	stream.linear.gather [hbm4b:s25+s2], $0x200, $0x38;
	[tilespmem:$0x10200] =	vst v63  }
0x182: {  	_ =	swait.ge [sflag:s3], $0x200  }
0x183: {  	[sflag:s3] =	ssyncset.done $0x0  }
0x184: {  	[sflag:s3] =	ssyncadd.s32 $0xFFFFFE00  }
0x185: {  	[tilespmem:s7], [sflag:$0x1] =	stream.indirect.gather [hbm4b:s5+s6], $0x80, s2, s6, $0xb8;
	[tilespmem:$0x10200] =	vst v63  }
0x186: {  	_ = 	snop  }
0x187: {  	[tilespmem:s8], [sflag:$0x1] =	stream.indirect.gather [hbm4b:s5+s6], $0x80, s6, s6, $0xb8;
	[tilespmem:$0x10200] =	vst v63  }
0x188: {  	_ = 	snop  }
0x189: {  	[tilespmem:s10], [sflag:$0x1] =	stream.indirect.gather [hbm4b:s5+s6], $0x80, s9, s6, $0xb8;
	[tilespmem:$0x10200] =	vst v63  }
0x18a: {  	_ = 	snop  }
0x18b: {  	[tilespmem:s12], [sflag:$0x1] =	stream.indirect.gather [hbm4b:s5+s6], $0x80, s11, s6, $0xb8;
	[tilespmem:$0x10200] =	vst v63  }
0x18c: {  	_ =	swait.ge [sflag:s13], $0x4000  }
0x18d: {  	[sflag:s13] =	ssyncset.done $0x0  }
0x18e: {  	[sflag:s13] =	ssyncadd.s32 $0xFFFFC000  }
0x18f: {  	_ =	swait.ge [sflag:s13], $0x4000  }
0x190: {  	[sflag:s13] =	ssyncset.done $0x0  }
0x191: {  	[sflag:s13] =	ssyncadd.s32 $0xFFFFC000  }
0x192: {  	_ =	swait.ge [sflag:s13], $0x4000  }
0x193: {  	[sflag:s13] =	ssyncset.done $0x0  }
0x194: {  	[sflag:s13] =	ssyncadd.s32 $0xFFFFC000  }
0x195: {  	_ =	swait.ge [sflag:s13], $0x4000  }
0x196: {  	[sflag:s13] =	ssyncset.done $0x0  }
0x197: {  	[sflag:s13] =	ssyncadd.s32 $0xFFFFC000  }
0x198: {  	[hbm4b:s26+s2] =	stream.linear.scatter [tilespmem:s7], [sflag:$0x2], $0x10000, $0x38;
	[tilespmem:$0x10200] =	vst v63  }
0x199: {  	_ =	swait.ge [sflag:s3], $0x10000  }
0x19a: {  	[sflag:s3] =	ssyncset.done $0x0  }
0x19b: {  	[sflag:s3] =	ssyncadd.s32 $0xFFFF0000  }
0x19c: {  	[tilespmem:s2], [sflag:$0x2] =	stream.linear.gather [hbm4b:s28+s2], $0x200, $0x38;
	[tilespmem:$0x10200] =	vst v63  }
0x19d: {  	_ =	swait.ge [sflag:s3], $0x200  }
0x19e: {  	[sflag:s3] =	ssyncset.done $0x0  }
0x19f: {  	[sflag:s3] =	ssyncadd.s32 $0xFFFFFE00  }
0x1a0: {  	[tilespmem:s7], [sflag:$0x1] =	stream.indirect.gather [hbm4b:s5+s6], $0x80, s2, s6, $0xb8;
	[tilespmem:$0x10200] =	vst v63  }
0x1a1: {  	_ = 	snop  }
0x1a2: {  	[tilespmem:s8], [sflag:$0x1] =	stream.indirect.gather [hbm4b:s5+s6], $0x80, s6, s6, $0xb8;
	[tilespmem:$0x10200] =	vst v63  }
0x1a3: {  	_ = 	snop  }
0x1a4: {  	[tilespmem:s10], [sflag:$0x1] =	stream.indirect.gather [hbm4b:s5+s6], $0x80, s9, s6, $0xb8;
	[tilespmem:$0x10200] =	vst v63  }
0x1a5: {  	_ = 	snop  }
0x1a6: {  	[tilespmem:s12], [sflag:$0x1] =	stream.indirect.gather [hbm4b:s5+s6], $0x80, s11, s6, $0xb8;
	[tilespmem:$0x10200] =	vst v63  }
0x1a7: {  	_ =	swait.ge [sflag:s13], $0x4000  }
0x1a8: {  	[sflag:s13] =	ssyncset.done $0x0  }
0x1a9: {  	[sflag:s13] =	ssyncadd.s32 $0xFFFFC000  }
0x1aa: {  	_ =	swait.ge [sflag:s13], $0x4000  }
0x1ab: {  	[sflag:s13] =	ssyncset.done $0x0  }
0x1ac: {  	[sflag:s13] =	ssyncadd.s32 $0xFFFFC000  }
0x1ad: {  	_ =	swait.ge [sflag:s13], $0x4000  }
0x1ae: {  	[sflag:s13] =	ssyncset.done $0x0  }
0x1af: {  	[sflag:s13] =	ssyncadd.s32 $0xFFFFC000  }
0x1b0: {  	_ =	swait.ge [sflag:s13], $0x4000  }
.Ltmp1:
0x1b1: {  	[sflag:s13] =	ssyncset.done $0x0;
	(pc) =	sbr.rel @p0 .LBB2_1-.Ltmp1, $4  }
0x1b2: {  	[sflag:s13] =	ssyncadd.s32 $0xFFFFC000  }
0x1b3: {  	[hbm4b:s29+s2] =	stream.linear.scatter [tilespmem:s7], [sflag:$0x2], $0x10000, $0x38;
	[tilespmem:$0x10200] =	vst v63  }
0x1b4: {  	_ =	swait.ge [sflag:s3], $0x10000  }
0x1b5: {  	[sflag:s3] =	ssyncset.done $0x0  }
.LBB2_2:
0x1b6: {  	[sflag:s3] =	ssyncadd.s32 $0xFFFF0000  }
0x1b7: {  	_ =	sfence.sel $0x180000  }
0x1b8: {  	[bflag:$0x0] =	sbarrier.arrive $0xFFFF  }
0x1b9: {  	_ =	strace $0x9000004A  }
0x1ba: {  	[bflag:$0x2] =	sbarrier.arrive $0xFFFF  }
0x1bb: {  	p0 =	sne.s32 s0, $0x0;
	s0 =	rddreg [dreg:$0x1]  }
0x1bc: {  	s0 =	sadd.s32 @!p0 $0x100000, s0  }
0x1bd: {  	[sflag:s0] =	ssyncadd.tile.s32 @!p0 $0x1;
	_ =	shalt  }
.Lfunc_end2:
_tile_overlayer_lowered:
.L_overlay_start_2:
0x1be: {  	(tag) =	ssettag $0x2  }
0x1bf: {  	s0 =	rddreg [dreg:$0x0];
	s2 =	stileid.u32  }
0x1c0: {  	s1 =	rddreg [dreg:$0x1];
	p0 =	sne.s32 s2, $0x0  }
0x1c1: {  	s3 =	rddreg [dreg:$0x2];
	[bflag:$0x3] =	sbarrier.arrive $0xFFFF;
	s2 =	simm.s32 @!p0 $0x1C02  }
0x1c2: {  	[timem:s3], [sflag:s2] =	dma.local @!p0 [hbm:s0], s1  }
0x1c3: {  	s0 =	simm.s32 @!p0 $0x2  }
0x1c4: {  	_ =	swait.ge @!p0 [sflag:s0], s1  }
0x1c5: {  	s1 =	ssub.s32 @!p0 $0x0, s1;
	[sflag:s0] =	ssyncset.done @!p0 $0x0  }
0x1c6: {  	[sflag:s0] =	ssyncadd.s32 @!p0 s1  }
0x1c7: {  	[bflag:$0x3] =	sbarrier.arrive $0xFFFF  }
0x1c8: {  	_ =	shalt  }

// kernel: kernel.16.cloned.1.call-start
scs
__scs_entry_jumppad:
0x0: {  	(pc) =	sbr.rel $0x88, $3  }
0x1: {  	(tag) =	ssettag $0x0;
	lr =	simm.s32 $0x1  }
0x2: {  	[smem:$0x3F84] =	sst lr;
	_ =	strace $0xD0000000  }
0x3: {  	_ = 	snop  }
0x4: {  	_ = 	snop  }
0x5: {  	_ = 	snop  }
0x6: {  	_ = 	snop  }
0x7: {  	_ = 	snop  }
__scs_overlays_trampoline_lowered:
0x8: {  	[smem:$0x3F93] =	sst s0  }
0x9: {  	[smem:$0x3F94] =	sst s1  }
0xa: {  	[smem:$0x3F95] =	sst s2  }
0xb: {  	[smem:$0x3F96] =	sst s3  }
0xc: {  	[smem:$0x3F97] =	sst s4  }
0xd: {  	[smem:$0x3F98] =	sst s5  }
0xe: {  	[smem:$0x3F99] =	sst s6  }
0xf: {  	[smem:$0x3F9A] =	sst s7  }
0x10: {  	[smem:$0x3F9B] =	sst s8  }
0x11: {  	[smem:$0x3F9C] =	sst s9;
	s0 =	simm.s32 @!p0 $0x0  }
0x12: {  	s1 =	sld [smem:$0x3F82];
	s0 =	simm.s32 @p0 $0x1  }
0x13: {  	[smem:$0x3F9D] =	sst s0;
	s0 =	simm.s32 @!p1 $0x0  }
0x14: {  	s2 =	sld [smem:$0x3F81];
	s0 =	simm.s32 @p1 $0x1  }
0x15: {  	[smem:$0x3F9E] =	sst s0;
	s0 =	simm.s32 @!p2 $0x0  }
0x16: {  	s3 =	sld [smem:$0x3FDB];
	s0 =	simm.s32 @p2 $0x1  }
0x17: {  	s4 =	simm.s32 $0x1BF5;
	[smem:$0x3FA0] =	sst s0  }
0x18: {  	s0 =	sld [smem:$0x3F83];
	_ =	swait.ge [sflag:s4], $0x0  }
0x19: {  	s7 =	sld [smem:$0x3F84]  }
0x1a: {  	s8 =	sadd.s32 $0xFFFFE003, lr  }
0x1b: {  	s9 =	sadd.s32 $0xFFFFFEF7, lr;
	s5 =	simm.s32 $0xFFFFFFFF;
	p2 =	slt.u32 s8, $0xFFFFF086  }
0x1c: {  	p1 =	slt.u32 s9, $0xF7A;
	s5 =	simm.s32 @!p2 $0x0  }
0x1d: {  	s5 =	simm.s32 @p1 $0x1;
	p0 =	seq.s32 s7, s2  }
0x1e: {  	s7 =	smul.u32 @!p0 $0xF7A, s2;
	p2 =	seq.s32 @!p0 s5, $0x0  }
0x1f: {  	s9 =	smul.u32 $0xF7A, s1;
	s8 =	simm.s32 @!p0 $0x1BF5;
	p2 =	por !p2, p0  }
0x20: {  	[sflag:s8] =	ssyncset.s32 @!p0 $0xFFFFF086;
	s6 =	sadd.s32 @!p0 s3, s7;
	s7 =	simm.s32 @!p0 $0x108  }
0x21: {  	s3 =	sadd.s32 s3, s9;
	s6 =	sadd.s32 @!p0 $0x88, s6;
	s7 =	simm.s32 @p2 $0x1082  }
0x22: {  	[simem:s7], [sflag:s8] =	dma.local @!p0 [hbm:s6], $0xF7A  }
0x23: {  	s9 =	sor.u32 $0xD0000000, s2;
	s6 =	simm.s32 $0x108;
	_ =	swait.ge @!p0 [sflag:s8], $0x0  }
0x24: {  	s3 =	sadd.s32 $0x88, s3;
	s6 =	simm.s32 @!p1 $0x1082;
	[sflag:s4] =	ssyncset.s32 $0xFFFFF086  }
0x25: {  	[simem:s6], [sflag:s4] =	dma.local [hbm:s3], $0xF7A  }
0x26: {  	[smem:$0x3F84] =	sst s1;
	(tag) =	ssettag s2;
	_ =	strace s9  }
0x27: {  	s1 =	sld [smem:$0x3F94]  }
0x28: {  	s2 =	sld [smem:$0x3F95]  }
0x29: {  	s4 =	sld [smem:$0x3F97]  }
0x2a: {  	p0 =	seq.s32 s5, $0x0;
	s5 =	sld [smem:$0x3F98]  }
0x2b: {  	s6 =	sld [smem:$0x3F99]  }
0x2c: {  	s7 =	sld [smem:$0x3F9A]  }
0x2d: {  	s3 =	simm.s32 $0x108;
	s8 =	sld [smem:$0x3F9B]  }
0x2e: {  	s3 =	simm.s32 @!p0 $0x1082;
	s9 =	sld [smem:$0x3F9C]  }
0x2f: {  	lr =	sadd.s32 s0, s3;
	s0 =	sld [smem:$0x3F93]  }
0x30: {  	s3 =	sld [smem:$0x3F96]  }
0x31: {  	[smem:$0x3F9F] =	sst s10  }
0x32: {  	s10 =	sld [smem:$0x3F9D];
	_ =	sdelay $0x3  }
0x33: {  	p0 =	seq.s32 s10, $0x1;
	s10 =	sld [smem:$0x3F9F];
	_ =	sdelay $0x3  }
0x34: {  	[smem:$0x3F9F] =	sst s10  }
0x35: {  	s10 =	sld [smem:$0x3F9E];
	_ =	sdelay $0x3  }
0x36: {  	p1 =	seq.s32 s10, $0x1;
	s10 =	sld [smem:$0x3F9F];
	_ =	sdelay $0x3  }
0x37: {  	[smem:$0x3F9F] =	sst s10  }
0x38: {  	s10 =	sld [smem:$0x3FA0]  }
0x39: {  	_ = 	snop;
	(pc) =	sbr.ind lr, $3  }
0x3a: {  	_ = 	snop  }
0x3b: {  	_ = 	snop  }
0x3c: {  	p2 =	seq.s32 s10, $0x1;
	s10 =	sld [smem:$0x3F9F]  }
0x3d: {  	_ =	shalt  }
0x3e: {  	_ =	shalt  }
0x3f: {  	_ =	shalt  }
0x40: {  	_ =	shalt  }
0x41: {  	_ =	shalt  }
0x42: {  	_ =	shalt  }
0x43: {  	_ =	shalt  }
0x44: {  	_ =	shalt  }
0x45: {  	_ =	shalt  }
0x46: {  	_ =	shalt  }
0x47: {  	_ =	shalt  }
0x48: {  	_ =	shalt  }
0x49: {  	_ =	shalt  }
0x4a: {  	_ =	shalt  }
0x4b: {  	_ =	shalt  }
0x4c: {  	_ =	shalt  }
0x4d: {  	_ =	shalt  }
0x4e: {  	_ =	shalt  }
0x4f: {  	_ =	shalt  }
0x50: {  	_ =	shalt  }
0x51: {  	_ =	shalt  }
0x52: {  	_ =	shalt  }
0x53: {  	_ =	shalt  }
0x54: {  	_ =	shalt  }
0x55: {  	_ =	shalt  }
0x56: {  	_ =	shalt  }
0x57: {  	_ =	shalt  }
0x58: {  	_ =	shalt  }
0x59: {  	_ =	shalt  }
0x5a: {  	_ =	shalt  }
0x5b: {  	_ =	shalt  }
0x5c: {  	_ =	shalt  }
0x5d: {  	_ =	shalt  }
0x5e: {  	_ =	shalt  }
0x5f: {  	_ =	shalt  }
0x60: {  	_ =	shalt  }
0x61: {  	_ =	shalt  }
0x62: {  	_ =	shalt  }
0x63: {  	_ =	shalt  }
0x64: {  	_ =	shalt  }
0x65: {  	_ =	shalt  }
0x66: {  	_ =	shalt  }
0x67: {  	_ =	shalt  }
0x68: {  	_ =	shalt  }
0x69: {  	_ =	shalt  }
0x6a: {  	_ =	shalt  }
0x6b: {  	_ =	shalt  }
0x6c: {  	_ =	shalt  }
0x6d: {  	_ =	shalt  }
0x6e: {  	_ =	shalt  }
0x6f: {  	_ =	shalt  }
0x70: {  	_ =	shalt  }
0x71: {  	_ =	shalt  }
0x72: {  	_ =	shalt  }
0x73: {  	_ =	shalt  }
0x74: {  	_ =	shalt  }
0x75: {  	_ =	shalt  }
0x76: {  	_ =	shalt  }
0x77: {  	_ =	shalt  }
0x78: {  	_ =	shalt  }
0x79: {  	_ =	shalt  }
0x7a: {  	_ =	shalt  }
0x7b: {  	_ =	shalt  }
0x7c: {  	_ =	shalt  }
0x7d: {  	_ =	shalt  }
0x7e: {  	_ =	shalt  }
0x7f: {  	_ =	shalt  }
0x80: {  	_ =	shalt  }
0x81: {  	_ =	shalt  }
0x82: {  	_ =	shalt  }
0x83: {  	_ =	shalt  }
0x84: {  	_ =	shalt  }
0x85: {  	_ =	shalt  }
0x86: {  	_ =	shalt  }
0x87: {  	_ =	shalt  }
.Lfunc_end0:
.L_simem_size_0:
called_computation.2_lowered:
.L_overlay_start_0:
0x88: {  	s2 =	sld [smem:$0x3FD9]  }
0x89: {  	s3 =	sld [smem:$0x3FFE];
	_ =	sdelay $0x1  }
0x8a: {  	s1 =	srdreg.scid  }
0x8b: {  	s0 =	sand.u32 $0x1, s1  }
0x8c: {  	s16 =	sshll.u32 s0, $0xA;
	s2 =	sadd.s32 s3, s2  }
0x8d: {  	s2 =	sadd.s32 s2, s16  }
0x8e: {  	[smem:$0x3FAB] =	sst s2  }
0x8f: {  	_ = 	snop  }
0x90: {  	(tm) =	ssettm $0x1  }
0x91: {  	s17 =	sld [smem:$0x3FFB];
	_ =	sdelay $0x3  }
0x92: {  	_ =	strace s17  }
0x93: {  	s2 =	sld [smem:$0x3FFC];
	_ =	sdelay $0x3  }
0x94: {  	_ =	strace s2  }
0x95: {  	s2 =	sld [smem:$0x3FFD];
	_ =	sdelay $0x3  }
0x96: {  	_ =	strace s2  }
0x97: {  	_ =	strace $0x8FFFFFFF  }
0x98: {  	s18 =	sld [smem:$0x3FDB];
	_ =	sdelay $0x1  }
0x99: {  	s19 =	simm.s32 $_scs_section_size  }
0x9a: {  	s4 =	simm.s32 $_size__tile_overlayer_lowered;
	s5 =	simm.s32 $_tile_overlayer_lowered  }
0x9b: {  	s22 =	simm.s32 $0x1BFF;
	s21 =	sshll.u32 s5, $0x1;
	s2 =	sadd.s32 s19, s18  }
0x9c: {  	s6 =	simm.s32 $0x0;
	s20 =	sshll.u32 s4, $0x1;
	s4 =	sadd.s32 s21, s2  }
0x9d: {  	[timem:s6], [sflag:s22] =	dma.local [hbm:s4], s20  }
0x9e: {  	_ =	swait.ge [sflag:s22], s20  }
0x9f: {  	s3 =	ssub.s32 $0x0, s20;
	[sflag:s22] =	ssyncset.done $0x0  }
0xa0: {  	[sflag:s22] =	ssyncadd.s32 s3;
	_ =	sdelay $0x1  }
0xa1: {  	s23 =	simm.s32 $0x1B8B  }
0xa2: {  	_ =	swait.ge [sflag:s23], $0x1  }
0xa3: {  	[sflag:s23] =	ssyncset.done $0x0  }
0xa4: {  	s25 =	simm.s32 $0x1B8E;
	s24 =	sld [smem:$0x3FFE];
	[sflag:s23] =	ssyncadd.s32 $0xFFFFFFFF  }
0xa5: {  	s26 =	simm.s32 $execute0_lowered;
	[smem:$0x3FD2] =	sst s25  }
0xa6: {  	s4 =	sshll.u32 s26, $0x1;
	_ =	strace $0x8000004C;
	[dreg:$0x1] =	wrdreg $0xFFFFFFFF  }
0xa7: {  	s28 =	simm.s32 $_size_execute0_lowered;
	s2 =	sadd.s32 s2, s4;
	[dreg:$0x0] =	wrdreg $0x0  }
0xa8: {  	s4 =	sshll.u32 s28, $0x1;
	[dreg:$0x2] =	wrdreg s2  }
0xa9: {  	[dreg:$0x3] =	wrdreg s4  }
0xaa: {  	[dreg:$0x4] =	wrdreg $0xC0  }
0xab: {  	_ =	task [dreg:s6], $0x5FFFF  }
0xac: {  	[dreg:$0x1] =	wrdreg $0xFFFFFFFF  }
0xad: {  	[dreg:$0x0] =	wrdreg $0x60  }
0xae: {  	[dreg:$0x2] =	wrdreg s24  }
0xaf: {  	[dreg:$0x3] =	wrdreg $0x9  }
0xb0: {  	_ =	task.clear_ibuf [dreg:s6], $0x4FFFF;
	_ =	strace $0x9000004C  }
0xb1: {  	s29 =	simm.s32 $0x9;
	_ =	strace $0x8000004E  }
0xb2: {  	_ =	swait.ge [sflag:s29], $0x1  }
0xb3: {  	[sflag:s29] =	ssyncadd.s32 $0xFFFFFFFF  }
0xb4: {  	_ =	strace $0x9000004E  }
0xb5: {  	_ =	sfence  }
0xb6: {  	s30 =	sld [smem:$0x0];
	_ =	sdelay $0x2  }
0xb7: {  	s31 =	sshll.u32 s1, $0xD;
	s1 =	sshrl.u32 s1, $0x2  }
0xb8: {  	s3 =	sand.u32 $0x4000, s31;
	s1 =	sadd.s32 s1, s30  }
0xb9: {  	s0 =	sor.u32 s3, s0;
	s1 =	sshll.u32 s1, $0x11  }
0xba: {  	s0 =	sor.u32 s1, s0  }
0xbb: {  	s0 =	sadd.s32 $0x8F2B, s0  }
0xbc: {  	[sflag:s0] =	ssyncadd.remote.s32 $0x1  }
0xbd: {  	_ =	sfence.sel $0xFFFF  }
0xbe: {  	[dreg:$0x0] =	wrdreg $0xFFFFFFFF;
	(pc) =	sbr.abs _section_cstart, $3  }
0xbf: {  	[dreg:$0x1] =	wrdreg $0xFFFFFFFF  }
0xc0: {  	_ =	task.clear_ibuf [dreg:s6], $0x2FFFF;
	_ =	strace $0x9FFFFFFF  }
0xc1: {  	(tm) =	ssettm $0x7FFFFFFF  }
tec
execute0_lowered:
.L_overlay_start_1:
0x0: {  	(tag) =	ssettag $0x1  }
0x1: {  	s1 =	srdreg.scid  }
0x2: {  	s0 =	stileid.u32;
	s29 =	sand.u32 $0x1, s1  }
0x3: {  	s3 =	sshll.u32 s0, $0xD;
	s4 =	sshll.u32 s29, $0xC  }
0x4: {  	s22 =	rddreg [dreg:$0x0];
	s2 =	simm.s32 $0x0;
	s30 =	sor.u32 s4, s3  }
0x5: {  	[smem:$0x7FF] =	sst s2;
	s28 =	sadd.s32 $0x88000, s22;
	s3 =	sshrl.u32 s30, $0x3  }
0x6: {  	_ =	strace $0x8000004D;
	s4 =	sadd.s32 s28, s3;
	s3 =	simm.s32 $0x2  }
0x7: {  	[tilespmem:s2], [sflag:$0x2] =	stream.linear.gather [hbm4b:s4+s2], $0x400, $0x38;
	[tilespmem:$0x10400] =	vst v63  }
0x8: {  	_ =	swait.ge [sflag:s3], $0x400  }
0x9: {  	s6 =	simm.s32 $0x80;
	[sflag:s3] =	ssyncset.done $0x0  }
0xa: {  	s7 =	simm.s32 $0x400;
	s5 =	sadd.s32 $0x8C000, s22;
	[sflag:s3] =	ssyncadd.s32 $0xFFFFFC00  }
0xb: {  	[tilespmem:s7], [sflag:$0x1] =	stream.indirect.gather [hbm4b:s5+s6], $0x40, s2, s6, $0xb8;
	[tilespmem:$0x10400] =	vst v63  }
0xc: {  	s8 =	simm.s32 $0x2400  }
0xd: {  	[tilespmem:s8], [sflag:$0x1] =	stream.indirect.gather [hbm4b:s5+s6], $0x40, s6, s6, $0xb8;
	[tilespmem:$0x10400] =	vst v63  }
0xe: {  	s9 =	simm.s32 $0x100;
	s10 =	simm.s32 $0x4400  }
0xf: {  	[tilespmem:s10], [sflag:$0x1] =	stream.indirect.gather [hbm4b:s5+s6], $0x40, s9, s6, $0xb8;
	[tilespmem:$0x10400] =	vst v63  }
0x10: {  	s11 =	simm.s32 $0x180;
	s12 =	simm.s32 $0x6400  }
0x11: {  	[tilespmem:s12], [sflag:$0x1] =	stream.indirect.gather [hbm4b:s5+s6], $0x40, s11, s6, $0xb8;
	[tilespmem:$0x10400] =	vst v63  }
0x12: {  	s13 =	simm.s32 $0x200;
	s14 =	simm.s32 $0x8400  }
0x13: {  	[tilespmem:s14], [sflag:$0x1] =	stream.indirect.gather [hbm4b:s5+s6], $0x40, s13, s6, $0xb8;
	[tilespmem:$0x10400] =	vst v63  }
0x14: {  	s15 =	simm.s32 $0x280;
	s16 =	simm.s32 $0xA400  }
0x15: {  	[tilespmem:s16], [sflag:$0x1] =	stream.indirect.gather [hbm4b:s5+s6], $0x40, s15, s6, $0xb8;
	[tilespmem:$0x10400] =	vst v63  }
0x16: {  	s17 =	simm.s32 $0x300;
	s18 =	simm.s32 $0xC400  }
0x17: {  	[tilespmem:s18], [sflag:$0x1] =	stream.indirect.gather [hbm4b:s5+s6], $0x40, s17, s6, $0xb8;
	[tilespmem:$0x10400] =	vst v63  }
0x18: {  	s19 =	simm.s32 $0x380;
	s20 =	simm.s32 $0xE400;
	s21 =	simm.s32 $0x1  }
0x19: {  	[tilespmem:s20], [sflag:$0x1] =	stream.indirect.gather [hbm4b:s5+s6], $0x40, s19, s6, $0xb8;
	[tilespmem:$0x10400] =	vst v63  }
0x1a: {  	_ =	swait.ge [sflag:s21], $0x2000  }
0x1b: {  	[sflag:s21] =	ssyncset.done $0x0  }
0x1c: {  	[sflag:s21] =	ssyncadd.s32 $0xFFFFE000  }
0x1d: {  	_ =	swait.ge [sflag:s21], $0x2000  }
0x1e: {  	[sflag:s21] =	ssyncset.done $0x0  }
0x1f: {  	[sflag:s21] =	ssyncadd.s32 $0xFFFFE000  }
0x20: {  	_ =	swait.ge [sflag:s21], $0x2000  }
0x21: {  	[sflag:s21] =	ssyncset.done $0x0  }
0x22: {  	[sflag:s21] =	ssyncadd.s32 $0xFFFFE000  }
0x23: {  	_ =	swait.ge [sflag:s21], $0x2000  }
0x24: {  	[sflag:s21] =	ssyncset.done $0x0  }
0x25: {  	[sflag:s21] =	ssyncadd.s32 $0xFFFFE000  }
0x26: {  	_ =	swait.ge [sflag:s21], $0x2000  }
0x27: {  	[sflag:s21] =	ssyncset.done $0x0  }
0x28: {  	[sflag:s21] =	ssyncadd.s32 $0xFFFFE000  }
0x29: {  	_ =	swait.ge [sflag:s21], $0x2000  }
0x2a: {  	[sflag:s21] =	ssyncset.done $0x0  }
0x2b: {  	[sflag:s21] =	ssyncadd.s32 $0xFFFFE000  }
0x2c: {  	_ =	swait.ge [sflag:s21], $0x2000  }
0x2d: {  	[sflag:s21] =	ssyncset.done $0x0  }
0x2e: {  	[sflag:s21] =	ssyncadd.s32 $0xFFFFE000  }
0x2f: {  	_ =	swait.ge [sflag:s21], $0x2000  }
0x30: {  	s31 =	sadd.s32 $0xAC000, s22;
	s26 =	sshll.u32 s30, $0x3;
	[sflag:s21] =	ssyncset.done $0x0  }
0x31: {  	s22 =	sadd.s32 s31, s26;
	[sflag:s21] =	ssyncadd.s32 $0xFFFFE000  }
0x32: {  	[hbm4b:s22+s2] =	stream.linear.scatter [tilespmem:s7], [sflag:$0x2], $0x10000, $0x38;
	[tilespmem:$0x10400] =	vst v63  }
0x33: {  	s24 =	sor.u32 $0x400, s30;
	_ =	swait.ge [sflag:s3], $0x10000  }
0x34: {  	s23 =	sshrl.u32 s24, $0x3;
	[sflag:s3] =	ssyncset.done $0x0  }
0x35: {  	s23 =	sadd.s32 s28, s23;
	[sflag:s3] =	ssyncadd.s32 $0xFFFF0000  }
0x36: {  	[tilespmem:s2], [sflag:$0x2] =	stream.linear.gather [hbm4b:s23+s2], $0x400, $0x38;
	[tilespmem:$0x10400] =	vst v63  }
0x37: {  	_ =	swait.ge [sflag:s3], $0x400  }
0x38: {  	[sflag:s3] =	ssyncset.done $0x0  }
0x39: {  	[sflag:s3] =	ssyncadd.s32 $0xFFFFFC00  }
0x3a: {  	[tilespmem:s7], [sflag:$0x1] =	stream.indirect.gather [hbm4b:s5+s6], $0x40, s2, s6, $0xb8;
	[tilespmem:$0x10400] =	vst v63  }
0x3b: {  	_ = 	snop  }
0x3c: {  	[tilespmem:s8], [sflag:$0x1] =	stream.indirect.gather [hbm4b:s5+s6], $0x40, s6, s6, $0xb8;
	[tilespmem:$0x10400] =	vst v63  }
0x3d: {  	_ = 	snop  }
0x3e: {  	[tilespmem:s10], [sflag:$0x1] =	stream.indirect.gather [hbm4b:s5+s6], $0x40, s9, s6, $0xb8;
	[tilespmem:$0x10400] =	vst v63  }
0x3f: {  	_ = 	snop  }
0x40: {  	[tilespmem:s12], [sflag:$0x1] =	stream.indirect.gather [hbm4b:s5+s6], $0x40, s11, s6, $0xb8;
	[tilespmem:$0x10400] =	vst v63  }
0x41: {  	_ = 	snop  }
0x42: {  	[tilespmem:s14], [sflag:$0x1] =	stream.indirect.gather [hbm4b:s5+s6], $0x40, s13, s6, $0xb8;
	[tilespmem:$0x10400] =	vst v63  }
0x43: {  	_ = 	snop  }
0x44: {  	[tilespmem:s16], [sflag:$0x1] =	stream.indirect.gather [hbm4b:s5+s6], $0x40, s15, s6, $0xb8;
	[tilespmem:$0x10400] =	vst v63  }
0x45: {  	_ = 	snop  }
0x46: {  	[tilespmem:s18], [sflag:$0x1] =	stream.indirect.gather [hbm4b:s5+s6], $0x40, s17, s6, $0xb8;
	[tilespmem:$0x10400] =	vst v63  }
0x47: {  	_ = 	snop  }
0x48: {  	[tilespmem:s20], [sflag:$0x1] =	stream.indirect.gather [hbm4b:s5+s6], $0x40, s19, s6, $0xb8;
	[tilespmem:$0x10400] =	vst v63  }
0x49: {  	_ =	swait.ge [sflag:s21], $0x2000  }
0x4a: {  	[sflag:s21] =	ssyncset.done $0x0  }
0x4b: {  	[sflag:s21] =	ssyncadd.s32 $0xFFFFE000  }
0x4c: {  	_ =	swait.ge [sflag:s21], $0x2000  }
0x4d: {  	[sflag:s21] =	ssyncset.done $0x0  }
0x4e: {  	[sflag:s21] =	ssyncadd.s32 $0xFFFFE000  }
0x4f: {  	_ =	swait.ge [sflag:s21], $0x2000  }
0x50: {  	[sflag:s21] =	ssyncset.done $0x0  }
0x51: {  	[sflag:s21] =	ssyncadd.s32 $0xFFFFE000  }
0x52: {  	_ =	swait.ge [sflag:s21], $0x2000  }
0x53: {  	[sflag:s21] =	ssyncset.done $0x0  }
0x54: {  	[sflag:s21] =	ssyncadd.s32 $0xFFFFE000  }
0x55: {  	_ =	swait.ge [sflag:s21], $0x2000  }
0x56: {  	[sflag:s21] =	ssyncset.done $0x0  }
0x57: {  	[sflag:s21] =	ssyncadd.s32 $0xFFFFE000  }
0x58: {  	_ =	swait.ge [sflag:s21], $0x2000  }
0x59: {  	[sflag:s21] =	ssyncset.done $0x0  }
0x5a: {  	[sflag:s21] =	ssyncadd.s32 $0xFFFFE000  }
0x5b: {  	_ =	swait.ge [sflag:s21], $0x2000  }
0x5c: {  	[sflag:s21] =	ssyncset.done $0x0  }
0x5d: {  	[sflag:s21] =	ssyncadd.s32 $0xFFFFE000  }
0x5e: {  	_ =	swait.ge [sflag:s21], $0x2000  }
0x5f: {  	s24 =	sshll.u32 s24, $0x3;
	[sflag:s21] =	ssyncset.done $0x0  }
0x60: {  	s24 =	sadd.s32 s31, s24;
	[sflag:s21] =	ssyncadd.s32 $0xFFFFE000  }
0x61: {  	[hbm4b:s24+s2] =	stream.linear.scatter [tilespmem:s7], [sflag:$0x2], $0x10000, $0x38;
	[tilespmem:$0x10400] =	vst v63  }
0x62: {  	s26 =	sor.u32 $0x800, s30;
	_ =	swait.ge [sflag:s3], $0x10000  }
0x63: {  	s25 =	sshrl.u32 s26, $0x3;
	[sflag:s3] =	ssyncset.done $0x0  }
0x64: {  	s25 =	sadd.s32 s28, s25;
	[sflag:s3] =	ssyncadd.s32 $0xFFFF0000  }
0x65: {  	[tilespmem:s2], [sflag:$0x2] =	stream.linear.gather [hbm4b:s25+s2], $0x400, $0x38;
	[tilespmem:$0x10400] =	vst v63  }
0x66: {  	_ =	swait.ge [sflag:s3], $0x400  }
0x67: {  	[sflag:s3] =	ssyncset.done $0x0  }
0x68: {  	[sflag:s3] =	ssyncadd.s32 $0xFFFFFC00  }
0x69: {  	[tilespmem:s7], [sflag:$0x1] =	stream.indirect.gather [hbm4b:s5+s6], $0x40, s2, s6, $0xb8;
	[tilespmem:$0x10400] =	vst v63  }
0x6a: {  	_ = 	snop  }
0x6b: {  	[tilespmem:s8], [sflag:$0x1] =	stream.indirect.gather [hbm4b:s5+s6], $0x40, s6, s6, $0xb8;
	[tilespmem:$0x10400] =	vst v63  }
0x6c: {  	_ = 	snop  }
0x6d: {  	[tilespmem:s10], [sflag:$0x1] =	stream.indirect.gather [hbm4b:s5+s6], $0x40, s9, s6, $0xb8;
	[tilespmem:$0x10400] =	vst v63  }
0x6e: {  	_ = 	snop  }
0x6f: {  	[tilespmem:s12], [sflag:$0x1] =	stream.indirect.gather [hbm4b:s5+s6], $0x40, s11, s6, $0xb8;
	[tilespmem:$0x10400] =	vst v63  }
0x70: {  	_ = 	snop  }
0x71: {  	[tilespmem:s14], [sflag:$0x1] =	stream.indirect.gather [hbm4b:s5+s6], $0x40, s13, s6, $0xb8;
	[tilespmem:$0x10400] =	vst v63  }
0x72: {  	_ = 	snop  }
0x73: {  	[tilespmem:s16], [sflag:$0x1] =	stream.indirect.gather [hbm4b:s5+s6], $0x40, s15, s6, $0xb8;
	[tilespmem:$0x10400] =	vst v63  }
0x74: {  	_ = 	snop  }
0x75: {  	[tilespmem:s18], [sflag:$0x1] =	stream.indirect.gather [hbm4b:s5+s6], $0x40, s17, s6, $0xb8;
	[tilespmem:$0x10400] =	vst v63  }
0x76: {  	_ = 	snop  }
0x77: {  	[tilespmem:s20], [sflag:$0x1] =	stream.indirect.gather [hbm4b:s5+s6], $0x40, s19, s6, $0xb8;
	[tilespmem:$0x10400] =	vst v63  }
0x78: {  	_ =	swait.ge [sflag:s21], $0x2000  }
0x79: {  	[sflag:s21] =	ssyncset.done $0x0  }
0x7a: {  	[sflag:s21] =	ssyncadd.s32 $0xFFFFE000  }
0x7b: {  	_ =	swait.ge [sflag:s21], $0x2000  }
0x7c: {  	[sflag:s21] =	ssyncset.done $0x0  }
0x7d: {  	[sflag:s21] =	ssyncadd.s32 $0xFFFFE000  }
0x7e: {  	_ =	swait.ge [sflag:s21], $0x2000  }
0x7f: {  	[sflag:s21] =	ssyncset.done $0x0  }
0x80: {  	[sflag:s21] =	ssyncadd.s32 $0xFFFFE000  }
0x81: {  	_ =	swait.ge [sflag:s21], $0x2000  }
0x82: {  	[sflag:s21] =	ssyncset.done $0x0  }
0x83: {  	[sflag:s21] =	ssyncadd.s32 $0xFFFFE000  }
0x84: {  	_ =	swait.ge [sflag:s21], $0x2000  }
0x85: {  	[sflag:s21] =	ssyncset.done $0x0  }
0x86: {  	[sflag:s21] =	ssyncadd.s32 $0xFFFFE000  }
0x87: {  	_ =	swait.ge [sflag:s21], $0x2000  }
0x88: {  	[sflag:s21] =	ssyncset.done $0x0  }
0x89: {  	[sflag:s21] =	ssyncadd.s32 $0xFFFFE000  }
0x8a: {  	_ =	swait.ge [sflag:s21], $0x2000  }
0x8b: {  	[sflag:s21] =	ssyncset.done $0x0  }
0x8c: {  	[sflag:s21] =	ssyncadd.s32 $0xFFFFE000  }
0x8d: {  	_ =	swait.ge [sflag:s21], $0x2000  }
0x8e: {  	s26 =	sshll.u32 s26, $0x3;
	[sflag:s21] =	ssyncset.done $0x0  }
0x8f: {  	s26 =	sadd.s32 s31, s26;
	[sflag:s21] =	ssyncadd.s32 $0xFFFFE000  }
0x90: {  	[hbm4b:s26+s2] =	stream.linear.scatter [tilespmem:s7], [sflag:$0x2], $0x10000, $0x38;
	[tilespmem:$0x10400] =	vst v63  }
0x91: {  	s30 =	sor.u32 $0xC00, s30;
	_ =	swait.ge [sflag:s3], $0x10000  }
0x92: {  	s1 =	sshrl.u32 s30, $0x3;
	[sflag:s3] =	ssyncset.done $0x0  }
0x93: {  	s28 =	sadd.s32 s28, s1;
	[sflag:s3] =	ssyncadd.s32 $0xFFFF0000  }
0x94: {  	[tilespmem:s2], [sflag:$0x2] =	stream.linear.gather [hbm4b:s28+s2], $0x400, $0x38;
	[tilespmem:$0x10400] =	vst v63  }
0x95: {  	_ =	swait.ge [sflag:s3], $0x400  }
0x96: {  	[sflag:s3] =	ssyncset.done $0x0  }
0x97: {  	[sflag:s3] =	ssyncadd.s32 $0xFFFFFC00  }
0x98: {  	[tilespmem:s7], [sflag:$0x1] =	stream.indirect.gather [hbm4b:s5+s6], $0x40, s2, s6, $0xb8;
	[tilespmem:$0x10400] =	vst v63  }
0x99: {  	_ = 	snop  }
0x9a: {  	[tilespmem:s8], [sflag:$0x1] =	stream.indirect.gather [hbm4b:s5+s6], $0x40, s6, s6, $0xb8;
	[tilespmem:$0x10400] =	vst v63  }
0x9b: {  	_ = 	snop  }
0x9c: {  	[tilespmem:s10], [sflag:$0x1] =	stream.indirect.gather [hbm4b:s5+s6], $0x40, s9, s6, $0xb8;
	[tilespmem:$0x10400] =	vst v63  }
0x9d: {  	_ = 	snop  }
0x9e: {  	[tilespmem:s12], [sflag:$0x1] =	stream.indirect.gather [hbm4b:s5+s6], $0x40, s11, s6, $0xb8;
	[tilespmem:$0x10400] =	vst v63  }
0x9f: {  	_ = 	snop  }
0xa0: {  	[tilespmem:s14], [sflag:$0x1] =	stream.indirect.gather [hbm4b:s5+s6], $0x40, s13, s6, $0xb8;
	[tilespmem:$0x10400] =	vst v63  }
0xa1: {  	_ = 	snop  }
0xa2: {  	[tilespmem:s16], [sflag:$0x1] =	stream.indirect.gather [hbm4b:s5+s6], $0x40, s15, s6, $0xb8;
	[tilespmem:$0x10400] =	vst v63  }
0xa3: {  	_ = 	snop  }
0xa4: {  	[tilespmem:s18], [sflag:$0x1] =	stream.indirect.gather [hbm4b:s5+s6], $0x40, s17, s6, $0xb8;
	[tilespmem:$0x10400] =	vst v63  }
0xa5: {  	_ = 	snop  }
0xa6: {  	[tilespmem:s20], [sflag:$0x1] =	stream.indirect.gather [hbm4b:s5+s6], $0x40, s19, s6, $0xb8;
	[tilespmem:$0x10400] =	vst v63  }
0xa7: {  	_ =	swait.ge [sflag:s21], $0x2000  }
0xa8: {  	[sflag:s21] =	ssyncset.done $0x0  }
0xa9: {  	[sflag:s21] =	ssyncadd.s32 $0xFFFFE000  }
0xaa: {  	_ =	swait.ge [sflag:s21], $0x2000  }
0xab: {  	[sflag:s21] =	ssyncset.done $0x0  }
0xac: {  	[sflag:s21] =	ssyncadd.s32 $0xFFFFE000  }
0xad: {  	_ =	swait.ge [sflag:s21], $0x2000  }
0xae: {  	[sflag:s21] =	ssyncset.done $0x0  }
0xaf: {  	[sflag:s21] =	ssyncadd.s32 $0xFFFFE000  }
0xb0: {  	_ =	swait.ge [sflag:s21], $0x2000  }
0xb1: {  	[sflag:s21] =	ssyncset.done $0x0  }
0xb2: {  	[sflag:s21] =	ssyncadd.s32 $0xFFFFE000  }
0xb3: {  	_ =	swait.ge [sflag:s21], $0x2000  }
0xb4: {  	[sflag:s21] =	ssyncset.done $0x0  }
0xb5: {  	[sflag:s21] =	ssyncadd.s32 $0xFFFFE000  }
0xb6: {  	_ =	swait.ge [sflag:s21], $0x2000  }
0xb7: {  	[sflag:s21] =	ssyncset.done $0x0  }
0xb8: {  	s1 =	ssub.s32 $0x2, s29;
	[sflag:s21] =	ssyncadd.s32 $0xFFFFE000  }
0xb9: {  	s29 =	sshrl.u32 s1, $0x1;
	_ =	swait.ge [sflag:s21], $0x2000  }
0xba: {  	s1 =	ssub.s32 s1, s29;
	[sflag:s21] =	ssyncset.done $0x0  }
0xbb: {  	s1 =	smax.u32 s1, $0x1;
	[sflag:s21] =	ssyncadd.s32 $0xFFFFE000  }
0xbc: {  	p0 =	sne.s32 s1, $0x1;
	_ =	swait.ge [sflag:s21], $0x2000  }
.Ltmp0:
0xbd: {  	s29 =	sshll.u32 s30, $0x3;
	[sflag:s21] =	ssyncset.done $0x0;
	(pc) =	sbr.rel @!p0 .LBB2_2-.Ltmp0, $4  }
0xbe: {  	s29 =	sadd.s32 s31, s29;
	[sflag:s21] =	ssyncadd.s32 $0xFFFFE000  }
0xbf: {  	[hbm4b:s29+s2] =	stream.linear.scatter [tilespmem:s7], [sflag:$0x2], $0x10000, $0x38;
	[tilespmem:$0x10400] =	vst v63  }
0xc0: {  	_ =	swait.ge [sflag:s3], $0x10000  }
0xc1: {  	s30 =	sadd.s32 $0xFFFFFFFF, s1;
	[sflag:s3] =	ssyncset.done $0x0  }
.LBB2_1:
0xc2: {  	p0 =	sne.s32 s30, $0x1;
	s30 =	sadd.s32 $0xFFFFFFFF, s30;
	[sflag:s3] =	ssyncadd.s32 $0xFFFF0000  }
0xc3: {  	[tilespmem:s2], [sflag:$0x2] =	stream.linear.gather [hbm4b:s4+s2], $0x400, $0x38;
	[tilespmem:$0x10400] =	vst v63  }
0xc4: {  	_ =	swait.ge [sflag:s3], $0x400  }
0xc5: {  	[sflag:s3] =	ssyncset.done $0x0  }
0xc6: {  	[sflag:s3] =	ssyncadd.s32 $0xFFFFFC00  }
0xc7: {  	[tilespmem:s7], [sflag:$0x1] =	stream.indirect.gather [hbm4b:s5+s6], $0x40, s2, s6, $0xb8;
	[tilespmem:$0x10400] =	vst v63  }
0xc8: {  	_ = 	snop  }
0xc9: {  	[tilespmem:s8], [sflag:$0x1] =	stream.indirect.gather [hbm4b:s5+s6], $0x40, s6, s6, $0xb8;
	[tilespmem:$0x10400] =	vst v63  }
0xca: {  	_ = 	snop  }
0xcb: {  	[tilespmem:s10], [sflag:$0x1] =	stream.indirect.gather [hbm4b:s5+s6], $0x40, s9, s6, $0xb8;
	[tilespmem:$0x10400] =	vst v63  }
0xcc: {  	_ = 	snop  }
0xcd: {  	[tilespmem:s12], [sflag:$0x1] =	stream.indirect.gather [hbm4b:s5+s6], $0x40, s11, s6, $0xb8;
	[tilespmem:$0x10400] =	vst v63  }
0xce: {  	_ = 	snop  }
0xcf: {  	[tilespmem:s14], [sflag:$0x1] =	stream.indirect.gather [hbm4b:s5+s6], $0x40, s13, s6, $0xb8;
	[tilespmem:$0x10400] =	vst v63  }
0xd0: {  	_ = 	snop  }
0xd1: {  	[tilespmem:s16], [sflag:$0x1] =	stream.indirect.gather [hbm4b:s5+s6], $0x40, s15, s6, $0xb8;
	[tilespmem:$0x10400] =	vst v63  }
0xd2: {  	_ = 	snop  }
0xd3: {  	[tilespmem:s18], [sflag:$0x1] =	stream.indirect.gather [hbm4b:s5+s6], $0x40, s17, s6, $0xb8;
	[tilespmem:$0x10400] =	vst v63  }
0xd4: {  	_ = 	snop  }
0xd5: {  	[tilespmem:s20], [sflag:$0x1] =	stream.indirect.gather [hbm4b:s5+s6], $0x40, s19, s6, $0xb8;
	[tilespmem:$0x10400] =	vst v63  }
0xd6: {  	_ =	swait.ge [sflag:s21], $0x2000  }
0xd7: {  	[sflag:s21] =	ssyncset.done $0x0  }
0xd8: {  	[sflag:s21] =	ssyncadd.s32 $0xFFFFE000  }
0xd9: {  	_ =	swait.ge [sflag:s21], $0x2000  }
0xda: {  	[sflag:s21] =	ssyncset.done $0x0  }
0xdb: {  	[sflag:s21] =	ssyncadd.s32 $0xFFFFE000  }
0xdc: {  	_ =	swait.ge [sflag:s21], $0x2000  }
0xdd: {  	[sflag:s21] =	ssyncset.done $0x0  }
0xde: {  	[sflag:s21] =	ssyncadd.s32 $0xFFFFE000  }
0xdf: {  	_ =	swait.ge [sflag:s21], $0x2000  }
0xe0: {  	[sflag:s21] =	ssyncset.done $0x0  }
0xe1: {  	[sflag:s21] =	ssyncadd.s32 $0xFFFFE000  }
0xe2: {  	_ =	swait.ge [sflag:s21], $0x2000  }
0xe3: {  	[sflag:s21] =	ssyncset.done $0x0  }
0xe4: {  	[sflag:s21] =	ssyncadd.s32 $0xFFFFE000  }
0xe5: {  	_ =	swait.ge [sflag:s21], $0x2000  }
0xe6: {  	[sflag:s21] =	ssyncset.done $0x0  }
0xe7: {  	[sflag:s21] =	ssyncadd.s32 $0xFFFFE000  }
0xe8: {  	_ =	swait.ge [sflag:s21], $0x2000  }
0xe9: {  	[sflag:s21] =	ssyncset.done $0x0  }
0xea: {  	[sflag:s21] =	ssyncadd.s32 $0xFFFFE000  }
0xeb: {  	_ =	swait.ge [sflag:s21], $0x2000  }
0xec: {  	[sflag:s21] =	ssyncset.done $0x0  }
0xed: {  	[sflag:s21] =	ssyncadd.s32 $0xFFFFE000  }
0xee: {  	[hbm4b:s22+s2] =	stream.linear.scatter [tilespmem:s7], [sflag:$0x2], $0x10000, $0x38;
	[tilespmem:$0x10400] =	vst v63  }
0xef: {  	_ =	swait.ge [sflag:s3], $0x10000  }
0xf0: {  	[sflag:s3] =	ssyncset.done $0x0  }
0xf1: {  	[sflag:s3] =	ssyncadd.s32 $0xFFFF0000  }
0xf2: {  	[tilespmem:s2], [sflag:$0x2] =	stream.linear.gather [hbm4b:s23+s2], $0x400, $0x38;
	[tilespmem:$0x10400] =	vst v63  }
0xf3: {  	_ =	swait.ge [sflag:s3], $0x400  }
0xf4: {  	[sflag:s3] =	ssyncset.done $0x0  }
0xf5: {  	[sflag:s3] =	ssyncadd.s32 $0xFFFFFC00  }
0xf6: {  	[tilespmem:s7], [sflag:$0x1] =	stream.indirect.gather [hbm4b:s5+s6], $0x40, s2, s6, $0xb8;
	[tilespmem:$0x10400] =	vst v63  }
0xf7: {  	_ = 	snop  }
0xf8: {  	[tilespmem:s8], [sflag:$0x1] =	stream.indirect.gather [hbm4b:s5+s6], $0x40, s6, s6, $0xb8;
	[tilespmem:$0x10400] =	vst v63  }
0xf9: {  	_ = 	snop  }
0xfa: {  	[tilespmem:s10], [sflag:$0x1] =	stream.indirect.gather [hbm4b:s5+s6], $0x40, s9, s6, $0xb8;
	[tilespmem:$0x10400] =	vst v63  }
0xfb: {  	_ = 	snop  }
0xfc: {  	[tilespmem:s12], [sflag:$0x1] =	stream.indirect.gather [hbm4b:s5+s6], $0x40, s11, s6, $0xb8;
	[tilespmem:$0x10400] =	vst v63  }
0xfd: {  	_ = 	snop  }
0xfe: {  	[tilespmem:s14], [sflag:$0x1] =	stream.indirect.gather [hbm4b:s5+s6], $0x40, s13, s6, $0xb8;
	[tilespmem:$0x10400] =	vst v63  }
0xff: {  	_ = 	snop  }
0x100: {  	[tilespmem:s16], [sflag:$0x1] =	stream.indirect.gather [hbm4b:s5+s6], $0x40, s15, s6, $0xb8;
	[tilespmem:$0x10400] =	vst v63  }
0x101: {  	_ = 	snop  }
0x102: {  	[tilespmem:s18], [sflag:$0x1] =	stream.indirect.gather [hbm4b:s5+s6], $0x40, s17, s6, $0xb8;
	[tilespmem:$0x10400] =	vst v63  }
0x103: {  	_ = 	snop  }
0x104: {  	[tilespmem:s20], [sflag:$0x1] =	stream.indirect.gather [hbm4b:s5+s6], $0x40, s19, s6, $0xb8;
	[tilespmem:$0x10400] =	vst v63  }
0x105: {  	_ =	swait.ge [sflag:s21], $0x2000  }
0x106: {  	[sflag:s21] =	ssyncset.done $0x0  }
0x107: {  	[sflag:s21] =	ssyncadd.s32 $0xFFFFE000  }
0x108: {  	_ =	swait.ge [sflag:s21], $0x2000  }
0x109: {  	[sflag:s21] =	ssyncset.done $0x0  }
0x10a: {  	[sflag:s21] =	ssyncadd.s32 $0xFFFFE000  }
0x10b: {  	_ =	swait.ge [sflag:s21], $0x2000  }
0x10c: {  	[sflag:s21] =	ssyncset.done $0x0  }
0x10d: {  	[sflag:s21] =	ssyncadd.s32 $0xFFFFE000  }
0x10e: {  	_ =	swait.ge [sflag:s21], $0x2000  }
0x10f: {  	[sflag:s21] =	ssyncset.done $0x0  }
0x110: {  	[sflag:s21] =	ssyncadd.s32 $0xFFFFE000  }
0x111: {  	_ =	swait.ge [sflag:s21], $0x2000  }
0x112: {  	[sflag:s21] =	ssyncset.done $0x0  }
0x113: {  	[sflag:s21] =	ssyncadd.s32 $0xFFFFE000  }
0x114: {  	_ =	swait.ge [sflag:s21], $0x2000  }
0x115: {  	[sflag:s21] =	ssyncset.done $0x0  }
0x116: {  	[sflag:s21] =	ssyncadd.s32 $0xFFFFE000  }
0x117: {  	_ =	swait.ge [sflag:s21], $0x2000  }
0x118: {  	[sflag:s21] =	ssyncset.done $0x0  }
0x119: {  	[sflag:s21] =	ssyncadd.s32 $0xFFFFE000  }
0x11a: {  	_ =	swait.ge [sflag:s21], $0x2000  }
0x11b: {  	[sflag:s21] =	ssyncset.done $0x0  }
0x11c: {  	[sflag:s21] =	ssyncadd.s32 $0xFFFFE000  }
0x11d: {  	[hbm4b:s24+s2] =	stream.linear.scatter [tilespmem:s7], [sflag:$0x2], $0x10000, $0x38;
	[tilespmem:$0x10400] =	vst v63  }
0x11e: {  	_ =	swait.ge [sflag:s3], $0x10000  }
0x11f: {  	[sflag:s3] =	ssyncset.done $0x0  }
0x120: {  	[sflag:s3] =	ssyncadd.s32 $0xFFFF0000  }
0x121: {  	[tilespmem:s2], [sflag:$0x2] =	stream.linear.gather [hbm4b:s25+s2], $0x400, $0x38;
	[tilespmem:$0x10400] =	vst v63  }
0x122: {  	_ =	swait.ge [sflag:s3], $0x400  }
0x123: {  	[sflag:s3] =	ssyncset.done $0x0  }
0x124: {  	[sflag:s3] =	ssyncadd.s32 $0xFFFFFC00  }
0x125: {  	[tilespmem:s7], [sflag:$0x1] =	stream.indirect.gather [hbm4b:s5+s6], $0x40, s2, s6, $0xb8;
	[tilespmem:$0x10400] =	vst v63  }
0x126: {  	_ = 	snop  }
0x127: {  	[tilespmem:s8], [sflag:$0x1] =	stream.indirect.gather [hbm4b:s5+s6], $0x40, s6, s6, $0xb8;
	[tilespmem:$0x10400] =	vst v63  }
0x128: {  	_ = 	snop  }
0x129: {  	[tilespmem:s10], [sflag:$0x1] =	stream.indirect.gather [hbm4b:s5+s6], $0x40, s9, s6, $0xb8;
	[tilespmem:$0x10400] =	vst v63  }
0x12a: {  	_ = 	snop  }
0x12b: {  	[tilespmem:s12], [sflag:$0x1] =	stream.indirect.gather [hbm4b:s5+s6], $0x40, s11, s6, $0xb8;
	[tilespmem:$0x10400] =	vst v63  }
0x12c: {  	_ = 	snop  }
0x12d: {  	[tilespmem:s14], [sflag:$0x1] =	stream.indirect.gather [hbm4b:s5+s6], $0x40, s13, s6, $0xb8;
	[tilespmem:$0x10400] =	vst v63  }
0x12e: {  	_ = 	snop  }
0x12f: {  	[tilespmem:s16], [sflag:$0x1] =	stream.indirect.gather [hbm4b:s5+s6], $0x40, s15, s6, $0xb8;
	[tilespmem:$0x10400] =	vst v63  }
0x130: {  	_ = 	snop  }
0x131: {  	[tilespmem:s18], [sflag:$0x1] =	stream.indirect.gather [hbm4b:s5+s6], $0x40, s17, s6, $0xb8;
	[tilespmem:$0x10400] =	vst v63  }
0x132: {  	_ = 	snop  }
0x133: {  	[tilespmem:s20], [sflag:$0x1] =	stream.indirect.gather [hbm4b:s5+s6], $0x40, s19, s6, $0xb8;
	[tilespmem:$0x10400] =	vst v63  }
0x134: {  	_ =	swait.ge [sflag:s21], $0x2000  }
0x135: {  	[sflag:s21] =	ssyncset.done $0x0  }
0x136: {  	[sflag:s21] =	ssyncadd.s32 $0xFFFFE000  }
0x137: {  	_ =	swait.ge [sflag:s21], $0x2000  }
0x138: {  	[sflag:s21] =	ssyncset.done $0x0  }
0x139: {  	[sflag:s21] =	ssyncadd.s32 $0xFFFFE000  }
0x13a: {  	_ =	swait.ge [sflag:s21], $0x2000  }
0x13b: {  	[sflag:s21] =	ssyncset.done $0x0  }
0x13c: {  	[sflag:s21] =	ssyncadd.s32 $0xFFFFE000  }
0x13d: {  	_ =	swait.ge [sflag:s21], $0x2000  }
0x13e: {  	[sflag:s21] =	ssyncset.done $0x0  }
0x13f: {  	[sflag:s21] =	ssyncadd.s32 $0xFFFFE000  }
0x140: {  	_ =	swait.ge [sflag:s21], $0x2000  }
0x141: {  	[sflag:s21] =	ssyncset.done $0x0  }
0x142: {  	[sflag:s21] =	ssyncadd.s32 $0xFFFFE000  }
0x143: {  	_ =	swait.ge [sflag:s21], $0x2000  }
0x144: {  	[sflag:s21] =	ssyncset.done $0x0  }
0x145: {  	[sflag:s21] =	ssyncadd.s32 $0xFFFFE000  }
0x146: {  	_ =	swait.ge [sflag:s21], $0x2000  }
0x147: {  	[sflag:s21] =	ssyncset.done $0x0  }
0x148: {  	[sflag:s21] =	ssyncadd.s32 $0xFFFFE000  }
0x149: {  	_ =	swait.ge [sflag:s21], $0x2000  }
0x14a: {  	[sflag:s21] =	ssyncset.done $0x0  }
0x14b: {  	[sflag:s21] =	ssyncadd.s32 $0xFFFFE000  }
0x14c: {  	[hbm4b:s26+s2] =	stream.linear.scatter [tilespmem:s7], [sflag:$0x2], $0x10000, $0x38;
	[tilespmem:$0x10400] =	vst v63  }
0x14d: {  	_ =	swait.ge [sflag:s3], $0x10000  }
0x14e: {  	[sflag:s3] =	ssyncset.done $0x0  }
0x14f: {  	[sflag:s3] =	ssyncadd.s32 $0xFFFF0000  }
0x150: {  	[tilespmem:s2], [sflag:$0x2] =	stream.linear.gather [hbm4b:s28+s2], $0x400, $0x38;
	[tilespmem:$0x10400] =	vst v63  }
0x151: {  	_ =	swait.ge [sflag:s3], $0x400  }
0x152: {  	[sflag:s3] =	ssyncset.done $0x0  }
0x153: {  	[sflag:s3] =	ssyncadd.s32 $0xFFFFFC00  }
0x154: {  	[tilespmem:s7], [sflag:$0x1] =	stream.indirect.gather [hbm4b:s5+s6], $0x40, s2, s6, $0xb8;
	[tilespmem:$0x10400] =	vst v63  }
0x155: {  	_ = 	snop  }
0x156: {  	[tilespmem:s8], [sflag:$0x1] =	stream.indirect.gather [hbm4b:s5+s6], $0x40, s6, s6, $0xb8;
	[tilespmem:$0x10400] =	vst v63  }
0x157: {  	_ = 	snop  }
0x158: {  	[tilespmem:s10], [sflag:$0x1] =	stream.indirect.gather [hbm4b:s5+s6], $0x40, s9, s6, $0xb8;
	[tilespmem:$0x10400] =	vst v63  }
0x159: {  	_ = 	snop  }
0x15a: {  	[tilespmem:s12], [sflag:$0x1] =	stream.indirect.gather [hbm4b:s5+s6], $0x40, s11, s6, $0xb8;
	[tilespmem:$0x10400] =	vst v63  }
0x15b: {  	_ = 	snop  }
0x15c: {  	[tilespmem:s14], [sflag:$0x1] =	stream.indirect.gather [hbm4b:s5+s6], $0x40, s13, s6, $0xb8;
	[tilespmem:$0x10400] =	vst v63  }
0x15d: {  	_ = 	snop  }
0x15e: {  	[tilespmem:s16], [sflag:$0x1] =	stream.indirect.gather [hbm4b:s5+s6], $0x40, s15, s6, $0xb8;
	[tilespmem:$0x10400] =	vst v63  }
0x15f: {  	_ = 	snop  }
0x160: {  	[tilespmem:s18], [sflag:$0x1] =	stream.indirect.gather [hbm4b:s5+s6], $0x40, s17, s6, $0xb8;
	[tilespmem:$0x10400] =	vst v63  }
0x161: {  	_ = 	snop  }
0x162: {  	[tilespmem:s20], [sflag:$0x1] =	stream.indirect.gather [hbm4b:s5+s6], $0x40, s19, s6, $0xb8;
	[tilespmem:$0x10400] =	vst v63  }
0x163: {  	_ =	swait.ge [sflag:s21], $0x2000  }
0x164: {  	[sflag:s21] =	ssyncset.done $0x0  }
0x165: {  	[sflag:s21] =	ssyncadd.s32 $0xFFFFE000  }
0x166: {  	_ =	swait.ge [sflag:s21], $0x2000  }
0x167: {  	[sflag:s21] =	ssyncset.done $0x0  }
0x168: {  	[sflag:s21] =	ssyncadd.s32 $0xFFFFE000  }
0x169: {  	_ =	swait.ge [sflag:s21], $0x2000  }
0x16a: {  	[sflag:s21] =	ssyncset.done $0x0  }
0x16b: {  	[sflag:s21] =	ssyncadd.s32 $0xFFFFE000  }
0x16c: {  	_ =	swait.ge [sflag:s21], $0x2000  }
0x16d: {  	[sflag:s21] =	ssyncset.done $0x0  }
0x16e: {  	[sflag:s21] =	ssyncadd.s32 $0xFFFFE000  }
0x16f: {  	_ =	swait.ge [sflag:s21], $0x2000  }
0x170: {  	[sflag:s21] =	ssyncset.done $0x0  }
0x171: {  	[sflag:s21] =	ssyncadd.s32 $0xFFFFE000  }
0x172: {  	_ =	swait.ge [sflag:s21], $0x2000  }
0x173: {  	[sflag:s21] =	ssyncset.done $0x0  }
0x174: {  	[sflag:s21] =	ssyncadd.s32 $0xFFFFE000  }
0x175: {  	_ =	swait.ge [sflag:s21], $0x2000  }
0x176: {  	[sflag:s21] =	ssyncset.done $0x0  }
0x177: {  	[sflag:s21] =	ssyncadd.s32 $0xFFFFE000  }
0x178: {  	_ =	swait.ge [sflag:s21], $0x2000  }
.Ltmp1:
0x179: {  	[sflag:s21] =	ssyncset.done $0x0;
	(pc) =	sbr.rel @p0 .LBB2_1-.Ltmp1, $4  }
0x17a: {  	[sflag:s21] =	ssyncadd.s32 $0xFFFFE000  }
0x17b: {  	[hbm4b:s29+s2] =	stream.linear.scatter [tilespmem:s7], [sflag:$0x2], $0x10000, $0x38;
	[tilespmem:$0x10400] =	vst v63  }
0x17c: {  	_ =	swait.ge [sflag:s3], $0x10000  }
0x17d: {  	[sflag:s3] =	ssyncset.done $0x0  }
.LBB2_2:
0x17e: {  	[sflag:s3] =	ssyncadd.s32 $0xFFFF0000  }
0x17f: {  	_ =	sfence.sel $0x180000  }
0x180: {  	[bflag:$0x0] =	sbarrier.arrive $0xFFFF  }
0x181: {  	_ =	strace $0x9000004D  }
0x182: {  	[bflag:$0x2] =	sbarrier.arrive $0xFFFF  }
0x183: {  	p0 =	sne.s32 s0, $0x0;
	s0 =	rddreg [dreg:$0x1]  }
0x184: {  	s0 =	sadd.s32 @!p0 $0x100000, s0  }
0x185: {  	[sflag:s0] =	ssyncadd.tile.s32 @!p0 $0x1;
	_ =	shalt  }
.Lfunc_end2:
_tile_overlayer_lowered:
.L_overlay_start_2:
0x186: {  	(tag) =	ssettag $0x2  }
0x187: {  	s0 =	rddreg [dreg:$0x0];
	s2 =	stileid.u32  }
0x188: {  	s1 =	rddreg [dreg:$0x1];
	p0 =	sne.s32 s2, $0x0  }
0x189: {  	s3 =	rddreg [dreg:$0x2];
	[bflag:$0x3] =	sbarrier.arrive $0xFFFF;
	s2 =	simm.s32 @!p0 $0x1C02  }
0x18a: {  	[timem:s3], [sflag:s2] =	dma.local @!p0 [hbm:s0], s1  }
0x18b: {  	s0 =	simm.s32 @!p0 $0x2  }
0x18c: {  	_ =	swait.ge @!p0 [sflag:s0], s1  }
0x18d: {  	s1 =	ssub.s32 @!p0 $0x0, s1;
	[sflag:s0] =	ssyncset.done @!p0 $0x0  }
0x18e: {  	[sflag:s0] =	ssyncadd.s32 @!p0 s1  }
0x18f: {  	[bflag:$0x3] =	sbarrier.arrive $0xFFFF  }
0x190: {  	_ =	shalt  }

// kernel: sparse-core-data-format-call.cloned.1.call-start
scs
called_computation_lowered:
.L_overlay_start_0:
0x0: {  	s1 =	sld [smem:$0x3FD9]  }
0x1: {  	s2 =	sld [smem:$0x3FFE];
	_ =	sdelay $0x1  }
0x2: {  	s3 =	srdreg.scid  }
0x3: {  	s0 =	sand.u32 $0x1, s3  }
0x4: {  	s17 =	sshll.u32 s0, $0xA;
	s1 =	sadd.s32 s2, s1  }
0x5: {  	s1 =	sadd.s32 s1, s17  }
0x6: {  	[smem:$0x3FAB] =	sst s1  }
0x7: {  	_ = 	snop  }
0x8: {  	(tm) =	ssettm $0x1  }
0x9: {  	s18 =	sld [smem:$0x3FFB];
	_ =	sdelay $0x3  }
0xa: {  	_ =	strace s18  }
0xb: {  	s1 =	sld [smem:$0x3FFC];
	_ =	sdelay $0x3  }
0xc: {  	_ =	strace s1  }
0xd: {  	s1 =	sld [smem:$0x3FFD];
	_ =	sdelay $0x3  }
0xe: {  	_ =	strace s1  }
0xf: {  	_ =	strace $0x8FFFFFFF  }
0x10: {  	s19 =	sld [smem:$0x3FDB];
	_ =	sdelay $0x1  }
0x11: {  	s20 =	simm.s32 $_scs_section_size  }
0x12: {  	s4 =	simm.s32 $_size__tile_overlayer_lowered;
	s5 =	simm.s32 $_tile_overlayer_lowered  }
0x13: {  	s23 =	simm.s32 $0x1BFF;
	s22 =	sshll.u32 s5, $0x1;
	s1 =	sadd.s32 s20, s19  }
0x14: {  	s6 =	simm.s32 $0x0;
	s21 =	sshll.u32 s4, $0x1;
	s4 =	sadd.s32 s22, s1  }
0x15: {  	[timem:s6], [sflag:s23] =	dma.local [hbm:s4], s21  }
0x16: {  	_ =	swait.ge [sflag:s23], s21  }
0x17: {  	s2 =	ssub.s32 $0x0, s21;
	[sflag:s23] =	ssyncset.done $0x0  }
0x18: {  	[sflag:s23] =	ssyncadd.s32 s2;
	_ =	sdelay $0x1  }
0x19: {  	s24 =	simm.s32 $0x1B8B  }
0x1a: {  	_ =	swait.ge [sflag:s24], $0x1  }
0x1b: {  	[sflag:s24] =	ssyncset.done $0x0  }
0x1c: {  	s26 =	simm.s32 $0x1B8E;
	s25 =	sld [smem:$0x3FFE];
	[sflag:s24] =	ssyncadd.s32 $0xFFFFFFFF  }
0x1d: {  	s27 =	simm.s32 $execute0_lowered;
	[smem:$0x3FD2] =	sst s26  }
0x1e: {  	s4 =	sshll.u32 s27, $0x1;
	_ =	strace $0x80000046;
	[dreg:$0x1] =	wrdreg $0xFFFFFFFF  }
0x1f: {  	s28 =	simm.s32 $_size_execute0_lowered;
	s1 =	sadd.s32 s1, s4;
	[dreg:$0x0] =	wrdreg $0x0  }
0x20: {  	s4 =	sshll.u32 s28, $0x1;
	[dreg:$0x2] =	wrdreg s1  }
0x21: {  	[dreg:$0x3] =	wrdreg s4  }
0x22: {  	[dreg:$0x4] =	wrdreg $0xC0  }
0x23: {  	_ =	task [dreg:s6], $0x5FFFF  }
0x24: {  	[dreg:$0x1] =	wrdreg $0xFFFFFFFF  }
0x25: {  	[dreg:$0x0] =	wrdreg $0x60  }
0x26: {  	[dreg:$0x2] =	wrdreg s25  }
0x27: {  	[dreg:$0x3] =	wrdreg $0x9  }
0x28: {  	_ =	task.clear_ibuf [dreg:s6], $0x4FFFF;
	_ =	strace $0x90000046  }
0x29: {  	s29 =	simm.s32 $0x9;
	_ =	strace $0x80000048  }
0x2a: {  	_ =	swait.ge [sflag:s29], $0x1  }
0x2b: {  	[sflag:s29] =	ssyncadd.s32 $0xFFFFFFFF  }
0x2c: {  	_ =	strace $0x90000048  }
0x2d: {  	_ =	sfence  }
0x2e: {  	s30 =	sld [smem:$0x0];
	_ =	sdelay $0x2  }
0x2f: {  	s31 =	sshll.u32 s3, $0xD;
	s3 =	sshrl.u32 s3, $0x2  }
0x30: {  	s2 =	sand.u32 $0x4000, s31;
	s1 =	sadd.s32 s3, s30  }
0x31: {  	s0 =	sor.u32 s2, s0;
	s1 =	sshll.u32 s1, $0x11  }
0x32: {  	s0 =	sor.u32 s1, s0  }
0x33: {  	s0 =	sadd.s32 $0x8F2B, s0  }
0x34: {  	[sflag:s0] =	ssyncadd.remote.s32 $0x1  }
0x35: {  	_ =	sfence.sel $0xFFFF  }
0x36: {  	[dreg:$0x0] =	wrdreg $0xFFFFFFFF;
	(pc) =	sbr.abs _section_cstart, $3  }
0x37: {  	[dreg:$0x1] =	wrdreg $0xFFFFFFFF  }
0x38: {  	_ =	task.clear_ibuf [dreg:s6], $0x2FFFF;
	_ =	strace $0x9FFFFFFF  }
0x39: {  	(tm) =	ssettm $0x7FFFFFFF  }
tec
execute0_lowered:
.L_overlay_start_1:
0x0: {  	(tag) =	ssettag $0x1  }
0x1: {  	s0 =	stileid.u32;
	s1 =	srdreg.scid  }
0x2: {  	s4 =	rddreg [dreg:$0x0];
	s7 =	simm.s32 $0x1;
	s31 =	simm.s32 $0x2  }
0x3: {  	s14 =	simm.s32 $0x0;
	s2 =	sshll.u32 s0, $0x4;
	s1 =	sshll.u32 s1, $0x8  }
0x4: {  	s9 =	simm.s32 $0x4000;
	s15 =	simm.s32 $0x0;
	s1 =	sor.u32 s2, s1  }
0x5: {  	s16 =	simm.s32 $0x0;
	s10 =	simm.s32 $0x0;
	s2 =	sand.u32 $0x180, s1  }
0x6: {  	s13 =	simm.s32 $0x0;
	s3 =	sadd.s32 $0xC8000, s4;
	s5 =	ssub.s32 $0x800, s2  }
0x7: {  	s4 =	sadd.s32 $0x2C8000, s4;
	s1 =	rddreg [dreg:$0x1];
	s6 =	sand.u32 $0x180, s5  }
.Ltmp0:
0x8: {  	_ =	strace $0x80000047;
	p0 =	sne.s32 s6, $0x0;
	(pc) =	sbr.rel .LBB1_1-.Ltmp0, $4  }
0x9: {  	s11 =	smov.u32 s2;
	s8 =	sshrl.u32 s5, $0x9;
	s7 =	simm.s32 @!p0 $0x0  }
0xa: {  	s5 =	sand.u32 $0x7, s0;
	s6 =	simm.s32 $0x1;
	s7 =	sadd.s32 s7, s8  }
0xb: {  	s12 =	smov.u32 s5;
	[sflag:s6] =	ssyncpa.u1 $0x0;
	s7 =	sshll.u32 s7, $0x3  }
0xc: {  	p0 =	por $0x0, $0x0;
	[sflag:s31] =	ssyncpa.u1 $0x0;
	s8 =	sor.u32 $0x1, s7  }
.LBB1_4:
0xd: {  	v5 =	vld [tilespmem:s20+$0xFFFFFFD0];
	[tilespmem:s19+$0x2040 ss:$0x81] =	vst.msk $0xffff, v1  }
0xe: {  	v58 =	vld [tilespmem:s20+$0xFFFFFFE0];
	[tilespmem:s19+$0x2850 ss:$0x81] =	vst.msk $0xffff, v2  }
0xf: {  	s21 =	sshra.s32 s21, $0x2;
	v59 =	vld [tilespmem:s20+$0xFFFFFFF0];
	[tilespmem:s19+$0x3060 ss:$0x81] =	vst.msk $0xffff, v3  }
0x10: {  	v60 =	vld [tilespmem:s20+$0x0];
	[tilespmem:s19+$0x0 ss:$0x81] =	vst.msk $0xffff, v0;
	s18 =	sadd.s32 s21, s18  }
0x11: {  	v61 =	vld [tilespmem:s20+$0x10];
	[tilespmem:s18+$0x3870 ss:$0x81] =	vst.msk $0xffff, v4  }
0x12: {  	v62 =	vld [tilespmem:s20+$0x20];
	[tilespmem:s18+$0x810 ss:$0x81] =	vst.msk $0xffff, v5  }
0x13: {  	v63 =	vld [tilespmem:s20+$0xFFFFFFC0];
	s28 =	sshll.u32 s15, $0x3;
	[tilespmem:s18+$0x1020 ss:$0x81] =	vst.msk $0xffff, v58  }
0x14: {  	s29 =	sand.u32 $0x78, s15;
	s16 =	sshll.u32 s16, $0x12;
	s30 =	sand.u32 $0x7F00, s15;
	[tilespmem:s18+$0x1830 ss:$0x81] =	vst.msk $0xffff, v59  }
0x15: {  	s14 =	sshll.u32 s14, $0xF;
	s19 =	sand.u32 $0x400, s28;
	s16 =	sadd.s32 s4, s16;
	[tilespmem:s18+$0x2040 ss:$0x81] =	vst.msk $0xffff, v60  }
0x16: {  	s31 =	sand.u32 $0x7, s15;
	s19 =	sor.u32 s29, s19;
	s16 =	sadd.s32 s30, s16;
	[tilespmem:s18+$0x2850 ss:$0x81] =	vst.msk $0xffff, v61  }
0x17: {  	s15 =	sshll.u32 s31, $0x12;
	s19 =	sshrl.u32 s19, $0x3;
	s14 =	sadd.s32 s14, s16;
	[tilespmem:s18+$0x3060 ss:$0x81] =	vst.msk $0xffff, v62  }
0x18: {  	s15 =	sor.u32 $0x400, s15;
	s14 =	sadd.s32 s19, s14;
	[tilespmem:s18+$0x0 ss:$0x81] =	vst.msk $0xffff, v63  }
0x19: {  	[hbm4b:s14+s15] =	stream.strided.scatter [tilespmem:s17], [sflag:$0x2], $0x4000, s9, s15, $0x20;
	[tilespmem:$0x10100] =	vst v63  }
.LBB1_5:
0x1a: {  	s17 =	sadd.s32 $0x1, s10  }
0x1b: {  	s14 =	sadd.s32 $0x200, s11;
	s18 =	smov.u32 s11;
	p2 =	sgt.s32 s17, $0x7  }
0x1c: {  	s18 =	smov.u32 @p2 s14  }
0x1d: {  	s20 =	smov.u32 s12;
	s14 =	sadd.s32 $0x8, s12;
	p3 =	sgt.s32 s18, $0x7FF  }
0x1e: {  	s20 =	smov.u32 @p3 s14  }
0x1f: {  	s17 =	simm.s32 @p2 $0x0;
	p2 =	sgt.s32 s20, $0x7  }
0x20: {  	p1 =	slt.u32 s13, $0x2;
	s20 =	smov.u32 @p2 s5;
	p2 =	sne.s32 s13, s8  }
.Ltmp1:
0x21: {  	s19 =	simm.s32 @!p1 $0x2;
	(pc) =	sbr.rel @!p2 .LBB1_6-.Ltmp1, $4  }
0x22: {  	s15 =	smov.u32 s11;
	s16 =	smov.u32 s12;
	_ =	swait.ge @!p1 [sflag:s19], $0x4000  }
0x23: {  	p0 =	por !p0, !p0;
	[sflag:s19] =	ssyncset.done @!p1 $0x0;
	s18 =	smov.u32 @p3 s2  }
0x24: {  	s14 =	smov.u32 s10;
	[sflag:s19] =	ssyncadd.s32 @!p1 $0xFFFFC000;
	s10 =	smov.u32 s17  }
0x25: {  	s11 =	smov.u32 s18;
	s13 =	sadd.s32 $0x1, s13;
	s12 =	smov.u32 s20  }
.LBB1_1:
0x26: {  	p1 =	sge.u32 s13, s7;
	s31 =	sadd.s32 $0xFFFFFFFF, s13  }
0x27: {  	s17 =	sxor.u32 @!p1 $0xFFFFFFFF, s13;
	s18 =	sshll.u32 @!p1 s12, $0x12;
	s19 =	sshll.u32 @!p1 s11, $0x7  }
0x28: {  	s20 =	sshll.u32 @!p1 s10, $0x4;
	s17 =	sshll.u32 @!p1 s17, $0xE;
	s18 =	sadd.s32 @!p1 s3, s18  }
0x29: {  	s20 =	sand.u32 @!p1 $0x70, s20;
	s17 =	sand.u32 @!p1 $0x4000, s17;
	s18 =	sadd.s32 @!p1 s19, s18  }
0x2a: {  	s19 =	simm.s32 @!p1 $0x80;
	s18 =	sadd.s32 @!p1 s20, s18;
	s20 =	simm.s32 @!p1 $0x400  }
0x2b: {  	[tilespmem:s17], [sflag:$0x1] =	stream.strided.gather @!p1 [hbm4b:s18+s19], $0x4000, s20, s19, $0x38;
	[tilespmem:$0x10100] =	vst v63  }
0x2c: {  	p1 =	sge.u32 s31, s7  }
.Ltmp2:
0x2d: {  	_ = 	snop;
	(pc) =	sbr.rel @p1 .LBB1_5-.Ltmp2, $1  }
0x2e: {  	_ =	sdelay $0x3  }
0x2f: {  	s17 =	simm.s32 $0x1  }
0x30: {  	_ =	swait.ge [sflag:s6], $0x4000;
	s17 =	simm.s32 @!p0 $0x0  }
0x31: {  	[sflag:s6] =	ssyncset.done $0x0;
	s18 =	sshll.u32 s17, $0xE  }
0x32: {  	[sflag:s6] =	ssyncadd.s32 $0xFFFFC000;
	s20 =	sor.u32 $0x40, s18  }
0x33: {  	s17 =	smul.u32 $0x10200, s17;
	v0 =	vld [tilespmem:s20+$0x30]  }
0x34: {  	v3 =	vld [tilespmem:s20+$0xFFFFFFD0]  }
0x35: {  	s17 =	sshrl.u32 s17, $0x2;
	v4 =	vld [tilespmem:s20+$0xFFFFFFE0]  }
0x36: {  	v5 =	vld [tilespmem:s20+$0xFFFFFFF0];
	s18 =	sor.u32 $0x8000, s17  }
0x37: {  	s31 =	sand.u32 $0x1, s13;
	v1 =	vld [tilespmem:s20+$0x0];
	s19 =	sadd.s32 $0x0, s18  }
0x38: {  	v2 =	vld [tilespmem:s20+$0x10];
	s17 =	smul.u32 $0x10200, s31;
	[tilespmem:s19+$0x3870 ss:$0x81] =	vst.msk $0xffff, v0  }
0x39: {  	[tilespmem:s19+$0x810 ss:$0x81] =	vst.msk $0xffff, v3;
	v3 =	vld [tilespmem:s20+$0x20]  }
0x3a: {  	s17 =	sshrl.u32 s17, $0x2;
	v0 =	vld [tilespmem:s20+$0xFFFFFFC0];
	[tilespmem:s19+$0x1020 ss:$0x81] =	vst.msk $0xffff, v4;
	s20 =	sadd.s32 $0x80, s20  }
0x3b: {  	s21 =	simm.s32 $0x4;
	s22 =	simm.s32 $0x8;
	s17 =	sor.u32 $0x8000, s17;
	[tilespmem:s19+$0x1830 ss:$0x81] =	vst.msk $0xffff, v5;
	v4 =	vld [tilespmem:s20+$0x30]  }
.LBB1_3:
0x3c: {  	p1 =	sne.s32 s22, $0x1FC;
	v5 =	vld [tilespmem:s20+$0xFFFFFFD0];
	[tilespmem:s19+$0x2040 ss:$0x81] =	vst.msk $0xffff, v1  }
0x3d: {  	v6 =	vld [tilespmem:s20+$0xFFFFFFE0];
	[tilespmem:s19+$0x2850 ss:$0x81] =	vst.msk $0xffff, v2  }
0x3e: {  	s23 =	sshra.s32 s21, $0x2;
	s21 =	smov.u32 s22;
	v7 =	vld [tilespmem:s20+$0xFFFFFFF0];
	[tilespmem:s19+$0x3060 ss:$0x81] =	vst.msk $0xffff, v3  }
.Ltmp3:
0x3f: {  	v1 =	vld [tilespmem:s20+$0x0];
	[tilespmem:s19+$0x0 ss:$0x81] =	vst.msk $0xffff, v0;
	s19 =	sadd.s32 s23, s18;
	(pc) =	sbr.rel @p1 .LBB1_3-.Ltmp3, $4  }
0x40: {  	v2 =	vld [tilespmem:s20+$0x10];
	[tilespmem:s19+$0x3870 ss:$0x81] =	vst.msk $0xffff, v4  }
0x41: {  	[tilespmem:s19+$0x810 ss:$0x81] =	vst.msk $0xffff, v5;
	v3 =	vld [tilespmem:s20+$0x20]  }
0x42: {  	v0 =	vld [tilespmem:s20+$0xFFFFFFC0];
	[tilespmem:s19+$0x1020 ss:$0x81] =	vst.msk $0xffff, v6;
	s20 =	sadd.s32 $0x80, s20  }
0x43: {  	s22 =	sadd.s32 $0x4, s22;
	v4 =	vld [tilespmem:s20+$0x30];
	[tilespmem:s19+$0x1830 ss:$0x81] =	vst.msk $0xffff, v7  }
.Ltmp4:
0x44: {  	_ = 	snop;
	(pc) =	sbr.rel .LBB1_4-.Ltmp4, $1  }
0x45: {  	_ =	sdelay $0x3  }
.LBB1_6:
0x46: {  	_ =	sfence.sel $0x180000  }
0x47: {  	s2 =	simm.s32 $0x1;
	[bflag:$0x0] =	sbarrier.arrive $0xFFFF  }
0x48: {  	s31 =	simm.s32 $0x2;
	[sflag:s2] =	ssyncpa.u1 $0x1  }
0x49: {  	[sflag:s31] =	ssyncpa.u1 $0x1  }
0x4a: {  	p0 =	sne.s32 s0, $0x0;
	_ =	strace $0x90000047  }
0x4b: {  	s0 =	sadd.s32 @!p0 $0x100000, s1;
	[bflag:$0x2] =	sbarrier.arrive $0xFFFF  }
0x4c: {  	[sflag:s0] =	ssyncadd.tile.s32 @!p0 $0x1;
	_ =	shalt  }
.Lfunc_end1:
_tile_overlayer_lowered:
.L_overlay_start_2:
0x4d: {  	(tag) =	ssettag $0x2  }
0x4e: {  	s0 =	rddreg [dreg:$0x0];
	s2 =	stileid.u32  }
0x4f: {  	s1 =	rddreg [dreg:$0x1];
	p0 =	sne.s32 s2, $0x0  }
0x50: {  	s3 =	rddreg [dreg:$0x2];
	[bflag:$0x3] =	sbarrier.arrive $0xFFFF;
	s2 =	simm.s32 @!p0 $0x1C01  }
0x51: {  	[timem:s3], [sflag:s2] =	dma.local @!p0 [hbm:s0], s1  }
0x52: {  	s0 =	simm.s32 @!p0 $0x1  }
0x53: {  	_ =	swait.ge @!p0 [sflag:s0], s1  }
0x54: {  	s1 =	ssub.s32 @!p0 $0x0, s1;
	[sflag:s0] =	ssyncset.done @!p0 $0x0  }
0x55: {  	[sflag:s0] =	ssyncadd.s32 @!p0 s1  }
0x56: {  	[bflag:$0x3] =	sbarrier.arrive $0xFFFF  }
0x57: {  	_ =	shalt  }

</sc_bundles>
